<compile_context>
chip_gen: v7x
topology: tpu7x:2x2x1
jax: 0.10.2.dev20260603
libtpu: 0.0.44.dev20260713+nightly
codegen_flags: <defaults>
</compile_context>

<pallas_src>
import jax
import jax.numpy as jnp
from jax import lax
from jax.experimental import pallas as pl
from jax.experimental.pallas import tpu as pltpu
from jax.experimental.pallas import tpu_sc as plsc

N = 1024
T = 200
D_OBS = 128
N_ACT = 16
B = 1024
S = 50
VR = T - S + 1

NW = 32
BPW = B // NW
NCH = BPW // 2
CW = 112
CWB = 104
VRP = 152

_i32 = jnp.int32


def _bcast(v, ref):
    return plsc.load_gather(ref, [jnp.full((16,), v, _i32)])


def _search(load_mid, t, hi, steps):
    lo0 = jnp.zeros((16,), _i32)
    hi0 = jnp.full((16,), hi, _i32)

    def step(_, carry):
        lo, hi = carry
        mid = lax.shift_right_arithmetic(lo + hi, jnp.full((16,), 1, _i32))
        pred = load_mid(mid) <= t
        return (jnp.where(pred, mid + 1, lo), jnp.where(pred, hi, mid))

    lo, _ = lax.fori_loop(0, steps, step, (lo0, hi0))
    return lo


def _body(cdf_h, tcdf_h, u1_h, u2_h, off_h,
          obs2d, ap2d, act_h, rew_h, don_h, val_h, ret_h, wgt_h,
          obs_o, ap_o, act_o, rew_o, don_o, val_o, ret_o, wgt_o,
          cdf_v, tcdf_v, u1_v, u2_v, ti_v, off_v, st_v, tib_v, idx_v,
          rows_v, sout_v, obs_b0, obs_b1, ap_b, ap_st,
          sem_t, sem_row, sem_ap, sem_o0, sem_o1):
    wid = lax.axis_index("s") * 2 + lax.axis_index("c")
    base = wid * BPW
    base50 = base * S

    pltpu.sync_copy(cdf_h, cdf_v)
    pltpu.sync_copy(u1_h.at[pl.ds(base, BPW)], u1_v)
    pltpu.sync_copy(u2_h.at[pl.ds(base, BPW)], u2_v)
    pltpu.sync_copy(off_h, off_v)
    off_b = off_v[...]
    iota = lax.iota(_i32, 16)

    cdf_last = _bcast(N - 1, cdf_v)
    for h in range(2):
        t1 = u1_v[pl.ds(h * 16, 16)] * cdf_last
        cnt = _search(lambda m: plsc.load_gather(cdf_v, [m]), t1, N, 11)
        tiv = jnp.minimum(cnt, jnp.full((16,), N - 1, _i32))
        ti_v[pl.ds(h * 16, 16)] = tiv
        tib_v[pl.ds(h * 16, 16)] = tiv * jnp.full((16,), T, _i32)

    field_in = (act_h, rew_h, don_h, val_h, ret_h, wgt_h)
    field_out = (act_o, rew_o, don_o, val_o, ret_o, wgt_o)
    row_cps = []
    for f in range(6):
        row_cps.append(pltpu.async_copy(field_in[f].at[ti_v], rows_v.at[f], sem_row))

    pltpu.async_copy(tcdf_h.at[ti_v], tcdf_v, sem_t).wait()
    st_h = []
    for h in range(2):
        rows_idx = iota + h * 16
        c_last = plsc.load_gather(tcdf_v, [rows_idx, jnp.full((16,), VR - 1, _i32)])
        t2 = u2_v[pl.ds(h * 16, 16)] * c_last
        cnt = _search(lambda m: plsc.load_gather(tcdf_v, [rows_idx, m]), t2, VR, 9)
        st = jnp.minimum(cnt, jnp.full((16,), VR - 1, _i32))
        st_h.append(st)
        st_v[pl.ds(h * 16, 16)] = st

    def build(c, _):
        c2 = c * 2
        ti0 = _bcast(c2, tib_v)
        ti1 = _bcast(c2 + 1, tib_v)
        s0 = _bcast(c2, st_v)
        s1 = _bcast(c2 + 1, st_v)
        for k in range(7):
            j = iota + k * 16
            je = jnp.minimum(j, jnp.full((16,), 99, _i32))
            sl = je >= jnp.full((16,), S, _i32)
            s = je - jnp.where(sl, jnp.full((16,), S, _i32), jnp.zeros((16,), _i32))
            pos = jnp.where(sl, s1, s0) + s + off_b
            pos = jnp.clip(pos, jnp.zeros((16,), _i32), jnp.full((16,), T - 1, _i32))
            idx_v[c, pl.ds(k * 16, 16)] = jnp.where(sl, ti1, ti0) + pos
        return 0

    lax.fori_loop(0, NCH, build, 0)

    ap_cps = []
    for c in range(NCH):
        ap_cps.append(pltpu.async_copy(ap2d.at[idx_v.at[c, pl.ds(0, CWB)]],
                                       ap_b.at[pl.ds(c * CWB, CWB)], sem_ap))
    obs_bufs = (obs_b0, obs_b1)
    obs_sems = (sem_o0, sem_o1)
    obs_cps = {}
    for c in range(2):
        obs_cps[c] = pltpu.async_copy(obs2d.at[idx_v.at[c, pl.ds(0, CWB)]],
                                      obs_bufs[c], obs_sems[c])

    for f in range(6):
        row_cps[f].wait()
    for f in range(6):

        def extract(s, _):
            sv = jnp.full((16,), s, _i32)
            for h in range(2):
                rows_idx = iota + h * 16
                pos = st_h[h] + sv + off_b
                pos = jnp.clip(pos, jnp.zeros((16,), _i32),
                               jnp.full((16,), T - 1, _i32))
                vals = plsc.load_gather(rows_v, [jnp.full((16,), f, _i32),
                                                 rows_idx, pos])
                plsc.store_scatter(sout_v, [rows_idx, sv], vals)
            return 0

        lax.fori_loop(0, S, extract, 0)
        pltpu.sync_copy(sout_v, field_out[f].at[pl.ds(base, BPW)])

    for c in range(NCH):
        obs_cps[c].wait()
        bb = base + 2 * c
        pltpu.sync_copy(obs_bufs[c % 2].at[pl.ds(0, S)], obs_o.at[:, bb])
        pltpu.sync_copy(obs_bufs[c % 2].at[pl.ds(S, S)], obs_o.at[:, bb + 1])
        if c + 2 < NCH:
            obs_cps[c + 2] = pltpu.async_copy(obs2d.at[idx_v.at[c + 2, pl.ds(0, CWB)]],
                                              obs_bufs[c % 2], obs_sems[c % 2])

    for c in range(NCH):
        ap_cps[c].wait()
    a_hi = lax.shift_right_arithmetic(iota, jnp.full((16,), 3, _i32))
    a_lo = jnp.bitwise_and(iota, jnp.full((16,), 7, _i32))

    def ap_reorder(s, _):
        sv = jnp.full((16,), s, _i32)
        for bl in range(BPW):
            row = (bl // 2) * CWB + (bl % 2) * S
            vals = plsc.load_gather(ap_b, [jnp.full((16,), row, _i32) + sv, iota])
            plsc.store_scatter(ap_st, [sv, a_hi, a_lo, jnp.full((16,), bl, _i32)],
                               vals)
        return 0

    lax.fori_loop(0, S, ap_reorder, 0)
    b1c = lax.shift_right_arithmetic(base, 7)
    b2o = pl.multiple_of(jnp.bitwise_and(base, 127), 32)
    pltpu.sync_copy(ap_st, ap_o.at[:, :, b1c, :, pl.ds(b2o, BPW)])


@jax.jit
def _sample_gather(cdf, tcdf, u1, u2, off, obs2d, ap2d, act, rew, don, val, ret, wgt):
    f32 = jnp.float32
    return pl.kernel(
        _body,
        out_type=(
            jax.ShapeDtypeStruct((S, B, D_OBS), f32),
            jax.ShapeDtypeStruct((S, 2, 8, 8, 128), f32),
        ) + tuple(jax.ShapeDtypeStruct((B, S), f32) for _ in range(6)),
        mesh=plsc.VectorSubcoreMesh(core_axis_name="c", subcore_axis_name="s"),
        compiler_params=pltpu.CompilerParams(needs_layout_passes=False,
                                             use_tc_tiling_on_sc=False),
        scratch_types=[
            pltpu.VMEM((N,), f32),
            pltpu.VMEM((BPW, VRP), f32),
            pltpu.VMEM((BPW,), f32),
            pltpu.VMEM((BPW,), f32),
            pltpu.VMEM((BPW,), _i32),
            pltpu.VMEM((16,), _i32),
            pltpu.VMEM((BPW,), _i32),
            pltpu.VMEM((BPW,), _i32),
            pltpu.VMEM((NCH, CW), _i32),
            pltpu.VMEM((6, BPW, T), f32),
            pltpu.VMEM((BPW, S), f32),
            pltpu.VMEM((CWB, D_OBS), f32),
            pltpu.VMEM((CWB, D_OBS), f32),
            pltpu.VMEM((NCH * CWB, N_ACT), f32),
            pltpu.VMEM((S, 2, 8, BPW), f32),
            pltpu.SemaphoreType.DMA,
            pltpu.SemaphoreType.DMA,
            pltpu.SemaphoreType.DMA,
            pltpu.SemaphoreType.DMA,
            pltpu.SemaphoreType.DMA,
        ],
    )(cdf, tcdf, u1, u2, off, obs2d, ap2d, act, rew, don, val, ret, wgt)


def kernel(obs, action, reward, done, value, action_probs, returns, weight,
           weights, u1, u2, steps):
    p = weights / jnp.sum(weights)
    cdf = jnp.cumsum(p)
    tw = weight[:, :VR]
    tw_norm = tw / (jnp.sum(tw, axis=1, keepdims=True) + 1e-6)
    tcdf = jnp.cumsum(tw_norm, axis=1)
    tcdf_pad = jnp.concatenate([tcdf, jnp.zeros((B, VRP - VR), jnp.float32)], axis=1)
    off = jnp.full((16,), steps - S, _i32)
    outs = _sample_gather(
        cdf, tcdf_pad, u1, u2, off,
        obs.reshape(N * T, D_OBS), action_probs.reshape(N * T, N_ACT),
        action, reward, done, value, returns, weight)
    obs_o, ap_o, act_o, rew_o, don_o, val_o, ret_o, wgt_o = outs
    ap_out = jnp.transpose(ap_o, (2, 4, 0, 1, 3)).reshape(B, S, N_ACT)
    return (jnp.swapaxes(obs_o, 0, 1), act_o, rew_o, don_o, val_o,
            ap_out, ret_o, wgt_o)

# --- scband reference (transcript-rebuilt; emitter-appended) ---
"""Pipeline reference for scband-buffer-10067403342430 (READ-ONLY COPY).

The authoritative reference and input builder live on the scoring server;
editing this copy changes nothing except your own understanding.
"""

import jax, jax.numpy as jnp
import numpy as np

N = 1024
T = 200
D_OBS = 128
N_ACT = 16
B = 1024
STEPS = 50


def setup_inputs(seed: int = 0) -> dict:
    key = jax.random.key(seed)
    ks = jax.random.split(key, 11)
    inp = {}
    inp["obs"] = jax.random.normal(ks[0], (N, T, D_OBS), dtype=jnp.float32)
    inp["action"] = jax.random.normal(ks[1], (N, T), dtype=jnp.float32)
    inp["reward"] = jax.random.normal(ks[2], (N, T), dtype=jnp.float32)
    inp["done"] = jax.random.uniform(ks[3], (N, T), dtype=jnp.float32)
    inp["value"] = jax.random.normal(ks[4], (N, T), dtype=jnp.float32)
    inp["action_probs"] = jax.random.uniform(ks[5], (N, T, N_ACT), dtype=jnp.float32)
    inp["returns"] = jax.random.normal(ks[6], (N, T), dtype=jnp.float32)
    inp["weight"] = jax.random.uniform(ks[7], (N, T), dtype=jnp.float32) + 1e-3
    inp["weights"] = jax.random.uniform(ks[8], (N,), dtype=jnp.float32) + 1e-3
    inp["u1"] = jax.random.uniform(ks[9], (B,), dtype=jnp.float32)
    inp["u2"] = jax.random.uniform(ks[10], (B,), dtype=jnp.float32)
    inp["steps"] = STEPS
    return inp


def reference(obs, action, reward, done, value, action_probs, returns, weight, weights, u1, u2, steps):
    # Faithful translation of Buffer.sample with a dense trajectory store:
    # 1) weighted choice of trajectory indices (batch_size draws)
    # 2) per-trajectory weighted choice of a start index over the valid range
    # 3) slice `steps` timesteps from every Transition field and stack
    N_, T_ = reward.shape
    p = weights / jnp.sum(weights)
    cdf = jnp.cumsum(p)
    traj_idx = jnp.clip(jnp.searchsorted(cdf, u1 * cdf[-1], side="right"), 0, N_ - 1)
    steps_static = STEPS
    valid_range = T_ - steps_static + 1
    tw = weight[traj_idx, :valid_range]
    tw_norm = tw / (jnp.sum(tw, axis=1, keepdims=True) + 1e-6)
    tcdf = jnp.cumsum(tw_norm, axis=1)
    start_idx = jax.vmap(lambda c, u: jnp.searchsorted(c, u * c[-1], side="right"))(tcdf, u2)
    start_idx = jnp.clip(start_idx, 0, valid_range - 1)
    tpos = start_idx[:, None] + jnp.arange(steps_static) + (steps - steps_static)
    ti = traj_idx[:, None]
    out = tuple(f[ti, tpos] for f in (obs, action, reward, done, value, action_probs, returns, weight))
    return out

if __name__ == "__main__":
    import jax
    _d = setup_inputs()
    print(jax.jit(kernel)(*tuple(_d.values())))

</pallas_src>

<mosaic_0001>
#map = affine_map<(d0, d1) -> (0)>
#map1 = affine_map<(d0, d1) -> (0, 0)>
#map2 = affine_map<(d0, d1) -> (0, 0, 0)>
#map3 = affine_map<(d0, d1) -> (0, 0, 0, 0, 0)>
module attributes {stable_mosaic.version = 14 : i64} {
  func.func @_body(%arg0: i32, %arg1: i32, %arg2: memref<1024xf32, #tpu.memory_space<hbm>>, %arg3: memref<1024x152xf32, #tpu.memory_space<hbm>>, %arg4: memref<1024xf32, #tpu.memory_space<hbm>>, %arg5: memref<1024xf32, #tpu.memory_space<hbm>>, %arg6: memref<16xi32, #tpu.memory_space<hbm>>, %arg7: memref<204800x128xf32, #tpu.memory_space<hbm>>, %arg8: memref<204800x16xf32, #tpu.memory_space<hbm>>, %arg9: memref<1024x200xf32, #tpu.memory_space<hbm>>, %arg10: memref<1024x200xf32, #tpu.memory_space<hbm>>, %arg11: memref<1024x200xf32, #tpu.memory_space<hbm>>, %arg12: memref<1024x200xf32, #tpu.memory_space<hbm>>, %arg13: memref<1024x200xf32, #tpu.memory_space<hbm>>, %arg14: memref<1024x200xf32, #tpu.memory_space<hbm>>, %arg15: memref<50x1024x128xf32, #tpu.memory_space<hbm>>, %arg16: memref<50x2x8x8x128xf32, #tpu.memory_space<hbm>>, %arg17: memref<1024x50xf32, #tpu.memory_space<hbm>>, %arg18: memref<1024x50xf32, #tpu.memory_space<hbm>>, %arg19: memref<1024x50xf32, #tpu.memory_space<hbm>>, %arg20: memref<1024x50xf32, #tpu.memory_space<hbm>>, %arg21: memref<1024x50xf32, #tpu.memory_space<hbm>>, %arg22: memref<1024x50xf32, #tpu.memory_space<hbm>>, %arg23: memref<1024xf32, #tpu.memory_space<vmem>>, %arg24: memref<32x152xf32, #tpu.memory_space<vmem>>, %arg25: memref<32xf32, #tpu.memory_space<vmem>>, %arg26: memref<32xf32, #tpu.memory_space<vmem>>, %arg27: memref<32xi32, #tpu.memory_space<vmem>>, %arg28: memref<16xi32, #tpu.memory_space<vmem>>, %arg29: memref<32xi32, #tpu.memory_space<vmem>>, %arg30: memref<32xi32, #tpu.memory_space<vmem>>, %arg31: memref<16x112xi32, #tpu.memory_space<vmem>>, %arg32: memref<6x32x200xf32, #tpu.memory_space<vmem>>, %arg33: memref<32x50xf32, #tpu.memory_space<vmem>>, %arg34: memref<104x128xf32, #tpu.memory_space<vmem>>, %arg35: memref<104x128xf32, #tpu.memory_space<vmem>>, %arg36: memref<1664x16xf32, #tpu.memory_space<vmem>>, %arg37: memref<50x2x8x32xf32, #tpu.memory_space<vmem>>, %arg38: memref<!tpu.dma_semaphore, #tpu.memory_space<semaphore_mem>>, %arg39: memref<!tpu.dma_semaphore, #tpu.memory_space<semaphore_mem>>, %arg40: memref<!tpu.dma_semaphore, #tpu.memory_space<semaphore_mem>>, %arg41: memref<!tpu.dma_semaphore, #tpu.memory_space<semaphore_mem>>, %arg42: memref<!tpu.dma_semaphore, #tpu.memory_space<semaphore_mem>>) attributes {dimension_semantics = [#tpu.dimension_semantics<core_parallel>, #tpu.dimension_semantics<subcore_parallel>], iteration_bounds = array<i64: 2, 16>, scalar_prefetch = 0 : i64, scratch_operands = 20 : i64, tpu.core_type = #tpu.core_type<sc_vector_subcore>, window_params = [{transform_indices = #map}, {transform_indices = #map1}, {transform_indices = #map}, {transform_indices = #map}, {transform_indices = #map}, {transform_indices = #map1}, {transform_indices = #map1}, {transform_indices = #map1}, {transform_indices = #map1}, {transform_indices = #map1}, {transform_indices = #map1}, {transform_indices = #map1}, {transform_indices = #map1}, {transform_indices = #map2}, {transform_indices = #map3}, {transform_indices = #map1}, {transform_indices = #map1}, {transform_indices = #map1}, {transform_indices = #map1}, {transform_indices = #map1}, {transform_indices = #map1}]} {
    %mul3A = arith.constant 2 : i32
    %mul3A_0 = arith.muli %arg1, %mul3A : i32
    %add3A = arith.addi %mul3A_0, %arg0 : i32
    %mul3A_1 = arith.constant 32 : i32
    %mul3A_2 = arith.muli %add3A, %mul3A_1 : i32
    %mul3A_3 = arith.constant 50 : i32
    %mul3A_4 = arith.muli %mul3A_2, %mul3A_3 : i32
    "tpu.region"() ({
      %run_scoped3A = tpu.sem_alloc : memref<!tpu.dma_semaphore, #tpu.memory_space<semaphore_mem>>
      tpu.enqueue_dma source(%arg2 : memref<1024xf32, #tpu.memory_space<hbm>>) target(%arg23 : memref<1024xf32, #tpu.memory_space<vmem>>) target_semaphore(%run_scoped3A : memref<!tpu.dma_semaphore, #tpu.memory_space<semaphore_mem>>)
      tpu.wait_dma2 semaphore(%run_scoped3A : memref<!tpu.dma_semaphore, #tpu.memory_space<semaphore_mem>>) src(%arg2 : memref<1024xf32, #tpu.memory_space<hbm>>) dst(%arg23 : memref<1024xf32, #tpu.memory_space<vmem>>)
      tpu.yield
    }) : () -> ()
    "tpu.region"() ({
      %run_scoped3A = tpu.sem_alloc : memref<!tpu.dma_semaphore, #tpu.memory_space<semaphore_mem>>
      %dma_start3A_870 = tpu.memref_slice %arg4[%mul3A_2] : memref<1024xf32, #tpu.memory_space<hbm>> -> memref<32xf32, #tpu.memory_space<hbm>>
      %dma_start3A_871 = tpu.memref_slice %arg4[%mul3A_2] : memref<1024xf32, #tpu.memory_space<hbm>> -> memref<32xf32, #tpu.memory_space<hbm>>
      tpu.enqueue_dma source(%dma_start3A_871 : memref<32xf32, #tpu.memory_space<hbm>>) target(%arg25 : memref<32xf32, #tpu.memory_space<vmem>>) target_semaphore(%run_scoped3A : memref<!tpu.dma_semaphore, #tpu.memory_space<semaphore_mem>>)
      %dma_wait3A_872 = tpu.memref_slice %arg4[%mul3A_2] : memref<1024xf32, #tpu.memory_space<hbm>> -> memref<32xf32, #tpu.memory_space<hbm>>
      %dma_wait3A_873 = tpu.memref_slice %arg4[%mul3A_2] : memref<1024xf32, #tpu.memory_space<hbm>> -> memref<32xf32, #tpu.memory_space<hbm>>
      tpu.wait_dma2 semaphore(%run_scoped3A : memref<!tpu.dma_semaphore, #tpu.memory_space<semaphore_mem>>) src(%dma_wait3A_873 : memref<32xf32, #tpu.memory_space<hbm>>) dst(%arg25 : memref<32xf32, #tpu.memory_space<vmem>>)
      tpu.yield
    }) : () -> ()
    "tpu.region"() ({
      %run_scoped3A = tpu.sem_alloc : memref<!tpu.dma_semaphore, #tpu.memory_space<semaphore_mem>>
      %dma_start3A_870 = tpu.memref_slice %arg5[%mul3A_2] : memref<1024xf32, #tpu.memory_space<hbm>> -> memref<32xf32, #tpu.memory_space<hbm>>
      %dma_start3A_871 = tpu.memref_slice %arg5[%mul3A_2] : memref<1024xf32, #tpu.memory_space<hbm>> -> memref<32xf32, #tpu.memory_space<hbm>>
      tpu.enqueue_dma source(%dma_start3A_871 : memref<32xf32, #tpu.memory_space<hbm>>) target(%arg26 : memref<32xf32, #tpu.memory_space<vmem>>) target_semaphore(%run_scoped3A : memref<!tpu.dma_semaphore, #tpu.memory_space<semaphore_mem>>)
      %dma_wait3A_872 = tpu.memref_slice %arg5[%mul3A_2] : memref<1024xf32, #tpu.memory_space<hbm>> -> memref<32xf32, #tpu.memory_space<hbm>>
      %dma_wait3A_873 = tpu.memref_slice %arg5[%mul3A_2] : memref<1024xf32, #tpu.memory_space<hbm>> -> memref<32xf32, #tpu.memory_space<hbm>>
      tpu.wait_dma2 semaphore(%run_scoped3A : memref<!tpu.dma_semaphore, #tpu.memory_space<semaphore_mem>>) src(%dma_wait3A_873 : memref<32xf32, #tpu.memory_space<hbm>>) dst(%arg26 : memref<32xf32, #tpu.memory_space<vmem>>)
      tpu.yield
    }) : () -> ()
    "tpu.region"() ({
      %run_scoped3A = tpu.sem_alloc : memref<!tpu.dma_semaphore, #tpu.memory_space<semaphore_mem>>
      tpu.enqueue_dma source(%arg6 : memref<16xi32, #tpu.memory_space<hbm>>) target(%arg28 : memref<16xi32, #tpu.memory_space<vmem>>) target_semaphore(%run_scoped3A : memref<!tpu.dma_semaphore, #tpu.memory_space<semaphore_mem>>)
      tpu.wait_dma2 semaphore(%run_scoped3A : memref<!tpu.dma_semaphore, #tpu.memory_space<semaphore_mem>>) src(%arg6 : memref<16xi32, #tpu.memory_space<hbm>>) dst(%arg28 : memref<16xi32, #tpu.memory_space<vmem>>)
      tpu.yield
    }) : () -> ()
    %get3A = arith.constant 0 : index
    %get3A_5 = tpu.vector_load %arg28[%get3A] {strides = array<i32>} : memref<16xi32, #tpu.memory_space<vmem>>, vector<16xi32>,
    %iota3A = tpu.iota {dimensions = array<i32: 0>} : vector<16xi32>
    %broadcast_in_dim3A = arith.constant 1023 : i32
    %broadcast_in_dim3A_6 = vector.broadcast %broadcast_in_dim3A : i32 to vector<16xi32>
    %gather3A = tpu.vector_load_idx %arg23[%broadcast_in_dim3A_6] : memref<1024xf32, #tpu.memory_space<vmem>>[vector<16xi32>], vector<16xf32>,
    %get3A_7 = arith.constant 0 : index
    %get3A_8 = tpu.vector_load %arg25[%get3A_7] {strides = array<i32>} : memref<32xf32, #tpu.memory_space<vmem>>, vector<16xf32>,
    %mul3A_9 = arith.mulf %get3A_8, %gather3A : vector<16xf32>
    %broadcast_in_dim3A_10 = arith.constant 0 : i32
    %broadcast_in_dim3A_11 = vector.broadcast %broadcast_in_dim3A_10 : i32 to vector<16xi32>
    %broadcast_in_dim3A_12 = arith.constant 1024 : i32
    %broadcast_in_dim3A_13 = vector.broadcast %broadcast_in_dim3A_12 : i32 to vector<16xi32>
    %scan3A = arith.constant 0 : i32
    %scan3A_14 = arith.constant 11 : i32
    %scan3A_15 = arith.addi %scan3A, %scan3A_14 : i32
    %scan3A_16 = arith.constant 1 : i32
    %scan3A_17:2 = scf.for %scan3A_870 = %scan3A to %scan3A_15 step %scan3A_16 iter_args(%scan3A_871 = %broadcast_in_dim3A_11, %scan3A_872 = %broadcast_in_dim3A_13) -> (vector<16xi32>, vector<16xi32>)  : i32 {
      %add3A_873 = arith.addi %scan3A_871, %scan3A_872 : vector<16xi32>
      %broadcast_in_dim3A_874 = arith.constant 1 : i32
      %broadcast_in_dim3A_875 = vector.broadcast %broadcast_in_dim3A_874 : i32 to vector<16xi32>
      %shift_right_arithmetic3A_876 = arith.shrsi %add3A_873, %broadcast_in_dim3A_875 : vector<16xi32>
      %gather3A_877 = tpu.vector_load_idx %arg23[%shift_right_arithmetic3A_876] : memref<1024xf32, #tpu.memory_space<vmem>>[vector<16xi32>], vector<16xf32>,
      %le3A = arith.cmpf ole, %gather3A_877, %mul3A_9 : vector<16xf32>
      %add3A_878 = arith.constant 1 : i32
      %add3A_879 = vector.broadcast %add3A_878 : i32 to vector<16xi32>
      %add3A_880 = arith.addi %shift_right_arithmetic3A_876, %add3A_879 : vector<16xi32>
      %select_n3A = arith.select %le3A, %add3A_880, %scan3A_871 : vector<16xi1>, vector<16xi32>
      %select_n3A_881 = arith.select %le3A, %scan3A_872, %shift_right_arithmetic3A_876 : vector<16xi1>, vector<16xi32>
      scf.yield %select_n3A, %select_n3A_881 : vector<16xi32>, vector<16xi32>
    }
    %scan3A_18 = arith.constant 11 : i32
    %broadcast_in_dim3A_19 = arith.constant 1023 : i32
    %broadcast_in_dim3A_20 = vector.broadcast %broadcast_in_dim3A_19 : i32 to vector<16xi32>
    %min3A = arith.minsi %scan3A_17#0, %broadcast_in_dim3A_20 : vector<16xi32>
    %swap3A = arith.constant 0 : index
    %swap3A_21 = tpu.vector_load %arg27[%swap3A] {strides = array<i32>} : memref<32xi32, #tpu.memory_space<vmem>>, vector<16xi32>,
    tpu.vector_store %arg27[%swap3A], %min3A {strides = array<i32>} : memref<32xi32, #tpu.memory_space<vmem>>, vector<16xi32>,
    %broadcast_in_dim3A_22 = arith.constant 200 : i32
    %broadcast_in_dim3A_23 = vector.broadcast %broadcast_in_dim3A_22 : i32 to vector<16xi32>
    %mul3A_24 = arith.muli %min3A, %broadcast_in_dim3A_23 : vector<16xi32>
    %swap3A_25 = arith.constant 0 : index
    %swap3A_26 = tpu.vector_load %arg30[%swap3A_25] {strides = array<i32>} : memref<32xi32, #tpu.memory_space<vmem>>, vector<16xi32>,
    tpu.vector_store %arg30[%swap3A_25], %mul3A_24 {strides = array<i32>} : memref<32xi32, #tpu.memory_space<vmem>>, vector<16xi32>,
    %get3A_27 = arith.constant 16 : index
    %get3A_28 = tpu.vector_load %arg25[%get3A_27] {strides = array<i32>} : memref<32xf32, #tpu.memory_space<vmem>>, vector<16xf32>,
    %mul3A_29 = arith.mulf %get3A_28, %gather3A : vector<16xf32>
    %broadcast_in_dim3A_30 = arith.constant 0 : i32
    %broadcast_in_dim3A_31 = vector.broadcast %broadcast_in_dim3A_30 : i32 to vector<16xi32>
    %broadcast_in_dim3A_32 = arith.constant 1024 : i32
    %broadcast_in_dim3A_33 = vector.broadcast %broadcast_in_dim3A_32 : i32 to vector<16xi32>
    %scan3A_34 = arith.constant 0 : i32
    %scan3A_35 = arith.constant 11 : i32
    %scan3A_36 = arith.addi %scan3A_34, %scan3A_35 : i32
    %scan3A_37 = arith.constant 1 : i32
    %scan3A_38:2 = scf.for %scan3A_870 = %scan3A_34 to %scan3A_36 step %scan3A_37 iter_args(%scan3A_871 = %broadcast_in_dim3A_31, %scan3A_872 = %broadcast_in_dim3A_33) -> (vector<16xi32>, vector<16xi32>)  : i32 {
      %add3A_873 = arith.addi %scan3A_871, %scan3A_872 : vector<16xi32>
      %broadcast_in_dim3A_874 = arith.constant 1 : i32
      %broadcast_in_dim3A_875 = vector.broadcast %broadcast_in_dim3A_874 : i32 to vector<16xi32>
      %shift_right_arithmetic3A_876 = arith.shrsi %add3A_873, %broadcast_in_dim3A_875 : vector<16xi32>
      %gather3A_877 = tpu.vector_load_idx %arg23[%shift_right_arithmetic3A_876] : memref<1024xf32, #tpu.memory_space<vmem>>[vector<16xi32>], vector<16xf32>,
      %le3A = arith.cmpf ole, %gather3A_877, %mul3A_29 : vector<16xf32>
      %add3A_878 = arith.constant 1 : i32
      %add3A_879 = vector.broadcast %add3A_878 : i32 to vector<16xi32>
      %add3A_880 = arith.addi %shift_right_arithmetic3A_876, %add3A_879 : vector<16xi32>
      %select_n3A = arith.select %le3A, %add3A_880, %scan3A_871 : vector<16xi1>, vector<16xi32>
      %select_n3A_881 = arith.select %le3A, %scan3A_872, %shift_right_arithmetic3A_876 : vector<16xi1>, vector<16xi32>
      scf.yield %select_n3A, %select_n3A_881 : vector<16xi32>, vector<16xi32>
    }
    %scan3A_39 = arith.constant 11 : i32
    %broadcast_in_dim3A_40 = arith.constant 1023 : i32
    %broadcast_in_dim3A_41 = vector.broadcast %broadcast_in_dim3A_40 : i32 to vector<16xi32>
    %min3A_42 = arith.minsi %scan3A_38#0, %broadcast_in_dim3A_41 : vector<16xi32>
    %swap3A_43 = arith.constant 16 : index
    %swap3A_44 = tpu.vector_load %arg27[%swap3A_43] {strides = array<i32>} : memref<32xi32, #tpu.memory_space<vmem>>, vector<16xi32>,
    tpu.vector_store %arg27[%swap3A_43], %min3A_42 {strides = array<i32>} : memref<32xi32, #tpu.memory_space<vmem>>, vector<16xi32>,
    %broadcast_in_dim3A_45 = arith.constant 200 : i32
    %broadcast_in_dim3A_46 = vector.broadcast %broadcast_in_dim3A_45 : i32 to vector<16xi32>
    %mul3A_47 = arith.muli %min3A_42, %broadcast_in_dim3A_46 : vector<16xi32>
    %swap3A_48 = arith.constant 16 : index
    %swap3A_49 = tpu.vector_load %arg30[%swap3A_48] {strides = array<i32>} : memref<32xi32, #tpu.memory_space<vmem>>, vector<16xi32>,
    tpu.vector_store %arg30[%swap3A_48], %mul3A_47 {strides = array<i32>} : memref<32xi32, #tpu.memory_space<vmem>>, vector<16xi32>,
    %dma_start3A = arith.constant 0 : i32
    %dma_start3A_50 = arith.constant 0 : i32
    %dma_start3A_51 = arith.constant 0 : i32
    %dma_start3A_52 = tpu.memref_slice %arg32[%dma_start3A, %dma_start3A_50, %dma_start3A_51] : memref<6x32x200xf32, #tpu.memory_space<vmem>> -> memref<1x32x200xf32, #tpu.memory_space<vmem>>
    %dma_start3A_53 = tpu.memref_squeeze %dma_start3A_52 : memref<1x32x200xf32, #tpu.memory_space<vmem>> -> memref<32x200xf32, #tpu.memory_space<vmem>>
    %dma_start3A_54 = arith.constant 0 : i32
    %dma_start3A_55 = arith.constant 0 : i32
    %dma_start3A_56 = tpu.memref_slice %arg9[%dma_start3A_54, %dma_start3A_55] : memref<1024x200xf32, #tpu.memory_space<hbm>> -> memref<1024x200xf32, #tpu.memory_space<hbm>>
    tpu.enqueue_indirect_dma source(%dma_start3A_56 : memref<1024x200xf32, #tpu.memory_space<hbm>>) target(%dma_start3A_53 : memref<32x200xf32, #tpu.memory_space<vmem>>) offsets(%arg27 : memref<32xi32, #tpu.memory_space<vmem>>) semaphore(%arg39 : memref<!tpu.dma_semaphore, #tpu.memory_space<semaphore_mem>>)
    %dma_start3A_57 = arith.constant 1 : i32
    %dma_start3A_58 = arith.constant 0 : i32
    %dma_start3A_59 = arith.constant 0 : i32
    %dma_start3A_60 = tpu.memref_slice %arg32[%dma_start3A_57, %dma_start3A_58, %dma_start3A_59] : memref<6x32x200xf32, #tpu.memory_space<vmem>> -> memref<1x32x200xf32, #tpu.memory_space<vmem>>
    %dma_start3A_61 = tpu.memref_squeeze %dma_start3A_60 : memref<1x32x200xf32, #tpu.memory_space<vmem>> -> memref<32x200xf32, #tpu.memory_space<vmem>>
    %dma_start3A_62 = arith.constant 0 : i32
    %dma_start3A_63 = arith.constant 0 : i32
    %dma_start3A_64 = tpu.memref_slice %arg10[%dma_start3A_62, %dma_start3A_63] : memref<1024x200xf32, #tpu.memory_space<hbm>> -> memref<1024x200xf32, #tpu.memory_space<hbm>>
    tpu.enqueue_indirect_dma source(%dma_start3A_64 : memref<1024x200xf32, #tpu.memory_space<hbm>>) target(%dma_start3A_61 : memref<32x200xf32, #tpu.memory_space<vmem>>) offsets(%arg27 : memref<32xi32, #tpu.memory_space<vmem>>) semaphore(%arg39 : memref<!tpu.dma_semaphore, #tpu.memory_space<semaphore_mem>>)
    %dma_start3A_65 = arith.constant 2 : i32
    %dma_start3A_66 = arith.constant 0 : i32
    %dma_start3A_67 = arith.constant 0 : i32
    %dma_start3A_68 = tpu.memref_slice %arg32[%dma_start3A_65, %dma_start3A_66, %dma_start3A_67] : memref<6x32x200xf32, #tpu.memory_space<vmem>> -> memref<1x32x200xf32, #tpu.memory_space<vmem>>
    %dma_start3A_69 = tpu.memref_squeeze %dma_start3A_68 : memref<1x32x200xf32, #tpu.memory_space<vmem>> -> memref<32x200xf32, #tpu.memory_space<vmem>>
    %dma_start3A_70 = arith.constant 0 : i32
    %dma_start3A_71 = arith.constant 0 : i32
    %dma_start3A_72 = tpu.memref_slice %arg11[%dma_start3A_70, %dma_start3A_71] : memref<1024x200xf32, #tpu.memory_space<hbm>> -> memref<1024x200xf32, #tpu.memory_space<hbm>>
    tpu.enqueue_indirect_dma source(%dma_start3A_72 : memref<1024x200xf32, #tpu.memory_space<hbm>>) target(%dma_start3A_69 : memref<32x200xf32, #tpu.memory_space<vmem>>) offsets(%arg27 : memref<32xi32, #tpu.memory_space<vmem>>) semaphore(%arg39 : memref<!tpu.dma_semaphore, #tpu.memory_space<semaphore_mem>>)
    %dma_start3A_73 = arith.constant 3 : i32
    %dma_start3A_74 = arith.constant 0 : i32
    %dma_start3A_75 = arith.constant 0 : i32
    %dma_start3A_76 = tpu.memref_slice %arg32[%dma_start3A_73, %dma_start3A_74, %dma_start3A_75] : memref<6x32x200xf32, #tpu.memory_space<vmem>> -> memref<1x32x200xf32, #tpu.memory_space<vmem>>
    %dma_start3A_77 = tpu.memref_squeeze %dma_start3A_76 : memref<1x32x200xf32, #tpu.memory_space<vmem>> -> memref<32x200xf32, #tpu.memory_space<vmem>>
    %dma_start3A_78 = arith.constant 0 : i32
    %dma_start3A_79 = arith.constant 0 : i32
    %dma_start3A_80 = tpu.memref_slice %arg12[%dma_start3A_78, %dma_start3A_79] : memref<1024x200xf32, #tpu.memory_space<hbm>> -> memref<1024x200xf32, #tpu.memory_space<hbm>>
    tpu.enqueue_indirect_dma source(%dma_start3A_80 : memref<1024x200xf32, #tpu.memory_space<hbm>>) target(%dma_start3A_77 : memref<32x200xf32, #tpu.memory_space<vmem>>) offsets(%arg27 : memref<32xi32, #tpu.memory_space<vmem>>) semaphore(%arg39 : memref<!tpu.dma_semaphore, #tpu.memory_space<semaphore_mem>>)
    %dma_start3A_81 = arith.constant 4 : i32
    %dma_start3A_82 = arith.constant 0 : i32
    %dma_start3A_83 = arith.constant 0 : i32
    %dma_start3A_84 = tpu.memref_slice %arg32[%dma_start3A_81, %dma_start3A_82, %dma_start3A_83] : memref<6x32x200xf32, #tpu.memory_space<vmem>> -> memref<1x32x200xf32, #tpu.memory_space<vmem>>
    %dma_start3A_85 = tpu.memref_squeeze %dma_start3A_84 : memref<1x32x200xf32, #tpu.memory_space<vmem>> -> memref<32x200xf32, #tpu.memory_space<vmem>>
    %dma_start3A_86 = arith.constant 0 : i32
    %dma_start3A_87 = arith.constant 0 : i32
    %dma_start3A_88 = tpu.memref_slice %arg13[%dma_start3A_86, %dma_start3A_87] : memref<1024x200xf32, #tpu.memory_space<hbm>> -> memref<1024x200xf32, #tpu.memory_space<hbm>>
    tpu.enqueue_indirect_dma source(%dma_start3A_88 : memref<1024x200xf32, #tpu.memory_space<hbm>>) target(%dma_start3A_85 : memref<32x200xf32, #tpu.memory_space<vmem>>) offsets(%arg27 : memref<32xi32, #tpu.memory_space<vmem>>) semaphore(%arg39 : memref<!tpu.dma_semaphore, #tpu.memory_space<semaphore_mem>>)
    %dma_start3A_89 = arith.constant 5 : i32
    %dma_start3A_90 = arith.constant 0 : i32
    %dma_start3A_91 = arith.constant 0 : i32
    %dma_start3A_92 = tpu.memref_slice %arg32[%dma_start3A_89, %dma_start3A_90, %dma_start3A_91] : memref<6x32x200xf32, #tpu.memory_space<vmem>> -> memref<1x32x200xf32, #tpu.memory_space<vmem>>
    %dma_start3A_93 = tpu.memref_squeeze %dma_start3A_92 : memref<1x32x200xf32, #tpu.memory_space<vmem>> -> memref<32x200xf32, #tpu.memory_space<vmem>>
    %dma_start3A_94 = arith.constant 0 : i32
    %dma_start3A_95 = arith.constant 0 : i32
    %dma_start3A_96 = tpu.memref_slice %arg14[%dma_start3A_94, %dma_start3A_95] : memref<1024x200xf32, #tpu.memory_space<hbm>> -> memref<1024x200xf32, #tpu.memory_space<hbm>>
    tpu.enqueue_indirect_dma source(%dma_start3A_96 : memref<1024x200xf32, #tpu.memory_space<hbm>>) target(%dma_start3A_93 : memref<32x200xf32, #tpu.memory_space<vmem>>) offsets(%arg27 : memref<32xi32, #tpu.memory_space<vmem>>) semaphore(%arg39 : memref<!tpu.dma_semaphore, #tpu.memory_space<semaphore_mem>>)
    %dma_start3A_97 = arith.constant 0 : i32
    %dma_start3A_98 = arith.constant 0 : i32
    %dma_start3A_99 = tpu.memref_slice %arg3[%dma_start3A_97, %dma_start3A_98] : memref<1024x152xf32, #tpu.memory_space<hbm>> -> memref<1024x152xf32, #tpu.memory_space<hbm>>
    tpu.enqueue_indirect_dma source(%dma_start3A_99 : memref<1024x152xf32, #tpu.memory_space<hbm>>) target(%arg24 : memref<32x152xf32, #tpu.memory_space<vmem>>) offsets(%arg27 : memref<32xi32, #tpu.memory_space<vmem>>) semaphore(%arg38 : memref<!tpu.dma_semaphore, #tpu.memory_space<semaphore_mem>>)
    %dma_wait3A = arith.constant 0 : i32
    %dma_wait3A_100 = arith.constant 0 : i32
    %dma_wait3A_101 = tpu.memref_slice %arg3[%dma_wait3A, %dma_wait3A_100] : memref<1024x152xf32, #tpu.memory_space<hbm>> -> memref<1024x152xf32, #tpu.memory_space<hbm>>
    tpu.wait_indirect_dma semaphore(%arg38 : memref<!tpu.dma_semaphore, #tpu.memory_space<semaphore_mem>>) src(%dma_wait3A_101 : memref<1024x152xf32, #tpu.memory_space<hbm>>) dst(%arg24 : memref<32x152xf32, #tpu.memory_space<vmem>>)
    %add3A_102 = arith.constant 0 : i32
    %add3A_103 = vector.broadcast %add3A_102 : i32 to vector<16xi32>
    %add3A_104 = arith.addi %iota3A, %add3A_103 : vector<16xi32>
    %broadcast_in_dim3A_105 = arith.constant 150 : i32
    %broadcast_in_dim3A_106 = vector.broadcast %broadcast_in_dim3A_105 : i32 to vector<16xi32>
    %gather3A_107 = tpu.vector_load_idx %arg24[%add3A_104, %broadcast_in_dim3A_106] : memref<32x152xf32, #tpu.memory_space<vmem>>[vector<16xi32>, vector<16xi32>], vector<16xf32>,
    %get3A_108 = arith.constant 0 : index
    %get3A_109 = tpu.vector_load %arg26[%get3A_108] {strides = array<i32>} : memref<32xf32, #tpu.memory_space<vmem>>, vector<16xf32>,
    %mul3A_110 = arith.mulf %get3A_109, %gather3A_107 : vector<16xf32>
    %broadcast_in_dim3A_111 = arith.constant 0 : i32
    %broadcast_in_dim3A_112 = vector.broadcast %broadcast_in_dim3A_111 : i32 to vector<16xi32>
    %broadcast_in_dim3A_113 = arith.constant 151 : i32
    %broadcast_in_dim3A_114 = vector.broadcast %broadcast_in_dim3A_113 : i32 to vector<16xi32>
    %scan3A_115 = arith.constant 0 : i32
    %scan3A_116 = arith.constant 9 : i32
    %scan3A_117 = arith.addi %scan3A_115, %scan3A_116 : i32
    %scan3A_118 = arith.constant 1 : i32
    %scan3A_119:2 = scf.for %scan3A_870 = %scan3A_115 to %scan3A_117 step %scan3A_118 iter_args(%scan3A_871 = %broadcast_in_dim3A_112, %scan3A_872 = %broadcast_in_dim3A_114) -> (vector<16xi32>, vector<16xi32>)  : i32 {
      %add3A_873 = arith.addi %scan3A_871, %scan3A_872 : vector<16xi32>
      %broadcast_in_dim3A_874 = arith.constant 1 : i32
      %broadcast_in_dim3A_875 = vector.broadcast %broadcast_in_dim3A_874 : i32 to vector<16xi32>
      %shift_right_arithmetic3A_876 = arith.shrsi %add3A_873, %broadcast_in_dim3A_875 : vector<16xi32>
      %gather3A_877 = tpu.vector_load_idx %arg24[%add3A_104, %shift_right_arithmetic3A_876] : memref<32x152xf32, #tpu.memory_space<vmem>>[vector<16xi32>, vector<16xi32>], vector<16xf32>,
      %le3A = arith.cmpf ole, %gather3A_877, %mul3A_110 : vector<16xf32>
      %add3A_878 = arith.constant 1 : i32
      %add3A_879 = vector.broadcast %add3A_878 : i32 to vector<16xi32>
      %add3A_880 = arith.addi %shift_right_arithmetic3A_876, %add3A_879 : vector<16xi32>
      %select_n3A = arith.select %le3A, %add3A_880, %scan3A_871 : vector<16xi1>, vector<16xi32>
      %select_n3A_881 = arith.select %le3A, %scan3A_872, %shift_right_arithmetic3A_876 : vector<16xi1>, vector<16xi32>
      scf.yield %select_n3A, %select_n3A_881 : vector<16xi32>, vector<16xi32>
    }
    %scan3A_120 = arith.constant 9 : i32
    %broadcast_in_dim3A_121 = arith.constant 150 : i32
    %broadcast_in_dim3A_122 = vector.broadcast %broadcast_in_dim3A_121 : i32 to vector<16xi32>
    %min3A_123 = arith.minsi %scan3A_119#0, %broadcast_in_dim3A_122 : vector<16xi32>
    %swap3A_124 = arith.constant 0 : index
    %swap3A_125 = tpu.vector_load %arg29[%swap3A_124] {strides = array<i32>} : memref<32xi32, #tpu.memory_space<vmem>>, vector<16xi32>,
    tpu.vector_store %arg29[%swap3A_124], %min3A_123 {strides = array<i32>} : memref<32xi32, #tpu.memory_space<vmem>>, vector<16xi32>,
    %add3A_126 = arith.constant 16 : i32
    %add3A_127 = vector.broadcast %add3A_126 : i32 to vector<16xi32>
    %add3A_128 = arith.addi %iota3A, %add3A_127 : vector<16xi32>
    %broadcast_in_dim3A_129 = arith.constant 150 : i32
    %broadcast_in_dim3A_130 = vector.broadcast %broadcast_in_dim3A_129 : i32 to vector<16xi32>
    %gather3A_131 = tpu.vector_load_idx %arg24[%add3A_128, %broadcast_in_dim3A_130] : memref<32x152xf32, #tpu.memory_space<vmem>>[vector<16xi32>, vector<16xi32>], vector<16xf32>,
    %get3A_132 = arith.constant 16 : index
    %get3A_133 = tpu.vector_load %arg26[%get3A_132] {strides = array<i32>} : memref<32xf32, #tpu.memory_space<vmem>>, vector<16xf32>,
    %mul3A_134 = arith.mulf %get3A_133, %gather3A_131 : vector<16xf32>
    %broadcast_in_dim3A_135 = arith.constant 0 : i32
    %broadcast_in_dim3A_136 = vector.broadcast %broadcast_in_dim3A_135 : i32 to vector<16xi32>
    %broadcast_in_dim3A_137 = arith.constant 151 : i32
    %broadcast_in_dim3A_138 = vector.broadcast %broadcast_in_dim3A_137 : i32 to vector<16xi32>
    %scan3A_139 = arith.constant 0 : i32
    %scan3A_140 = arith.constant 9 : i32
    %scan3A_141 = arith.addi %scan3A_139, %scan3A_140 : i32
    %scan3A_142 = arith.constant 1 : i32
    %scan3A_143:2 = scf.for %scan3A_870 = %scan3A_139 to %scan3A_141 step %scan3A_142 iter_args(%scan3A_871 = %broadcast_in_dim3A_136, %scan3A_872 = %broadcast_in_dim3A_138) -> (vector<16xi32>, vector<16xi32>)  : i32 {
      %add3A_873 = arith.addi %scan3A_871, %scan3A_872 : vector<16xi32>
      %broadcast_in_dim3A_874 = arith.constant 1 : i32
      %broadcast_in_dim3A_875 = vector.broadcast %broadcast_in_dim3A_874 : i32 to vector<16xi32>
      %shift_right_arithmetic3A_876 = arith.shrsi %add3A_873, %broadcast_in_dim3A_875 : vector<16xi32>
      %gather3A_877 = tpu.vector_load_idx %arg24[%add3A_128, %shift_right_arithmetic3A_876] : memref<32x152xf32, #tpu.memory_space<vmem>>[vector<16xi32>, vector<16xi32>], vector<16xf32>,
      %le3A = arith.cmpf ole, %gather3A_877, %mul3A_134 : vector<16xf32>
      %add3A_878 = arith.constant 1 : i32
      %add3A_879 = vector.broadcast %add3A_878 : i32 to vector<16xi32>
      %add3A_880 = arith.addi %shift_right_arithmetic3A_876, %add3A_879 : vector<16xi32>
      %select_n3A = arith.select %le3A, %add3A_880, %scan3A_871 : vector<16xi1>, vector<16xi32>
      %select_n3A_881 = arith.select %le3A, %scan3A_872, %shift_right_arithmetic3A_876 : vector<16xi1>, vector<16xi32>
      scf.yield %select_n3A, %select_n3A_881 : vector<16xi32>, vector<16xi32>
    }
    %scan3A_144 = arith.constant 9 : i32
    %broadcast_in_dim3A_145 = arith.constant 150 : i32
    %broadcast_in_dim3A_146 = vector.broadcast %broadcast_in_dim3A_145 : i32 to vector<16xi32>
    %min3A_147 = arith.minsi %scan3A_143#0, %broadcast_in_dim3A_146 : vector<16xi32>
    %swap3A_148 = arith.constant 16 : index
    %swap3A_149 = tpu.vector_load %arg29[%swap3A_148] {strides = array<i32>} : memref<32xi32, #tpu.memory_space<vmem>>, vector<16xi32>,
    tpu.vector_store %arg29[%swap3A_148], %min3A_147 {strides = array<i32>} : memref<32xi32, #tpu.memory_space<vmem>>, vector<16xi32>,
    %scan3A_150 = arith.constant 0 : i32
    %scan3A_151 = arith.constant 0 : i32
    %scan3A_152 = arith.constant 16 : i32
    %scan3A_153 = arith.addi %scan3A_151, %scan3A_152 : i32
    %scan3A_154 = arith.constant 1 : i32
    %scan3A_155 = scf.for %scan3A_870 = %scan3A_151 to %scan3A_153 step %scan3A_154 iter_args(%scan3A_871 = %scan3A_150) -> (i32)  : i32 {
      %mul3A_872 = arith.constant 2 : i32
      %mul3A_873 = arith.muli %scan3A_870, %mul3A_872 : i32
      %broadcast_in_dim3A_874 = vector.broadcast %mul3A_873 : i32 to vector<16xi32>
      %gather3A_875 = tpu.vector_load_idx %arg30[%broadcast_in_dim3A_874] : memref<32xi32, #tpu.memory_space<vmem>>[vector<16xi32>], vector<16xi32>,
      %add3A_876 = arith.constant 1 : i32
      %add3A_877 = arith.addi %mul3A_873, %add3A_876 : i32
      %broadcast_in_dim3A_878 = vector.broadcast %add3A_877 : i32 to vector<16xi32>
      %gather3A_879 = tpu.vector_load_idx %arg30[%broadcast_in_dim3A_878] : memref<32xi32, #tpu.memory_space<vmem>>[vector<16xi32>], vector<16xi32>,
      %broadcast_in_dim3A_880 = vector.broadcast %mul3A_873 : i32 to vector<16xi32>
      %gather3A_881 = tpu.vector_load_idx %arg29[%broadcast_in_dim3A_880] : memref<32xi32, #tpu.memory_space<vmem>>[vector<16xi32>], vector<16xi32>,
      %add3A_882 = arith.constant 1 : i32
      %add3A_883 = arith.addi %mul3A_873, %add3A_882 : i32
      %broadcast_in_dim3A_884 = vector.broadcast %add3A_883 : i32 to vector<16xi32>
      %gather3A_885 = tpu.vector_load_idx %arg29[%broadcast_in_dim3A_884] : memref<32xi32, #tpu.memory_space<vmem>>[vector<16xi32>], vector<16xi32>,
      %add3A_886 = arith.constant 0 : i32
      %add3A_887 = vector.broadcast %add3A_886 : i32 to vector<16xi32>
      %add3A_888 = arith.addi %iota3A, %add3A_887 : vector<16xi32>
      %broadcast_in_dim3A_889 = arith.constant 99 : i32
      %broadcast_in_dim3A_890 = vector.broadcast %broadcast_in_dim3A_889 : i32 to vector<16xi32>
      %min3A_891 = arith.minsi %add3A_888, %broadcast_in_dim3A_890 : vector<16xi32>
      %broadcast_in_dim3A_892 = arith.constant 50 : i32
      %broadcast_in_dim3A_893 = vector.broadcast %broadcast_in_dim3A_892 : i32 to vector<16xi32>
      %ge3A = arith.cmpi sge, %min3A_891, %broadcast_in_dim3A_893 : vector<16xi32>
      %broadcast_in_dim3A_894 = arith.constant 50 : i32
      %broadcast_in_dim3A_895 = vector.broadcast %broadcast_in_dim3A_894 : i32 to vector<16xi32>
      %broadcast_in_dim3A_896 = arith.constant 0 : i32
      %broadcast_in_dim3A_897 = vector.broadcast %broadcast_in_dim3A_896 : i32 to vector<16xi32>
      %select_n3A = arith.select %ge3A, %broadcast_in_dim3A_895, %broadcast_in_dim3A_897 : vector<16xi1>, vector<16xi32>
      %sub3A = arith.subi %min3A_891, %select_n3A : vector<16xi32>
      %select_n3A_898 = arith.select %ge3A, %gather3A_885, %gather3A_881 : vector<16xi1>, vector<16xi32>
      %add3A_899 = arith.addi %select_n3A_898, %sub3A : vector<16xi32>
      %add3A_900 = arith.addi %add3A_899, %get3A_5 : vector<16xi32>
      %broadcast_in_dim3A_901 = arith.constant 0 : i32
      %broadcast_in_dim3A_902 = vector.broadcast %broadcast_in_dim3A_901 : i32 to vector<16xi32>
      %broadcast_in_dim3A_903 = arith.constant 199 : i32
      %broadcast_in_dim3A_904 = vector.broadcast %broadcast_in_dim3A_903 : i32 to vector<16xi32>
      %max3A = arith.maxsi %broadcast_in_dim3A_902, %add3A_900 : vector<16xi32>
      %min3A_905 = arith.minsi %broadcast_in_dim3A_904, %max3A : vector<16xi32>
      %select_n3A_906 = arith.select %ge3A, %gather3A_879, %gather3A_875 : vector<16xi1>, vector<16xi32>
      %add3A_907 = arith.addi %select_n3A_906, %min3A_905 : vector<16xi32>
      %swap3A_908 = arith.index_cast %scan3A_870 : i32 to index
      %swap3A_909 = arith.constant 0 : index
      %swap3A_910 = tpu.vector_load %arg31[%swap3A_908, %swap3A_909] {strides = array<i32>} : memref<16x112xi32, #tpu.memory_space<vmem>>, vector<16xi32>,
      tpu.vector_store %arg31[%swap3A_908, %swap3A_909], %add3A_907 {strides = array<i32>} : memref<16x112xi32, #tpu.memory_space<vmem>>, vector<16xi32>,
      %add3A_911 = arith.constant 16 : i32
      %add3A_912 = vector.broadcast %add3A_911 : i32 to vector<16xi32>
      %add3A_913 = arith.addi %iota3A, %add3A_912 : vector<16xi32>
      %broadcast_in_dim3A_914 = arith.constant 99 : i32
      %broadcast_in_dim3A_915 = vector.broadcast %broadcast_in_dim3A_914 : i32 to vector<16xi32>
      %min3A_916 = arith.minsi %add3A_913, %broadcast_in_dim3A_915 : vector<16xi32>
      %broadcast_in_dim3A_917 = arith.constant 50 : i32
      %broadcast_in_dim3A_918 = vector.broadcast %broadcast_in_dim3A_917 : i32 to vector<16xi32>
      %ge3A_919 = arith.cmpi sge, %min3A_916, %broadcast_in_dim3A_918 : vector<16xi32>
      %broadcast_in_dim3A_920 = arith.constant 50 : i32
      %broadcast_in_dim3A_921 = vector.broadcast %broadcast_in_dim3A_920 : i32 to vector<16xi32>
      %broadcast_in_dim3A_922 = arith.constant 0 : i32
      %broadcast_in_dim3A_923 = vector.broadcast %broadcast_in_dim3A_922 : i32 to vector<16xi32>
      %select_n3A_924 = arith.select %ge3A_919, %broadcast_in_dim3A_921, %broadcast_in_dim3A_923 : vector<16xi1>, vector<16xi32>
      %sub3A_925 = arith.subi %min3A_916, %select_n3A_924 : vector<16xi32>
      %select_n3A_926 = arith.select %ge3A_919, %gather3A_885, %gather3A_881 : vector<16xi1>, vector<16xi32>
      %add3A_927 = arith.addi %select_n3A_926, %sub3A_925 : vector<16xi32>
      %add3A_928 = arith.addi %add3A_927, %get3A_5 : vector<16xi32>
      %broadcast_in_dim3A_929 = arith.constant 0 : i32
      %broadcast_in_dim3A_930 = vector.broadcast %broadcast_in_dim3A_929 : i32 to vector<16xi32>
      %broadcast_in_dim3A_931 = arith.constant 199 : i32
      %broadcast_in_dim3A_932 = vector.broadcast %broadcast_in_dim3A_931 : i32 to vector<16xi32>
      %max3A_933 = arith.maxsi %broadcast_in_dim3A_930, %add3A_928 : vector<16xi32>
      %min3A_934 = arith.minsi %broadcast_in_dim3A_932, %max3A_933 : vector<16xi32>
      %select_n3A_935 = arith.select %ge3A_919, %gather3A_879, %gather3A_875 : vector<16xi1>, vector<16xi32>
      %add3A_936 = arith.addi %select_n3A_935, %min3A_934 : vector<16xi32>
      %swap3A_937 = arith.index_cast %scan3A_870 : i32 to index
      %swap3A_938 = arith.constant 16 : index
      %swap3A_939 = tpu.vector_load %arg31[%swap3A_937, %swap3A_938] {strides = array<i32>} : memref<16x112xi32, #tpu.memory_space<vmem>>, vector<16xi32>,
      tpu.vector_store %arg31[%swap3A_937, %swap3A_938], %add3A_936 {strides = array<i32>} : memref<16x112xi32, #tpu.memory_space<vmem>>, vector<16xi32>,
      %add3A_940 = arith.constant 32 : i32
      %add3A_941 = vector.broadcast %add3A_940 : i32 to vector<16xi32>
      %add3A_942 = arith.addi %iota3A, %add3A_941 : vector<16xi32>
      %broadcast_in_dim3A_943 = arith.constant 99 : i32
      %broadcast_in_dim3A_944 = vector.broadcast %broadcast_in_dim3A_943 : i32 to vector<16xi32>
      %min3A_945 = arith.minsi %add3A_942, %broadcast_in_dim3A_944 : vector<16xi32>
      %broadcast_in_dim3A_946 = arith.constant 50 : i32
      %broadcast_in_dim3A_947 = vector.broadcast %broadcast_in_dim3A_946 : i32 to vector<16xi32>
      %ge3A_948 = arith.cmpi sge, %min3A_945, %broadcast_in_dim3A_947 : vector<16xi32>
      %broadcast_in_dim3A_949 = arith.constant 50 : i32
      %broadcast_in_dim3A_950 = vector.broadcast %broadcast_in_dim3A_949 : i32 to vector<16xi32>
      %broadcast_in_dim3A_951 = arith.constant 0 : i32
      %broadcast_in_dim3A_952 = vector.broadcast %broadcast_in_dim3A_951 : i32 to vector<16xi32>
      %select_n3A_953 = arith.select %ge3A_948, %broadcast_in_dim3A_950, %broadcast_in_dim3A_952 : vector<16xi1>, vector<16xi32>
      %sub3A_954 = arith.subi %min3A_945, %select_n3A_953 : vector<16xi32>
      %select_n3A_955 = arith.select %ge3A_948, %gather3A_885, %gather3A_881 : vector<16xi1>, vector<16xi32>
      %add3A_956 = arith.addi %select_n3A_955, %sub3A_954 : vector<16xi32>
      %add3A_957 = arith.addi %add3A_956, %get3A_5 : vector<16xi32>
      %broadcast_in_dim3A_958 = arith.constant 0 : i32
      %broadcast_in_dim3A_959 = vector.broadcast %broadcast_in_dim3A_958 : i32 to vector<16xi32>
      %broadcast_in_dim3A_960 = arith.constant 199 : i32
      %broadcast_in_dim3A_961 = vector.broadcast %broadcast_in_dim3A_960 : i32 to vector<16xi32>
      %max3A_962 = arith.maxsi %broadcast_in_dim3A_959, %add3A_957 : vector<16xi32>
      %min3A_963 = arith.minsi %broadcast_in_dim3A_961, %max3A_962 : vector<16xi32>
      %select_n3A_964 = arith.select %ge3A_948, %gather3A_879, %gather3A_875 : vector<16xi1>, vector<16xi32>
      %add3A_965 = arith.addi %select_n3A_964, %min3A_963 : vector<16xi32>
      %swap3A_966 = arith.index_cast %scan3A_870 : i32 to index
      %swap3A_967 = arith.constant 32 : index
      %swap3A_968 = tpu.vector_load %arg31[%swap3A_966, %swap3A_967] {strides = array<i32>} : memref<16x112xi32, #tpu.memory_space<vmem>>, vector<16xi32>,
      tpu.vector_store %arg31[%swap3A_966, %swap3A_967], %add3A_965 {strides = array<i32>} : memref<16x112xi32, #tpu.memory_space<vmem>>, vector<16xi32>,
      %add3A_969 = arith.constant 48 : i32
      %add3A_970 = vector.broadcast %add3A_969 : i32 to vector<16xi32>
      %add3A_971 = arith.addi %iota3A, %add3A_970 : vector<16xi32>
      %broadcast_in_dim3A_972 = arith.constant 99 : i32
      %broadcast_in_dim3A_973 = vector.broadcast %broadcast_in_dim3A_972 : i32 to vector<16xi32>
      %min3A_974 = arith.minsi %add3A_971, %broadcast_in_dim3A_973 : vector<16xi32>
      %broadcast_in_dim3A_975 = arith.constant 50 : i32
      %broadcast_in_dim3A_976 = vector.broadcast %broadcast_in_dim3A_975 : i32 to vector<16xi32>
      %ge3A_977 = arith.cmpi sge, %min3A_974, %broadcast_in_dim3A_976 : vector<16xi32>
      %broadcast_in_dim3A_978 = arith.constant 50 : i32
      %broadcast_in_dim3A_979 = vector.broadcast %broadcast_in_dim3A_978 : i32 to vector<16xi32>
      %broadcast_in_dim3A_980 = arith.constant 0 : i32
      %broadcast_in_dim3A_981 = vector.broadcast %broadcast_in_dim3A_980 : i32 to vector<16xi32>
      %select_n3A_982 = arith.select %ge3A_977, %broadcast_in_dim3A_979, %broadcast_in_dim3A_981 : vector<16xi1>, vector<16xi32>
      %sub3A_983 = arith.subi %min3A_974, %select_n3A_982 : vector<16xi32>
      %select_n3A_984 = arith.select %ge3A_977, %gather3A_885, %gather3A_881 : vector<16xi1>, vector<16xi32>
      %add3A_985 = arith.addi %select_n3A_984, %sub3A_983 : vector<16xi32>
      %add3A_986 = arith.addi %add3A_985, %get3A_5 : vector<16xi32>
      %broadcast_in_dim3A_987 = arith.constant 0 : i32
      %broadcast_in_dim3A_988 = vector.broadcast %broadcast_in_dim3A_987 : i32 to vector<16xi32>
      %broadcast_in_dim3A_989 = arith.constant 199 : i32
      %broadcast_in_dim3A_990 = vector.broadcast %broadcast_in_dim3A_989 : i32 to vector<16xi32>
      %max3A_991 = arith.maxsi %broadcast_in_dim3A_988, %add3A_986 : vector<16xi32>
      %min3A_992 = arith.minsi %broadcast_in_dim3A_990, %max3A_991 : vector<16xi32>
      %select_n3A_993 = arith.select %ge3A_977, %gather3A_879, %gather3A_875 : vector<16xi1>, vector<16xi32>
      %add3A_994 = arith.addi %select_n3A_993, %min3A_992 : vector<16xi32>
      %swap3A_995 = arith.index_cast %scan3A_870 : i32 to index
      %swap3A_996 = arith.constant 48 : index
      %swap3A_997 = tpu.vector_load %arg31[%swap3A_995, %swap3A_996] {strides = array<i32>} : memref<16x112xi32, #tpu.memory_space<vmem>>, vector<16xi32>,
      tpu.vector_store %arg31[%swap3A_995, %swap3A_996], %add3A_994 {strides = array<i32>} : memref<16x112xi32, #tpu.memory_space<vmem>>, vector<16xi32>,
      %add3A_998 = arith.constant 64 : i32
      %add3A_999 = vector.broadcast %add3A_998 : i32 to vector<16xi32>
      %add3A_1000 = arith.addi %iota3A, %add3A_999 : vector<16xi32>
      %broadcast_in_dim3A_1001 = arith.constant 99 : i32
      %broadcast_in_dim3A_1002 = vector.broadcast %broadcast_in_dim3A_1001 : i32 to vector<16xi32>
      %min3A_1003 = arith.minsi %add3A_1000, %broadcast_in_dim3A_1002 : vector<16xi32>
      %broadcast_in_dim3A_1004 = arith.constant 50 : i32
      %broadcast_in_dim3A_1005 = vector.broadcast %broadcast_in_dim3A_1004 : i32 to vector<16xi32>
      %ge3A_1006 = arith.cmpi sge, %min3A_1003, %broadcast_in_dim3A_1005 : vector<16xi32>
      %broadcast_in_dim3A_1007 = arith.constant 50 : i32
      %broadcast_in_dim3A_1008 = vector.broadcast %broadcast_in_dim3A_1007 : i32 to vector<16xi32>
      %broadcast_in_dim3A_1009 = arith.constant 0 : i32
      %broadcast_in_dim3A_1010 = vector.broadcast %broadcast_in_dim3A_1009 : i32 to vector<16xi32>
      %select_n3A_1011 = arith.select %ge3A_1006, %broadcast_in_dim3A_1008, %broadcast_in_dim3A_1010 : vector<16xi1>, vector<16xi32>
      %sub3A_1012 = arith.subi %min3A_1003, %select_n3A_1011 : vector<16xi32>
      %select_n3A_1013 = arith.select %ge3A_1006, %gather3A_885, %gather3A_881 : vector<16xi1>, vector<16xi32>
      %add3A_1014 = arith.addi %select_n3A_1013, %sub3A_1012 : vector<16xi32>
      %add3A_1015 = arith.addi %add3A_1014, %get3A_5 : vector<16xi32>
      %broadcast_in_dim3A_1016 = arith.constant 0 : i32
      %broadcast_in_dim3A_1017 = vector.broadcast %broadcast_in_dim3A_1016 : i32 to vector<16xi32>
      %broadcast_in_dim3A_1018 = arith.constant 199 : i32
      %broadcast_in_dim3A_1019 = vector.broadcast %broadcast_in_dim3A_1018 : i32 to vector<16xi32>
      %max3A_1020 = arith.maxsi %broadcast_in_dim3A_1017, %add3A_1015 : vector<16xi32>
      %min3A_1021 = arith.minsi %broadcast_in_dim3A_1019, %max3A_1020 : vector<16xi32>
      %select_n3A_1022 = arith.select %ge3A_1006, %gather3A_879, %gather3A_875 : vector<16xi1>, vector<16xi32>
      %add3A_1023 = arith.addi %select_n3A_1022, %min3A_1021 : vector<16xi32>
      %swap3A_1024 = arith.index_cast %scan3A_870 : i32 to index
      %swap3A_1025 = arith.constant 64 : index
      %swap3A_1026 = tpu.vector_load %arg31[%swap3A_1024, %swap3A_1025] {strides = array<i32>} : memref<16x112xi32, #tpu.memory_space<vmem>>, vector<16xi32>,
      tpu.vector_store %arg31[%swap3A_1024, %swap3A_1025], %add3A_1023 {strides = array<i32>} : memref<16x112xi32, #tpu.memory_space<vmem>>, vector<16xi32>,
      %add3A_1027 = arith.constant 80 : i32
      %add3A_1028 = vector.broadcast %add3A_1027 : i32 to vector<16xi32>
      %add3A_1029 = arith.addi %iota3A, %add3A_1028 : vector<16xi32>
      %broadcast_in_dim3A_1030 = arith.constant 99 : i32
      %broadcast_in_dim3A_1031 = vector.broadcast %broadcast_in_dim3A_1030 : i32 to vector<16xi32>
      %min3A_1032 = arith.minsi %add3A_1029, %broadcast_in_dim3A_1031 : vector<16xi32>
      %broadcast_in_dim3A_1033 = arith.constant 50 : i32
      %broadcast_in_dim3A_1034 = vector.broadcast %broadcast_in_dim3A_1033 : i32 to vector<16xi32>
      %ge3A_1035 = arith.cmpi sge, %min3A_1032, %broadcast_in_dim3A_1034 : vector<16xi32>
      %broadcast_in_dim3A_1036 = arith.constant 50 : i32
      %broadcast_in_dim3A_1037 = vector.broadcast %broadcast_in_dim3A_1036 : i32 to vector<16xi32>
      %broadcast_in_dim3A_1038 = arith.constant 0 : i32
      %broadcast_in_dim3A_1039 = vector.broadcast %broadcast_in_dim3A_1038 : i32 to vector<16xi32>
      %select_n3A_1040 = arith.select %ge3A_1035, %broadcast_in_dim3A_1037, %broadcast_in_dim3A_1039 : vector<16xi1>, vector<16xi32>
      %sub3A_1041 = arith.subi %min3A_1032, %select_n3A_1040 : vector<16xi32>
      %select_n3A_1042 = arith.select %ge3A_1035, %gather3A_885, %gather3A_881 : vector<16xi1>, vector<16xi32>
      %add3A_1043 = arith.addi %select_n3A_1042, %sub3A_1041 : vector<16xi32>
      %add3A_1044 = arith.addi %add3A_1043, %get3A_5 : vector<16xi32>
      %broadcast_in_dim3A_1045 = arith.constant 0 : i32
      %broadcast_in_dim3A_1046 = vector.broadcast %broadcast_in_dim3A_1045 : i32 to vector<16xi32>
      %broadcast_in_dim3A_1047 = arith.constant 199 : i32
      %broadcast_in_dim3A_1048 = vector.broadcast %broadcast_in_dim3A_1047 : i32 to vector<16xi32>
      %max3A_1049 = arith.maxsi %broadcast_in_dim3A_1046, %add3A_1044 : vector<16xi32>
      %min3A_1050 = arith.minsi %broadcast_in_dim3A_1048, %max3A_1049 : vector<16xi32>
      %select_n3A_1051 = arith.select %ge3A_1035, %gather3A_879, %gather3A_875 : vector<16xi1>, vector<16xi32>
      %add3A_1052 = arith.addi %select_n3A_1051, %min3A_1050 : vector<16xi32>
      %swap3A_1053 = arith.index_cast %scan3A_870 : i32 to index
      %swap3A_1054 = arith.constant 80 : index
      %swap3A_1055 = tpu.vector_load %arg31[%swap3A_1053, %swap3A_1054] {strides = array<i32>} : memref<16x112xi32, #tpu.memory_space<vmem>>, vector<16xi32>,
      tpu.vector_store %arg31[%swap3A_1053, %swap3A_1054], %add3A_1052 {strides = array<i32>} : memref<16x112xi32, #tpu.memory_space<vmem>>, vector<16xi32>,
      %add3A_1056 = arith.constant 96 : i32
      %add3A_1057 = vector.broadcast %add3A_1056 : i32 to vector<16xi32>
      %add3A_1058 = arith.addi %iota3A, %add3A_1057 : vector<16xi32>
      %broadcast_in_dim3A_1059 = arith.constant 99 : i32
      %broadcast_in_dim3A_1060 = vector.broadcast %broadcast_in_dim3A_1059 : i32 to vector<16xi32>
      %min3A_1061 = arith.minsi %add3A_1058, %broadcast_in_dim3A_1060 : vector<16xi32>
      %broadcast_in_dim3A_1062 = arith.constant 50 : i32
      %broadcast_in_dim3A_1063 = vector.broadcast %broadcast_in_dim3A_1062 : i32 to vector<16xi32>
      %ge3A_1064 = arith.cmpi sge, %min3A_1061, %broadcast_in_dim3A_1063 : vector<16xi32>
      %broadcast_in_dim3A_1065 = arith.constant 50 : i32
      %broadcast_in_dim3A_1066 = vector.broadcast %broadcast_in_dim3A_1065 : i32 to vector<16xi32>
      %broadcast_in_dim3A_1067 = arith.constant 0 : i32
      %broadcast_in_dim3A_1068 = vector.broadcast %broadcast_in_dim3A_1067 : i32 to vector<16xi32>
      %select_n3A_1069 = arith.select %ge3A_1064, %broadcast_in_dim3A_1066, %broadcast_in_dim3A_1068 : vector<16xi1>, vector<16xi32>
      %sub3A_1070 = arith.subi %min3A_1061, %select_n3A_1069 : vector<16xi32>
      %select_n3A_1071 = arith.select %ge3A_1064, %gather3A_885, %gather3A_881 : vector<16xi1>, vector<16xi32>
      %add3A_1072 = arith.addi %select_n3A_1071, %sub3A_1070 : vector<16xi32>
      %add3A_1073 = arith.addi %add3A_1072, %get3A_5 : vector<16xi32>
      %broadcast_in_dim3A_1074 = arith.constant 0 : i32
      %broadcast_in_dim3A_1075 = vector.broadcast %broadcast_in_dim3A_1074 : i32 to vector<16xi32>
      %broadcast_in_dim3A_1076 = arith.constant 199 : i32
      %broadcast_in_dim3A_1077 = vector.broadcast %broadcast_in_dim3A_1076 : i32 to vector<16xi32>
      %max3A_1078 = arith.maxsi %broadcast_in_dim3A_1075, %add3A_1073 : vector<16xi32>
      %min3A_1079 = arith.minsi %broadcast_in_dim3A_1077, %max3A_1078 : vector<16xi32>
      %select_n3A_1080 = arith.select %ge3A_1064, %gather3A_879, %gather3A_875 : vector<16xi1>, vector<16xi32>
      %add3A_1081 = arith.addi %select_n3A_1080, %min3A_1079 : vector<16xi32>
      %swap3A_1082 = arith.index_cast %scan3A_870 : i32 to index
      %swap3A_1083 = arith.constant 96 : index
      %swap3A_1084 = tpu.vector_load %arg31[%swap3A_1082, %swap3A_1083] {strides = array<i32>} : memref<16x112xi32, #tpu.memory_space<vmem>>, vector<16xi32>,
      tpu.vector_store %arg31[%swap3A_1082, %swap3A_1083], %add3A_1081 {strides = array<i32>} : memref<16x112xi32, #tpu.memory_space<vmem>>, vector<16xi32>,
      %scan3A_1085 = arith.constant 0 : i32
      scf.yield %scan3A_1085 : i32
    }
    %scan3A_156 = arith.constant 16 : i32
    %dma_start3A_157 = arith.constant 0 : i32
    %dma_start3A_158 = arith.constant 0 : i32
    %dma_start3A_159 = arith.constant 0 : i32
    %dma_start3A_160 = tpu.memref_slice %arg36[%dma_start3A_158, %dma_start3A_159] : memref<1664x16xf32, #tpu.memory_space<vmem>> -> memref<104x16xf32, #tpu.memory_space<vmem>>
    %dma_start3A_161 = arith.constant 0 : i32
    %dma_start3A_162 = tpu.memref_slice %arg31[%dma_start3A_157, %dma_start3A_161] : memref<16x112xi32, #tpu.memory_space<vmem>> -> memref<1x104xi32, #tpu.memory_space<vmem>>
    %dma_start3A_163 = tpu.memref_squeeze %dma_start3A_162 : memref<1x104xi32, #tpu.memory_space<vmem>> -> memref<104xi32, #tpu.memory_space<vmem>>
    %dma_start3A_164 = arith.constant 0 : i32
    %dma_start3A_165 = arith.constant 0 : i32
    %dma_start3A_166 = tpu.memref_slice %arg8[%dma_start3A_164, %dma_start3A_165] : memref<204800x16xf32, #tpu.memory_space<hbm>> -> memref<204800x16xf32, #tpu.memory_space<hbm>>
    tpu.enqueue_indirect_dma source(%dma_start3A_166 : memref<204800x16xf32, #tpu.memory_space<hbm>>) target(%dma_start3A_160 : memref<104x16xf32, #tpu.memory_space<vmem>>) offsets(%dma_start3A_163 : memref<104xi32, #tpu.memory_space<vmem>>) semaphore(%arg40 : memref<!tpu.dma_semaphore, #tpu.memory_space<semaphore_mem>>)
    %dma_start3A_167 = arith.constant 1 : i32
    %dma_start3A_168 = arith.constant 104 : i32
    %dma_start3A_169 = arith.constant 0 : i32
    %dma_start3A_170 = tpu.memref_slice %arg36[%dma_start3A_168, %dma_start3A_169] : memref<1664x16xf32, #tpu.memory_space<vmem>> -> memref<104x16xf32, #tpu.memory_space<vmem>>
    %dma_start3A_171 = arith.constant 0 : i32
    %dma_start3A_172 = tpu.memref_slice %arg31[%dma_start3A_167, %dma_start3A_171] : memref<16x112xi32, #tpu.memory_space<vmem>> -> memref<1x104xi32, #tpu.memory_space<vmem>>
    %dma_start3A_173 = tpu.memref_squeeze %dma_start3A_172 : memref<1x104xi32, #tpu.memory_space<vmem>> -> memref<104xi32, #tpu.memory_space<vmem>>
    %dma_start3A_174 = arith.constant 0 : i32
    %dma_start3A_175 = arith.constant 0 : i32
    %dma_start3A_176 = tpu.memref_slice %arg8[%dma_start3A_174, %dma_start3A_175] : memref<204800x16xf32, #tpu.memory_space<hbm>> -> memref<204800x16xf32, #tpu.memory_space<hbm>>
    tpu.enqueue_indirect_dma source(%dma_start3A_176 : memref<204800x16xf32, #tpu.memory_space<hbm>>) target(%dma_start3A_170 : memref<104x16xf32, #tpu.memory_space<vmem>>) offsets(%dma_start3A_173 : memref<104xi32, #tpu.memory_space<vmem>>) semaphore(%arg40 : memref<!tpu.dma_semaphore, #tpu.memory_space<semaphore_mem>>)
    %dma_start3A_177 = arith.constant 2 : i32
    %dma_start3A_178 = arith.constant 208 : i32
    %dma_start3A_179 = arith.constant 0 : i32
    %dma_start3A_180 = tpu.memref_slice %arg36[%dma_start3A_178, %dma_start3A_179] : memref<1664x16xf32, #tpu.memory_space<vmem>> -> memref<104x16xf32, #tpu.memory_space<vmem>>
    %dma_start3A_181 = arith.constant 0 : i32
    %dma_start3A_182 = tpu.memref_slice %arg31[%dma_start3A_177, %dma_start3A_181] : memref<16x112xi32, #tpu.memory_space<vmem>> -> memref<1x104xi32, #tpu.memory_space<vmem>>
    %dma_start3A_183 = tpu.memref_squeeze %dma_start3A_182 : memref<1x104xi32, #tpu.memory_space<vmem>> -> memref<104xi32, #tpu.memory_space<vmem>>
    %dma_start3A_184 = arith.constant 0 : i32
    %dma_start3A_185 = arith.constant 0 : i32
    %dma_start3A_186 = tpu.memref_slice %arg8[%dma_start3A_184, %dma_start3A_185] : memref<204800x16xf32, #tpu.memory_space<hbm>> -> memref<204800x16xf32, #tpu.memory_space<hbm>>
    tpu.enqueue_indirect_dma source(%dma_start3A_186 : memref<204800x16xf32, #tpu.memory_space<hbm>>) target(%dma_start3A_180 : memref<104x16xf32, #tpu.memory_space<vmem>>) offsets(%dma_start3A_183 : memref<104xi32, #tpu.memory_space<vmem>>) semaphore(%arg40 : memref<!tpu.dma_semaphore, #tpu.memory_space<semaphore_mem>>)
    %dma_start3A_187 = arith.constant 3 : i32
    %dma_start3A_188 = arith.constant 312 : i32
    %dma_start3A_189 = arith.constant 0 : i32
    %dma_start3A_190 = tpu.memref_slice %arg36[%dma_start3A_188, %dma_start3A_189] : memref<1664x16xf32, #tpu.memory_space<vmem>> -> memref<104x16xf32, #tpu.memory_space<vmem>>
    %dma_start3A_191 = arith.constant 0 : i32
    %dma_start3A_192 = tpu.memref_slice %arg31[%dma_start3A_187, %dma_start3A_191] : memref<16x112xi32, #tpu.memory_space<vmem>> -> memref<1x104xi32, #tpu.memory_space<vmem>>
    %dma_start3A_193 = tpu.memref_squeeze %dma_start3A_192 : memref<1x104xi32, #tpu.memory_space<vmem>> -> memref<104xi32, #tpu.memory_space<vmem>>
    %dma_start3A_194 = arith.constant 0 : i32
    %dma_start3A_195 = arith.constant 0 : i32
    %dma_start3A_196 = tpu.memref_slice %arg8[%dma_start3A_194, %dma_start3A_195] : memref<204800x16xf32, #tpu.memory_space<hbm>> -> memref<204800x16xf32, #tpu.memory_space<hbm>>
    tpu.enqueue_indirect_dma source(%dma_start3A_196 : memref<204800x16xf32, #tpu.memory_space<hbm>>) target(%dma_start3A_190 : memref<104x16xf32, #tpu.memory_space<vmem>>) offsets(%dma_start3A_193 : memref<104xi32, #tpu.memory_space<vmem>>) semaphore(%arg40 : memref<!tpu.dma_semaphore, #tpu.memory_space<semaphore_mem>>)
    %dma_start3A_197 = arith.constant 4 : i32
    %dma_start3A_198 = arith.constant 416 : i32
    %dma_start3A_199 = arith.constant 0 : i32
    %dma_start3A_200 = tpu.memref_slice %arg36[%dma_start3A_198, %dma_start3A_199] : memref<1664x16xf32, #tpu.memory_space<vmem>> -> memref<104x16xf32, #tpu.memory_space<vmem>>
    %dma_start3A_201 = arith.constant 0 : i32
    %dma_start3A_202 = tpu.memref_slice %arg31[%dma_start3A_197, %dma_start3A_201] : memref<16x112xi32, #tpu.memory_space<vmem>> -> memref<1x104xi32, #tpu.memory_space<vmem>>
    %dma_start3A_203 = tpu.memref_squeeze %dma_start3A_202 : memref<1x104xi32, #tpu.memory_space<vmem>> -> memref<104xi32, #tpu.memory_space<vmem>>
    %dma_start3A_204 = arith.constant 0 : i32
    %dma_start3A_205 = arith.constant 0 : i32
    %dma_start3A_206 = tpu.memref_slice %arg8[%dma_start3A_204, %dma_start3A_205] : memref<204800x16xf32, #tpu.memory_space<hbm>> -> memref<204800x16xf32, #tpu.memory_space<hbm>>
    tpu.enqueue_indirect_dma source(%dma_start3A_206 : memref<204800x16xf32, #tpu.memory_space<hbm>>) target(%dma_start3A_200 : memref<104x16xf32, #tpu.memory_space<vmem>>) offsets(%dma_start3A_203 : memref<104xi32, #tpu.memory_space<vmem>>) semaphore(%arg40 : memref<!tpu.dma_semaphore, #tpu.memory_space<semaphore_mem>>)
    %dma_start3A_207 = arith.constant 5 : i32
    %dma_start3A_208 = arith.constant 520 : i32
    %dma_start3A_209 = arith.constant 0 : i32
    %dma_start3A_210 = tpu.memref_slice %arg36[%dma_start3A_208, %dma_start3A_209] : memref<1664x16xf32, #tpu.memory_space<vmem>> -> memref<104x16xf32, #tpu.memory_space<vmem>>
    %dma_start3A_211 = arith.constant 0 : i32
    %dma_start3A_212 = tpu.memref_slice %arg31[%dma_start3A_207, %dma_start3A_211] : memref<16x112xi32, #tpu.memory_space<vmem>> -> memref<1x104xi32, #tpu.memory_space<vmem>>
    %dma_start3A_213 = tpu.memref_squeeze %dma_start3A_212 : memref<1x104xi32, #tpu.memory_space<vmem>> -> memref<104xi32, #tpu.memory_space<vmem>>
    %dma_start3A_214 = arith.constant 0 : i32
    %dma_start3A_215 = arith.constant 0 : i32
    %dma_start3A_216 = tpu.memref_slice %arg8[%dma_start3A_214, %dma_start3A_215] : memref<204800x16xf32, #tpu.memory_space<hbm>> -> memref<204800x16xf32, #tpu.memory_space<hbm>>
    tpu.enqueue_indirect_dma source(%dma_start3A_216 : memref<204800x16xf32, #tpu.memory_space<hbm>>) target(%dma_start3A_210 : memref<104x16xf32, #tpu.memory_space<vmem>>) offsets(%dma_start3A_213 : memref<104xi32, #tpu.memory_space<vmem>>) semaphore(%arg40 : memref<!tpu.dma_semaphore, #tpu.memory_space<semaphore_mem>>)
    %dma_start3A_217 = arith.constant 6 : i32
    %dma_start3A_218 = arith.constant 624 : i32
    %dma_start3A_219 = arith.constant 0 : i32
    %dma_start3A_220 = tpu.memref_slice %arg36[%dma_start3A_218, %dma_start3A_219] : memref<1664x16xf32, #tpu.memory_space<vmem>> -> memref<104x16xf32, #tpu.memory_space<vmem>>
    %dma_start3A_221 = arith.constant 0 : i32
    %dma_start3A_222 = tpu.memref_slice %arg31[%dma_start3A_217, %dma_start3A_221] : memref<16x112xi32, #tpu.memory_space<vmem>> -> memref<1x104xi32, #tpu.memory_space<vmem>>
    %dma_start3A_223 = tpu.memref_squeeze %dma_start3A_222 : memref<1x104xi32, #tpu.memory_space<vmem>> -> memref<104xi32, #tpu.memory_space<vmem>>
    %dma_start3A_224 = arith.constant 0 : i32
    %dma_start3A_225 = arith.constant 0 : i32
    %dma_start3A_226 = tpu.memref_slice %arg8[%dma_start3A_224, %dma_start3A_225] : memref<204800x16xf32, #tpu.memory_space<hbm>> -> memref<204800x16xf32, #tpu.memory_space<hbm>>
    tpu.enqueue_indirect_dma source(%dma_start3A_226 : memref<204800x16xf32, #tpu.memory_space<hbm>>) target(%dma_start3A_220 : memref<104x16xf32, #tpu.memory_space<vmem>>) offsets(%dma_start3A_223 : memref<104xi32, #tpu.memory_space<vmem>>) semaphore(%arg40 : memref<!tpu.dma_semaphore, #tpu.memory_space<semaphore_mem>>)
    %dma_start3A_227 = arith.constant 7 : i32
    %dma_start3A_228 = arith.constant 728 : i32
    %dma_start3A_229 = arith.constant 0 : i32
    %dma_start3A_230 = tpu.memref_slice %arg36[%dma_start3A_228, %dma_start3A_229] : memref<1664x16xf32, #tpu.memory_space<vmem>> -> memref<104x16xf32, #tpu.memory_space<vmem>>
    %dma_start3A_231 = arith.constant 0 : i32
    %dma_start3A_232 = tpu.memref_slice %arg31[%dma_start3A_227, %dma_start3A_231] : memref<16x112xi32, #tpu.memory_space<vmem>> -> memref<1x104xi32, #tpu.memory_space<vmem>>
    %dma_start3A_233 = tpu.memref_squeeze %dma_start3A_232 : memref<1x104xi32, #tpu.memory_space<vmem>> -> memref<104xi32, #tpu.memory_space<vmem>>
    %dma_start3A_234 = arith.constant 0 : i32
    %dma_start3A_235 = arith.constant 0 : i32
    %dma_start3A_236 = tpu.memref_slice %arg8[%dma_start3A_234, %dma_start3A_235] : memref<204800x16xf32, #tpu.memory_space<hbm>> -> memref<204800x16xf32, #tpu.memory_space<hbm>>
    tpu.enqueue_indirect_dma source(%dma_start3A_236 : memref<204800x16xf32, #tpu.memory_space<hbm>>) target(%dma_start3A_230 : memref<104x16xf32, #tpu.memory_space<vmem>>) offsets(%dma_start3A_233 : memref<104xi32, #tpu.memory_space<vmem>>) semaphore(%arg40 : memref<!tpu.dma_semaphore, #tpu.memory_space<semaphore_mem>>)
    %dma_start3A_237 = arith.constant 8 : i32
    %dma_start3A_238 = arith.constant 832 : i32
    %dma_start3A_239 = arith.constant 0 : i32
    %dma_start3A_240 = tpu.memref_slice %arg36[%dma_start3A_238, %dma_start3A_239] : memref<1664x16xf32, #tpu.memory_space<vmem>> -> memref<104x16xf32, #tpu.memory_space<vmem>>
    %dma_start3A_241 = arith.constant 0 : i32
    %dma_start3A_242 = tpu.memref_slice %arg31[%dma_start3A_237, %dma_start3A_241] : memref<16x112xi32, #tpu.memory_space<vmem>> -> memref<1x104xi32, #tpu.memory_space<vmem>>
    %dma_start3A_243 = tpu.memref_squeeze %dma_start3A_242 : memref<1x104xi32, #tpu.memory_space<vmem>> -> memref<104xi32, #tpu.memory_space<vmem>>
    %dma_start3A_244 = arith.constant 0 : i32
    %dma_start3A_245 = arith.constant 0 : i32
    %dma_start3A_246 = tpu.memref_slice %arg8[%dma_start3A_244, %dma_start3A_245] : memref<204800x16xf32, #tpu.memory_space<hbm>> -> memref<204800x16xf32, #tpu.memory_space<hbm>>
    tpu.enqueue_indirect_dma source(%dma_start3A_246 : memref<204800x16xf32, #tpu.memory_space<hbm>>) target(%dma_start3A_240 : memref<104x16xf32, #tpu.memory_space<vmem>>) offsets(%dma_start3A_243 : memref<104xi32, #tpu.memory_space<vmem>>) semaphore(%arg40 : memref<!tpu.dma_semaphore, #tpu.memory_space<semaphore_mem>>)
    %dma_start3A_247 = arith.constant 9 : i32
    %dma_start3A_248 = arith.constant 936 : i32
    %dma_start3A_249 = arith.constant 0 : i32
    %dma_start3A_250 = tpu.memref_slice %arg36[%dma_start3A_248, %dma_start3A_249] : memref<1664x16xf32, #tpu.memory_space<vmem>> -> memref<104x16xf32, #tpu.memory_space<vmem>>
    %dma_start3A_251 = arith.constant 0 : i32
    %dma_start3A_252 = tpu.memref_slice %arg31[%dma_start3A_247, %dma_start3A_251] : memref<16x112xi32, #tpu.memory_space<vmem>> -> memref<1x104xi32, #tpu.memory_space<vmem>>
    %dma_start3A_253 = tpu.memref_squeeze %dma_start3A_252 : memref<1x104xi32, #tpu.memory_space<vmem>> -> memref<104xi32, #tpu.memory_space<vmem>>
    %dma_start3A_254 = arith.constant 0 : i32
    %dma_start3A_255 = arith.constant 0 : i32
    %dma_start3A_256 = tpu.memref_slice %arg8[%dma_start3A_254, %dma_start3A_255] : memref<204800x16xf32, #tpu.memory_space<hbm>> -> memref<204800x16xf32, #tpu.memory_space<hbm>>
    tpu.enqueue_indirect_dma source(%dma_start3A_256 : memref<204800x16xf32, #tpu.memory_space<hbm>>) target(%dma_start3A_250 : memref<104x16xf32, #tpu.memory_space<vmem>>) offsets(%dma_start3A_253 : memref<104xi32, #tpu.memory_space<vmem>>) semaphore(%arg40 : memref<!tpu.dma_semaphore, #tpu.memory_space<semaphore_mem>>)
    %dma_start3A_257 = arith.constant 10 : i32
    %dma_start3A_258 = arith.constant 1040 : i32
    %dma_start3A_259 = arith.constant 0 : i32
    %dma_start3A_260 = tpu.memref_slice %arg36[%dma_start3A_258, %dma_start3A_259] : memref<1664x16xf32, #tpu.memory_space<vmem>> -> memref<104x16xf32, #tpu.memory_space<vmem>>
    %dma_start3A_261 = arith.constant 0 : i32
    %dma_start3A_262 = tpu.memref_slice %arg31[%dma_start3A_257, %dma_start3A_261] : memref<16x112xi32, #tpu.memory_space<vmem>> -> memref<1x104xi32, #tpu.memory_space<vmem>>
    %dma_start3A_263 = tpu.memref_squeeze %dma_start3A_262 : memref<1x104xi32, #tpu.memory_space<vmem>> -> memref<104xi32, #tpu.memory_space<vmem>>
    %dma_start3A_264 = arith.constant 0 : i32
    %dma_start3A_265 = arith.constant 0 : i32
    %dma_start3A_266 = tpu.memref_slice %arg8[%dma_start3A_264, %dma_start3A_265] : memref<204800x16xf32, #tpu.memory_space<hbm>> -> memref<204800x16xf32, #tpu.memory_space<hbm>>
    tpu.enqueue_indirect_dma source(%dma_start3A_266 : memref<204800x16xf32, #tpu.memory_space<hbm>>) target(%dma_start3A_260 : memref<104x16xf32, #tpu.memory_space<vmem>>) offsets(%dma_start3A_263 : memref<104xi32, #tpu.memory_space<vmem>>) semaphore(%arg40 : memref<!tpu.dma_semaphore, #tpu.memory_space<semaphore_mem>>)
    %dma_start3A_267 = arith.constant 11 : i32
    %dma_start3A_268 = arith.constant 1144 : i32
    %dma_start3A_269 = arith.constant 0 : i32
    %dma_start3A_270 = tpu.memref_slice %arg36[%dma_start3A_268, %dma_start3A_269] : memref<1664x16xf32, #tpu.memory_space<vmem>> -> memref<104x16xf32, #tpu.memory_space<vmem>>
    %dma_start3A_271 = arith.constant 0 : i32
    %dma_start3A_272 = tpu.memref_slice %arg31[%dma_start3A_267, %dma_start3A_271] : memref<16x112xi32, #tpu.memory_space<vmem>> -> memref<1x104xi32, #tpu.memory_space<vmem>>
    %dma_start3A_273 = tpu.memref_squeeze %dma_start3A_272 : memref<1x104xi32, #tpu.memory_space<vmem>> -> memref<104xi32, #tpu.memory_space<vmem>>
    %dma_start3A_274 = arith.constant 0 : i32
    %dma_start3A_275 = arith.constant 0 : i32
    %dma_start3A_276 = tpu.memref_slice %arg8[%dma_start3A_274, %dma_start3A_275] : memref<204800x16xf32, #tpu.memory_space<hbm>> -> memref<204800x16xf32, #tpu.memory_space<hbm>>
    tpu.enqueue_indirect_dma source(%dma_start3A_276 : memref<204800x16xf32, #tpu.memory_space<hbm>>) target(%dma_start3A_270 : memref<104x16xf32, #tpu.memory_space<vmem>>) offsets(%dma_start3A_273 : memref<104xi32, #tpu.memory_space<vmem>>) semaphore(%arg40 : memref<!tpu.dma_semaphore, #tpu.memory_space<semaphore_mem>>)
    %dma_start3A_277 = arith.constant 12 : i32
    %dma_start3A_278 = arith.constant 1248 : i32
    %dma_start3A_279 = arith.constant 0 : i32
    %dma_start3A_280 = tpu.memref_slice %arg36[%dma_start3A_278, %dma_start3A_279] : memref<1664x16xf32, #tpu.memory_space<vmem>> -> memref<104x16xf32, #tpu.memory_space<vmem>>
    %dma_start3A_281 = arith.constant 0 : i32
    %dma_start3A_282 = tpu.memref_slice %arg31[%dma_start3A_277, %dma_start3A_281] : memref<16x112xi32, #tpu.memory_space<vmem>> -> memref<1x104xi32, #tpu.memory_space<vmem>>
    %dma_start3A_283 = tpu.memref_squeeze %dma_start3A_282 : memref<1x104xi32, #tpu.memory_space<vmem>> -> memref<104xi32, #tpu.memory_space<vmem>>
    %dma_start3A_284 = arith.constant 0 : i32
    %dma_start3A_285 = arith.constant 0 : i32
    %dma_start3A_286 = tpu.memref_slice %arg8[%dma_start3A_284, %dma_start3A_285] : memref<204800x16xf32, #tpu.memory_space<hbm>> -> memref<204800x16xf32, #tpu.memory_space<hbm>>
    tpu.enqueue_indirect_dma source(%dma_start3A_286 : memref<204800x16xf32, #tpu.memory_space<hbm>>) target(%dma_start3A_280 : memref<104x16xf32, #tpu.memory_space<vmem>>) offsets(%dma_start3A_283 : memref<104xi32, #tpu.memory_space<vmem>>) semaphore(%arg40 : memref<!tpu.dma_semaphore, #tpu.memory_space<semaphore_mem>>)
    %dma_start3A_287 = arith.constant 13 : i32
    %dma_start3A_288 = arith.constant 1352 : i32
    %dma_start3A_289 = arith.constant 0 : i32
    %dma_start3A_290 = tpu.memref_slice %arg36[%dma_start3A_288, %dma_start3A_289] : memref<1664x16xf32, #tpu.memory_space<vmem>> -> memref<104x16xf32, #tpu.memory_space<vmem>>
    %dma_start3A_291 = arith.constant 0 : i32
    %dma_start3A_292 = tpu.memref_slice %arg31[%dma_start3A_287, %dma_start3A_291] : memref<16x112xi32, #tpu.memory_space<vmem>> -> memref<1x104xi32, #tpu.memory_space<vmem>>
    %dma_start3A_293 = tpu.memref_squeeze %dma_start3A_292 : memref<1x104xi32, #tpu.memory_space<vmem>> -> memref<104xi32, #tpu.memory_space<vmem>>
    %dma_start3A_294 = arith.constant 0 : i32
    %dma_start3A_295 = arith.constant 0 : i32
    %dma_start3A_296 = tpu.memref_slice %arg8[%dma_start3A_294, %dma_start3A_295] : memref<204800x16xf32, #tpu.memory_space<hbm>> -> memref<204800x16xf32, #tpu.memory_space<hbm>>
    tpu.enqueue_indirect_dma source(%dma_start3A_296 : memref<204800x16xf32, #tpu.memory_space<hbm>>) target(%dma_start3A_290 : memref<104x16xf32, #tpu.memory_space<vmem>>) offsets(%dma_start3A_293 : memref<104xi32, #tpu.memory_space<vmem>>) semaphore(%arg40 : memref<!tpu.dma_semaphore, #tpu.memory_space<semaphore_mem>>)
    %dma_start3A_297 = arith.constant 14 : i32
    %dma_start3A_298 = arith.constant 1456 : i32
    %dma_start3A_299 = arith.constant 0 : i32
    %dma_start3A_300 = tpu.memref_slice %arg36[%dma_start3A_298, %dma_start3A_299] : memref<1664x16xf32, #tpu.memory_space<vmem>> -> memref<104x16xf32, #tpu.memory_space<vmem>>
    %dma_start3A_301 = arith.constant 0 : i32
    %dma_start3A_302 = tpu.memref_slice %arg31[%dma_start3A_297, %dma_start3A_301] : memref<16x112xi32, #tpu.memory_space<vmem>> -> memref<1x104xi32, #tpu.memory_space<vmem>>
    %dma_start3A_303 = tpu.memref_squeeze %dma_start3A_302 : memref<1x104xi32, #tpu.memory_space<vmem>> -> memref<104xi32, #tpu.memory_space<vmem>>
    %dma_start3A_304 = arith.constant 0 : i32
    %dma_start3A_305 = arith.constant 0 : i32
    %dma_start3A_306 = tpu.memref_slice %arg8[%dma_start3A_304, %dma_start3A_305] : memref<204800x16xf32, #tpu.memory_space<hbm>> -> memref<204800x16xf32, #tpu.memory_space<hbm>>
    tpu.enqueue_indirect_dma source(%dma_start3A_306 : memref<204800x16xf32, #tpu.memory_space<hbm>>) target(%dma_start3A_300 : memref<104x16xf32, #tpu.memory_space<vmem>>) offsets(%dma_start3A_303 : memref<104xi32, #tpu.memory_space<vmem>>) semaphore(%arg40 : memref<!tpu.dma_semaphore, #tpu.memory_space<semaphore_mem>>)
    %dma_start3A_307 = arith.constant 15 : i32
    %dma_start3A_308 = arith.constant 1560 : i32
    %dma_start3A_309 = arith.constant 0 : i32
    %dma_start3A_310 = tpu.memref_slice %arg36[%dma_start3A_308, %dma_start3A_309] : memref<1664x16xf32, #tpu.memory_space<vmem>> -> memref<104x16xf32, #tpu.memory_space<vmem>>
    %dma_start3A_311 = arith.constant 0 : i32
    %dma_start3A_312 = tpu.memref_slice %arg31[%dma_start3A_307, %dma_start3A_311] : memref<16x112xi32, #tpu.memory_space<vmem>> -> memref<1x104xi32, #tpu.memory_space<vmem>>
    %dma_start3A_313 = tpu.memref_squeeze %dma_start3A_312 : memref<1x104xi32, #tpu.memory_space<vmem>> -> memref<104xi32, #tpu.memory_space<vmem>>
    %dma_start3A_314 = arith.constant 0 : i32
    %dma_start3A_315 = arith.constant 0 : i32
    %dma_start3A_316 = tpu.memref_slice %arg8[%dma_start3A_314, %dma_start3A_315] : memref<204800x16xf32, #tpu.memory_space<hbm>> -> memref<204800x16xf32, #tpu.memory_space<hbm>>
    tpu.enqueue_indirect_dma source(%dma_start3A_316 : memref<204800x16xf32, #tpu.memory_space<hbm>>) target(%dma_start3A_310 : memref<104x16xf32, #tpu.memory_space<vmem>>) offsets(%dma_start3A_313 : memref<104xi32, #tpu.memory_space<vmem>>) semaphore(%arg40 : memref<!tpu.dma_semaphore, #tpu.memory_space<semaphore_mem>>)
    %dma_start3A_317 = arith.constant 0 : i32
    %dma_start3A_318 = arith.constant 0 : i32
    %dma_start3A_319 = tpu.memref_slice %arg31[%dma_start3A_317, %dma_start3A_318] : memref<16x112xi32, #tpu.memory_space<vmem>> -> memref<1x104xi32, #tpu.memory_space<vmem>>
    %dma_start3A_320 = tpu.memref_squeeze %dma_start3A_319 : memref<1x104xi32, #tpu.memory_space<vmem>> -> memref<104xi32, #tpu.memory_space<vmem>>
    %dma_start3A_321 = arith.constant 0 : i32
    %dma_start3A_322 = arith.constant 0 : i32
    %dma_start3A_323 = tpu.memref_slice %arg7[%dma_start3A_321, %dma_start3A_322] : memref<204800x128xf32, #tpu.memory_space<hbm>> -> memref<204800x128xf32, #tpu.memory_space<hbm>>
    tpu.enqueue_indirect_dma source(%dma_start3A_323 : memref<204800x128xf32, #tpu.memory_space<hbm>>) target(%arg34 : memref<104x128xf32, #tpu.memory_space<vmem>>) offsets(%dma_start3A_320 : memref<104xi32, #tpu.memory_space<vmem>>) semaphore(%arg41 : memref<!tpu.dma_semaphore, #tpu.memory_space<semaphore_mem>>)
    %dma_start3A_324 = arith.constant 1 : i32
    %dma_start3A_325 = arith.constant 0 : i32
    %dma_start3A_326 = tpu.memref_slice %arg31[%dma_start3A_324, %dma_start3A_325] : memref<16x112xi32, #tpu.memory_space<vmem>> -> memref<1x104xi32, #tpu.memory_space<vmem>>
    %dma_start3A_327 = tpu.memref_squeeze %dma_start3A_326 : memref<1x104xi32, #tpu.memory_space<vmem>> -> memref<104xi32, #tpu.memory_space<vmem>>
    %dma_start3A_328 = arith.constant 0 : i32
    %dma_start3A_329 = arith.constant 0 : i32
    %dma_start3A_330 = tpu.memref_slice %arg7[%dma_start3A_328, %dma_start3A_329] : memref<204800x128xf32, #tpu.memory_space<hbm>> -> memref<204800x128xf32, #tpu.memory_space<hbm>>
    tpu.enqueue_indirect_dma source(%dma_start3A_330 : memref<204800x128xf32, #tpu.memory_space<hbm>>) target(%arg35 : memref<104x128xf32, #tpu.memory_space<vmem>>) offsets(%dma_start3A_327 : memref<104xi32, #tpu.memory_space<vmem>>) semaphore(%arg42 : memref<!tpu.dma_semaphore, #tpu.memory_space<semaphore_mem>>)
    %dma_wait3A_331 = arith.constant 0 : i32
    %dma_wait3A_332 = arith.constant 0 : i32
    %dma_wait3A_333 = arith.constant 0 : i32
    %dma_wait3A_334 = tpu.memref_slice %arg32[%dma_wait3A_331, %dma_wait3A_332, %dma_wait3A_333] : memref<6x32x200xf32, #tpu.memory_space<vmem>> -> memref<1x32x200xf32, #tpu.memory_space<vmem>>
    %dma_wait3A_335 = tpu.memref_squeeze %dma_wait3A_334 : memref<1x32x200xf32, #tpu.memory_space<vmem>> -> memref<32x200xf32, #tpu.memory_space<vmem>>
    %dma_wait3A_336 = arith.constant 0 : i32
    %dma_wait3A_337 = arith.constant 0 : i32
    %dma_wait3A_338 = tpu.memref_slice %arg9[%dma_wait3A_336, %dma_wait3A_337] : memref<1024x200xf32, #tpu.memory_space<hbm>> -> memref<1024x200xf32, #tpu.memory_space<hbm>>
    tpu.wait_indirect_dma semaphore(%arg39 : memref<!tpu.dma_semaphore, #tpu.memory_space<semaphore_mem>>) src(%dma_wait3A_338 : memref<1024x200xf32, #tpu.memory_space<hbm>>) dst(%dma_wait3A_335 : memref<32x200xf32, #tpu.memory_space<vmem>>)
    %dma_wait3A_339 = arith.constant 1 : i32
    %dma_wait3A_340 = arith.constant 0 : i32
    %dma_wait3A_341 = arith.constant 0 : i32
    %dma_wait3A_342 = tpu.memref_slice %arg32[%dma_wait3A_339, %dma_wait3A_340, %dma_wait3A_341] : memref<6x32x200xf32, #tpu.memory_space<vmem>> -> memref<1x32x200xf32, #tpu.memory_space<vmem>>
    %dma_wait3A_343 = tpu.memref_squeeze %dma_wait3A_342 : memref<1x32x200xf32, #tpu.memory_space<vmem>> -> memref<32x200xf32, #tpu.memory_space<vmem>>
    %dma_wait3A_344 = arith.constant 0 : i32
    %dma_wait3A_345 = arith.constant 0 : i32
    %dma_wait3A_346 = tpu.memref_slice %arg10[%dma_wait3A_344, %dma_wait3A_345] : memref<1024x200xf32, #tpu.memory_space<hbm>> -> memref<1024x200xf32, #tpu.memory_space<hbm>>
    tpu.wait_indirect_dma semaphore(%arg39 : memref<!tpu.dma_semaphore, #tpu.memory_space<semaphore_mem>>) src(%dma_wait3A_346 : memref<1024x200xf32, #tpu.memory_space<hbm>>) dst(%dma_wait3A_343 : memref<32x200xf32, #tpu.memory_space<vmem>>)
    %dma_wait3A_347 = arith.constant 2 : i32
    %dma_wait3A_348 = arith.constant 0 : i32
    %dma_wait3A_349 = arith.constant 0 : i32
    %dma_wait3A_350 = tpu.memref_slice %arg32[%dma_wait3A_347, %dma_wait3A_348, %dma_wait3A_349] : memref<6x32x200xf32, #tpu.memory_space<vmem>> -> memref<1x32x200xf32, #tpu.memory_space<vmem>>
    %dma_wait3A_351 = tpu.memref_squeeze %dma_wait3A_350 : memref<1x32x200xf32, #tpu.memory_space<vmem>> -> memref<32x200xf32, #tpu.memory_space<vmem>>
    %dma_wait3A_352 = arith.constant 0 : i32
    %dma_wait3A_353 = arith.constant 0 : i32
    %dma_wait3A_354 = tpu.memref_slice %arg11[%dma_wait3A_352, %dma_wait3A_353] : memref<1024x200xf32, #tpu.memory_space<hbm>> -> memref<1024x200xf32, #tpu.memory_space<hbm>>
    tpu.wait_indirect_dma semaphore(%arg39 : memref<!tpu.dma_semaphore, #tpu.memory_space<semaphore_mem>>) src(%dma_wait3A_354 : memref<1024x200xf32, #tpu.memory_space<hbm>>) dst(%dma_wait3A_351 : memref<32x200xf32, #tpu.memory_space<vmem>>)
    %dma_wait3A_355 = arith.constant 3 : i32
    %dma_wait3A_356 = arith.constant 0 : i32
    %dma_wait3A_357 = arith.constant 0 : i32
    %dma_wait3A_358 = tpu.memref_slice %arg32[%dma_wait3A_355, %dma_wait3A_356, %dma_wait3A_357] : memref<6x32x200xf32, #tpu.memory_space<vmem>> -> memref<1x32x200xf32, #tpu.memory_space<vmem>>
    %dma_wait3A_359 = tpu.memref_squeeze %dma_wait3A_358 : memref<1x32x200xf32, #tpu.memory_space<vmem>> -> memref<32x200xf32, #tpu.memory_space<vmem>>
    %dma_wait3A_360 = arith.constant 0 : i32
    %dma_wait3A_361 = arith.constant 0 : i32
    %dma_wait3A_362 = tpu.memref_slice %arg12[%dma_wait3A_360, %dma_wait3A_361] : memref<1024x200xf32, #tpu.memory_space<hbm>> -> memref<1024x200xf32, #tpu.memory_space<hbm>>
    tpu.wait_indirect_dma semaphore(%arg39 : memref<!tpu.dma_semaphore, #tpu.memory_space<semaphore_mem>>) src(%dma_wait3A_362 : memref<1024x200xf32, #tpu.memory_space<hbm>>) dst(%dma_wait3A_359 : memref<32x200xf32, #tpu.memory_space<vmem>>)
    %dma_wait3A_363 = arith.constant 4 : i32
    %dma_wait3A_364 = arith.constant 0 : i32
    %dma_wait3A_365 = arith.constant 0 : i32
    %dma_wait3A_366 = tpu.memref_slice %arg32[%dma_wait3A_363, %dma_wait3A_364, %dma_wait3A_365] : memref<6x32x200xf32, #tpu.memory_space<vmem>> -> memref<1x32x200xf32, #tpu.memory_space<vmem>>
    %dma_wait3A_367 = tpu.memref_squeeze %dma_wait3A_366 : memref<1x32x200xf32, #tpu.memory_space<vmem>> -> memref<32x200xf32, #tpu.memory_space<vmem>>
    %dma_wait3A_368 = arith.constant 0 : i32
    %dma_wait3A_369 = arith.constant 0 : i32
    %dma_wait3A_370 = tpu.memref_slice %arg13[%dma_wait3A_368, %dma_wait3A_369] : memref<1024x200xf32, #tpu.memory_space<hbm>> -> memref<1024x200xf32, #tpu.memory_space<hbm>>
    tpu.wait_indirect_dma semaphore(%arg39 : memref<!tpu.dma_semaphore, #tpu.memory_space<semaphore_mem>>) src(%dma_wait3A_370 : memref<1024x200xf32, #tpu.memory_space<hbm>>) dst(%dma_wait3A_367 : memref<32x200xf32, #tpu.memory_space<vmem>>)
    %dma_wait3A_371 = arith.constant 5 : i32
    %dma_wait3A_372 = arith.constant 0 : i32
    %dma_wait3A_373 = arith.constant 0 : i32
    %dma_wait3A_374 = tpu.memref_slice %arg32[%dma_wait3A_371, %dma_wait3A_372, %dma_wait3A_373] : memref<6x32x200xf32, #tpu.memory_space<vmem>> -> memref<1x32x200xf32, #tpu.memory_space<vmem>>
    %dma_wait3A_375 = tpu.memref_squeeze %dma_wait3A_374 : memref<1x32x200xf32, #tpu.memory_space<vmem>> -> memref<32x200xf32, #tpu.memory_space<vmem>>
    %dma_wait3A_376 = arith.constant 0 : i32
    %dma_wait3A_377 = arith.constant 0 : i32
    %dma_wait3A_378 = tpu.memref_slice %arg14[%dma_wait3A_376, %dma_wait3A_377] : memref<1024x200xf32, #tpu.memory_space<hbm>> -> memref<1024x200xf32, #tpu.memory_space<hbm>>
    tpu.wait_indirect_dma semaphore(%arg39 : memref<!tpu.dma_semaphore, #tpu.memory_space<semaphore_mem>>) src(%dma_wait3A_378 : memref<1024x200xf32, #tpu.memory_space<hbm>>) dst(%dma_wait3A_375 : memref<32x200xf32, #tpu.memory_space<vmem>>)
    %scan3A_379 = arith.constant 0 : i32
    %scan3A_380 = arith.constant 0 : i32
    %scan3A_381 = arith.constant 50 : i32
    %scan3A_382 = arith.addi %scan3A_380, %scan3A_381 : i32
    %scan3A_383 = arith.constant 1 : i32
    %scan3A_384 = scf.for %scan3A_870 = %scan3A_380 to %scan3A_382 step %scan3A_383 iter_args(%scan3A_871 = %scan3A_379) -> (i32)  : i32 {
      %broadcast_in_dim3A_872 = vector.broadcast %scan3A_870 : i32 to vector<16xi32>
      %add3A_873 = arith.constant 0 : i32
      %add3A_874 = vector.broadcast %add3A_873 : i32 to vector<16xi32>
      %add3A_875 = arith.addi %iota3A, %add3A_874 : vector<16xi32>
      %add3A_876 = arith.addi %min3A_123, %broadcast_in_dim3A_872 : vector<16xi32>
      %add3A_877 = arith.addi %add3A_876, %get3A_5 : vector<16xi32>
      %broadcast_in_dim3A_878 = arith.constant 0 : i32
      %broadcast_in_dim3A_879 = vector.broadcast %broadcast_in_dim3A_878 : i32 to vector<16xi32>
      %broadcast_in_dim3A_880 = arith.constant 199 : i32
      %broadcast_in_dim3A_881 = vector.broadcast %broadcast_in_dim3A_880 : i32 to vector<16xi32>
      %max3A = arith.maxsi %broadcast_in_dim3A_879, %add3A_877 : vector<16xi32>
      %min3A_882 = arith.minsi %broadcast_in_dim3A_881, %max3A : vector<16xi32>
      %broadcast_in_dim3A_883 = arith.constant 0 : i32
      %broadcast_in_dim3A_884 = vector.broadcast %broadcast_in_dim3A_883 : i32 to vector<16xi32>
      %gather3A_885 = tpu.vector_load_idx %arg32[%broadcast_in_dim3A_884, %add3A_875, %min3A_882] : memref<6x32x200xf32, #tpu.memory_space<vmem>>[vector<16xi32>, vector<16xi32>, vector<16xi32>], vector<16xf32>,
      tpu.vector_store_idx %arg33[%add3A_875, %broadcast_in_dim3A_872], %gather3A_885 : memref<32x50xf32, #tpu.memory_space<vmem>>[vector<16xi32>, vector<16xi32>], vector<16xf32>,
      %add3A_886 = arith.constant 16 : i32
      %add3A_887 = vector.broadcast %add3A_886 : i32 to vector<16xi32>
      %add3A_888 = arith.addi %iota3A, %add3A_887 : vector<16xi32>
      %add3A_889 = arith.addi %min3A_147, %broadcast_in_dim3A_872 : vector<16xi32>
      %add3A_890 = arith.addi %add3A_889, %get3A_5 : vector<16xi32>
      %broadcast_in_dim3A_891 = arith.constant 0 : i32
      %broadcast_in_dim3A_892 = vector.broadcast %broadcast_in_dim3A_891 : i32 to vector<16xi32>
      %broadcast_in_dim3A_893 = arith.constant 199 : i32
      %broadcast_in_dim3A_894 = vector.broadcast %broadcast_in_dim3A_893 : i32 to vector<16xi32>
      %max3A_895 = arith.maxsi %broadcast_in_dim3A_892, %add3A_890 : vector<16xi32>
      %min3A_896 = arith.minsi %broadcast_in_dim3A_894, %max3A_895 : vector<16xi32>
      %broadcast_in_dim3A_897 = arith.constant 0 : i32
      %broadcast_in_dim3A_898 = vector.broadcast %broadcast_in_dim3A_897 : i32 to vector<16xi32>
      %gather3A_899 = tpu.vector_load_idx %arg32[%broadcast_in_dim3A_898, %add3A_888, %min3A_896] : memref<6x32x200xf32, #tpu.memory_space<vmem>>[vector<16xi32>, vector<16xi32>, vector<16xi32>], vector<16xf32>,
      tpu.vector_store_idx %arg33[%add3A_888, %broadcast_in_dim3A_872], %gather3A_899 : memref<32x50xf32, #tpu.memory_space<vmem>>[vector<16xi32>, vector<16xi32>], vector<16xf32>,
      %scan3A_900 = arith.constant 0 : i32
      scf.yield %scan3A_900 : i32
    }
    %scan3A_385 = arith.constant 50 : i32
    "tpu.region"() ({
      %run_scoped3A = tpu.sem_alloc : memref<!tpu.dma_semaphore, #tpu.memory_space<semaphore_mem>>
      %dma_start3A_870 = arith.constant 0 : i32
      %dma_start3A_871 = tpu.memref_slice %arg17[%mul3A_2, %dma_start3A_870] : memref<1024x50xf32, #tpu.memory_space<hbm>> -> memref<32x50xf32, #tpu.memory_space<hbm>>
      %dma_start3A_872 = arith.constant 0 : i32
      %dma_start3A_873 = tpu.memref_slice %arg17[%mul3A_2, %dma_start3A_872] : memref<1024x50xf32, #tpu.memory_space<hbm>> -> memref<32x50xf32, #tpu.memory_space<hbm>>
      tpu.enqueue_dma source(%arg33 : memref<32x50xf32, #tpu.memory_space<vmem>>) target(%dma_start3A_873 : memref<32x50xf32, #tpu.memory_space<hbm>>) target_semaphore(%run_scoped3A : memref<!tpu.dma_semaphore, #tpu.memory_space<semaphore_mem>>)
      %dma_wait3A_874 = arith.constant 0 : i32
      %dma_wait3A_875 = tpu.memref_slice %arg17[%mul3A_2, %dma_wait3A_874] : memref<1024x50xf32, #tpu.memory_space<hbm>> -> memref<32x50xf32, #tpu.memory_space<hbm>>
      %dma_wait3A_876 = arith.constant 0 : i32
      %dma_wait3A_877 = tpu.memref_slice %arg17[%mul3A_2, %dma_wait3A_876] : memref<1024x50xf32, #tpu.memory_space<hbm>> -> memref<32x50xf32, #tpu.memory_space<hbm>>
      tpu.wait_dma2 semaphore(%run_scoped3A : memref<!tpu.dma_semaphore, #tpu.memory_space<semaphore_mem>>) src(%arg33 : memref<32x50xf32, #tpu.memory_space<vmem>>) dst(%dma_wait3A_877 : memref<32x50xf32, #tpu.memory_space<hbm>>)
      tpu.yield
    }) : () -> ()
    %scan3A_386 = arith.constant 0 : i32
    %scan3A_387 = arith.constant 0 : i32
    %scan3A_388 = arith.constant 50 : i32
    %scan3A_389 = arith.addi %scan3A_387, %scan3A_388 : i32
    %scan3A_390 = arith.constant 1 : i32
    %scan3A_391 = scf.for %scan3A_870 = %scan3A_387 to %scan3A_389 step %scan3A_390 iter_args(%scan3A_871 = %scan3A_386) -> (i32)  : i32 {
      %broadcast_in_dim3A_872 = vector.broadcast %scan3A_870 : i32 to vector<16xi32>
      %add3A_873 = arith.constant 0 : i32
      %add3A_874 = vector.broadcast %add3A_873 : i32 to vector<16xi32>
      %add3A_875 = arith.addi %iota3A, %add3A_874 : vector<16xi32>
      %add3A_876 = arith.addi %min3A_123, %broadcast_in_dim3A_872 : vector<16xi32>
      %add3A_877 = arith.addi %add3A_876, %get3A_5 : vector<16xi32>
      %broadcast_in_dim3A_878 = arith.constant 0 : i32
      %broadcast_in_dim3A_879 = vector.broadcast %broadcast_in_dim3A_878 : i32 to vector<16xi32>
      %broadcast_in_dim3A_880 = arith.constant 199 : i32
      %broadcast_in_dim3A_881 = vector.broadcast %broadcast_in_dim3A_880 : i32 to vector<16xi32>
      %max3A = arith.maxsi %broadcast_in_dim3A_879, %add3A_877 : vector<16xi32>
      %min3A_882 = arith.minsi %broadcast_in_dim3A_881, %max3A : vector<16xi32>
      %broadcast_in_dim3A_883 = arith.constant 1 : i32
      %broadcast_in_dim3A_884 = vector.broadcast %broadcast_in_dim3A_883 : i32 to vector<16xi32>
      %gather3A_885 = tpu.vector_load_idx %arg32[%broadcast_in_dim3A_884, %add3A_875, %min3A_882] : memref<6x32x200xf32, #tpu.memory_space<vmem>>[vector<16xi32>, vector<16xi32>, vector<16xi32>], vector<16xf32>,
      tpu.vector_store_idx %arg33[%add3A_875, %broadcast_in_dim3A_872], %gather3A_885 : memref<32x50xf32, #tpu.memory_space<vmem>>[vector<16xi32>, vector<16xi32>], vector<16xf32>,
      %add3A_886 = arith.constant 16 : i32
      %add3A_887 = vector.broadcast %add3A_886 : i32 to vector<16xi32>
      %add3A_888 = arith.addi %iota3A, %add3A_887 : vector<16xi32>
      %add3A_889 = arith.addi %min3A_147, %broadcast_in_dim3A_872 : vector<16xi32>
      %add3A_890 = arith.addi %add3A_889, %get3A_5 : vector<16xi32>
      %broadcast_in_dim3A_891 = arith.constant 0 : i32
      %broadcast_in_dim3A_892 = vector.broadcast %broadcast_in_dim3A_891 : i32 to vector<16xi32>
      %broadcast_in_dim3A_893 = arith.constant 199 : i32
      %broadcast_in_dim3A_894 = vector.broadcast %broadcast_in_dim3A_893 : i32 to vector<16xi32>
      %max3A_895 = arith.maxsi %broadcast_in_dim3A_892, %add3A_890 : vector<16xi32>
      %min3A_896 = arith.minsi %broadcast_in_dim3A_894, %max3A_895 : vector<16xi32>
      %broadcast_in_dim3A_897 = arith.constant 1 : i32
      %broadcast_in_dim3A_898 = vector.broadcast %broadcast_in_dim3A_897 : i32 to vector<16xi32>
      %gather3A_899 = tpu.vector_load_idx %arg32[%broadcast_in_dim3A_898, %add3A_888, %min3A_896] : memref<6x32x200xf32, #tpu.memory_space<vmem>>[vector<16xi32>, vector<16xi32>, vector<16xi32>], vector<16xf32>,
      tpu.vector_store_idx %arg33[%add3A_888, %broadcast_in_dim3A_872], %gather3A_899 : memref<32x50xf32, #tpu.memory_space<vmem>>[vector<16xi32>, vector<16xi32>], vector<16xf32>,
      %scan3A_900 = arith.constant 0 : i32
      scf.yield %scan3A_900 : i32
    }
    %scan3A_392 = arith.constant 50 : i32
    "tpu.region"() ({
      %run_scoped3A = tpu.sem_alloc : memref<!tpu.dma_semaphore, #tpu.memory_space<semaphore_mem>>
      %dma_start3A_870 = arith.constant 0 : i32
      %dma_start3A_871 = tpu.memref_slice %arg18[%mul3A_2, %dma_start3A_870] : memref<1024x50xf32, #tpu.memory_space<hbm>> -> memref<32x50xf32, #tpu.memory_space<hbm>>
      %dma_start3A_872 = arith.constant 0 : i32
      %dma_start3A_873 = tpu.memref_slice %arg18[%mul3A_2, %dma_start3A_872] : memref<1024x50xf32, #tpu.memory_space<hbm>> -> memref<32x50xf32, #tpu.memory_space<hbm>>
      tpu.enqueue_dma source(%arg33 : memref<32x50xf32, #tpu.memory_space<vmem>>) target(%dma_start3A_873 : memref<32x50xf32, #tpu.memory_space<hbm>>) target_semaphore(%run_scoped3A : memref<!tpu.dma_semaphore, #tpu.memory_space<semaphore_mem>>)
      %dma_wait3A_874 = arith.constant 0 : i32
      %dma_wait3A_875 = tpu.memref_slice %arg18[%mul3A_2, %dma_wait3A_874] : memref<1024x50xf32, #tpu.memory_space<hbm>> -> memref<32x50xf32, #tpu.memory_space<hbm>>
      %dma_wait3A_876 = arith.constant 0 : i32
      %dma_wait3A_877 = tpu.memref_slice %arg18[%mul3A_2, %dma_wait3A_876] : memref<1024x50xf32, #tpu.memory_space<hbm>> -> memref<32x50xf32, #tpu.memory_space<hbm>>
      tpu.wait_dma2 semaphore(%run_scoped3A : memref<!tpu.dma_semaphore, #tpu.memory_space<semaphore_mem>>) src(%arg33 : memref<32x50xf32, #tpu.memory_space<vmem>>) dst(%dma_wait3A_877 : memref<32x50xf32, #tpu.memory_space<hbm>>)
      tpu.yield
    }) : () -> ()
    %scan3A_393 = arith.constant 0 : i32
    %scan3A_394 = arith.constant 0 : i32
    %scan3A_395 = arith.constant 50 : i32
    %scan3A_396 = arith.addi %scan3A_394, %scan3A_395 : i32
    %scan3A_397 = arith.constant 1 : i32
    %scan3A_398 = scf.for %scan3A_870 = %scan3A_394 to %scan3A_396 step %scan3A_397 iter_args(%scan3A_871 = %scan3A_393) -> (i32)  : i32 {
      %broadcast_in_dim3A_872 = vector.broadcast %scan3A_870 : i32 to vector<16xi32>
      %add3A_873 = arith.constant 0 : i32
      %add3A_874 = vector.broadcast %add3A_873 : i32 to vector<16xi32>
      %add3A_875 = arith.addi %iota3A, %add3A_874 : vector<16xi32>
      %add3A_876 = arith.addi %min3A_123, %broadcast_in_dim3A_872 : vector<16xi32>
      %add3A_877 = arith.addi %add3A_876, %get3A_5 : vector<16xi32>
      %broadcast_in_dim3A_878 = arith.constant 0 : i32
      %broadcast_in_dim3A_879 = vector.broadcast %broadcast_in_dim3A_878 : i32 to vector<16xi32>
      %broadcast_in_dim3A_880 = arith.constant 199 : i32
      %broadcast_in_dim3A_881 = vector.broadcast %broadcast_in_dim3A_880 : i32 to vector<16xi32>
      %max3A = arith.maxsi %broadcast_in_dim3A_879, %add3A_877 : vector<16xi32>
      %min3A_882 = arith.minsi %broadcast_in_dim3A_881, %max3A : vector<16xi32>
      %broadcast_in_dim3A_883 = arith.constant 2 : i32
      %broadcast_in_dim3A_884 = vector.broadcast %broadcast_in_dim3A_883 : i32 to vector<16xi32>
      %gather3A_885 = tpu.vector_load_idx %arg32[%broadcast_in_dim3A_884, %add3A_875, %min3A_882] : memref<6x32x200xf32, #tpu.memory_space<vmem>>[vector<16xi32>, vector<16xi32>, vector<16xi32>], vector<16xf32>,
      tpu.vector_store_idx %arg33[%add3A_875, %broadcast_in_dim3A_872], %gather3A_885 : memref<32x50xf32, #tpu.memory_space<vmem>>[vector<16xi32>, vector<16xi32>], vector<16xf32>,
      %add3A_886 = arith.constant 16 : i32
      %add3A_887 = vector.broadcast %add3A_886 : i32 to vector<16xi32>
      %add3A_888 = arith.addi %iota3A, %add3A_887 : vector<16xi32>
      %add3A_889 = arith.addi %min3A_147, %broadcast_in_dim3A_872 : vector<16xi32>
      %add3A_890 = arith.addi %add3A_889, %get3A_5 : vector<16xi32>
      %broadcast_in_dim3A_891 = arith.constant 0 : i32
      %broadcast_in_dim3A_892 = vector.broadcast %broadcast_in_dim3A_891 : i32 to vector<16xi32>
      %broadcast_in_dim3A_893 = arith.constant 199 : i32
      %broadcast_in_dim3A_894 = vector.broadcast %broadcast_in_dim3A_893 : i32 to vector<16xi32>
      %max3A_895 = arith.maxsi %broadcast_in_dim3A_892, %add3A_890 : vector<16xi32>
      %min3A_896 = arith.minsi %broadcast_in_dim3A_894, %max3A_895 : vector<16xi32>
      %broadcast_in_dim3A_897 = arith.constant 2 : i32
      %broadcast_in_dim3A_898 = vector.broadcast %broadcast_in_dim3A_897 : i32 to vector<16xi32>
      %gather3A_899 = tpu.vector_load_idx %arg32[%broadcast_in_dim3A_898, %add3A_888, %min3A_896] : memref<6x32x200xf32, #tpu.memory_space<vmem>>[vector<16xi32>, vector<16xi32>, vector<16xi32>], vector<16xf32>,
      tpu.vector_store_idx %arg33[%add3A_888, %broadcast_in_dim3A_872], %gather3A_899 : memref<32x50xf32, #tpu.memory_space<vmem>>[vector<16xi32>, vector<16xi32>], vector<16xf32>,
      %scan3A_900 = arith.constant 0 : i32
      scf.yield %scan3A_900 : i32
    }
    %scan3A_399 = arith.constant 50 : i32
    "tpu.region"() ({
      %run_scoped3A = tpu.sem_alloc : memref<!tpu.dma_semaphore, #tpu.memory_space<semaphore_mem>>
      %dma_start3A_870 = arith.constant 0 : i32
      %dma_start3A_871 = tpu.memref_slice %arg19[%mul3A_2, %dma_start3A_870] : memref<1024x50xf32, #tpu.memory_space<hbm>> -> memref<32x50xf32, #tpu.memory_space<hbm>>
      %dma_start3A_872 = arith.constant 0 : i32
      %dma_start3A_873 = tpu.memref_slice %arg19[%mul3A_2, %dma_start3A_872] : memref<1024x50xf32, #tpu.memory_space<hbm>> -> memref<32x50xf32, #tpu.memory_space<hbm>>
      tpu.enqueue_dma source(%arg33 : memref<32x50xf32, #tpu.memory_space<vmem>>) target(%dma_start3A_873 : memref<32x50xf32, #tpu.memory_space<hbm>>) target_semaphore(%run_scoped3A : memref<!tpu.dma_semaphore, #tpu.memory_space<semaphore_mem>>)
      %dma_wait3A_874 = arith.constant 0 : i32
      %dma_wait3A_875 = tpu.memref_slice %arg19[%mul3A_2, %dma_wait3A_874] : memref<1024x50xf32, #tpu.memory_space<hbm>> -> memref<32x50xf32, #tpu.memory_space<hbm>>
      %dma_wait3A_876 = arith.constant 0 : i32
      %dma_wait3A_877 = tpu.memref_slice %arg19[%mul3A_2, %dma_wait3A_876] : memref<1024x50xf32, #tpu.memory_space<hbm>> -> memref<32x50xf32, #tpu.memory_space<hbm>>
      tpu.wait_dma2 semaphore(%run_scoped3A : memref<!tpu.dma_semaphore, #tpu.memory_space<semaphore_mem>>) src(%arg33 : memref<32x50xf32, #tpu.memory_space<vmem>>) dst(%dma_wait3A_877 : memref<32x50xf32, #tpu.memory_space<hbm>>)
      tpu.yield
    }) : () -> ()
    %scan3A_400 = arith.constant 0 : i32
    %scan3A_401 = arith.constant 0 : i32
    %scan3A_402 = arith.constant 50 : i32
    %scan3A_403 = arith.addi %scan3A_401, %scan3A_402 : i32
    %scan3A_404 = arith.constant 1 : i32
    %scan3A_405 = scf.for %scan3A_870 = %scan3A_401 to %scan3A_403 step %scan3A_404 iter_args(%scan3A_871 = %scan3A_400) -> (i32)  : i32 {
      %broadcast_in_dim3A_872 = vector.broadcast %scan3A_870 : i32 to vector<16xi32>
      %add3A_873 = arith.constant 0 : i32
      %add3A_874 = vector.broadcast %add3A_873 : i32 to vector<16xi32>
      %add3A_875 = arith.addi %iota3A, %add3A_874 : vector<16xi32>
      %add3A_876 = arith.addi %min3A_123, %broadcast_in_dim3A_872 : vector<16xi32>
      %add3A_877 = arith.addi %add3A_876, %get3A_5 : vector<16xi32>
      %broadcast_in_dim3A_878 = arith.constant 0 : i32
      %broadcast_in_dim3A_879 = vector.broadcast %broadcast_in_dim3A_878 : i32 to vector<16xi32>
      %broadcast_in_dim3A_880 = arith.constant 199 : i32
      %broadcast_in_dim3A_881 = vector.broadcast %broadcast_in_dim3A_880 : i32 to vector<16xi32>
      %max3A = arith.maxsi %broadcast_in_dim3A_879, %add3A_877 : vector<16xi32>
      %min3A_882 = arith.minsi %broadcast_in_dim3A_881, %max3A : vector<16xi32>
      %broadcast_in_dim3A_883 = arith.constant 3 : i32
      %broadcast_in_dim3A_884 = vector.broadcast %broadcast_in_dim3A_883 : i32 to vector<16xi32>
      %gather3A_885 = tpu.vector_load_idx %arg32[%broadcast_in_dim3A_884, %add3A_875, %min3A_882] : memref<6x32x200xf32, #tpu.memory_space<vmem>>[vector<16xi32>, vector<16xi32>, vector<16xi32>], vector<16xf32>,
      tpu.vector_store_idx %arg33[%add3A_875, %broadcast_in_dim3A_872], %gather3A_885 : memref<32x50xf32, #tpu.memory_space<vmem>>[vector<16xi32>, vector<16xi32>], vector<16xf32>,
      %add3A_886 = arith.constant 16 : i32
      %add3A_887 = vector.broadcast %add3A_886 : i32 to vector<16xi32>
      %add3A_888 = arith.addi %iota3A, %add3A_887 : vector<16xi32>
      %add3A_889 = arith.addi %min3A_147, %broadcast_in_dim3A_872 : vector<16xi32>
      %add3A_890 = arith.addi %add3A_889, %get3A_5 : vector<16xi32>
      %broadcast_in_dim3A_891 = arith.constant 0 : i32
      %broadcast_in_dim3A_892 = vector.broadcast %broadcast_in_dim3A_891 : i32 to vector<16xi32>
      %broadcast_in_dim3A_893 = arith.constant 199 : i32
      %broadcast_in_dim3A_894 = vector.broadcast %broadcast_in_dim3A_893 : i32 to vector<16xi32>
      %max3A_895 = arith.maxsi %broadcast_in_dim3A_892, %add3A_890 : vector<16xi32>
      %min3A_896 = arith.minsi %broadcast_in_dim3A_894, %max3A_895 : vector<16xi32>
      %broadcast_in_dim3A_897 = arith.constant 3 : i32
      %broadcast_in_dim3A_898 = vector.broadcast %broadcast_in_dim3A_897 : i32 to vector<16xi32>
      %gather3A_899 = tpu.vector_load_idx %arg32[%broadcast_in_dim3A_898, %add3A_888, %min3A_896] : memref<6x32x200xf32, #tpu.memory_space<vmem>>[vector<16xi32>, vector<16xi32>, vector<16xi32>], vector<16xf32>,
      tpu.vector_store_idx %arg33[%add3A_888, %broadcast_in_dim3A_872], %gather3A_899 : memref<32x50xf32, #tpu.memory_space<vmem>>[vector<16xi32>, vector<16xi32>], vector<16xf32>,
      %scan3A_900 = arith.constant 0 : i32
      scf.yield %scan3A_900 : i32
    }
    %scan3A_406 = arith.constant 50 : i32
    "tpu.region"() ({
      %run_scoped3A = tpu.sem_alloc : memref<!tpu.dma_semaphore, #tpu.memory_space<semaphore_mem>>
      %dma_start3A_870 = arith.constant 0 : i32
      %dma_start3A_871 = tpu.memref_slice %arg20[%mul3A_2, %dma_start3A_870] : memref<1024x50xf32, #tpu.memory_space<hbm>> -> memref<32x50xf32, #tpu.memory_space<hbm>>
      %dma_start3A_872 = arith.constant 0 : i32
      %dma_start3A_873 = tpu.memref_slice %arg20[%mul3A_2, %dma_start3A_872] : memref<1024x50xf32, #tpu.memory_space<hbm>> -> memref<32x50xf32, #tpu.memory_space<hbm>>
      tpu.enqueue_dma source(%arg33 : memref<32x50xf32, #tpu.memory_space<vmem>>) target(%dma_start3A_873 : memref<32x50xf32, #tpu.memory_space<hbm>>) target_semaphore(%run_scoped3A : memref<!tpu.dma_semaphore, #tpu.memory_space<semaphore_mem>>)
      %dma_wait3A_874 = arith.constant 0 : i32
      %dma_wait3A_875 = tpu.memref_slice %arg20[%mul3A_2, %dma_wait3A_874] : memref<1024x50xf32, #tpu.memory_space<hbm>> -> memref<32x50xf32, #tpu.memory_space<hbm>>
      %dma_wait3A_876 = arith.constant 0 : i32
      %dma_wait3A_877 = tpu.memref_slice %arg20[%mul3A_2, %dma_wait3A_876] : memref<1024x50xf32, #tpu.memory_space<hbm>> -> memref<32x50xf32, #tpu.memory_space<hbm>>
      tpu.wait_dma2 semaphore(%run_scoped3A : memref<!tpu.dma_semaphore, #tpu.memory_space<semaphore_mem>>) src(%arg33 : memref<32x50xf32, #tpu.memory_space<vmem>>) dst(%dma_wait3A_877 : memref<32x50xf32, #tpu.memory_space<hbm>>)
      tpu.yield
    }) : () -> ()
    %scan3A_407 = arith.constant 0 : i32
    %scan3A_408 = arith.constant 0 : i32
    %scan3A_409 = arith.constant 50 : i32
    %scan3A_410 = arith.addi %scan3A_408, %scan3A_409 : i32
    %scan3A_411 = arith.constant 1 : i32
    %scan3A_412 = scf.for %scan3A_870 = %scan3A_408 to %scan3A_410 step %scan3A_411 iter_args(%scan3A_871 = %scan3A_407) -> (i32)  : i32 {
      %broadcast_in_dim3A_872 = vector.broadcast %scan3A_870 : i32 to vector<16xi32>
      %add3A_873 = arith.constant 0 : i32
      %add3A_874 = vector.broadcast %add3A_873 : i32 to vector<16xi32>
      %add3A_875 = arith.addi %iota3A, %add3A_874 : vector<16xi32>
      %add3A_876 = arith.addi %min3A_123, %broadcast_in_dim3A_872 : vector<16xi32>
      %add3A_877 = arith.addi %add3A_876, %get3A_5 : vector<16xi32>
      %broadcast_in_dim3A_878 = arith.constant 0 : i32
      %broadcast_in_dim3A_879 = vector.broadcast %broadcast_in_dim3A_878 : i32 to vector<16xi32>
      %broadcast_in_dim3A_880 = arith.constant 199 : i32
      %broadcast_in_dim3A_881 = vector.broadcast %broadcast_in_dim3A_880 : i32 to vector<16xi32>
      %max3A = arith.maxsi %broadcast_in_dim3A_879, %add3A_877 : vector<16xi32>
      %min3A_882 = arith.minsi %broadcast_in_dim3A_881, %max3A : vector<16xi32>
      %broadcast_in_dim3A_883 = arith.constant 4 : i32
      %broadcast_in_dim3A_884 = vector.broadcast %broadcast_in_dim3A_883 : i32 to vector<16xi32>
      %gather3A_885 = tpu.vector_load_idx %arg32[%broadcast_in_dim3A_884, %add3A_875, %min3A_882] : memref<6x32x200xf32, #tpu.memory_space<vmem>>[vector<16xi32>, vector<16xi32>, vector<16xi32>], vector<16xf32>,
      tpu.vector_store_idx %arg33[%add3A_875, %broadcast_in_dim3A_872], %gather3A_885 : memref<32x50xf32, #tpu.memory_space<vmem>>[vector<16xi32>, vector<16xi32>], vector<16xf32>,
      %add3A_886 = arith.constant 16 : i32
      %add3A_887 = vector.broadcast %add3A_886 : i32 to vector<16xi32>
      %add3A_888 = arith.addi %iota3A, %add3A_887 : vector<16xi32>
      %add3A_889 = arith.addi %min3A_147, %broadcast_in_dim3A_872 : vector<16xi32>
      %add3A_890 = arith.addi %add3A_889, %get3A_5 : vector<16xi32>
      %broadcast_in_dim3A_891 = arith.constant 0 : i32
      %broadcast_in_dim3A_892 = vector.broadcast %broadcast_in_dim3A_891 : i32 to vector<16xi32>
      %broadcast_in_dim3A_893 = arith.constant 199 : i32
      %broadcast_in_dim3A_894 = vector.broadcast %broadcast_in_dim3A_893 : i32 to vector<16xi32>
      %max3A_895 = arith.maxsi %broadcast_in_dim3A_892, %add3A_890 : vector<16xi32>
      %min3A_896 = arith.minsi %broadcast_in_dim3A_894, %max3A_895 : vector<16xi32>
      %broadcast_in_dim3A_897 = arith.constant 4 : i32
      %broadcast_in_dim3A_898 = vector.broadcast %broadcast_in_dim3A_897 : i32 to vector<16xi32>
      %gather3A_899 = tpu.vector_load_idx %arg32[%broadcast_in_dim3A_898, %add3A_888, %min3A_896] : memref<6x32x200xf32, #tpu.memory_space<vmem>>[vector<16xi32>, vector<16xi32>, vector<16xi32>], vector<16xf32>,
      tpu.vector_store_idx %arg33[%add3A_888, %broadcast_in_dim3A_872], %gather3A_899 : memref<32x50xf32, #tpu.memory_space<vmem>>[vector<16xi32>, vector<16xi32>], vector<16xf32>,
      %scan3A_900 = arith.constant 0 : i32
      scf.yield %scan3A_900 : i32
    }
    %scan3A_413 = arith.constant 50 : i32
    "tpu.region"() ({
      %run_scoped3A = tpu.sem_alloc : memref<!tpu.dma_semaphore, #tpu.memory_space<semaphore_mem>>
      %dma_start3A_870 = arith.constant 0 : i32
      %dma_start3A_871 = tpu.memref_slice %arg21[%mul3A_2, %dma_start3A_870] : memref<1024x50xf32, #tpu.memory_space<hbm>> -> memref<32x50xf32, #tpu.memory_space<hbm>>
      %dma_start3A_872 = arith.constant 0 : i32
      %dma_start3A_873 = tpu.memref_slice %arg21[%mul3A_2, %dma_start3A_872] : memref<1024x50xf32, #tpu.memory_space<hbm>> -> memref<32x50xf32, #tpu.memory_space<hbm>>
      tpu.enqueue_dma source(%arg33 : memref<32x50xf32, #tpu.memory_space<vmem>>) target(%dma_start3A_873 : memref<32x50xf32, #tpu.memory_space<hbm>>) target_semaphore(%run_scoped3A : memref<!tpu.dma_semaphore, #tpu.memory_space<semaphore_mem>>)
      %dma_wait3A_874 = arith.constant 0 : i32
      %dma_wait3A_875 = tpu.memref_slice %arg21[%mul3A_2, %dma_wait3A_874] : memref<1024x50xf32, #tpu.memory_space<hbm>> -> memref<32x50xf32, #tpu.memory_space<hbm>>
      %dma_wait3A_876 = arith.constant 0 : i32
      %dma_wait3A_877 = tpu.memref_slice %arg21[%mul3A_2, %dma_wait3A_876] : memref<1024x50xf32, #tpu.memory_space<hbm>> -> memref<32x50xf32, #tpu.memory_space<hbm>>
      tpu.wait_dma2 semaphore(%run_scoped3A : memref<!tpu.dma_semaphore, #tpu.memory_space<semaphore_mem>>) src(%arg33 : memref<32x50xf32, #tpu.memory_space<vmem>>) dst(%dma_wait3A_877 : memref<32x50xf32, #tpu.memory_space<hbm>>)
      tpu.yield
    }) : () -> ()
    %scan3A_414 = arith.constant 0 : i32
    %scan3A_415 = arith.constant 0 : i32
    %scan3A_416 = arith.constant 50 : i32
    %scan3A_417 = arith.addi %scan3A_415, %scan3A_416 : i32
    %scan3A_418 = arith.constant 1 : i32
    %scan3A_419 = scf.for %scan3A_870 = %scan3A_415 to %scan3A_417 step %scan3A_418 iter_args(%scan3A_871 = %scan3A_414) -> (i32)  : i32 {
      %broadcast_in_dim3A_872 = vector.broadcast %scan3A_870 : i32 to vector<16xi32>
      %add3A_873 = arith.constant 0 : i32
      %add3A_874 = vector.broadcast %add3A_873 : i32 to vector<16xi32>
      %add3A_875 = arith.addi %iota3A, %add3A_874 : vector<16xi32>
      %add3A_876 = arith.addi %min3A_123, %broadcast_in_dim3A_872 : vector<16xi32>
      %add3A_877 = arith.addi %add3A_876, %get3A_5 : vector<16xi32>
      %broadcast_in_dim3A_878 = arith.constant 0 : i32
      %broadcast_in_dim3A_879 = vector.broadcast %broadcast_in_dim3A_878 : i32 to vector<16xi32>
      %broadcast_in_dim3A_880 = arith.constant 199 : i32
      %broadcast_in_dim3A_881 = vector.broadcast %broadcast_in_dim3A_880 : i32 to vector<16xi32>
      %max3A = arith.maxsi %broadcast_in_dim3A_879, %add3A_877 : vector<16xi32>
      %min3A_882 = arith.minsi %broadcast_in_dim3A_881, %max3A : vector<16xi32>
      %broadcast_in_dim3A_883 = arith.constant 5 : i32
      %broadcast_in_dim3A_884 = vector.broadcast %broadcast_in_dim3A_883 : i32 to vector<16xi32>
      %gather3A_885 = tpu.vector_load_idx %arg32[%broadcast_in_dim3A_884, %add3A_875, %min3A_882] : memref<6x32x200xf32, #tpu.memory_space<vmem>>[vector<16xi32>, vector<16xi32>, vector<16xi32>], vector<16xf32>,
      tpu.vector_store_idx %arg33[%add3A_875, %broadcast_in_dim3A_872], %gather3A_885 : memref<32x50xf32, #tpu.memory_space<vmem>>[vector<16xi32>, vector<16xi32>], vector<16xf32>,
      %add3A_886 = arith.constant 16 : i32
      %add3A_887 = vector.broadcast %add3A_886 : i32 to vector<16xi32>
      %add3A_888 = arith.addi %iota3A, %add3A_887 : vector<16xi32>
      %add3A_889 = arith.addi %min3A_147, %broadcast_in_dim3A_872 : vector<16xi32>
      %add3A_890 = arith.addi %add3A_889, %get3A_5 : vector<16xi32>
      %broadcast_in_dim3A_891 = arith.constant 0 : i32
      %broadcast_in_dim3A_892 = vector.broadcast %broadcast_in_dim3A_891 : i32 to vector<16xi32>
      %broadcast_in_dim3A_893 = arith.constant 199 : i32
      %broadcast_in_dim3A_894 = vector.broadcast %broadcast_in_dim3A_893 : i32 to vector<16xi32>
      %max3A_895 = arith.maxsi %broadcast_in_dim3A_892, %add3A_890 : vector<16xi32>
      %min3A_896 = arith.minsi %broadcast_in_dim3A_894, %max3A_895 : vector<16xi32>
      %broadcast_in_dim3A_897 = arith.constant 5 : i32
      %broadcast_in_dim3A_898 = vector.broadcast %broadcast_in_dim3A_897 : i32 to vector<16xi32>
      %gather3A_899 = tpu.vector_load_idx %arg32[%broadcast_in_dim3A_898, %add3A_888, %min3A_896] : memref<6x32x200xf32, #tpu.memory_space<vmem>>[vector<16xi32>, vector<16xi32>, vector<16xi32>], vector<16xf32>,
      tpu.vector_store_idx %arg33[%add3A_888, %broadcast_in_dim3A_872], %gather3A_899 : memref<32x50xf32, #tpu.memory_space<vmem>>[vector<16xi32>, vector<16xi32>], vector<16xf32>,
      %scan3A_900 = arith.constant 0 : i32
      scf.yield %scan3A_900 : i32
    }
    %scan3A_420 = arith.constant 50 : i32
    "tpu.region"() ({
      %run_scoped3A = tpu.sem_alloc : memref<!tpu.dma_semaphore, #tpu.memory_space<semaphore_mem>>
      %dma_start3A_870 = arith.constant 0 : i32
      %dma_start3A_871 = tpu.memref_slice %arg22[%mul3A_2, %dma_start3A_870] : memref<1024x50xf32, #tpu.memory_space<hbm>> -> memref<32x50xf32, #tpu.memory_space<hbm>>
      %dma_start3A_872 = arith.constant 0 : i32
      %dma_start3A_873 = tpu.memref_slice %arg22[%mul3A_2, %dma_start3A_872] : memref<1024x50xf32, #tpu.memory_space<hbm>> -> memref<32x50xf32, #tpu.memory_space<hbm>>
      tpu.enqueue_dma source(%arg33 : memref<32x50xf32, #tpu.memory_space<vmem>>) target(%dma_start3A_873 : memref<32x50xf32, #tpu.memory_space<hbm>>) target_semaphore(%run_scoped3A : memref<!tpu.dma_semaphore, #tpu.memory_space<semaphore_mem>>)
      %dma_wait3A_874 = arith.constant 0 : i32
      %dma_wait3A_875 = tpu.memref_slice %arg22[%mul3A_2, %dma_wait3A_874] : memref<1024x50xf32, #tpu.memory_space<hbm>> -> memref<32x50xf32, #tpu.memory_space<hbm>>
      %dma_wait3A_876 = arith.constant 0 : i32
      %dma_wait3A_877 = tpu.memref_slice %arg22[%mul3A_2, %dma_wait3A_876] : memref<1024x50xf32, #tpu.memory_space<hbm>> -> memref<32x50xf32, #tpu.memory_space<hbm>>
      tpu.wait_dma2 semaphore(%run_scoped3A : memref<!tpu.dma_semaphore, #tpu.memory_space<semaphore_mem>>) src(%arg33 : memref<32x50xf32, #tpu.memory_space<vmem>>) dst(%dma_wait3A_877 : memref<32x50xf32, #tpu.memory_space<hbm>>)
      tpu.yield
    }) : () -> ()
    %dma_wait3A_421 = arith.constant 0 : i32
    %dma_wait3A_422 = arith.constant 0 : i32
    %dma_wait3A_423 = tpu.memref_slice %arg31[%dma_wait3A_421, %dma_wait3A_422] : memref<16x112xi32, #tpu.memory_space<vmem>> -> memref<1x104xi32, #tpu.memory_space<vmem>>
    %dma_wait3A_424 = tpu.memref_squeeze %dma_wait3A_423 : memref<1x104xi32, #tpu.memory_space<vmem>> -> memref<104xi32, #tpu.memory_space<vmem>>
    %dma_wait3A_425 = arith.constant 0 : i32
    %dma_wait3A_426 = arith.constant 0 : i32
    %dma_wait3A_427 = tpu.memref_slice %arg7[%dma_wait3A_425, %dma_wait3A_426] : memref<204800x128xf32, #tpu.memory_space<hbm>> -> memref<204800x128xf32, #tpu.memory_space<hbm>>
    tpu.wait_indirect_dma semaphore(%arg41 : memref<!tpu.dma_semaphore, #tpu.memory_space<semaphore_mem>>) src(%dma_wait3A_427 : memref<204800x128xf32, #tpu.memory_space<hbm>>) dst(%arg34 : memref<104x128xf32, #tpu.memory_space<vmem>>)
    %add3A_428 = arith.constant 0 : i32
    %add3A_429 = arith.addi %mul3A_2, %add3A_428 : i32
    "tpu.region"() ({
      %run_scoped3A = tpu.sem_alloc : memref<!tpu.dma_semaphore, #tpu.memory_space<semaphore_mem>>
      %dma_start3A_870 = arith.constant 0 : i32
      %dma_start3A_871 = arith.constant 0 : i32
      %dma_start3A_872 = tpu.memref_slice %arg34[%dma_start3A_870, %dma_start3A_871] : memref<104x128xf32, #tpu.memory_space<vmem>> -> memref<50x128xf32, #tpu.memory_space<vmem>>
      %dma_start3A_873 = arith.constant 0 : i32
      %dma_start3A_874 = arith.constant 0 : i32
      %dma_start3A_875 = tpu.memref_slice %arg15[%dma_start3A_873, %add3A_429, %dma_start3A_874] : memref<50x1024x128xf32, #tpu.memory_space<hbm>> -> memref<50x1x128xf32, #tpu.memory_space<hbm>>
      %dma_start3A_876 = tpu.memref_squeeze %dma_start3A_875 : memref<50x1x128xf32, #tpu.memory_space<hbm>> -> memref<50x128xf32, #tpu.memory_space<hbm>>
      %dma_start3A_877 = arith.constant 0 : i32
      %dma_start3A_878 = arith.constant 0 : i32
      %dma_start3A_879 = tpu.memref_slice %arg15[%dma_start3A_877, %add3A_429, %dma_start3A_878] : memref<50x1024x128xf32, #tpu.memory_space<hbm>> -> memref<50x1x128xf32, #tpu.memory_space<hbm>>
      %dma_start3A_880 = tpu.memref_squeeze %dma_start3A_879 : memref<50x1x128xf32, #tpu.memory_space<hbm>> -> memref<50x128xf32, #tpu.memory_space<hbm>>
      %dma_start3A_881 = arith.constant 0 : i32
      %dma_start3A_882 = arith.constant 0 : i32
      %dma_start3A_883 = tpu.memref_slice %arg34[%dma_start3A_881, %dma_start3A_882] : memref<104x128xf32, #tpu.memory_space<vmem>> -> memref<50x128xf32, #tpu.memory_space<vmem>>
      tpu.enqueue_dma source(%dma_start3A_883 : memref<50x128xf32, #tpu.memory_space<vmem>>) target(%dma_start3A_880 : memref<50x128xf32, #tpu.memory_space<hbm>>) target_semaphore(%run_scoped3A : memref<!tpu.dma_semaphore, #tpu.memory_space<semaphore_mem>>)
      %dma_wait3A_884 = arith.constant 0 : i32
      %dma_wait3A_885 = arith.constant 0 : i32
      %dma_wait3A_886 = tpu.memref_slice %arg34[%dma_wait3A_884, %dma_wait3A_885] : memref<104x128xf32, #tpu.memory_space<vmem>> -> memref<50x128xf32, #tpu.memory_space<vmem>>
      %dma_wait3A_887 = arith.constant 0 : i32
      %dma_wait3A_888 = arith.constant 0 : i32
      %dma_wait3A_889 = tpu.memref_slice %arg15[%dma_wait3A_887, %add3A_429, %dma_wait3A_888] : memref<50x1024x128xf32, #tpu.memory_space<hbm>> -> memref<50x1x128xf32, #tpu.memory_space<hbm>>
      %dma_wait3A_890 = tpu.memref_squeeze %dma_wait3A_889 : memref<50x1x128xf32, #tpu.memory_space<hbm>> -> memref<50x128xf32, #tpu.memory_space<hbm>>
      %dma_wait3A_891 = arith.constant 0 : i32
      %dma_wait3A_892 = arith.constant 0 : i32
      %dma_wait3A_893 = tpu.memref_slice %arg15[%dma_wait3A_891, %add3A_429, %dma_wait3A_892] : memref<50x1024x128xf32, #tpu.memory_space<hbm>> -> memref<50x1x128xf32, #tpu.memory_space<hbm>>
      %dma_wait3A_894 = tpu.memref_squeeze %dma_wait3A_893 : memref<50x1x128xf32, #tpu.memory_space<hbm>> -> memref<50x128xf32, #tpu.memory_space<hbm>>
      %dma_wait3A_895 = arith.constant 0 : i32
      %dma_wait3A_896 = arith.constant 0 : i32
      %dma_wait3A_897 = tpu.memref_slice %arg34[%dma_wait3A_895, %dma_wait3A_896] : memref<104x128xf32, #tpu.memory_space<vmem>> -> memref<50x128xf32, #tpu.memory_space<vmem>>
      tpu.wait_dma2 semaphore(%run_scoped3A : memref<!tpu.dma_semaphore, #tpu.memory_space<semaphore_mem>>) src(%dma_wait3A_897 : memref<50x128xf32, #tpu.memory_space<vmem>>) dst(%dma_wait3A_894 : memref<50x128xf32, #tpu.memory_space<hbm>>)
      tpu.yield
    }) : () -> ()
    %add3A_430 = arith.constant 1 : i32
    %add3A_431 = arith.addi %add3A_429, %add3A_430 : i32
    "tpu.region"() ({
      %run_scoped3A = tpu.sem_alloc : memref<!tpu.dma_semaphore, #tpu.memory_space<semaphore_mem>>
      %dma_start3A_870 = arith.constant 50 : i32
      %dma_start3A_871 = arith.constant 0 : i32
      %dma_start3A_872 = tpu.memref_slice %arg34[%dma_start3A_870, %dma_start3A_871] : memref<104x128xf32, #tpu.memory_space<vmem>> -> memref<50x128xf32, #tpu.memory_space<vmem>>
      %dma_start3A_873 = arith.constant 0 : i32
      %dma_start3A_874 = arith.constant 0 : i32
      %dma_start3A_875 = tpu.memref_slice %arg15[%dma_start3A_873, %add3A_431, %dma_start3A_874] : memref<50x1024x128xf32, #tpu.memory_space<hbm>> -> memref<50x1x128xf32, #tpu.memory_space<hbm>>
      %dma_start3A_876 = tpu.memref_squeeze %dma_start3A_875 : memref<50x1x128xf32, #tpu.memory_space<hbm>> -> memref<50x128xf32, #tpu.memory_space<hbm>>
      %dma_start3A_877 = arith.constant 0 : i32
      %dma_start3A_878 = arith.constant 0 : i32
      %dma_start3A_879 = tpu.memref_slice %arg15[%dma_start3A_877, %add3A_431, %dma_start3A_878] : memref<50x1024x128xf32, #tpu.memory_space<hbm>> -> memref<50x1x128xf32, #tpu.memory_space<hbm>>
      %dma_start3A_880 = tpu.memref_squeeze %dma_start3A_879 : memref<50x1x128xf32, #tpu.memory_space<hbm>> -> memref<50x128xf32, #tpu.memory_space<hbm>>
      %dma_start3A_881 = arith.constant 50 : i32
      %dma_start3A_882 = arith.constant 0 : i32
      %dma_start3A_883 = tpu.memref_slice %arg34[%dma_start3A_881, %dma_start3A_882] : memref<104x128xf32, #tpu.memory_space<vmem>> -> memref<50x128xf32, #tpu.memory_space<vmem>>
      tpu.enqueue_dma source(%dma_start3A_883 : memref<50x128xf32, #tpu.memory_space<vmem>>) target(%dma_start3A_880 : memref<50x128xf32, #tpu.memory_space<hbm>>) target_semaphore(%run_scoped3A : memref<!tpu.dma_semaphore, #tpu.memory_space<semaphore_mem>>)
      %dma_wait3A_884 = arith.constant 50 : i32
      %dma_wait3A_885 = arith.constant 0 : i32
      %dma_wait3A_886 = tpu.memref_slice %arg34[%dma_wait3A_884, %dma_wait3A_885] : memref<104x128xf32, #tpu.memory_space<vmem>> -> memref<50x128xf32, #tpu.memory_space<vmem>>
      %dma_wait3A_887 = arith.constant 0 : i32
      %dma_wait3A_888 = arith.constant 0 : i32
      %dma_wait3A_889 = tpu.memref_slice %arg15[%dma_wait3A_887, %add3A_431, %dma_wait3A_888] : memref<50x1024x128xf32, #tpu.memory_space<hbm>> -> memref<50x1x128xf32, #tpu.memory_space<hbm>>
      %dma_wait3A_890 = tpu.memref_squeeze %dma_wait3A_889 : memref<50x1x128xf32, #tpu.memory_space<hbm>> -> memref<50x128xf32, #tpu.memory_space<hbm>>
      %dma_wait3A_891 = arith.constant 0 : i32
      %dma_wait3A_892 = arith.constant 0 : i32
      %dma_wait3A_893 = tpu.memref_slice %arg15[%dma_wait3A_891, %add3A_431, %dma_wait3A_892] : memref<50x1024x128xf32, #tpu.memory_space<hbm>> -> memref<50x1x128xf32, #tpu.memory_space<hbm>>
      %dma_wait3A_894 = tpu.memref_squeeze %dma_wait3A_893 : memref<50x1x128xf32, #tpu.memory_space<hbm>> -> memref<50x128xf32, #tpu.memory_space<hbm>>
      %dma_wait3A_895 = arith.constant 50 : i32
      %dma_wait3A_896 = arith.constant 0 : i32
      %dma_wait3A_897 = tpu.memref_slice %arg34[%dma_wait3A_895, %dma_wait3A_896] : memref<104x128xf32, #tpu.memory_space<vmem>> -> memref<50x128xf32, #tpu.memory_space<vmem>>
      tpu.wait_dma2 semaphore(%run_scoped3A : memref<!tpu.dma_semaphore, #tpu.memory_space<semaphore_mem>>) src(%dma_wait3A_897 : memref<50x128xf32, #tpu.memory_space<vmem>>) dst(%dma_wait3A_894 : memref<50x128xf32, #tpu.memory_space<hbm>>)
      tpu.yield
    }) : () -> ()
    %dma_start3A_432 = arith.constant 2 : i32
    %dma_start3A_433 = arith.constant 0 : i32
    %dma_start3A_434 = tpu.memref_slice %arg31[%dma_start3A_432, %dma_start3A_433] : memref<16x112xi32, #tpu.memory_space<vmem>> -> memref<1x104xi32, #tpu.memory_space<vmem>>
    %dma_start3A_435 = tpu.memref_squeeze %dma_start3A_434 : memref<1x104xi32, #tpu.memory_space<vmem>> -> memref<104xi32, #tpu.memory_space<vmem>>
    %dma_start3A_436 = arith.constant 0 : i32
    %dma_start3A_437 = arith.constant 0 : i32
    %dma_start3A_438 = tpu.memref_slice %arg7[%dma_start3A_436, %dma_start3A_437] : memref<204800x128xf32, #tpu.memory_space<hbm>> -> memref<204800x128xf32, #tpu.memory_space<hbm>>
    tpu.enqueue_indirect_dma source(%dma_start3A_438 : memref<204800x128xf32, #tpu.memory_space<hbm>>) target(%arg34 : memref<104x128xf32, #tpu.memory_space<vmem>>) offsets(%dma_start3A_435 : memref<104xi32, #tpu.memory_space<vmem>>) semaphore(%arg41 : memref<!tpu.dma_semaphore, #tpu.memory_space<semaphore_mem>>)
    %dma_wait3A_439 = arith.constant 1 : i32
    %dma_wait3A_440 = arith.constant 0 : i32
    %dma_wait3A_441 = tpu.memref_slice %arg31[%dma_wait3A_439, %dma_wait3A_440] : memref<16x112xi32, #tpu.memory_space<vmem>> -> memref<1x104xi32, #tpu.memory_space<vmem>>
    %dma_wait3A_442 = tpu.memref_squeeze %dma_wait3A_441 : memref<1x104xi32, #tpu.memory_space<vmem>> -> memref<104xi32, #tpu.memory_space<vmem>>
    %dma_wait3A_443 = arith.constant 0 : i32
    %dma_wait3A_444 = arith.constant 0 : i32
    %dma_wait3A_445 = tpu.memref_slice %arg7[%dma_wait3A_443, %dma_wait3A_444] : memref<204800x128xf32, #tpu.memory_space<hbm>> -> memref<204800x128xf32, #tpu.memory_space<hbm>>
    tpu.wait_indirect_dma semaphore(%arg42 : memref<!tpu.dma_semaphore, #tpu.memory_space<semaphore_mem>>) src(%dma_wait3A_445 : memref<204800x128xf32, #tpu.memory_space<hbm>>) dst(%arg35 : memref<104x128xf32, #tpu.memory_space<vmem>>)
    %add3A_446 = arith.constant 2 : i32
    %add3A_447 = arith.addi %mul3A_2, %add3A_446 : i32
    "tpu.region"() ({
      %run_scoped3A = tpu.sem_alloc : memref<!tpu.dma_semaphore, #tpu.memory_space<semaphore_mem>>
      %dma_start3A_870 = arith.constant 0 : i32
      %dma_start3A_871 = arith.constant 0 : i32
      %dma_start3A_872 = tpu.memref_slice %arg35[%dma_start3A_870, %dma_start3A_871] : memref<104x128xf32, #tpu.memory_space<vmem>> -> memref<50x128xf32, #tpu.memory_space<vmem>>
      %dma_start3A_873 = arith.constant 0 : i32
      %dma_start3A_874 = arith.constant 0 : i32
      %dma_start3A_875 = tpu.memref_slice %arg15[%dma_start3A_873, %add3A_447, %dma_start3A_874] : memref<50x1024x128xf32, #tpu.memory_space<hbm>> -> memref<50x1x128xf32, #tpu.memory_space<hbm>>
      %dma_start3A_876 = tpu.memref_squeeze %dma_start3A_875 : memref<50x1x128xf32, #tpu.memory_space<hbm>> -> memref<50x128xf32, #tpu.memory_space<hbm>>
      %dma_start3A_877 = arith.constant 0 : i32
      %dma_start3A_878 = arith.constant 0 : i32
      %dma_start3A_879 = tpu.memref_slice %arg15[%dma_start3A_877, %add3A_447, %dma_start3A_878] : memref<50x1024x128xf32, #tpu.memory_space<hbm>> -> memref<50x1x128xf32, #tpu.memory_space<hbm>>
      %dma_start3A_880 = tpu.memref_squeeze %dma_start3A_879 : memref<50x1x128xf32, #tpu.memory_space<hbm>> -> memref<50x128xf32, #tpu.memory_space<hbm>>
      %dma_start3A_881 = arith.constant 0 : i32
      %dma_start3A_882 = arith.constant 0 : i32
      %dma_start3A_883 = tpu.memref_slice %arg35[%dma_start3A_881, %dma_start3A_882] : memref<104x128xf32, #tpu.memory_space<vmem>> -> memref<50x128xf32, #tpu.memory_space<vmem>>
      tpu.enqueue_dma source(%dma_start3A_883 : memref<50x128xf32, #tpu.memory_space<vmem>>) target(%dma_start3A_880 : memref<50x128xf32, #tpu.memory_space<hbm>>) target_semaphore(%run_scoped3A : memref<!tpu.dma_semaphore, #tpu.memory_space<semaphore_mem>>)
      %dma_wait3A_884 = arith.constant 0 : i32
      %dma_wait3A_885 = arith.constant 0 : i32
      %dma_wait3A_886 = tpu.memref_slice %arg35[%dma_wait3A_884, %dma_wait3A_885] : memref<104x128xf32, #tpu.memory_space<vmem>> -> memref<50x128xf32, #tpu.memory_space<vmem>>
      %dma_wait3A_887 = arith.constant 0 : i32
      %dma_wait3A_888 = arith.constant 0 : i32
      %dma_wait3A_889 = tpu.memref_slice %arg15[%dma_wait3A_887, %add3A_447, %dma_wait3A_888] : memref<50x1024x128xf32, #tpu.memory_space<hbm>> -> memref<50x1x128xf32, #tpu.memory_space<hbm>>
      %dma_wait3A_890 = tpu.memref_squeeze %dma_wait3A_889 : memref<50x1x128xf32, #tpu.memory_space<hbm>> -> memref<50x128xf32, #tpu.memory_space<hbm>>
      %dma_wait3A_891 = arith.constant 0 : i32
      %dma_wait3A_892 = arith.constant 0 : i32
      %dma_wait3A_893 = tpu.memref_slice %arg15[%dma_wait3A_891, %add3A_447, %dma_wait3A_892] : memref<50x1024x128xf32, #tpu.memory_space<hbm>> -> memref<50x1x128xf32, #tpu.memory_space<hbm>>
      %dma_wait3A_894 = tpu.memref_squeeze %dma_wait3A_893 : memref<50x1x128xf32, #tpu.memory_space<hbm>> -> memref<50x128xf32, #tpu.memory_space<hbm>>
      %dma_wait3A_895 = arith.constant 0 : i32
      %dma_wait3A_896 = arith.constant 0 : i32
      %dma_wait3A_897 = tpu.memref_slice %arg35[%dma_wait3A_895, %dma_wait3A_896] : memref<104x128xf32, #tpu.memory_space<vmem>> -> memref<50x128xf32, #tpu.memory_space<vmem>>
      tpu.wait_dma2 semaphore(%run_scoped3A : memref<!tpu.dma_semaphore, #tpu.memory_space<semaphore_mem>>) src(%dma_wait3A_897 : memref<50x128xf32, #tpu.memory_space<vmem>>) dst(%dma_wait3A_894 : memref<50x128xf32, #tpu.memory_space<hbm>>)
      tpu.yield
    }) : () -> ()
    %add3A_448 = arith.constant 1 : i32
    %add3A_449 = arith.addi %add3A_447, %add3A_448 : i32
    "tpu.region"() ({
      %run_scoped3A = tpu.sem_alloc : memref<!tpu.dma_semaphore, #tpu.memory_space<semaphore_mem>>
      %dma_start3A_870 = arith.constant 50 : i32
      %dma_start3A_871 = arith.constant 0 : i32
      %dma_start3A_872 = tpu.memref_slice %arg35[%dma_start3A_870, %dma_start3A_871] : memref<104x128xf32, #tpu.memory_space<vmem>> -> memref<50x128xf32, #tpu.memory_space<vmem>>
      %dma_start3A_873 = arith.constant 0 : i32
      %dma_start3A_874 = arith.constant 0 : i32
      %dma_start3A_875 = tpu.memref_slice %arg15[%dma_start3A_873, %add3A_449, %dma_start3A_874] : memref<50x1024x128xf32, #tpu.memory_space<hbm>> -> memref<50x1x128xf32, #tpu.memory_space<hbm>>
      %dma_start3A_876 = tpu.memref_squeeze %dma_start3A_875 : memref<50x1x128xf32, #tpu.memory_space<hbm>> -> memref<50x128xf32, #tpu.memory_space<hbm>>
      %dma_start3A_877 = arith.constant 0 : i32
      %dma_start3A_878 = arith.constant 0 : i32
      %dma_start3A_879 = tpu.memref_slice %arg15[%dma_start3A_877, %add3A_449, %dma_start3A_878] : memref<50x1024x128xf32, #tpu.memory_space<hbm>> -> memref<50x1x128xf32, #tpu.memory_space<hbm>>
      %dma_start3A_880 = tpu.memref_squeeze %dma_start3A_879 : memref<50x1x128xf32, #tpu.memory_space<hbm>> -> memref<50x128xf32, #tpu.memory_space<hbm>>
      %dma_start3A_881 = arith.constant 50 : i32
      %dma_start3A_882 = arith.constant 0 : i32
      %dma_start3A_883 = tpu.memref_slice %arg35[%dma_start3A_881, %dma_start3A_882] : memref<104x128xf32, #tpu.memory_space<vmem>> -> memref<50x128xf32, #tpu.memory_space<vmem>>
      tpu.enqueue_dma source(%dma_start3A_883 : memref<50x128xf32, #tpu.memory_space<vmem>>) target(%dma_start3A_880 : memref<50x128xf32, #tpu.memory_space<hbm>>) target_semaphore(%run_scoped3A : memref<!tpu.dma_semaphore, #tpu.memory_space<semaphore_mem>>)
      %dma_wait3A_884 = arith.constant 50 : i32
      %dma_wait3A_885 = arith.constant 0 : i32
      %dma_wait3A_886 = tpu.memref_slice %arg35[%dma_wait3A_884, %dma_wait3A_885] : memref<104x128xf32, #tpu.memory_space<vmem>> -> memref<50x128xf32, #tpu.memory_space<vmem>>
      %dma_wait3A_887 = arith.constant 0 : i32
      %dma_wait3A_888 = arith.constant 0 : i32
      %dma_wait3A_889 = tpu.memref_slice %arg15[%dma_wait3A_887, %add3A_449, %dma_wait3A_888] : memref<50x1024x128xf32, #tpu.memory_space<hbm>> -> memref<50x1x128xf32, #tpu.memory_space<hbm>>
      %dma_wait3A_890 = tpu.memref_squeeze %dma_wait3A_889 : memref<50x1x128xf32, #tpu.memory_space<hbm>> -> memref<50x128xf32, #tpu.memory_space<hbm>>
      %dma_wait3A_891 = arith.constant 0 : i32
      %dma_wait3A_892 = arith.constant 0 : i32
      %dma_wait3A_893 = tpu.memref_slice %arg15[%dma_wait3A_891, %add3A_449, %dma_wait3A_892] : memref<50x1024x128xf32, #tpu.memory_space<hbm>> -> memref<50x1x128xf32, #tpu.memory_space<hbm>>
      %dma_wait3A_894 = tpu.memref_squeeze %dma_wait3A_893 : memref<50x1x128xf32, #tpu.memory_space<hbm>> -> memref<50x128xf32, #tpu.memory_space<hbm>>
      %dma_wait3A_895 = arith.constant 50 : i32
      %dma_wait3A_896 = arith.constant 0 : i32
      %dma_wait3A_897 = tpu.memref_slice %arg35[%dma_wait3A_895, %dma_wait3A_896] : memref<104x128xf32, #tpu.memory_space<vmem>> -> memref<50x128xf32, #tpu.memory_space<vmem>>
      tpu.wait_dma2 semaphore(%run_scoped3A : memref<!tpu.dma_semaphore, #tpu.memory_space<semaphore_mem>>) src(%dma_wait3A_897 : memref<50x128xf32, #tpu.memory_space<vmem>>) dst(%dma_wait3A_894 : memref<50x128xf32, #tpu.memory_space<hbm>>)
      tpu.yield
    }) : () -> ()
    %dma_start3A_450 = arith.constant 3 : i32
    %dma_start3A_451 = arith.constant 0 : i32
    %dma_start3A_452 = tpu.memref_slice %arg31[%dma_start3A_450, %dma_start3A_451] : memref<16x112xi32, #tpu.memory_space<vmem>> -> memref<1x104xi32, #tpu.memory_space<vmem>>
    %dma_start3A_453 = tpu.memref_squeeze %dma_start3A_452 : memref<1x104xi32, #tpu.memory_space<vmem>> -> memref<104xi32, #tpu.memory_space<vmem>>
    %dma_start3A_454 = arith.constant 0 : i32
    %dma_start3A_455 = arith.constant 0 : i32
    %dma_start3A_456 = tpu.memref_slice %arg7[%dma_start3A_454, %dma_start3A_455] : memref<204800x128xf32, #tpu.memory_space<hbm>> -> memref<204800x128xf32, #tpu.memory_space<hbm>>
    tpu.enqueue_indirect_dma source(%dma_start3A_456 : memref<204800x128xf32, #tpu.memory_space<hbm>>) target(%arg35 : memref<104x128xf32, #tpu.memory_space<vmem>>) offsets(%dma_start3A_453 : memref<104xi32, #tpu.memory_space<vmem>>) semaphore(%arg42 : memref<!tpu.dma_semaphore, #tpu.memory_space<semaphore_mem>>)
    %dma_wait3A_457 = arith.constant 2 : i32
    %dma_wait3A_458 = arith.constant 0 : i32
    %dma_wait3A_459 = tpu.memref_slice %arg31[%dma_wait3A_457, %dma_wait3A_458] : memref<16x112xi32, #tpu.memory_space<vmem>> -> memref<1x104xi32, #tpu.memory_space<vmem>>
    %dma_wait3A_460 = tpu.memref_squeeze %dma_wait3A_459 : memref<1x104xi32, #tpu.memory_space<vmem>> -> memref<104xi32, #tpu.memory_space<vmem>>
    %dma_wait3A_461 = arith.constant 0 : i32
    %dma_wait3A_462 = arith.constant 0 : i32
    %dma_wait3A_463 = tpu.memref_slice %arg7[%dma_wait3A_461, %dma_wait3A_462] : memref<204800x128xf32, #tpu.memory_space<hbm>> -> memref<204800x128xf32, #tpu.memory_space<hbm>>
    tpu.wait_indirect_dma semaphore(%arg41 : memref<!tpu.dma_semaphore, #tpu.memory_space<semaphore_mem>>) src(%dma_wait3A_463 : memref<204800x128xf32, #tpu.memory_space<hbm>>) dst(%arg34 : memref<104x128xf32, #tpu.memory_space<vmem>>)
    %add3A_464 = arith.constant 4 : i32
    %add3A_465 = arith.addi %mul3A_2, %add3A_464 : i32
    "tpu.region"() ({
      %run_scoped3A = tpu.sem_alloc : memref<!tpu.dma_semaphore, #tpu.memory_space<semaphore_mem>>
      %dma_start3A_870 = arith.constant 0 : i32
      %dma_start3A_871 = arith.constant 0 : i32
      %dma_start3A_872 = tpu.memref_slice %arg34[%dma_start3A_870, %dma_start3A_871] : memref<104x128xf32, #tpu.memory_space<vmem>> -> memref<50x128xf32, #tpu.memory_space<vmem>>
      %dma_start3A_873 = arith.constant 0 : i32
      %dma_start3A_874 = arith.constant 0 : i32
      %dma_start3A_875 = tpu.memref_slice %arg15[%dma_start3A_873, %add3A_465, %dma_start3A_874] : memref<50x1024x128xf32, #tpu.memory_space<hbm>> -> memref<50x1x128xf32, #tpu.memory_space<hbm>>
      %dma_start3A_876 = tpu.memref_squeeze %dma_start3A_875 : memref<50x1x128xf32, #tpu.memory_space<hbm>> -> memref<50x128xf32, #tpu.memory_space<hbm>>
      %dma_start3A_877 = arith.constant 0 : i32
      %dma_start3A_878 = arith.constant 0 : i32
      %dma_start3A_879 = tpu.memref_slice %arg15[%dma_start3A_877, %add3A_465, %dma_start3A_878] : memref<50x1024x128xf32, #tpu.memory_space<hbm>> -> memref<50x1x128xf32, #tpu.memory_space<hbm>>
      %dma_start3A_880 = tpu.memref_squeeze %dma_start3A_879 : memref<50x1x128xf32, #tpu.memory_space<hbm>> -> memref<50x128xf32, #tpu.memory_space<hbm>>
      %dma_start3A_881 = arith.constant 0 : i32
      %dma_start3A_882 = arith.constant 0 : i32
      %dma_start3A_883 = tpu.memref_slice %arg34[%dma_start3A_881, %dma_start3A_882] : memref<104x128xf32, #tpu.memory_space<vmem>> -> memref<50x128xf32, #tpu.memory_space<vmem>>
      tpu.enqueue_dma source(%dma_start3A_883 : memref<50x128xf32, #tpu.memory_space<vmem>>) target(%dma_start3A_880 : memref<50x128xf32, #tpu.memory_space<hbm>>) target_semaphore(%run_scoped3A : memref<!tpu.dma_semaphore, #tpu.memory_space<semaphore_mem>>)
      %dma_wait3A_884 = arith.constant 0 : i32
      %dma_wait3A_885 = arith.constant 0 : i32
      %dma_wait3A_886 = tpu.memref_slice %arg34[%dma_wait3A_884, %dma_wait3A_885] : memref<104x128xf32, #tpu.memory_space<vmem>> -> memref<50x128xf32, #tpu.memory_space<vmem>>
      %dma_wait3A_887 = arith.constant 0 : i32
      %dma_wait3A_888 = arith.constant 0 : i32
      %dma_wait3A_889 = tpu.memref_slice %arg15[%dma_wait3A_887, %add3A_465, %dma_wait3A_888] : memref<50x1024x128xf32, #tpu.memory_space<hbm>> -> memref<50x1x128xf32, #tpu.memory_space<hbm>>
      %dma_wait3A_890 = tpu.memref_squeeze %dma_wait3A_889 : memref<50x1x128xf32, #tpu.memory_space<hbm>> -> memref<50x128xf32, #tpu.memory_space<hbm>>
      %dma_wait3A_891 = arith.constant 0 : i32
      %dma_wait3A_892 = arith.constant 0 : i32
      %dma_wait3A_893 = tpu.memref_slice %arg15[%dma_wait3A_891, %add3A_465, %dma_wait3A_892] : memref<50x1024x128xf32, #tpu.memory_space<hbm>> -> memref<50x1x128xf32, #tpu.memory_space<hbm>>
      %dma_wait3A_894 = tpu.memref_squeeze %dma_wait3A_893 : memref<50x1x128xf32, #tpu.memory_space<hbm>> -> memref<50x128xf32, #tpu.memory_space<hbm>>
      %dma_wait3A_895 = arith.constant 0 : i32
      %dma_wait3A_896 = arith.constant 0 : i32
      %dma_wait3A_897 = tpu.memref_slice %arg34[%dma_wait3A_895, %dma_wait3A_896] : memref<104x128xf32, #tpu.memory_space<vmem>> -> memref<50x128xf32, #tpu.memory_space<vmem>>
      tpu.wait_dma2 semaphore(%run_scoped3A : memref<!tpu.dma_semaphore, #tpu.memory_space<semaphore_mem>>) src(%dma_wait3A_897 : memref<50x128xf32, #tpu.memory_space<vmem>>) dst(%dma_wait3A_894 : memref<50x128xf32, #tpu.memory_space<hbm>>)
      tpu.yield
    }) : () -> ()
    %add3A_466 = arith.constant 1 : i32
    %add3A_467 = arith.addi %add3A_465, %add3A_466 : i32
    "tpu.region"() ({
      %run_scoped3A = tpu.sem_alloc : memref<!tpu.dma_semaphore, #tpu.memory_space<semaphore_mem>>
      %dma_start3A_870 = arith.constant 50 : i32
      %dma_start3A_871 = arith.constant 0 : i32
      %dma_start3A_872 = tpu.memref_slice %arg34[%dma_start3A_870, %dma_start3A_871] : memref<104x128xf32, #tpu.memory_space<vmem>> -> memref<50x128xf32, #tpu.memory_space<vmem>>
      %dma_start3A_873 = arith.constant 0 : i32
      %dma_start3A_874 = arith.constant 0 : i32
      %dma_start3A_875 = tpu.memref_slice %arg15[%dma_start3A_873, %add3A_467, %dma_start3A_874] : memref<50x1024x128xf32, #tpu.memory_space<hbm>> -> memref<50x1x128xf32, #tpu.memory_space<hbm>>
      %dma_start3A_876 = tpu.memref_squeeze %dma_start3A_875 : memref<50x1x128xf32, #tpu.memory_space<hbm>> -> memref<50x128xf32, #tpu.memory_space<hbm>>
      %dma_start3A_877 = arith.constant 0 : i32
      %dma_start3A_878 = arith.constant 0 : i32
      %dma_start3A_879 = tpu.memref_slice %arg15[%dma_start3A_877, %add3A_467, %dma_start3A_878] : memref<50x1024x128xf32, #tpu.memory_space<hbm>> -> memref<50x1x128xf32, #tpu.memory_space<hbm>>
      %dma_start3A_880 = tpu.memref_squeeze %dma_start3A_879 : memref<50x1x128xf32, #tpu.memory_space<hbm>> -> memref<50x128xf32, #tpu.memory_space<hbm>>
      %dma_start3A_881 = arith.constant 50 : i32
      %dma_start3A_882 = arith.constant 0 : i32
      %dma_start3A_883 = tpu.memref_slice %arg34[%dma_start3A_881, %dma_start3A_882] : memref<104x128xf32, #tpu.memory_space<vmem>> -> memref<50x128xf32, #tpu.memory_space<vmem>>
      tpu.enqueue_dma source(%dma_start3A_883 : memref<50x128xf32, #tpu.memory_space<vmem>>) target(%dma_start3A_880 : memref<50x128xf32, #tpu.memory_space<hbm>>) target_semaphore(%run_scoped3A : memref<!tpu.dma_semaphore, #tpu.memory_space<semaphore_mem>>)
      %dma_wait3A_884 = arith.constant 50 : i32
      %dma_wait3A_885 = arith.constant 0 : i32
      %dma_wait3A_886 = tpu.memref_slice %arg34[%dma_wait3A_884, %dma_wait3A_885] : memref<104x128xf32, #tpu.memory_space<vmem>> -> memref<50x128xf32, #tpu.memory_space<vmem>>
      %dma_wait3A_887 = arith.constant 0 : i32
      %dma_wait3A_888 = arith.constant 0 : i32
      %dma_wait3A_889 = tpu.memref_slice %arg15[%dma_wait3A_887, %add3A_467, %dma_wait3A_888] : memref<50x1024x128xf32, #tpu.memory_space<hbm>> -> memref<50x1x128xf32, #tpu.memory_space<hbm>>
      %dma_wait3A_890 = tpu.memref_squeeze %dma_wait3A_889 : memref<50x1x128xf32, #tpu.memory_space<hbm>> -> memref<50x128xf32, #tpu.memory_space<hbm>>
      %dma_wait3A_891 = arith.constant 0 : i32
      %dma_wait3A_892 = arith.constant 0 : i32
      %dma_wait3A_893 = tpu.memref_slice %arg15[%dma_wait3A_891, %add3A_467, %dma_wait3A_892] : memref<50x1024x128xf32, #tpu.memory_space<hbm>> -> memref<50x1x128xf32, #tpu.memory_space<hbm>>
      %dma_wait3A_894 = tpu.memref_squeeze %dma_wait3A_893 : memref<50x1x128xf32, #tpu.memory_space<hbm>> -> memref<50x128xf32, #tpu.memory_space<hbm>>
      %dma_wait3A_895 = arith.constant 50 : i32
      %dma_wait3A_896 = arith.constant 0 : i32
      %dma_wait3A_897 = tpu.memref_slice %arg34[%dma_wait3A_895, %dma_wait3A_896] : memref<104x128xf32, #tpu.memory_space<vmem>> -> memref<50x128xf32, #tpu.memory_space<vmem>>
      tpu.wait_dma2 semaphore(%run_scoped3A : memref<!tpu.dma_semaphore, #tpu.memory_space<semaphore_mem>>) src(%dma_wait3A_897 : memref<50x128xf32, #tpu.memory_space<vmem>>) dst(%dma_wait3A_894 : memref<50x128xf32, #tpu.memory_space<hbm>>)
      tpu.yield
    }) : () -> ()
    %dma_start3A_468 = arith.constant 4 : i32
    %dma_start3A_469 = arith.constant 0 : i32
    %dma_start3A_470 = tpu.memref_slice %arg31[%dma_start3A_468, %dma_start3A_469] : memref<16x112xi32, #tpu.memory_space<vmem>> -> memref<1x104xi32, #tpu.memory_space<vmem>>
    %dma_start3A_471 = tpu.memref_squeeze %dma_start3A_470 : memref<1x104xi32, #tpu.memory_space<vmem>> -> memref<104xi32, #tpu.memory_space<vmem>>
    %dma_start3A_472 = arith.constant 0 : i32
    %dma_start3A_473 = arith.constant 0 : i32
    %dma_start3A_474 = tpu.memref_slice %arg7[%dma_start3A_472, %dma_start3A_473] : memref<204800x128xf32, #tpu.memory_space<hbm>> -> memref<204800x128xf32, #tpu.memory_space<hbm>>
    tpu.enqueue_indirect_dma source(%dma_start3A_474 : memref<204800x128xf32, #tpu.memory_space<hbm>>) target(%arg34 : memref<104x128xf32, #tpu.memory_space<vmem>>) offsets(%dma_start3A_471 : memref<104xi32, #tpu.memory_space<vmem>>) semaphore(%arg41 : memref<!tpu.dma_semaphore, #tpu.memory_space<semaphore_mem>>)
    %dma_wait3A_475 = arith.constant 3 : i32
    %dma_wait3A_476 = arith.constant 0 : i32
    %dma_wait3A_477 = tpu.memref_slice %arg31[%dma_wait3A_475, %dma_wait3A_476] : memref<16x112xi32, #tpu.memory_space<vmem>> -> memref<1x104xi32, #tpu.memory_space<vmem>>
    %dma_wait3A_478 = tpu.memref_squeeze %dma_wait3A_477 : memref<1x104xi32, #tpu.memory_space<vmem>> -> memref<104xi32, #tpu.memory_space<vmem>>
    %dma_wait3A_479 = arith.constant 0 : i32
    %dma_wait3A_480 = arith.constant 0 : i32
    %dma_wait3A_481 = tpu.memref_slice %arg7[%dma_wait3A_479, %dma_wait3A_480] : memref<204800x128xf32, #tpu.memory_space<hbm>> -> memref<204800x128xf32, #tpu.memory_space<hbm>>
    tpu.wait_indirect_dma semaphore(%arg42 : memref<!tpu.dma_semaphore, #tpu.memory_space<semaphore_mem>>) src(%dma_wait3A_481 : memref<204800x128xf32, #tpu.memory_space<hbm>>) dst(%arg35 : memref<104x128xf32, #tpu.memory_space<vmem>>)
    %add3A_482 = arith.constant 6 : i32
    %add3A_483 = arith.addi %mul3A_2, %add3A_482 : i32
    "tpu.region"() ({
      %run_scoped3A = tpu.sem_alloc : memref<!tpu.dma_semaphore, #tpu.memory_space<semaphore_mem>>
      %dma_start3A_870 = arith.constant 0 : i32
      %dma_start3A_871 = arith.constant 0 : i32
      %dma_start3A_872 = tpu.memref_slice %arg35[%dma_start3A_870, %dma_start3A_871] : memref<104x128xf32, #tpu.memory_space<vmem>> -> memref<50x128xf32, #tpu.memory_space<vmem>>
      %dma_start3A_873 = arith.constant 0 : i32
      %dma_start3A_874 = arith.constant 0 : i32
      %dma_start3A_875 = tpu.memref_slice %arg15[%dma_start3A_873, %add3A_483, %dma_start3A_874] : memref<50x1024x128xf32, #tpu.memory_space<hbm>> -> memref<50x1x128xf32, #tpu.memory_space<hbm>>
      %dma_start3A_876 = tpu.memref_squeeze %dma_start3A_875 : memref<50x1x128xf32, #tpu.memory_space<hbm>> -> memref<50x128xf32, #tpu.memory_space<hbm>>
      %dma_start3A_877 = arith.constant 0 : i32
      %dma_start3A_878 = arith.constant 0 : i32
      %dma_start3A_879 = tpu.memref_slice %arg15[%dma_start3A_877, %add3A_483, %dma_start3A_878] : memref<50x1024x128xf32, #tpu.memory_space<hbm>> -> memref<50x1x128xf32, #tpu.memory_space<hbm>>
      %dma_start3A_880 = tpu.memref_squeeze %dma_start3A_879 : memref<50x1x128xf32, #tpu.memory_space<hbm>> -> memref<50x128xf32, #tpu.memory_space<hbm>>
      %dma_start3A_881 = arith.constant 0 : i32
      %dma_start3A_882 = arith.constant 0 : i32
      %dma_start3A_883 = tpu.memref_slice %arg35[%dma_start3A_881, %dma_start3A_882] : memref<104x128xf32, #tpu.memory_space<vmem>> -> memref<50x128xf32, #tpu.memory_space<vmem>>
      tpu.enqueue_dma source(%dma_start3A_883 : memref<50x128xf32, #tpu.memory_space<vmem>>) target(%dma_start3A_880 : memref<50x128xf32, #tpu.memory_space<hbm>>) target_semaphore(%run_scoped3A : memref<!tpu.dma_semaphore, #tpu.memory_space<semaphore_mem>>)
      %dma_wait3A_884 = arith.constant 0 : i32
      %dma_wait3A_885 = arith.constant 0 : i32
      %dma_wait3A_886 = tpu.memref_slice %arg35[%dma_wait3A_884, %dma_wait3A_885] : memref<104x128xf32, #tpu.memory_space<vmem>> -> memref<50x128xf32, #tpu.memory_space<vmem>>
      %dma_wait3A_887 = arith.constant 0 : i32
      %dma_wait3A_888 = arith.constant 0 : i32
      %dma_wait3A_889 = tpu.memref_slice %arg15[%dma_wait3A_887, %add3A_483, %dma_wait3A_888] : memref<50x1024x128xf32, #tpu.memory_space<hbm>> -> memref<50x1x128xf32, #tpu.memory_space<hbm>>
      %dma_wait3A_890 = tpu.memref_squeeze %dma_wait3A_889 : memref<50x1x128xf32, #tpu.memory_space<hbm>> -> memref<50x128xf32, #tpu.memory_space<hbm>>
      %dma_wait3A_891 = arith.constant 0 : i32
      %dma_wait3A_892 = arith.constant 0 : i32
      %dma_wait3A_893 = tpu.memref_slice %arg15[%dma_wait3A_891, %add3A_483, %dma_wait3A_892] : memref<50x1024x128xf32, #tpu.memory_space<hbm>> -> memref<50x1x128xf32, #tpu.memory_space<hbm>>
      %dma_wait3A_894 = tpu.memref_squeeze %dma_wait3A_893 : memref<50x1x128xf32, #tpu.memory_space<hbm>> -> memref<50x128xf32, #tpu.memory_space<hbm>>
      %dma_wait3A_895 = arith.constant 0 : i32
      %dma_wait3A_896 = arith.constant 0 : i32
      %dma_wait3A_897 = tpu.memref_slice %arg35[%dma_wait3A_895, %dma_wait3A_896] : memref<104x128xf32, #tpu.memory_space<vmem>> -> memref<50x128xf32, #tpu.memory_space<vmem>>
      tpu.wait_dma2 semaphore(%run_scoped3A : memref<!tpu.dma_semaphore, #tpu.memory_space<semaphore_mem>>) src(%dma_wait3A_897 : memref<50x128xf32, #tpu.memory_space<vmem>>) dst(%dma_wait3A_894 : memref<50x128xf32, #tpu.memory_space<hbm>>)
      tpu.yield
    }) : () -> ()
    %add3A_484 = arith.constant 1 : i32
    %add3A_485 = arith.addi %add3A_483, %add3A_484 : i32
    "tpu.region"() ({
      %run_scoped3A = tpu.sem_alloc : memref<!tpu.dma_semaphore, #tpu.memory_space<semaphore_mem>>
      %dma_start3A_870 = arith.constant 50 : i32
      %dma_start3A_871 = arith.constant 0 : i32
      %dma_start3A_872 = tpu.memref_slice %arg35[%dma_start3A_870, %dma_start3A_871] : memref<104x128xf32, #tpu.memory_space<vmem>> -> memref<50x128xf32, #tpu.memory_space<vmem>>
      %dma_start3A_873 = arith.constant 0 : i32
      %dma_start3A_874 = arith.constant 0 : i32
      %dma_start3A_875 = tpu.memref_slice %arg15[%dma_start3A_873, %add3A_485, %dma_start3A_874] : memref<50x1024x128xf32, #tpu.memory_space<hbm>> -> memref<50x1x128xf32, #tpu.memory_space<hbm>>
      %dma_start3A_876 = tpu.memref_squeeze %dma_start3A_875 : memref<50x1x128xf32, #tpu.memory_space<hbm>> -> memref<50x128xf32, #tpu.memory_space<hbm>>
      %dma_start3A_877 = arith.constant 0 : i32
      %dma_start3A_878 = arith.constant 0 : i32
      %dma_start3A_879 = tpu.memref_slice %arg15[%dma_start3A_877, %add3A_485, %dma_start3A_878] : memref<50x1024x128xf32, #tpu.memory_space<hbm>> -> memref<50x1x128xf32, #tpu.memory_space<hbm>>
      %dma_start3A_880 = tpu.memref_squeeze %dma_start3A_879 : memref<50x1x128xf32, #tpu.memory_space<hbm>> -> memref<50x128xf32, #tpu.memory_space<hbm>>
      %dma_start3A_881 = arith.constant 50 : i32
      %dma_start3A_882 = arith.constant 0 : i32
      %dma_start3A_883 = tpu.memref_slice %arg35[%dma_start3A_881, %dma_start3A_882] : memref<104x128xf32, #tpu.memory_space<vmem>> -> memref<50x128xf32, #tpu.memory_space<vmem>>
      tpu.enqueue_dma source(%dma_start3A_883 : memref<50x128xf32, #tpu.memory_space<vmem>>) target(%dma_start3A_880 : memref<50x128xf32, #tpu.memory_space<hbm>>) target_semaphore(%run_scoped3A : memref<!tpu.dma_semaphore, #tpu.memory_space<semaphore_mem>>)
      %dma_wait3A_884 = arith.constant 50 : i32
      %dma_wait3A_885 = arith.constant 0 : i32
      %dma_wait3A_886 = tpu.memref_slice %arg35[%dma_wait3A_884, %dma_wait3A_885] : memref<104x128xf32, #tpu.memory_space<vmem>> -> memref<50x128xf32, #tpu.memory_space<vmem>>
      %dma_wait3A_887 = arith.constant 0 : i32
      %dma_wait3A_888 = arith.constant 0 : i32
      %dma_wait3A_889 = tpu.memref_slice %arg15[%dma_wait3A_887, %add3A_485, %dma_wait3A_888] : memref<50x1024x128xf32, #tpu.memory_space<hbm>> -> memref<50x1x128xf32, #tpu.memory_space<hbm>>
      %dma_wait3A_890 = tpu.memref_squeeze %dma_wait3A_889 : memref<50x1x128xf32, #tpu.memory_space<hbm>> -> memref<50x128xf32, #tpu.memory_space<hbm>>
      %dma_wait3A_891 = arith.constant 0 : i32
      %dma_wait3A_892 = arith.constant 0 : i32
      %dma_wait3A_893 = tpu.memref_slice %arg15[%dma_wait3A_891, %add3A_485, %dma_wait3A_892] : memref<50x1024x128xf32, #tpu.memory_space<hbm>> -> memref<50x1x128xf32, #tpu.memory_space<hbm>>
      %dma_wait3A_894 = tpu.memref_squeeze %dma_wait3A_893 : memref<50x1x128xf32, #tpu.memory_space<hbm>> -> memref<50x128xf32, #tpu.memory_space<hbm>>
      %dma_wait3A_895 = arith.constant 50 : i32
      %dma_wait3A_896 = arith.constant 0 : i32
      %dma_wait3A_897 = tpu.memref_slice %arg35[%dma_wait3A_895, %dma_wait3A_896] : memref<104x128xf32, #tpu.memory_space<vmem>> -> memref<50x128xf32, #tpu.memory_space<vmem>>
      tpu.wait_dma2 semaphore(%run_scoped3A : memref<!tpu.dma_semaphore, #tpu.memory_space<semaphore_mem>>) src(%dma_wait3A_897 : memref<50x128xf32, #tpu.memory_space<vmem>>) dst(%dma_wait3A_894 : memref<50x128xf32, #tpu.memory_space<hbm>>)
      tpu.yield
    }) : () -> ()
    %dma_start3A_486 = arith.constant 5 : i32
    %dma_start3A_487 = arith.constant 0 : i32
    %dma_start3A_488 = tpu.memref_slice %arg31[%dma_start3A_486, %dma_start3A_487] : memref<16x112xi32, #tpu.memory_space<vmem>> -> memref<1x104xi32, #tpu.memory_space<vmem>>
    %dma_start3A_489 = tpu.memref_squeeze %dma_start3A_488 : memref<1x104xi32, #tpu.memory_space<vmem>> -> memref<104xi32, #tpu.memory_space<vmem>>
    %dma_start3A_490 = arith.constant 0 : i32
    %dma_start3A_491 = arith.constant 0 : i32
    %dma_start3A_492 = tpu.memref_slice %arg7[%dma_start3A_490, %dma_start3A_491] : memref<204800x128xf32, #tpu.memory_space<hbm>> -> memref<204800x128xf32, #tpu.memory_space<hbm>>
    tpu.enqueue_indirect_dma source(%dma_start3A_492 : memref<204800x128xf32, #tpu.memory_space<hbm>>) target(%arg35 : memref<104x128xf32, #tpu.memory_space<vmem>>) offsets(%dma_start3A_489 : memref<104xi32, #tpu.memory_space<vmem>>) semaphore(%arg42 : memref<!tpu.dma_semaphore, #tpu.memory_space<semaphore_mem>>)
    %dma_wait3A_493 = arith.constant 4 : i32
    %dma_wait3A_494 = arith.constant 0 : i32
    %dma_wait3A_495 = tpu.memref_slice %arg31[%dma_wait3A_493, %dma_wait3A_494] : memref<16x112xi32, #tpu.memory_space<vmem>> -> memref<1x104xi32, #tpu.memory_space<vmem>>
    %dma_wait3A_496 = tpu.memref_squeeze %dma_wait3A_495 : memref<1x104xi32, #tpu.memory_space<vmem>> -> memref<104xi32, #tpu.memory_space<vmem>>
    %dma_wait3A_497 = arith.constant 0 : i32
    %dma_wait3A_498 = arith.constant 0 : i32
    %dma_wait3A_499 = tpu.memref_slice %arg7[%dma_wait3A_497, %dma_wait3A_498] : memref<204800x128xf32, #tpu.memory_space<hbm>> -> memref<204800x128xf32, #tpu.memory_space<hbm>>
    tpu.wait_indirect_dma semaphore(%arg41 : memref<!tpu.dma_semaphore, #tpu.memory_space<semaphore_mem>>) src(%dma_wait3A_499 : memref<204800x128xf32, #tpu.memory_space<hbm>>) dst(%arg34 : memref<104x128xf32, #tpu.memory_space<vmem>>)
    %add3A_500 = arith.constant 8 : i32
    %add3A_501 = arith.addi %mul3A_2, %add3A_500 : i32
    "tpu.region"() ({
      %run_scoped3A = tpu.sem_alloc : memref<!tpu.dma_semaphore, #tpu.memory_space<semaphore_mem>>
      %dma_start3A_870 = arith.constant 0 : i32
      %dma_start3A_871 = arith.constant 0 : i32
      %dma_start3A_872 = tpu.memref_slice %arg34[%dma_start3A_870, %dma_start3A_871] : memref<104x128xf32, #tpu.memory_space<vmem>> -> memref<50x128xf32, #tpu.memory_space<vmem>>
      %dma_start3A_873 = arith.constant 0 : i32
      %dma_start3A_874 = arith.constant 0 : i32
      %dma_start3A_875 = tpu.memref_slice %arg15[%dma_start3A_873, %add3A_501, %dma_start3A_874] : memref<50x1024x128xf32, #tpu.memory_space<hbm>> -> memref<50x1x128xf32, #tpu.memory_space<hbm>>
      %dma_start3A_876 = tpu.memref_squeeze %dma_start3A_875 : memref<50x1x128xf32, #tpu.memory_space<hbm>> -> memref<50x128xf32, #tpu.memory_space<hbm>>
      %dma_start3A_877 = arith.constant 0 : i32
      %dma_start3A_878 = arith.constant 0 : i32
      %dma_start3A_879 = tpu.memref_slice %arg15[%dma_start3A_877, %add3A_501, %dma_start3A_878] : memref<50x1024x128xf32, #tpu.memory_space<hbm>> -> memref<50x1x128xf32, #tpu.memory_space<hbm>>
      %dma_start3A_880 = tpu.memref_squeeze %dma_start3A_879 : memref<50x1x128xf32, #tpu.memory_space<hbm>> -> memref<50x128xf32, #tpu.memory_space<hbm>>
      %dma_start3A_881 = arith.constant 0 : i32
      %dma_start3A_882 = arith.constant 0 : i32
      %dma_start3A_883 = tpu.memref_slice %arg34[%dma_start3A_881, %dma_start3A_882] : memref<104x128xf32, #tpu.memory_space<vmem>> -> memref<50x128xf32, #tpu.memory_space<vmem>>
      tpu.enqueue_dma source(%dma_start3A_883 : memref<50x128xf32, #tpu.memory_space<vmem>>) target(%dma_start3A_880 : memref<50x128xf32, #tpu.memory_space<hbm>>) target_semaphore(%run_scoped3A : memref<!tpu.dma_semaphore, #tpu.memory_space<semaphore_mem>>)
      %dma_wait3A_884 = arith.constant 0 : i32
      %dma_wait3A_885 = arith.constant 0 : i32
      %dma_wait3A_886 = tpu.memref_slice %arg34[%dma_wait3A_884, %dma_wait3A_885] : memref<104x128xf32, #tpu.memory_space<vmem>> -> memref<50x128xf32, #tpu.memory_space<vmem>>
      %dma_wait3A_887 = arith.constant 0 : i32
      %dma_wait3A_888 = arith.constant 0 : i32
      %dma_wait3A_889 = tpu.memref_slice %arg15[%dma_wait3A_887, %add3A_501, %dma_wait3A_888] : memref<50x1024x128xf32, #tpu.memory_space<hbm>> -> memref<50x1x128xf32, #tpu.memory_space<hbm>>
      %dma_wait3A_890 = tpu.memref_squeeze %dma_wait3A_889 : memref<50x1x128xf32, #tpu.memory_space<hbm>> -> memref<50x128xf32, #tpu.memory_space<hbm>>
      %dma_wait3A_891 = arith.constant 0 : i32
      %dma_wait3A_892 = arith.constant 0 : i32
      %dma_wait3A_893 = tpu.memref_slice %arg15[%dma_wait3A_891, %add3A_501, %dma_wait3A_892] : memref<50x1024x128xf32, #tpu.memory_space<hbm>> -> memref<50x1x128xf32, #tpu.memory_space<hbm>>
      %dma_wait3A_894 = tpu.memref_squeeze %dma_wait3A_893 : memref<50x1x128xf32, #tpu.memory_space<hbm>> -> memref<50x128xf32, #tpu.memory_space<hbm>>
      %dma_wait3A_895 = arith.constant 0 : i32
      %dma_wait3A_896 = arith.constant 0 : i32
      %dma_wait3A_897 = tpu.memref_slice %arg34[%dma_wait3A_895, %dma_wait3A_896] : memref<104x128xf32, #tpu.memory_space<vmem>> -> memref<50x128xf32, #tpu.memory_space<vmem>>
      tpu.wait_dma2 semaphore(%run_scoped3A : memref<!tpu.dma_semaphore, #tpu.memory_space<semaphore_mem>>) src(%dma_wait3A_897 : memref<50x128xf32, #tpu.memory_space<vmem>>) dst(%dma_wait3A_894 : memref<50x128xf32, #tpu.memory_space<hbm>>)
      tpu.yield
    }) : () -> ()
    %add3A_502 = arith.constant 1 : i32
    %add3A_503 = arith.addi %add3A_501, %add3A_502 : i32
    "tpu.region"() ({
      %run_scoped3A = tpu.sem_alloc : memref<!tpu.dma_semaphore, #tpu.memory_space<semaphore_mem>>
      %dma_start3A_870 = arith.constant 50 : i32
      %dma_start3A_871 = arith.constant 0 : i32
      %dma_start3A_872 = tpu.memref_slice %arg34[%dma_start3A_870, %dma_start3A_871] : memref<104x128xf32, #tpu.memory_space<vmem>> -> memref<50x128xf32, #tpu.memory_space<vmem>>
      %dma_start3A_873 = arith.constant 0 : i32
      %dma_start3A_874 = arith.constant 0 : i32
      %dma_start3A_875 = tpu.memref_slice %arg15[%dma_start3A_873, %add3A_503, %dma_start3A_874] : memref<50x1024x128xf32, #tpu.memory_space<hbm>> -> memref<50x1x128xf32, #tpu.memory_space<hbm>>
      %dma_start3A_876 = tpu.memref_squeeze %dma_start3A_875 : memref<50x1x128xf32, #tpu.memory_space<hbm>> -> memref<50x128xf32, #tpu.memory_space<hbm>>
      %dma_start3A_877 = arith.constant 0 : i32
      %dma_start3A_878 = arith.constant 0 : i32
      %dma_start3A_879 = tpu.memref_slice %arg15[%dma_start3A_877, %add3A_503, %dma_start3A_878] : memref<50x1024x128xf32, #tpu.memory_space<hbm>> -> memref<50x1x128xf32, #tpu.memory_space<hbm>>
      %dma_start3A_880 = tpu.memref_squeeze %dma_start3A_879 : memref<50x1x128xf32, #tpu.memory_space<hbm>> -> memref<50x128xf32, #tpu.memory_space<hbm>>
      %dma_start3A_881 = arith.constant 50 : i32
      %dma_start3A_882 = arith.constant 0 : i32
      %dma_start3A_883 = tpu.memref_slice %arg34[%dma_start3A_881, %dma_start3A_882] : memref<104x128xf32, #tpu.memory_space<vmem>> -> memref<50x128xf32, #tpu.memory_space<vmem>>
      tpu.enqueue_dma source(%dma_start3A_883 : memref<50x128xf32, #tpu.memory_space<vmem>>) target(%dma_start3A_880 : memref<50x128xf32, #tpu.memory_space<hbm>>) target_semaphore(%run_scoped3A : memref<!tpu.dma_semaphore, #tpu.memory_space<semaphore_mem>>)
      %dma_wait3A_884 = arith.constant 50 : i32
      %dma_wait3A_885 = arith.constant 0 : i32
      %dma_wait3A_886 = tpu.memref_slice %arg34[%dma_wait3A_884, %dma_wait3A_885] : memref<104x128xf32, #tpu.memory_space<vmem>> -> memref<50x128xf32, #tpu.memory_space<vmem>>
      %dma_wait3A_887 = arith.constant 0 : i32
      %dma_wait3A_888 = arith.constant 0 : i32
      %dma_wait3A_889 = tpu.memref_slice %arg15[%dma_wait3A_887, %add3A_503, %dma_wait3A_888] : memref<50x1024x128xf32, #tpu.memory_space<hbm>> -> memref<50x1x128xf32, #tpu.memory_space<hbm>>
      %dma_wait3A_890 = tpu.memref_squeeze %dma_wait3A_889 : memref<50x1x128xf32, #tpu.memory_space<hbm>> -> memref<50x128xf32, #tpu.memory_space<hbm>>
      %dma_wait3A_891 = arith.constant 0 : i32
      %dma_wait3A_892 = arith.constant 0 : i32
      %dma_wait3A_893 = tpu.memref_slice %arg15[%dma_wait3A_891, %add3A_503, %dma_wait3A_892] : memref<50x1024x128xf32, #tpu.memory_space<hbm>> -> memref<50x1x128xf32, #tpu.memory_space<hbm>>
      %dma_wait3A_894 = tpu.memref_squeeze %dma_wait3A_893 : memref<50x1x128xf32, #tpu.memory_space<hbm>> -> memref<50x128xf32, #tpu.memory_space<hbm>>
      %dma_wait3A_895 = arith.constant 50 : i32
      %dma_wait3A_896 = arith.constant 0 : i32
      %dma_wait3A_897 = tpu.memref_slice %arg34[%dma_wait3A_895, %dma_wait3A_896] : memref<104x128xf32, #tpu.memory_space<vmem>> -> memref<50x128xf32, #tpu.memory_space<vmem>>
      tpu.wait_dma2 semaphore(%run_scoped3A : memref<!tpu.dma_semaphore, #tpu.memory_space<semaphore_mem>>) src(%dma_wait3A_897 : memref<50x128xf32, #tpu.memory_space<vmem>>) dst(%dma_wait3A_894 : memref<50x128xf32, #tpu.memory_space<hbm>>)
      tpu.yield
    }) : () -> ()
    %dma_start3A_504 = arith.constant 6 : i32
    %dma_start3A_505 = arith.constant 0 : i32
    %dma_start3A_506 = tpu.memref_slice %arg31[%dma_start3A_504, %dma_start3A_505] : memref<16x112xi32, #tpu.memory_space<vmem>> -> memref<1x104xi32, #tpu.memory_space<vmem>>
    %dma_start3A_507 = tpu.memref_squeeze %dma_start3A_506 : memref<1x104xi32, #tpu.memory_space<vmem>> -> memref<104xi32, #tpu.memory_space<vmem>>
    %dma_start3A_508 = arith.constant 0 : i32
    %dma_start3A_509 = arith.constant 0 : i32
    %dma_start3A_510 = tpu.memref_slice %arg7[%dma_start3A_508, %dma_start3A_509] : memref<204800x128xf32, #tpu.memory_space<hbm>> -> memref<204800x128xf32, #tpu.memory_space<hbm>>
    tpu.enqueue_indirect_dma source(%dma_start3A_510 : memref<204800x128xf32, #tpu.memory_space<hbm>>) target(%arg34 : memref<104x128xf32, #tpu.memory_space<vmem>>) offsets(%dma_start3A_507 : memref<104xi32, #tpu.memory_space<vmem>>) semaphore(%arg41 : memref<!tpu.dma_semaphore, #tpu.memory_space<semaphore_mem>>)
    %dma_wait3A_511 = arith.constant 5 : i32
    %dma_wait3A_512 = arith.constant 0 : i32
    %dma_wait3A_513 = tpu.memref_slice %arg31[%dma_wait3A_511, %dma_wait3A_512] : memref<16x112xi32, #tpu.memory_space<vmem>> -> memref<1x104xi32, #tpu.memory_space<vmem>>
    %dma_wait3A_514 = tpu.memref_squeeze %dma_wait3A_513 : memref<1x104xi32, #tpu.memory_space<vmem>> -> memref<104xi32, #tpu.memory_space<vmem>>
    %dma_wait3A_515 = arith.constant 0 : i32
    %dma_wait3A_516 = arith.constant 0 : i32
    %dma_wait3A_517 = tpu.memref_slice %arg7[%dma_wait3A_515, %dma_wait3A_516] : memref<204800x128xf32, #tpu.memory_space<hbm>> -> memref<204800x128xf32, #tpu.memory_space<hbm>>
    tpu.wait_indirect_dma semaphore(%arg42 : memref<!tpu.dma_semaphore, #tpu.memory_space<semaphore_mem>>) src(%dma_wait3A_517 : memref<204800x128xf32, #tpu.memory_space<hbm>>) dst(%arg35 : memref<104x128xf32, #tpu.memory_space<vmem>>)
    %add3A_518 = arith.constant 10 : i32
    %add3A_519 = arith.addi %mul3A_2, %add3A_518 : i32
    "tpu.region"() ({
      %run_scoped3A = tpu.sem_alloc : memref<!tpu.dma_semaphore, #tpu.memory_space<semaphore_mem>>
      %dma_start3A_870 = arith.constant 0 : i32
      %dma_start3A_871 = arith.constant 0 : i32
      %dma_start3A_872 = tpu.memref_slice %arg35[%dma_start3A_870, %dma_start3A_871] : memref<104x128xf32, #tpu.memory_space<vmem>> -> memref<50x128xf32, #tpu.memory_space<vmem>>
      %dma_start3A_873 = arith.constant 0 : i32
      %dma_start3A_874 = arith.constant 0 : i32
      %dma_start3A_875 = tpu.memref_slice %arg15[%dma_start3A_873, %add3A_519, %dma_start3A_874] : memref<50x1024x128xf32, #tpu.memory_space<hbm>> -> memref<50x1x128xf32, #tpu.memory_space<hbm>>
      %dma_start3A_876 = tpu.memref_squeeze %dma_start3A_875 : memref<50x1x128xf32, #tpu.memory_space<hbm>> -> memref<50x128xf32, #tpu.memory_space<hbm>>
      %dma_start3A_877 = arith.constant 0 : i32
      %dma_start3A_878 = arith.constant 0 : i32
      %dma_start3A_879 = tpu.memref_slice %arg15[%dma_start3A_877, %add3A_519, %dma_start3A_878] : memref<50x1024x128xf32, #tpu.memory_space<hbm>> -> memref<50x1x128xf32, #tpu.memory_space<hbm>>
      %dma_start3A_880 = tpu.memref_squeeze %dma_start3A_879 : memref<50x1x128xf32, #tpu.memory_space<hbm>> -> memref<50x128xf32, #tpu.memory_space<hbm>>
      %dma_start3A_881 = arith.constant 0 : i32
      %dma_start3A_882 = arith.constant 0 : i32
      %dma_start3A_883 = tpu.memref_slice %arg35[%dma_start3A_881, %dma_start3A_882] : memref<104x128xf32, #tpu.memory_space<vmem>> -> memref<50x128xf32, #tpu.memory_space<vmem>>
      tpu.enqueue_dma source(%dma_start3A_883 : memref<50x128xf32, #tpu.memory_space<vmem>>) target(%dma_start3A_880 : memref<50x128xf32, #tpu.memory_space<hbm>>) target_semaphore(%run_scoped3A : memref<!tpu.dma_semaphore, #tpu.memory_space<semaphore_mem>>)
      %dma_wait3A_884 = arith.constant 0 : i32
      %dma_wait3A_885 = arith.constant 0 : i32
      %dma_wait3A_886 = tpu.memref_slice %arg35[%dma_wait3A_884, %dma_wait3A_885] : memref<104x128xf32, #tpu.memory_space<vmem>> -> memref<50x128xf32, #tpu.memory_space<vmem>>
      %dma_wait3A_887 = arith.constant 0 : i32
      %dma_wait3A_888 = arith.constant 0 : i32
      %dma_wait3A_889 = tpu.memref_slice %arg15[%dma_wait3A_887, %add3A_519, %dma_wait3A_888] : memref<50x1024x128xf32, #tpu.memory_space<hbm>> -> memref<50x1x128xf32, #tpu.memory_space<hbm>>
      %dma_wait3A_890 = tpu.memref_squeeze %dma_wait3A_889 : memref<50x1x128xf32, #tpu.memory_space<hbm>> -> memref<50x128xf32, #tpu.memory_space<hbm>>
      %dma_wait3A_891 = arith.constant 0 : i32
      %dma_wait3A_892 = arith.constant 0 : i32
      %dma_wait3A_893 = tpu.memref_slice %arg15[%dma_wait3A_891, %add3A_519, %dma_wait3A_892] : memref<50x1024x128xf32, #tpu.memory_space<hbm>> -> memref<50x1x128xf32, #tpu.memory_space<hbm>>
      %dma_wait3A_894 = tpu.memref_squeeze %dma_wait3A_893 : memref<50x1x128xf32, #tpu.memory_space<hbm>> -> memref<50x128xf32, #tpu.memory_space<hbm>>
      %dma_wait3A_895 = arith.constant 0 : i32
      %dma_wait3A_896 = arith.constant 0 : i32
      %dma_wait3A_897 = tpu.memref_slice %arg35[%dma_wait3A_895, %dma_wait3A_896] : memref<104x128xf32, #tpu.memory_space<vmem>> -> memref<50x128xf32, #tpu.memory_space<vmem>>
      tpu.wait_dma2 semaphore(%run_scoped3A : memref<!tpu.dma_semaphore, #tpu.memory_space<semaphore_mem>>) src(%dma_wait3A_897 : memref<50x128xf32, #tpu.memory_space<vmem>>) dst(%dma_wait3A_894 : memref<50x128xf32, #tpu.memory_space<hbm>>)
      tpu.yield
    }) : () -> ()
    %add3A_520 = arith.constant 1 : i32
    %add3A_521 = arith.addi %add3A_519, %add3A_520 : i32
    "tpu.region"() ({
      %run_scoped3A = tpu.sem_alloc : memref<!tpu.dma_semaphore, #tpu.memory_space<semaphore_mem>>
      %dma_start3A_870 = arith.constant 50 : i32
      %dma_start3A_871 = arith.constant 0 : i32
      %dma_start3A_872 = tpu.memref_slice %arg35[%dma_start3A_870, %dma_start3A_871] : memref<104x128xf32, #tpu.memory_space<vmem>> -> memref<50x128xf32, #tpu.memory_space<vmem>>
      %dma_start3A_873 = arith.constant 0 : i32
      %dma_start3A_874 = arith.constant 0 : i32
      %dma_start3A_875 = tpu.memref_slice %arg15[%dma_start3A_873, %add3A_521, %dma_start3A_874] : memref<50x1024x128xf32, #tpu.memory_space<hbm>> -> memref<50x1x128xf32, #tpu.memory_space<hbm>>
      %dma_start3A_876 = tpu.memref_squeeze %dma_start3A_875 : memref<50x1x128xf32, #tpu.memory_space<hbm>> -> memref<50x128xf32, #tpu.memory_space<hbm>>
      %dma_start3A_877 = arith.constant 0 : i32
      %dma_start3A_878 = arith.constant 0 : i32
      %dma_start3A_879 = tpu.memref_slice %arg15[%dma_start3A_877, %add3A_521, %dma_start3A_878] : memref<50x1024x128xf32, #tpu.memory_space<hbm>> -> memref<50x1x128xf32, #tpu.memory_space<hbm>>
      %dma_start3A_880 = tpu.memref_squeeze %dma_start3A_879 : memref<50x1x128xf32, #tpu.memory_space<hbm>> -> memref<50x128xf32, #tpu.memory_space<hbm>>
      %dma_start3A_881 = arith.constant 50 : i32
      %dma_start3A_882 = arith.constant 0 : i32
      %dma_start3A_883 = tpu.memref_slice %arg35[%dma_start3A_881, %dma_start3A_882] : memref<104x128xf32, #tpu.memory_space<vmem>> -> memref<50x128xf32, #tpu.memory_space<vmem>>
      tpu.enqueue_dma source(%dma_start3A_883 : memref<50x128xf32, #tpu.memory_space<vmem>>) target(%dma_start3A_880 : memref<50x128xf32, #tpu.memory_space<hbm>>) target_semaphore(%run_scoped3A : memref<!tpu.dma_semaphore, #tpu.memory_space<semaphore_mem>>)
      %dma_wait3A_884 = arith.constant 50 : i32
      %dma_wait3A_885 = arith.constant 0 : i32
      %dma_wait3A_886 = tpu.memref_slice %arg35[%dma_wait3A_884, %dma_wait3A_885] : memref<104x128xf32, #tpu.memory_space<vmem>> -> memref<50x128xf32, #tpu.memory_space<vmem>>
      %dma_wait3A_887 = arith.constant 0 : i32
      %dma_wait3A_888 = arith.constant 0 : i32
      %dma_wait3A_889 = tpu.memref_slice %arg15[%dma_wait3A_887, %add3A_521, %dma_wait3A_888] : memref<50x1024x128xf32, #tpu.memory_space<hbm>> -> memref<50x1x128xf32, #tpu.memory_space<hbm>>
      %dma_wait3A_890 = tpu.memref_squeeze %dma_wait3A_889 : memref<50x1x128xf32, #tpu.memory_space<hbm>> -> memref<50x128xf32, #tpu.memory_space<hbm>>
      %dma_wait3A_891 = arith.constant 0 : i32
      %dma_wait3A_892 = arith.constant 0 : i32
      %dma_wait3A_893 = tpu.memref_slice %arg15[%dma_wait3A_891, %add3A_521, %dma_wait3A_892] : memref<50x1024x128xf32, #tpu.memory_space<hbm>> -> memref<50x1x128xf32, #tpu.memory_space<hbm>>
      %dma_wait3A_894 = tpu.memref_squeeze %dma_wait3A_893 : memref<50x1x128xf32, #tpu.memory_space<hbm>> -> memref<50x128xf32, #tpu.memory_space<hbm>>
      %dma_wait3A_895 = arith.constant 50 : i32
      %dma_wait3A_896 = arith.constant 0 : i32
      %dma_wait3A_897 = tpu.memref_slice %arg35[%dma_wait3A_895, %dma_wait3A_896] : memref<104x128xf32, #tpu.memory_space<vmem>> -> memref<50x128xf32, #tpu.memory_space<vmem>>
      tpu.wait_dma2 semaphore(%run_scoped3A : memref<!tpu.dma_semaphore, #tpu.memory_space<semaphore_mem>>) src(%dma_wait3A_897 : memref<50x128xf32, #tpu.memory_space<vmem>>) dst(%dma_wait3A_894 : memref<50x128xf32, #tpu.memory_space<hbm>>)
      tpu.yield
    }) : () -> ()
    %dma_start3A_522 = arith.constant 7 : i32
    %dma_start3A_523 = arith.constant 0 : i32
    %dma_start3A_524 = tpu.memref_slice %arg31[%dma_start3A_522, %dma_start3A_523] : memref<16x112xi32, #tpu.memory_space<vmem>> -> memref<1x104xi32, #tpu.memory_space<vmem>>
    %dma_start3A_525 = tpu.memref_squeeze %dma_start3A_524 : memref<1x104xi32, #tpu.memory_space<vmem>> -> memref<104xi32, #tpu.memory_space<vmem>>
    %dma_start3A_526 = arith.constant 0 : i32
    %dma_start3A_527 = arith.constant 0 : i32
    %dma_start3A_528 = tpu.memref_slice %arg7[%dma_start3A_526, %dma_start3A_527] : memref<204800x128xf32, #tpu.memory_space<hbm>> -> memref<204800x128xf32, #tpu.memory_space<hbm>>
    tpu.enqueue_indirect_dma source(%dma_start3A_528 : memref<204800x128xf32, #tpu.memory_space<hbm>>) target(%arg35 : memref<104x128xf32, #tpu.memory_space<vmem>>) offsets(%dma_start3A_525 : memref<104xi32, #tpu.memory_space<vmem>>) semaphore(%arg42 : memref<!tpu.dma_semaphore, #tpu.memory_space<semaphore_mem>>)
    %dma_wait3A_529 = arith.constant 6 : i32
    %dma_wait3A_530 = arith.constant 0 : i32
    %dma_wait3A_531 = tpu.memref_slice %arg31[%dma_wait3A_529, %dma_wait3A_530] : memref<16x112xi32, #tpu.memory_space<vmem>> -> memref<1x104xi32, #tpu.memory_space<vmem>>
    %dma_wait3A_532 = tpu.memref_squeeze %dma_wait3A_531 : memref<1x104xi32, #tpu.memory_space<vmem>> -> memref<104xi32, #tpu.memory_space<vmem>>
    %dma_wait3A_533 = arith.constant 0 : i32
    %dma_wait3A_534 = arith.constant 0 : i32
    %dma_wait3A_535 = tpu.memref_slice %arg7[%dma_wait3A_533, %dma_wait3A_534] : memref<204800x128xf32, #tpu.memory_space<hbm>> -> memref<204800x128xf32, #tpu.memory_space<hbm>>
    tpu.wait_indirect_dma semaphore(%arg41 : memref<!tpu.dma_semaphore, #tpu.memory_space<semaphore_mem>>) src(%dma_wait3A_535 : memref<204800x128xf32, #tpu.memory_space<hbm>>) dst(%arg34 : memref<104x128xf32, #tpu.memory_space<vmem>>)
    %add3A_536 = arith.constant 12 : i32
    %add3A_537 = arith.addi %mul3A_2, %add3A_536 : i32
    "tpu.region"() ({
      %run_scoped3A = tpu.sem_alloc : memref<!tpu.dma_semaphore, #tpu.memory_space<semaphore_mem>>
      %dma_start3A_870 = arith.constant 0 : i32
      %dma_start3A_871 = arith.constant 0 : i32
      %dma_start3A_872 = tpu.memref_slice %arg34[%dma_start3A_870, %dma_start3A_871] : memref<104x128xf32, #tpu.memory_space<vmem>> -> memref<50x128xf32, #tpu.memory_space<vmem>>
      %dma_start3A_873 = arith.constant 0 : i32
      %dma_start3A_874 = arith.constant 0 : i32
      %dma_start3A_875 = tpu.memref_slice %arg15[%dma_start3A_873, %add3A_537, %dma_start3A_874] : memref<50x1024x128xf32, #tpu.memory_space<hbm>> -> memref<50x1x128xf32, #tpu.memory_space<hbm>>
      %dma_start3A_876 = tpu.memref_squeeze %dma_start3A_875 : memref<50x1x128xf32, #tpu.memory_space<hbm>> -> memref<50x128xf32, #tpu.memory_space<hbm>>
      %dma_start3A_877 = arith.constant 0 : i32
      %dma_start3A_878 = arith.constant 0 : i32
      %dma_start3A_879 = tpu.memref_slice %arg15[%dma_start3A_877, %add3A_537, %dma_start3A_878] : memref<50x1024x128xf32, #tpu.memory_space<hbm>> -> memref<50x1x128xf32, #tpu.memory_space<hbm>>
      %dma_start3A_880 = tpu.memref_squeeze %dma_start3A_879 : memref<50x1x128xf32, #tpu.memory_space<hbm>> -> memref<50x128xf32, #tpu.memory_space<hbm>>
      %dma_start3A_881 = arith.constant 0 : i32
      %dma_start3A_882 = arith.constant 0 : i32
      %dma_start3A_883 = tpu.memref_slice %arg34[%dma_start3A_881, %dma_start3A_882] : memref<104x128xf32, #tpu.memory_space<vmem>> -> memref<50x128xf32, #tpu.memory_space<vmem>>
      tpu.enqueue_dma source(%dma_start3A_883 : memref<50x128xf32, #tpu.memory_space<vmem>>) target(%dma_start3A_880 : memref<50x128xf32, #tpu.memory_space<hbm>>) target_semaphore(%run_scoped3A : memref<!tpu.dma_semaphore, #tpu.memory_space<semaphore_mem>>)
      %dma_wait3A_884 = arith.constant 0 : i32
      %dma_wait3A_885 = arith.constant 0 : i32
      %dma_wait3A_886 = tpu.memref_slice %arg34[%dma_wait3A_884, %dma_wait3A_885] : memref<104x128xf32, #tpu.memory_space<vmem>> -> memref<50x128xf32, #tpu.memory_space<vmem>>
      %dma_wait3A_887 = arith.constant 0 : i32
      %dma_wait3A_888 = arith.constant 0 : i32
      %dma_wait3A_889 = tpu.memref_slice %arg15[%dma_wait3A_887, %add3A_537, %dma_wait3A_888] : memref<50x1024x128xf32, #tpu.memory_space<hbm>> -> memref<50x1x128xf32, #tpu.memory_space<hbm>>
      %dma_wait3A_890 = tpu.memref_squeeze %dma_wait3A_889 : memref<50x1x128xf32, #tpu.memory_space<hbm>> -> memref<50x128xf32, #tpu.memory_space<hbm>>
      %dma_wait3A_891 = arith.constant 0 : i32
      %dma_wait3A_892 = arith.constant 0 : i32
      %dma_wait3A_893 = tpu.memref_slice %arg15[%dma_wait3A_891, %add3A_537, %dma_wait3A_892] : memref<50x1024x128xf32, #tpu.memory_space<hbm>> -> memref<50x1x128xf32, #tpu.memory_space<hbm>>
      %dma_wait3A_894 = tpu.memref_squeeze %dma_wait3A_893 : memref<50x1x128xf32, #tpu.memory_space<hbm>> -> memref<50x128xf32, #tpu.memory_space<hbm>>
      %dma_wait3A_895 = arith.constant 0 : i32
      %dma_wait3A_896 = arith.constant 0 : i32
      %dma_wait3A_897 = tpu.memref_slice %arg34[%dma_wait3A_895, %dma_wait3A_896] : memref<104x128xf32, #tpu.memory_space<vmem>> -> memref<50x128xf32, #tpu.memory_space<vmem>>
      tpu.wait_dma2 semaphore(%run_scoped3A : memref<!tpu.dma_semaphore, #tpu.memory_space<semaphore_mem>>) src(%dma_wait3A_897 : memref<50x128xf32, #tpu.memory_space<vmem>>) dst(%dma_wait3A_894 : memref<50x128xf32, #tpu.memory_space<hbm>>)
      tpu.yield
    }) : () -> ()
    %add3A_538 = arith.constant 1 : i32
    %add3A_539 = arith.addi %add3A_537, %add3A_538 : i32
    "tpu.region"() ({
      %run_scoped3A = tpu.sem_alloc : memref<!tpu.dma_semaphore, #tpu.memory_space<semaphore_mem>>
      %dma_start3A_870 = arith.constant 50 : i32
      %dma_start3A_871 = arith.constant 0 : i32
      %dma_start3A_872 = tpu.memref_slice %arg34[%dma_start3A_870, %dma_start3A_871] : memref<104x128xf32, #tpu.memory_space<vmem>> -> memref<50x128xf32, #tpu.memory_space<vmem>>
      %dma_start3A_873 = arith.constant 0 : i32
      %dma_start3A_874 = arith.constant 0 : i32
      %dma_start3A_875 = tpu.memref_slice %arg15[%dma_start3A_873, %add3A_539, %dma_start3A_874] : memref<50x1024x128xf32, #tpu.memory_space<hbm>> -> memref<50x1x128xf32, #tpu.memory_space<hbm>>
      %dma_start3A_876 = tpu.memref_squeeze %dma_start3A_875 : memref<50x1x128xf32, #tpu.memory_space<hbm>> -> memref<50x128xf32, #tpu.memory_space<hbm>>
      %dma_start3A_877 = arith.constant 0 : i32
      %dma_start3A_878 = arith.constant 0 : i32
      %dma_start3A_879 = tpu.memref_slice %arg15[%dma_start3A_877, %add3A_539, %dma_start3A_878] : memref<50x1024x128xf32, #tpu.memory_space<hbm>> -> memref<50x1x128xf32, #tpu.memory_space<hbm>>
      %dma_start3A_880 = tpu.memref_squeeze %dma_start3A_879 : memref<50x1x128xf32, #tpu.memory_space<hbm>> -> memref<50x128xf32, #tpu.memory_space<hbm>>
      %dma_start3A_881 = arith.constant 50 : i32
      %dma_start3A_882 = arith.constant 0 : i32
      %dma_start3A_883 = tpu.memref_slice %arg34[%dma_start3A_881, %dma_start3A_882] : memref<104x128xf32, #tpu.memory_space<vmem>> -> memref<50x128xf32, #tpu.memory_space<vmem>>
      tpu.enqueue_dma source(%dma_start3A_883 : memref<50x128xf32, #tpu.memory_space<vmem>>) target(%dma_start3A_880 : memref<50x128xf32, #tpu.memory_space<hbm>>) target_semaphore(%run_scoped3A : memref<!tpu.dma_semaphore, #tpu.memory_space<semaphore_mem>>)
      %dma_wait3A_884 = arith.constant 50 : i32
      %dma_wait3A_885 = arith.constant 0 : i32
      %dma_wait3A_886 = tpu.memref_slice %arg34[%dma_wait3A_884, %dma_wait3A_885] : memref<104x128xf32, #tpu.memory_space<vmem>> -> memref<50x128xf32, #tpu.memory_space<vmem>>
      %dma_wait3A_887 = arith.constant 0 : i32
      %dma_wait3A_888 = arith.constant 0 : i32
      %dma_wait3A_889 = tpu.memref_slice %arg15[%dma_wait3A_887, %add3A_539, %dma_wait3A_888] : memref<50x1024x128xf32, #tpu.memory_space<hbm>> -> memref<50x1x128xf32, #tpu.memory_space<hbm>>
      %dma_wait3A_890 = tpu.memref_squeeze %dma_wait3A_889 : memref<50x1x128xf32, #tpu.memory_space<hbm>> -> memref<50x128xf32, #tpu.memory_space<hbm>>
      %dma_wait3A_891 = arith.constant 0 : i32
      %dma_wait3A_892 = arith.constant 0 : i32
      %dma_wait3A_893 = tpu.memref_slice %arg15[%dma_wait3A_891, %add3A_539, %dma_wait3A_892] : memref<50x1024x128xf32, #tpu.memory_space<hbm>> -> memref<50x1x128xf32, #tpu.memory_space<hbm>>
      %dma_wait3A_894 = tpu.memref_squeeze %dma_wait3A_893 : memref<50x1x128xf32, #tpu.memory_space<hbm>> -> memref<50x128xf32, #tpu.memory_space<hbm>>
      %dma_wait3A_895 = arith.constant 50 : i32
      %dma_wait3A_896 = arith.constant 0 : i32
      %dma_wait3A_897 = tpu.memref_slice %arg34[%dma_wait3A_895, %dma_wait3A_896] : memref<104x128xf32, #tpu.memory_space<vmem>> -> memref<50x128xf32, #tpu.memory_space<vmem>>
      tpu.wait_dma2 semaphore(%run_scoped3A : memref<!tpu.dma_semaphore, #tpu.memory_space<semaphore_mem>>) src(%dma_wait3A_897 : memref<50x128xf32, #tpu.memory_space<vmem>>) dst(%dma_wait3A_894 : memref<50x128xf32, #tpu.memory_space<hbm>>)
      tpu.yield
    }) : () -> ()
    %dma_start3A_540 = arith.constant 8 : i32
    %dma_start3A_541 = arith.constant 0 : i32
    %dma_start3A_542 = tpu.memref_slice %arg31[%dma_start3A_540, %dma_start3A_541] : memref<16x112xi32, #tpu.memory_space<vmem>> -> memref<1x104xi32, #tpu.memory_space<vmem>>
    %dma_start3A_543 = tpu.memref_squeeze %dma_start3A_542 : memref<1x104xi32, #tpu.memory_space<vmem>> -> memref<104xi32, #tpu.memory_space<vmem>>
    %dma_start3A_544 = arith.constant 0 : i32
    %dma_start3A_545 = arith.constant 0 : i32
    %dma_start3A_546 = tpu.memref_slice %arg7[%dma_start3A_544, %dma_start3A_545] : memref<204800x128xf32, #tpu.memory_space<hbm>> -> memref<204800x128xf32, #tpu.memory_space<hbm>>
    tpu.enqueue_indirect_dma source(%dma_start3A_546 : memref<204800x128xf32, #tpu.memory_space<hbm>>) target(%arg34 : memref<104x128xf32, #tpu.memory_space<vmem>>) offsets(%dma_start3A_543 : memref<104xi32, #tpu.memory_space<vmem>>) semaphore(%arg41 : memref<!tpu.dma_semaphore, #tpu.memory_space<semaphore_mem>>)
    %dma_wait3A_547 = arith.constant 7 : i32
    %dma_wait3A_548 = arith.constant 0 : i32
    %dma_wait3A_549 = tpu.memref_slice %arg31[%dma_wait3A_547, %dma_wait3A_548] : memref<16x112xi32, #tpu.memory_space<vmem>> -> memref<1x104xi32, #tpu.memory_space<vmem>>
    %dma_wait3A_550 = tpu.memref_squeeze %dma_wait3A_549 : memref<1x104xi32, #tpu.memory_space<vmem>> -> memref<104xi32, #tpu.memory_space<vmem>>
    %dma_wait3A_551 = arith.constant 0 : i32
    %dma_wait3A_552 = arith.constant 0 : i32
    %dma_wait3A_553 = tpu.memref_slice %arg7[%dma_wait3A_551, %dma_wait3A_552] : memref<204800x128xf32, #tpu.memory_space<hbm>> -> memref<204800x128xf32, #tpu.memory_space<hbm>>
    tpu.wait_indirect_dma semaphore(%arg42 : memref<!tpu.dma_semaphore, #tpu.memory_space<semaphore_mem>>) src(%dma_wait3A_553 : memref<204800x128xf32, #tpu.memory_space<hbm>>) dst(%arg35 : memref<104x128xf32, #tpu.memory_space<vmem>>)
    %add3A_554 = arith.constant 14 : i32
    %add3A_555 = arith.addi %mul3A_2, %add3A_554 : i32
    "tpu.region"() ({
      %run_scoped3A = tpu.sem_alloc : memref<!tpu.dma_semaphore, #tpu.memory_space<semaphore_mem>>
      %dma_start3A_870 = arith.constant 0 : i32
      %dma_start3A_871 = arith.constant 0 : i32
      %dma_start3A_872 = tpu.memref_slice %arg35[%dma_start3A_870, %dma_start3A_871] : memref<104x128xf32, #tpu.memory_space<vmem>> -> memref<50x128xf32, #tpu.memory_space<vmem>>
      %dma_start3A_873 = arith.constant 0 : i32
      %dma_start3A_874 = arith.constant 0 : i32
      %dma_start3A_875 = tpu.memref_slice %arg15[%dma_start3A_873, %add3A_555, %dma_start3A_874] : memref<50x1024x128xf32, #tpu.memory_space<hbm>> -> memref<50x1x128xf32, #tpu.memory_space<hbm>>
      %dma_start3A_876 = tpu.memref_squeeze %dma_start3A_875 : memref<50x1x128xf32, #tpu.memory_space<hbm>> -> memref<50x128xf32, #tpu.memory_space<hbm>>
      %dma_start3A_877 = arith.constant 0 : i32
      %dma_start3A_878 = arith.constant 0 : i32
      %dma_start3A_879 = tpu.memref_slice %arg15[%dma_start3A_877, %add3A_555, %dma_start3A_878] : memref<50x1024x128xf32, #tpu.memory_space<hbm>> -> memref<50x1x128xf32, #tpu.memory_space<hbm>>
      %dma_start3A_880 = tpu.memref_squeeze %dma_start3A_879 : memref<50x1x128xf32, #tpu.memory_space<hbm>> -> memref<50x128xf32, #tpu.memory_space<hbm>>
      %dma_start3A_881 = arith.constant 0 : i32
      %dma_start3A_882 = arith.constant 0 : i32
      %dma_start3A_883 = tpu.memref_slice %arg35[%dma_start3A_881, %dma_start3A_882] : memref<104x128xf32, #tpu.memory_space<vmem>> -> memref<50x128xf32, #tpu.memory_space<vmem>>
      tpu.enqueue_dma source(%dma_start3A_883 : memref<50x128xf32, #tpu.memory_space<vmem>>) target(%dma_start3A_880 : memref<50x128xf32, #tpu.memory_space<hbm>>) target_semaphore(%run_scoped3A : memref<!tpu.dma_semaphore, #tpu.memory_space<semaphore_mem>>)
      %dma_wait3A_884 = arith.constant 0 : i32
      %dma_wait3A_885 = arith.constant 0 : i32
      %dma_wait3A_886 = tpu.memref_slice %arg35[%dma_wait3A_884, %dma_wait3A_885] : memref<104x128xf32, #tpu.memory_space<vmem>> -> memref<50x128xf32, #tpu.memory_space<vmem>>
      %dma_wait3A_887 = arith.constant 0 : i32
      %dma_wait3A_888 = arith.constant 0 : i32
      %dma_wait3A_889 = tpu.memref_slice %arg15[%dma_wait3A_887, %add3A_555, %dma_wait3A_888] : memref<50x1024x128xf32, #tpu.memory_space<hbm>> -> memref<50x1x128xf32, #tpu.memory_space<hbm>>
      %dma_wait3A_890 = tpu.memref_squeeze %dma_wait3A_889 : memref<50x1x128xf32, #tpu.memory_space<hbm>> -> memref<50x128xf32, #tpu.memory_space<hbm>>
      %dma_wait3A_891 = arith.constant 0 : i32
      %dma_wait3A_892 = arith.constant 0 : i32
      %dma_wait3A_893 = tpu.memref_slice %arg15[%dma_wait3A_891, %add3A_555, %dma_wait3A_892] : memref<50x1024x128xf32, #tpu.memory_space<hbm>> -> memref<50x1x128xf32, #tpu.memory_space<hbm>>
      %dma_wait3A_894 = tpu.memref_squeeze %dma_wait3A_893 : memref<50x1x128xf32, #tpu.memory_space<hbm>> -> memref<50x128xf32, #tpu.memory_space<hbm>>
      %dma_wait3A_895 = arith.constant 0 : i32
      %dma_wait3A_896 = arith.constant 0 : i32
      %dma_wait3A_897 = tpu.memref_slice %arg35[%dma_wait3A_895, %dma_wait3A_896] : memref<104x128xf32, #tpu.memory_space<vmem>> -> memref<50x128xf32, #tpu.memory_space<vmem>>
      tpu.wait_dma2 semaphore(%run_scoped3A : memref<!tpu.dma_semaphore, #tpu.memory_space<semaphore_mem>>) src(%dma_wait3A_897 : memref<50x128xf32, #tpu.memory_space<vmem>>) dst(%dma_wait3A_894 : memref<50x128xf32, #tpu.memory_space<hbm>>)
      tpu.yield
    }) : () -> ()
    %add3A_556 = arith.constant 1 : i32
    %add3A_557 = arith.addi %add3A_555, %add3A_556 : i32
    "tpu.region"() ({
      %run_scoped3A = tpu.sem_alloc : memref<!tpu.dma_semaphore, #tpu.memory_space<semaphore_mem>>
      %dma_start3A_870 = arith.constant 50 : i32
      %dma_start3A_871 = arith.constant 0 : i32
      %dma_start3A_872 = tpu.memref_slice %arg35[%dma_start3A_870, %dma_start3A_871] : memref<104x128xf32, #tpu.memory_space<vmem>> -> memref<50x128xf32, #tpu.memory_space<vmem>>
      %dma_start3A_873 = arith.constant 0 : i32
      %dma_start3A_874 = arith.constant 0 : i32
      %dma_start3A_875 = tpu.memref_slice %arg15[%dma_start3A_873, %add3A_557, %dma_start3A_874] : memref<50x1024x128xf32, #tpu.memory_space<hbm>> -> memref<50x1x128xf32, #tpu.memory_space<hbm>>
      %dma_start3A_876 = tpu.memref_squeeze %dma_start3A_875 : memref<50x1x128xf32, #tpu.memory_space<hbm>> -> memref<50x128xf32, #tpu.memory_space<hbm>>
      %dma_start3A_877 = arith.constant 0 : i32
      %dma_start3A_878 = arith.constant 0 : i32
      %dma_start3A_879 = tpu.memref_slice %arg15[%dma_start3A_877, %add3A_557, %dma_start3A_878] : memref<50x1024x128xf32, #tpu.memory_space<hbm>> -> memref<50x1x128xf32, #tpu.memory_space<hbm>>
      %dma_start3A_880 = tpu.memref_squeeze %dma_start3A_879 : memref<50x1x128xf32, #tpu.memory_space<hbm>> -> memref<50x128xf32, #tpu.memory_space<hbm>>
      %dma_start3A_881 = arith.constant 50 : i32
      %dma_start3A_882 = arith.constant 0 : i32
      %dma_start3A_883 = tpu.memref_slice %arg35[%dma_start3A_881, %dma_start3A_882] : memref<104x128xf32, #tpu.memory_space<vmem>> -> memref<50x128xf32, #tpu.memory_space<vmem>>
      tpu.enqueue_dma source(%dma_start3A_883 : memref<50x128xf32, #tpu.memory_space<vmem>>) target(%dma_start3A_880 : memref<50x128xf32, #tpu.memory_space<hbm>>) target_semaphore(%run_scoped3A : memref<!tpu.dma_semaphore, #tpu.memory_space<semaphore_mem>>)
      %dma_wait3A_884 = arith.constant 50 : i32
      %dma_wait3A_885 = arith.constant 0 : i32
      %dma_wait3A_886 = tpu.memref_slice %arg35[%dma_wait3A_884, %dma_wait3A_885] : memref<104x128xf32, #tpu.memory_space<vmem>> -> memref<50x128xf32, #tpu.memory_space<vmem>>
      %dma_wait3A_887 = arith.constant 0 : i32
      %dma_wait3A_888 = arith.constant 0 : i32
      %dma_wait3A_889 = tpu.memref_slice %arg15[%dma_wait3A_887, %add3A_557, %dma_wait3A_888] : memref<50x1024x128xf32, #tpu.memory_space<hbm>> -> memref<50x1x128xf32, #tpu.memory_space<hbm>>
      %dma_wait3A_890 = tpu.memref_squeeze %dma_wait3A_889 : memref<50x1x128xf32, #tpu.memory_space<hbm>> -> memref<50x128xf32, #tpu.memory_space<hbm>>
      %dma_wait3A_891 = arith.constant 0 : i32
      %dma_wait3A_892 = arith.constant 0 : i32
      %dma_wait3A_893 = tpu.memref_slice %arg15[%dma_wait3A_891, %add3A_557, %dma_wait3A_892] : memref<50x1024x128xf32, #tpu.memory_space<hbm>> -> memref<50x1x128xf32, #tpu.memory_space<hbm>>
      %dma_wait3A_894 = tpu.memref_squeeze %dma_wait3A_893 : memref<50x1x128xf32, #tpu.memory_space<hbm>> -> memref<50x128xf32, #tpu.memory_space<hbm>>
      %dma_wait3A_895 = arith.constant 50 : i32
      %dma_wait3A_896 = arith.constant 0 : i32
      %dma_wait3A_897 = tpu.memref_slice %arg35[%dma_wait3A_895, %dma_wait3A_896] : memref<104x128xf32, #tpu.memory_space<vmem>> -> memref<50x128xf32, #tpu.memory_space<vmem>>
      tpu.wait_dma2 semaphore(%run_scoped3A : memref<!tpu.dma_semaphore, #tpu.memory_space<semaphore_mem>>) src(%dma_wait3A_897 : memref<50x128xf32, #tpu.memory_space<vmem>>) dst(%dma_wait3A_894 : memref<50x128xf32, #tpu.memory_space<hbm>>)
      tpu.yield
    }) : () -> ()
    %dma_start3A_558 = arith.constant 9 : i32
    %dma_start3A_559 = arith.constant 0 : i32
    %dma_start3A_560 = tpu.memref_slice %arg31[%dma_start3A_558, %dma_start3A_559] : memref<16x112xi32, #tpu.memory_space<vmem>> -> memref<1x104xi32, #tpu.memory_space<vmem>>
    %dma_start3A_561 = tpu.memref_squeeze %dma_start3A_560 : memref<1x104xi32, #tpu.memory_space<vmem>> -> memref<104xi32, #tpu.memory_space<vmem>>
    %dma_start3A_562 = arith.constant 0 : i32
    %dma_start3A_563 = arith.constant 0 : i32
    %dma_start3A_564 = tpu.memref_slice %arg7[%dma_start3A_562, %dma_start3A_563] : memref<204800x128xf32, #tpu.memory_space<hbm>> -> memref<204800x128xf32, #tpu.memory_space<hbm>>
    tpu.enqueue_indirect_dma source(%dma_start3A_564 : memref<204800x128xf32, #tpu.memory_space<hbm>>) target(%arg35 : memref<104x128xf32, #tpu.memory_space<vmem>>) offsets(%dma_start3A_561 : memref<104xi32, #tpu.memory_space<vmem>>) semaphore(%arg42 : memref<!tpu.dma_semaphore, #tpu.memory_space<semaphore_mem>>)
    %dma_wait3A_565 = arith.constant 8 : i32
    %dma_wait3A_566 = arith.constant 0 : i32
    %dma_wait3A_567 = tpu.memref_slice %arg31[%dma_wait3A_565, %dma_wait3A_566] : memref<16x112xi32, #tpu.memory_space<vmem>> -> memref<1x104xi32, #tpu.memory_space<vmem>>
    %dma_wait3A_568 = tpu.memref_squeeze %dma_wait3A_567 : memref<1x104xi32, #tpu.memory_space<vmem>> -> memref<104xi32, #tpu.memory_space<vmem>>
    %dma_wait3A_569 = arith.constant 0 : i32
    %dma_wait3A_570 = arith.constant 0 : i32
    %dma_wait3A_571 = tpu.memref_slice %arg7[%dma_wait3A_569, %dma_wait3A_570] : memref<204800x128xf32, #tpu.memory_space<hbm>> -> memref<204800x128xf32, #tpu.memory_space<hbm>>
    tpu.wait_indirect_dma semaphore(%arg41 : memref<!tpu.dma_semaphore, #tpu.memory_space<semaphore_mem>>) src(%dma_wait3A_571 : memref<204800x128xf32, #tpu.memory_space<hbm>>) dst(%arg34 : memref<104x128xf32, #tpu.memory_space<vmem>>)
    %add3A_572 = arith.constant 16 : i32
    %add3A_573 = arith.addi %mul3A_2, %add3A_572 : i32
    "tpu.region"() ({
      %run_scoped3A = tpu.sem_alloc : memref<!tpu.dma_semaphore, #tpu.memory_space<semaphore_mem>>
      %dma_start3A_870 = arith.constant 0 : i32
      %dma_start3A_871 = arith.constant 0 : i32
      %dma_start3A_872 = tpu.memref_slice %arg34[%dma_start3A_870, %dma_start3A_871] : memref<104x128xf32, #tpu.memory_space<vmem>> -> memref<50x128xf32, #tpu.memory_space<vmem>>
      %dma_start3A_873 = arith.constant 0 : i32
      %dma_start3A_874 = arith.constant 0 : i32
      %dma_start3A_875 = tpu.memref_slice %arg15[%dma_start3A_873, %add3A_573, %dma_start3A_874] : memref<50x1024x128xf32, #tpu.memory_space<hbm>> -> memref<50x1x128xf32, #tpu.memory_space<hbm>>
      %dma_start3A_876 = tpu.memref_squeeze %dma_start3A_875 : memref<50x1x128xf32, #tpu.memory_space<hbm>> -> memref<50x128xf32, #tpu.memory_space<hbm>>
      %dma_start3A_877 = arith.constant 0 : i32
      %dma_start3A_878 = arith.constant 0 : i32
      %dma_start3A_879 = tpu.memref_slice %arg15[%dma_start3A_877, %add3A_573, %dma_start3A_878] : memref<50x1024x128xf32, #tpu.memory_space<hbm>> -> memref<50x1x128xf32, #tpu.memory_space<hbm>>
      %dma_start3A_880 = tpu.memref_squeeze %dma_start3A_879 : memref<50x1x128xf32, #tpu.memory_space<hbm>> -> memref<50x128xf32, #tpu.memory_space<hbm>>
      %dma_start3A_881 = arith.constant 0 : i32
      %dma_start3A_882 = arith.constant 0 : i32
      %dma_start3A_883 = tpu.memref_slice %arg34[%dma_start3A_881, %dma_start3A_882] : memref<104x128xf32, #tpu.memory_space<vmem>> -> memref<50x128xf32, #tpu.memory_space<vmem>>
      tpu.enqueue_dma source(%dma_start3A_883 : memref<50x128xf32, #tpu.memory_space<vmem>>) target(%dma_start3A_880 : memref<50x128xf32, #tpu.memory_space<hbm>>) target_semaphore(%run_scoped3A : memref<!tpu.dma_semaphore, #tpu.memory_space<semaphore_mem>>)
      %dma_wait3A_884 = arith.constant 0 : i32
      %dma_wait3A_885 = arith.constant 0 : i32
      %dma_wait3A_886 = tpu.memref_slice %arg34[%dma_wait3A_884, %dma_wait3A_885] : memref<104x128xf32, #tpu.memory_space<vmem>> -> memref<50x128xf32, #tpu.memory_space<vmem>>
      %dma_wait3A_887 = arith.constant 0 : i32
      %dma_wait3A_888 = arith.constant 0 : i32
      %dma_wait3A_889 = tpu.memref_slice %arg15[%dma_wait3A_887, %add3A_573, %dma_wait3A_888] : memref<50x1024x128xf32, #tpu.memory_space<hbm>> -> memref<50x1x128xf32, #tpu.memory_space<hbm>>
      %dma_wait3A_890 = tpu.memref_squeeze %dma_wait3A_889 : memref<50x1x128xf32, #tpu.memory_space<hbm>> -> memref<50x128xf32, #tpu.memory_space<hbm>>
      %dma_wait3A_891 = arith.constant 0 : i32
      %dma_wait3A_892 = arith.constant 0 : i32
      %dma_wait3A_893 = tpu.memref_slice %arg15[%dma_wait3A_891, %add3A_573, %dma_wait3A_892] : memref<50x1024x128xf32, #tpu.memory_space<hbm>> -> memref<50x1x128xf32, #tpu.memory_space<hbm>>
      %dma_wait3A_894 = tpu.memref_squeeze %dma_wait3A_893 : memref<50x1x128xf32, #tpu.memory_space<hbm>> -> memref<50x128xf32, #tpu.memory_space<hbm>>
      %dma_wait3A_895 = arith.constant 0 : i32
      %dma_wait3A_896 = arith.constant 0 : i32
      %dma_wait3A_897 = tpu.memref_slice %arg34[%dma_wait3A_895, %dma_wait3A_896] : memref<104x128xf32, #tpu.memory_space<vmem>> -> memref<50x128xf32, #tpu.memory_space<vmem>>
      tpu.wait_dma2 semaphore(%run_scoped3A : memref<!tpu.dma_semaphore, #tpu.memory_space<semaphore_mem>>) src(%dma_wait3A_897 : memref<50x128xf32, #tpu.memory_space<vmem>>) dst(%dma_wait3A_894 : memref<50x128xf32, #tpu.memory_space<hbm>>)
      tpu.yield
    }) : () -> ()
    %add3A_574 = arith.constant 1 : i32
    %add3A_575 = arith.addi %add3A_573, %add3A_574 : i32
    "tpu.region"() ({
      %run_scoped3A = tpu.sem_alloc : memref<!tpu.dma_semaphore, #tpu.memory_space<semaphore_mem>>
      %dma_start3A_870 = arith.constant 50 : i32
      %dma_start3A_871 = arith.constant 0 : i32
      %dma_start3A_872 = tpu.memref_slice %arg34[%dma_start3A_870, %dma_start3A_871] : memref<104x128xf32, #tpu.memory_space<vmem>> -> memref<50x128xf32, #tpu.memory_space<vmem>>
      %dma_start3A_873 = arith.constant 0 : i32
      %dma_start3A_874 = arith.constant 0 : i32
      %dma_start3A_875 = tpu.memref_slice %arg15[%dma_start3A_873, %add3A_575, %dma_start3A_874] : memref<50x1024x128xf32, #tpu.memory_space<hbm>> -> memref<50x1x128xf32, #tpu.memory_space<hbm>>
      %dma_start3A_876 = tpu.memref_squeeze %dma_start3A_875 : memref<50x1x128xf32, #tpu.memory_space<hbm>> -> memref<50x128xf32, #tpu.memory_space<hbm>>
      %dma_start3A_877 = arith.constant 0 : i32
      %dma_start3A_878 = arith.constant 0 : i32
      %dma_start3A_879 = tpu.memref_slice %arg15[%dma_start3A_877, %add3A_575, %dma_start3A_878] : memref<50x1024x128xf32, #tpu.memory_space<hbm>> -> memref<50x1x128xf32, #tpu.memory_space<hbm>>
      %dma_start3A_880 = tpu.memref_squeeze %dma_start3A_879 : memref<50x1x128xf32, #tpu.memory_space<hbm>> -> memref<50x128xf32, #tpu.memory_space<hbm>>
      %dma_start3A_881 = arith.constant 50 : i32
      %dma_start3A_882 = arith.constant 0 : i32
      %dma_start3A_883 = tpu.memref_slice %arg34[%dma_start3A_881, %dma_start3A_882] : memref<104x128xf32, #tpu.memory_space<vmem>> -> memref<50x128xf32, #tpu.memory_space<vmem>>
      tpu.enqueue_dma source(%dma_start3A_883 : memref<50x128xf32, #tpu.memory_space<vmem>>) target(%dma_start3A_880 : memref<50x128xf32, #tpu.memory_space<hbm>>) target_semaphore(%run_scoped3A : memref<!tpu.dma_semaphore, #tpu.memory_space<semaphore_mem>>)
      %dma_wait3A_884 = arith.constant 50 : i32
      %dma_wait3A_885 = arith.constant 0 : i32
      %dma_wait3A_886 = tpu.memref_slice %arg34[%dma_wait3A_884, %dma_wait3A_885] : memref<104x128xf32, #tpu.memory_space<vmem>> -> memref<50x128xf32, #tpu.memory_space<vmem>>
      %dma_wait3A_887 = arith.constant 0 : i32
      %dma_wait3A_888 = arith.constant 0 : i32
      %dma_wait3A_889 = tpu.memref_slice %arg15[%dma_wait3A_887, %add3A_575, %dma_wait3A_888] : memref<50x1024x128xf32, #tpu.memory_space<hbm>> -> memref<50x1x128xf32, #tpu.memory_space<hbm>>
      %dma_wait3A_890 = tpu.memref_squeeze %dma_wait3A_889 : memref<50x1x128xf32, #tpu.memory_space<hbm>> -> memref<50x128xf32, #tpu.memory_space<hbm>>
      %dma_wait3A_891 = arith.constant 0 : i32
      %dma_wait3A_892 = arith.constant 0 : i32
      %dma_wait3A_893 = tpu.memref_slice %arg15[%dma_wait3A_891, %add3A_575, %dma_wait3A_892] : memref<50x1024x128xf32, #tpu.memory_space<hbm>> -> memref<50x1x128xf32, #tpu.memory_space<hbm>>
      %dma_wait3A_894 = tpu.memref_squeeze %dma_wait3A_893 : memref<50x1x128xf32, #tpu.memory_space<hbm>> -> memref<50x128xf32, #tpu.memory_space<hbm>>
      %dma_wait3A_895 = arith.constant 50 : i32
      %dma_wait3A_896 = arith.constant 0 : i32
      %dma_wait3A_897 = tpu.memref_slice %arg34[%dma_wait3A_895, %dma_wait3A_896] : memref<104x128xf32, #tpu.memory_space<vmem>> -> memref<50x128xf32, #tpu.memory_space<vmem>>
      tpu.wait_dma2 semaphore(%run_scoped3A : memref<!tpu.dma_semaphore, #tpu.memory_space<semaphore_mem>>) src(%dma_wait3A_897 : memref<50x128xf32, #tpu.memory_space<vmem>>) dst(%dma_wait3A_894 : memref<50x128xf32, #tpu.memory_space<hbm>>)
      tpu.yield
    }) : () -> ()
    %dma_start3A_576 = arith.constant 10 : i32
    %dma_start3A_577 = arith.constant 0 : i32
    %dma_start3A_578 = tpu.memref_slice %arg31[%dma_start3A_576, %dma_start3A_577] : memref<16x112xi32, #tpu.memory_space<vmem>> -> memref<1x104xi32, #tpu.memory_space<vmem>>
    %dma_start3A_579 = tpu.memref_squeeze %dma_start3A_578 : memref<1x104xi32, #tpu.memory_space<vmem>> -> memref<104xi32, #tpu.memory_space<vmem>>
    %dma_start3A_580 = arith.constant 0 : i32
    %dma_start3A_581 = arith.constant 0 : i32
    %dma_start3A_582 = tpu.memref_slice %arg7[%dma_start3A_580, %dma_start3A_581] : memref<204800x128xf32, #tpu.memory_space<hbm>> -> memref<204800x128xf32, #tpu.memory_space<hbm>>
    tpu.enqueue_indirect_dma source(%dma_start3A_582 : memref<204800x128xf32, #tpu.memory_space<hbm>>) target(%arg34 : memref<104x128xf32, #tpu.memory_space<vmem>>) offsets(%dma_start3A_579 : memref<104xi32, #tpu.memory_space<vmem>>) semaphore(%arg41 : memref<!tpu.dma_semaphore, #tpu.memory_space<semaphore_mem>>)
    %dma_wait3A_583 = arith.constant 9 : i32
    %dma_wait3A_584 = arith.constant 0 : i32
    %dma_wait3A_585 = tpu.memref_slice %arg31[%dma_wait3A_583, %dma_wait3A_584] : memref<16x112xi32, #tpu.memory_space<vmem>> -> memref<1x104xi32, #tpu.memory_space<vmem>>
    %dma_wait3A_586 = tpu.memref_squeeze %dma_wait3A_585 : memref<1x104xi32, #tpu.memory_space<vmem>> -> memref<104xi32, #tpu.memory_space<vmem>>
    %dma_wait3A_587 = arith.constant 0 : i32
    %dma_wait3A_588 = arith.constant 0 : i32
    %dma_wait3A_589 = tpu.memref_slice %arg7[%dma_wait3A_587, %dma_wait3A_588] : memref<204800x128xf32, #tpu.memory_space<hbm>> -> memref<204800x128xf32, #tpu.memory_space<hbm>>
    tpu.wait_indirect_dma semaphore(%arg42 : memref<!tpu.dma_semaphore, #tpu.memory_space<semaphore_mem>>) src(%dma_wait3A_589 : memref<204800x128xf32, #tpu.memory_space<hbm>>) dst(%arg35 : memref<104x128xf32, #tpu.memory_space<vmem>>)
    %add3A_590 = arith.constant 18 : i32
    %add3A_591 = arith.addi %mul3A_2, %add3A_590 : i32
    "tpu.region"() ({
      %run_scoped3A = tpu.sem_alloc : memref<!tpu.dma_semaphore, #tpu.memory_space<semaphore_mem>>
      %dma_start3A_870 = arith.constant 0 : i32
      %dma_start3A_871 = arith.constant 0 : i32
      %dma_start3A_872 = tpu.memref_slice %arg35[%dma_start3A_870, %dma_start3A_871] : memref<104x128xf32, #tpu.memory_space<vmem>> -> memref<50x128xf32, #tpu.memory_space<vmem>>
      %dma_start3A_873 = arith.constant 0 : i32
      %dma_start3A_874 = arith.constant 0 : i32
      %dma_start3A_875 = tpu.memref_slice %arg15[%dma_start3A_873, %add3A_591, %dma_start3A_874] : memref<50x1024x128xf32, #tpu.memory_space<hbm>> -> memref<50x1x128xf32, #tpu.memory_space<hbm>>
      %dma_start3A_876 = tpu.memref_squeeze %dma_start3A_875 : memref<50x1x128xf32, #tpu.memory_space<hbm>> -> memref<50x128xf32, #tpu.memory_space<hbm>>
      %dma_start3A_877 = arith.constant 0 : i32
      %dma_start3A_878 = arith.constant 0 : i32
      %dma_start3A_879 = tpu.memref_slice %arg15[%dma_start3A_877, %add3A_591, %dma_start3A_878] : memref<50x1024x128xf32, #tpu.memory_space<hbm>> -> memref<50x1x128xf32, #tpu.memory_space<hbm>>
      %dma_start3A_880 = tpu.memref_squeeze %dma_start3A_879 : memref<50x1x128xf32, #tpu.memory_space<hbm>> -> memref<50x128xf32, #tpu.memory_space<hbm>>
      %dma_start3A_881 = arith.constant 0 : i32
      %dma_start3A_882 = arith.constant 0 : i32
      %dma_start3A_883 = tpu.memref_slice %arg35[%dma_start3A_881, %dma_start3A_882] : memref<104x128xf32, #tpu.memory_space<vmem>> -> memref<50x128xf32, #tpu.memory_space<vmem>>
      tpu.enqueue_dma source(%dma_start3A_883 : memref<50x128xf32, #tpu.memory_space<vmem>>) target(%dma_start3A_880 : memref<50x128xf32, #tpu.memory_space<hbm>>) target_semaphore(%run_scoped3A : memref<!tpu.dma_semaphore, #tpu.memory_space<semaphore_mem>>)
      %dma_wait3A_884 = arith.constant 0 : i32
      %dma_wait3A_885 = arith.constant 0 : i32
      %dma_wait3A_886 = tpu.memref_slice %arg35[%dma_wait3A_884, %dma_wait3A_885] : memref<104x128xf32, #tpu.memory_space<vmem>> -> memref<50x128xf32, #tpu.memory_space<vmem>>
      %dma_wait3A_887 = arith.constant 0 : i32
      %dma_wait3A_888 = arith.constant 0 : i32
      %dma_wait3A_889 = tpu.memref_slice %arg15[%dma_wait3A_887, %add3A_591, %dma_wait3A_888] : memref<50x1024x128xf32, #tpu.memory_space<hbm>> -> memref<50x1x128xf32, #tpu.memory_space<hbm>>
      %dma_wait3A_890 = tpu.memref_squeeze %dma_wait3A_889 : memref<50x1x128xf32, #tpu.memory_space<hbm>> -> memref<50x128xf32, #tpu.memory_space<hbm>>
      %dma_wait3A_891 = arith.constant 0 : i32
      %dma_wait3A_892 = arith.constant 0 : i32
      %dma_wait3A_893 = tpu.memref_slice %arg15[%dma_wait3A_891, %add3A_591, %dma_wait3A_892] : memref<50x1024x128xf32, #tpu.memory_space<hbm>> -> memref<50x1x128xf32, #tpu.memory_space<hbm>>
      %dma_wait3A_894 = tpu.memref_squeeze %dma_wait3A_893 : memref<50x1x128xf32, #tpu.memory_space<hbm>> -> memref<50x128xf32, #tpu.memory_space<hbm>>
      %dma_wait3A_895 = arith.constant 0 : i32
      %dma_wait3A_896 = arith.constant 0 : i32
      %dma_wait3A_897 = tpu.memref_slice %arg35[%dma_wait3A_895, %dma_wait3A_896] : memref<104x128xf32, #tpu.memory_space<vmem>> -> memref<50x128xf32, #tpu.memory_space<vmem>>
      tpu.wait_dma2 semaphore(%run_scoped3A : memref<!tpu.dma_semaphore, #tpu.memory_space<semaphore_mem>>) src(%dma_wait3A_897 : memref<50x128xf32, #tpu.memory_space<vmem>>) dst(%dma_wait3A_894 : memref<50x128xf32, #tpu.memory_space<hbm>>)
      tpu.yield
    }) : () -> ()
    %add3A_592 = arith.constant 1 : i32
    %add3A_593 = arith.addi %add3A_591, %add3A_592 : i32
    "tpu.region"() ({
      %run_scoped3A = tpu.sem_alloc : memref<!tpu.dma_semaphore, #tpu.memory_space<semaphore_mem>>
      %dma_start3A_870 = arith.constant 50 : i32
      %dma_start3A_871 = arith.constant 0 : i32
      %dma_start3A_872 = tpu.memref_slice %arg35[%dma_start3A_870, %dma_start3A_871] : memref<104x128xf32, #tpu.memory_space<vmem>> -> memref<50x128xf32, #tpu.memory_space<vmem>>
      %dma_start3A_873 = arith.constant 0 : i32
      %dma_start3A_874 = arith.constant 0 : i32
      %dma_start3A_875 = tpu.memref_slice %arg15[%dma_start3A_873, %add3A_593, %dma_start3A_874] : memref<50x1024x128xf32, #tpu.memory_space<hbm>> -> memref<50x1x128xf32, #tpu.memory_space<hbm>>
      %dma_start3A_876 = tpu.memref_squeeze %dma_start3A_875 : memref<50x1x128xf32, #tpu.memory_space<hbm>> -> memref<50x128xf32, #tpu.memory_space<hbm>>
      %dma_start3A_877 = arith.constant 0 : i32
      %dma_start3A_878 = arith.constant 0 : i32
      %dma_start3A_879 = tpu.memref_slice %arg15[%dma_start3A_877, %add3A_593, %dma_start3A_878] : memref<50x1024x128xf32, #tpu.memory_space<hbm>> -> memref<50x1x128xf32, #tpu.memory_space<hbm>>
      %dma_start3A_880 = tpu.memref_squeeze %dma_start3A_879 : memref<50x1x128xf32, #tpu.memory_space<hbm>> -> memref<50x128xf32, #tpu.memory_space<hbm>>
      %dma_start3A_881 = arith.constant 50 : i32
      %dma_start3A_882 = arith.constant 0 : i32
      %dma_start3A_883 = tpu.memref_slice %arg35[%dma_start3A_881, %dma_start3A_882] : memref<104x128xf32, #tpu.memory_space<vmem>> -> memref<50x128xf32, #tpu.memory_space<vmem>>
      tpu.enqueue_dma source(%dma_start3A_883 : memref<50x128xf32, #tpu.memory_space<vmem>>) target(%dma_start3A_880 : memref<50x128xf32, #tpu.memory_space<hbm>>) target_semaphore(%run_scoped3A : memref<!tpu.dma_semaphore, #tpu.memory_space<semaphore_mem>>)
      %dma_wait3A_884 = arith.constant 50 : i32
      %dma_wait3A_885 = arith.constant 0 : i32
      %dma_wait3A_886 = tpu.memref_slice %arg35[%dma_wait3A_884, %dma_wait3A_885] : memref<104x128xf32, #tpu.memory_space<vmem>> -> memref<50x128xf32, #tpu.memory_space<vmem>>
      %dma_wait3A_887 = arith.constant 0 : i32
      %dma_wait3A_888 = arith.constant 0 : i32
      %dma_wait3A_889 = tpu.memref_slice %arg15[%dma_wait3A_887, %add3A_593, %dma_wait3A_888] : memref<50x1024x128xf32, #tpu.memory_space<hbm>> -> memref<50x1x128xf32, #tpu.memory_space<hbm>>
      %dma_wait3A_890 = tpu.memref_squeeze %dma_wait3A_889 : memref<50x1x128xf32, #tpu.memory_space<hbm>> -> memref<50x128xf32, #tpu.memory_space<hbm>>
      %dma_wait3A_891 = arith.constant 0 : i32
      %dma_wait3A_892 = arith.constant 0 : i32
      %dma_wait3A_893 = tpu.memref_slice %arg15[%dma_wait3A_891, %add3A_593, %dma_wait3A_892] : memref<50x1024x128xf32, #tpu.memory_space<hbm>> -> memref<50x1x128xf32, #tpu.memory_space<hbm>>
      %dma_wait3A_894 = tpu.memref_squeeze %dma_wait3A_893 : memref<50x1x128xf32, #tpu.memory_space<hbm>> -> memref<50x128xf32, #tpu.memory_space<hbm>>
      %dma_wait3A_895 = arith.constant 50 : i32
      %dma_wait3A_896 = arith.constant 0 : i32
      %dma_wait3A_897 = tpu.memref_slice %arg35[%dma_wait3A_895, %dma_wait3A_896] : memref<104x128xf32, #tpu.memory_space<vmem>> -> memref<50x128xf32, #tpu.memory_space<vmem>>
      tpu.wait_dma2 semaphore(%run_scoped3A : memref<!tpu.dma_semaphore, #tpu.memory_space<semaphore_mem>>) src(%dma_wait3A_897 : memref<50x128xf32, #tpu.memory_space<vmem>>) dst(%dma_wait3A_894 : memref<50x128xf32, #tpu.memory_space<hbm>>)
      tpu.yield
    }) : () -> ()
    %dma_start3A_594 = arith.constant 11 : i32
    %dma_start3A_595 = arith.constant 0 : i32
    %dma_start3A_596 = tpu.memref_slice %arg31[%dma_start3A_594, %dma_start3A_595] : memref<16x112xi32, #tpu.memory_space<vmem>> -> memref<1x104xi32, #tpu.memory_space<vmem>>
    %dma_start3A_597 = tpu.memref_squeeze %dma_start3A_596 : memref<1x104xi32, #tpu.memory_space<vmem>> -> memref<104xi32, #tpu.memory_space<vmem>>
    %dma_start3A_598 = arith.constant 0 : i32
    %dma_start3A_599 = arith.constant 0 : i32
    %dma_start3A_600 = tpu.memref_slice %arg7[%dma_start3A_598, %dma_start3A_599] : memref<204800x128xf32, #tpu.memory_space<hbm>> -> memref<204800x128xf32, #tpu.memory_space<hbm>>
    tpu.enqueue_indirect_dma source(%dma_start3A_600 : memref<204800x128xf32, #tpu.memory_space<hbm>>) target(%arg35 : memref<104x128xf32, #tpu.memory_space<vmem>>) offsets(%dma_start3A_597 : memref<104xi32, #tpu.memory_space<vmem>>) semaphore(%arg42 : memref<!tpu.dma_semaphore, #tpu.memory_space<semaphore_mem>>)
    %dma_wait3A_601 = arith.constant 10 : i32
    %dma_wait3A_602 = arith.constant 0 : i32
    %dma_wait3A_603 = tpu.memref_slice %arg31[%dma_wait3A_601, %dma_wait3A_602] : memref<16x112xi32, #tpu.memory_space<vmem>> -> memref<1x104xi32, #tpu.memory_space<vmem>>
    %dma_wait3A_604 = tpu.memref_squeeze %dma_wait3A_603 : memref<1x104xi32, #tpu.memory_space<vmem>> -> memref<104xi32, #tpu.memory_space<vmem>>
    %dma_wait3A_605 = arith.constant 0 : i32
    %dma_wait3A_606 = arith.constant 0 : i32
    %dma_wait3A_607 = tpu.memref_slice %arg7[%dma_wait3A_605, %dma_wait3A_606] : memref<204800x128xf32, #tpu.memory_space<hbm>> -> memref<204800x128xf32, #tpu.memory_space<hbm>>
    tpu.wait_indirect_dma semaphore(%arg41 : memref<!tpu.dma_semaphore, #tpu.memory_space<semaphore_mem>>) src(%dma_wait3A_607 : memref<204800x128xf32, #tpu.memory_space<hbm>>) dst(%arg34 : memref<104x128xf32, #tpu.memory_space<vmem>>)
    %add3A_608 = arith.constant 20 : i32
    %add3A_609 = arith.addi %mul3A_2, %add3A_608 : i32
    "tpu.region"() ({
      %run_scoped3A = tpu.sem_alloc : memref<!tpu.dma_semaphore, #tpu.memory_space<semaphore_mem>>
      %dma_start3A_870 = arith.constant 0 : i32
      %dma_start3A_871 = arith.constant 0 : i32
      %dma_start3A_872 = tpu.memref_slice %arg34[%dma_start3A_870, %dma_start3A_871] : memref<104x128xf32, #tpu.memory_space<vmem>> -> memref<50x128xf32, #tpu.memory_space<vmem>>
      %dma_start3A_873 = arith.constant 0 : i32
      %dma_start3A_874 = arith.constant 0 : i32
      %dma_start3A_875 = tpu.memref_slice %arg15[%dma_start3A_873, %add3A_609, %dma_start3A_874] : memref<50x1024x128xf32, #tpu.memory_space<hbm>> -> memref<50x1x128xf32, #tpu.memory_space<hbm>>
      %dma_start3A_876 = tpu.memref_squeeze %dma_start3A_875 : memref<50x1x128xf32, #tpu.memory_space<hbm>> -> memref<50x128xf32, #tpu.memory_space<hbm>>
      %dma_start3A_877 = arith.constant 0 : i32
      %dma_start3A_878 = arith.constant 0 : i32
      %dma_start3A_879 = tpu.memref_slice %arg15[%dma_start3A_877, %add3A_609, %dma_start3A_878] : memref<50x1024x128xf32, #tpu.memory_space<hbm>> -> memref<50x1x128xf32, #tpu.memory_space<hbm>>
      %dma_start3A_880 = tpu.memref_squeeze %dma_start3A_879 : memref<50x1x128xf32, #tpu.memory_space<hbm>> -> memref<50x128xf32, #tpu.memory_space<hbm>>
      %dma_start3A_881 = arith.constant 0 : i32
      %dma_start3A_882 = arith.constant 0 : i32
      %dma_start3A_883 = tpu.memref_slice %arg34[%dma_start3A_881, %dma_start3A_882] : memref<104x128xf32, #tpu.memory_space<vmem>> -> memref<50x128xf32, #tpu.memory_space<vmem>>
      tpu.enqueue_dma source(%dma_start3A_883 : memref<50x128xf32, #tpu.memory_space<vmem>>) target(%dma_start3A_880 : memref<50x128xf32, #tpu.memory_space<hbm>>) target_semaphore(%run_scoped3A : memref<!tpu.dma_semaphore, #tpu.memory_space<semaphore_mem>>)
      %dma_wait3A_884 = arith.constant 0 : i32
      %dma_wait3A_885 = arith.constant 0 : i32
      %dma_wait3A_886 = tpu.memref_slice %arg34[%dma_wait3A_884, %dma_wait3A_885] : memref<104x128xf32, #tpu.memory_space<vmem>> -> memref<50x128xf32, #tpu.memory_space<vmem>>
      %dma_wait3A_887 = arith.constant 0 : i32
      %dma_wait3A_888 = arith.constant 0 : i32
      %dma_wait3A_889 = tpu.memref_slice %arg15[%dma_wait3A_887, %add3A_609, %dma_wait3A_888] : memref<50x1024x128xf32, #tpu.memory_space<hbm>> -> memref<50x1x128xf32, #tpu.memory_space<hbm>>
      %dma_wait3A_890 = tpu.memref_squeeze %dma_wait3A_889 : memref<50x1x128xf32, #tpu.memory_space<hbm>> -> memref<50x128xf32, #tpu.memory_space<hbm>>
      %dma_wait3A_891 = arith.constant 0 : i32
      %dma_wait3A_892 = arith.constant 0 : i32
      %dma_wait3A_893 = tpu.memref_slice %arg15[%dma_wait3A_891, %add3A_609, %dma_wait3A_892] : memref<50x1024x128xf32, #tpu.memory_space<hbm>> -> memref<50x1x128xf32, #tpu.memory_space<hbm>>
      %dma_wait3A_894 = tpu.memref_squeeze %dma_wait3A_893 : memref<50x1x128xf32, #tpu.memory_space<hbm>> -> memref<50x128xf32, #tpu.memory_space<hbm>>
      %dma_wait3A_895 = arith.constant 0 : i32
      %dma_wait3A_896 = arith.constant 0 : i32
      %dma_wait3A_897 = tpu.memref_slice %arg34[%dma_wait3A_895, %dma_wait3A_896] : memref<104x128xf32, #tpu.memory_space<vmem>> -> memref<50x128xf32, #tpu.memory_space<vmem>>
      tpu.wait_dma2 semaphore(%run_scoped3A : memref<!tpu.dma_semaphore, #tpu.memory_space<semaphore_mem>>) src(%dma_wait3A_897 : memref<50x128xf32, #tpu.memory_space<vmem>>) dst(%dma_wait3A_894 : memref<50x128xf32, #tpu.memory_space<hbm>>)
      tpu.yield
    }) : () -> ()
    %add3A_610 = arith.constant 1 : i32
    %add3A_611 = arith.addi %add3A_609, %add3A_610 : i32
    "tpu.region"() ({
      %run_scoped3A = tpu.sem_alloc : memref<!tpu.dma_semaphore, #tpu.memory_space<semaphore_mem>>
      %dma_start3A_870 = arith.constant 50 : i32
      %dma_start3A_871 = arith.constant 0 : i32
      %dma_start3A_872 = tpu.memref_slice %arg34[%dma_start3A_870, %dma_start3A_871] : memref<104x128xf32, #tpu.memory_space<vmem>> -> memref<50x128xf32, #tpu.memory_space<vmem>>
      %dma_start3A_873 = arith.constant 0 : i32
      %dma_start3A_874 = arith.constant 0 : i32
      %dma_start3A_875 = tpu.memref_slice %arg15[%dma_start3A_873, %add3A_611, %dma_start3A_874] : memref<50x1024x128xf32, #tpu.memory_space<hbm>> -> memref<50x1x128xf32, #tpu.memory_space<hbm>>
      %dma_start3A_876 = tpu.memref_squeeze %dma_start3A_875 : memref<50x1x128xf32, #tpu.memory_space<hbm>> -> memref<50x128xf32, #tpu.memory_space<hbm>>
      %dma_start3A_877 = arith.constant 0 : i32
      %dma_start3A_878 = arith.constant 0 : i32
      %dma_start3A_879 = tpu.memref_slice %arg15[%dma_start3A_877, %add3A_611, %dma_start3A_878] : memref<50x1024x128xf32, #tpu.memory_space<hbm>> -> memref<50x1x128xf32, #tpu.memory_space<hbm>>
      %dma_start3A_880 = tpu.memref_squeeze %dma_start3A_879 : memref<50x1x128xf32, #tpu.memory_space<hbm>> -> memref<50x128xf32, #tpu.memory_space<hbm>>
      %dma_start3A_881 = arith.constant 50 : i32
      %dma_start3A_882 = arith.constant 0 : i32
      %dma_start3A_883 = tpu.memref_slice %arg34[%dma_start3A_881, %dma_start3A_882] : memref<104x128xf32, #tpu.memory_space<vmem>> -> memref<50x128xf32, #tpu.memory_space<vmem>>
      tpu.enqueue_dma source(%dma_start3A_883 : memref<50x128xf32, #tpu.memory_space<vmem>>) target(%dma_start3A_880 : memref<50x128xf32, #tpu.memory_space<hbm>>) target_semaphore(%run_scoped3A : memref<!tpu.dma_semaphore, #tpu.memory_space<semaphore_mem>>)
      %dma_wait3A_884 = arith.constant 50 : i32
      %dma_wait3A_885 = arith.constant 0 : i32
      %dma_wait3A_886 = tpu.memref_slice %arg34[%dma_wait3A_884, %dma_wait3A_885] : memref<104x128xf32, #tpu.memory_space<vmem>> -> memref<50x128xf32, #tpu.memory_space<vmem>>
      %dma_wait3A_887 = arith.constant 0 : i32
      %dma_wait3A_888 = arith.constant 0 : i32
      %dma_wait3A_889 = tpu.memref_slice %arg15[%dma_wait3A_887, %add3A_611, %dma_wait3A_888] : memref<50x1024x128xf32, #tpu.memory_space<hbm>> -> memref<50x1x128xf32, #tpu.memory_space<hbm>>
      %dma_wait3A_890 = tpu.memref_squeeze %dma_wait3A_889 : memref<50x1x128xf32, #tpu.memory_space<hbm>> -> memref<50x128xf32, #tpu.memory_space<hbm>>
      %dma_wait3A_891 = arith.constant 0 : i32
      %dma_wait3A_892 = arith.constant 0 : i32
      %dma_wait3A_893 = tpu.memref_slice %arg15[%dma_wait3A_891, %add3A_611, %dma_wait3A_892] : memref<50x1024x128xf32, #tpu.memory_space<hbm>> -> memref<50x1x128xf32, #tpu.memory_space<hbm>>
      %dma_wait3A_894 = tpu.memref_squeeze %dma_wait3A_893 : memref<50x1x128xf32, #tpu.memory_space<hbm>> -> memref<50x128xf32, #tpu.memory_space<hbm>>
      %dma_wait3A_895 = arith.constant 50 : i32
      %dma_wait3A_896 = arith.constant 0 : i32
      %dma_wait3A_897 = tpu.memref_slice %arg34[%dma_wait3A_895, %dma_wait3A_896] : memref<104x128xf32, #tpu.memory_space<vmem>> -> memref<50x128xf32, #tpu.memory_space<vmem>>
      tpu.wait_dma2 semaphore(%run_scoped3A : memref<!tpu.dma_semaphore, #tpu.memory_space<semaphore_mem>>) src(%dma_wait3A_897 : memref<50x128xf32, #tpu.memory_space<vmem>>) dst(%dma_wait3A_894 : memref<50x128xf32, #tpu.memory_space<hbm>>)
      tpu.yield
    }) : () -> ()
    %dma_start3A_612 = arith.constant 12 : i32
    %dma_start3A_613 = arith.constant 0 : i32
    %dma_start3A_614 = tpu.memref_slice %arg31[%dma_start3A_612, %dma_start3A_613] : memref<16x112xi32, #tpu.memory_space<vmem>> -> memref<1x104xi32, #tpu.memory_space<vmem>>
    %dma_start3A_615 = tpu.memref_squeeze %dma_start3A_614 : memref<1x104xi32, #tpu.memory_space<vmem>> -> memref<104xi32, #tpu.memory_space<vmem>>
    %dma_start3A_616 = arith.constant 0 : i32
    %dma_start3A_617 = arith.constant 0 : i32
    %dma_start3A_618 = tpu.memref_slice %arg7[%dma_start3A_616, %dma_start3A_617] : memref<204800x128xf32, #tpu.memory_space<hbm>> -> memref<204800x128xf32, #tpu.memory_space<hbm>>
    tpu.enqueue_indirect_dma source(%dma_start3A_618 : memref<204800x128xf32, #tpu.memory_space<hbm>>) target(%arg34 : memref<104x128xf32, #tpu.memory_space<vmem>>) offsets(%dma_start3A_615 : memref<104xi32, #tpu.memory_space<vmem>>) semaphore(%arg41 : memref<!tpu.dma_semaphore, #tpu.memory_space<semaphore_mem>>)
    %dma_wait3A_619 = arith.constant 11 : i32
    %dma_wait3A_620 = arith.constant 0 : i32
    %dma_wait3A_621 = tpu.memref_slice %arg31[%dma_wait3A_619, %dma_wait3A_620] : memref<16x112xi32, #tpu.memory_space<vmem>> -> memref<1x104xi32, #tpu.memory_space<vmem>>
    %dma_wait3A_622 = tpu.memref_squeeze %dma_wait3A_621 : memref<1x104xi32, #tpu.memory_space<vmem>> -> memref<104xi32, #tpu.memory_space<vmem>>
    %dma_wait3A_623 = arith.constant 0 : i32
    %dma_wait3A_624 = arith.constant 0 : i32
    %dma_wait3A_625 = tpu.memref_slice %arg7[%dma_wait3A_623, %dma_wait3A_624] : memref<204800x128xf32, #tpu.memory_space<hbm>> -> memref<204800x128xf32, #tpu.memory_space<hbm>>
    tpu.wait_indirect_dma semaphore(%arg42 : memref<!tpu.dma_semaphore, #tpu.memory_space<semaphore_mem>>) src(%dma_wait3A_625 : memref<204800x128xf32, #tpu.memory_space<hbm>>) dst(%arg35 : memref<104x128xf32, #tpu.memory_space<vmem>>)
    %add3A_626 = arith.constant 22 : i32
    %add3A_627 = arith.addi %mul3A_2, %add3A_626 : i32
    "tpu.region"() ({
      %run_scoped3A = tpu.sem_alloc : memref<!tpu.dma_semaphore, #tpu.memory_space<semaphore_mem>>
      %dma_start3A_870 = arith.constant 0 : i32
      %dma_start3A_871 = arith.constant 0 : i32
      %dma_start3A_872 = tpu.memref_slice %arg35[%dma_start3A_870, %dma_start3A_871] : memref<104x128xf32, #tpu.memory_space<vmem>> -> memref<50x128xf32, #tpu.memory_space<vmem>>
      %dma_start3A_873 = arith.constant 0 : i32
      %dma_start3A_874 = arith.constant 0 : i32
      %dma_start3A_875 = tpu.memref_slice %arg15[%dma_start3A_873, %add3A_627, %dma_start3A_874] : memref<50x1024x128xf32, #tpu.memory_space<hbm>> -> memref<50x1x128xf32, #tpu.memory_space<hbm>>
      %dma_start3A_876 = tpu.memref_squeeze %dma_start3A_875 : memref<50x1x128xf32, #tpu.memory_space<hbm>> -> memref<50x128xf32, #tpu.memory_space<hbm>>
      %dma_start3A_877 = arith.constant 0 : i32
      %dma_start3A_878 = arith.constant 0 : i32
      %dma_start3A_879 = tpu.memref_slice %arg15[%dma_start3A_877, %add3A_627, %dma_start3A_878] : memref<50x1024x128xf32, #tpu.memory_space<hbm>> -> memref<50x1x128xf32, #tpu.memory_space<hbm>>
      %dma_start3A_880 = tpu.memref_squeeze %dma_start3A_879 : memref<50x1x128xf32, #tpu.memory_space<hbm>> -> memref<50x128xf32, #tpu.memory_space<hbm>>
      %dma_start3A_881 = arith.constant 0 : i32
      %dma_start3A_882 = arith.constant 0 : i32
      %dma_start3A_883 = tpu.memref_slice %arg35[%dma_start3A_881, %dma_start3A_882] : memref<104x128xf32, #tpu.memory_space<vmem>> -> memref<50x128xf32, #tpu.memory_space<vmem>>
      tpu.enqueue_dma source(%dma_start3A_883 : memref<50x128xf32, #tpu.memory_space<vmem>>) target(%dma_start3A_880 : memref<50x128xf32, #tpu.memory_space<hbm>>) target_semaphore(%run_scoped3A : memref<!tpu.dma_semaphore, #tpu.memory_space<semaphore_mem>>)
      %dma_wait3A_884 = arith.constant 0 : i32
      %dma_wait3A_885 = arith.constant 0 : i32
      %dma_wait3A_886 = tpu.memref_slice %arg35[%dma_wait3A_884, %dma_wait3A_885] : memref<104x128xf32, #tpu.memory_space<vmem>> -> memref<50x128xf32, #tpu.memory_space<vmem>>
      %dma_wait3A_887 = arith.constant 0 : i32
      %dma_wait3A_888 = arith.constant 0 : i32
      %dma_wait3A_889 = tpu.memref_slice %arg15[%dma_wait3A_887, %add3A_627, %dma_wait3A_888] : memref<50x1024x128xf32, #tpu.memory_space<hbm>> -> memref<50x1x128xf32, #tpu.memory_space<hbm>>
      %dma_wait3A_890 = tpu.memref_squeeze %dma_wait3A_889 : memref<50x1x128xf32, #tpu.memory_space<hbm>> -> memref<50x128xf32, #tpu.memory_space<hbm>>
      %dma_wait3A_891 = arith.constant 0 : i32
      %dma_wait3A_892 = arith.constant 0 : i32
      %dma_wait3A_893 = tpu.memref_slice %arg15[%dma_wait3A_891, %add3A_627, %dma_wait3A_892] : memref<50x1024x128xf32, #tpu.memory_space<hbm>> -> memref<50x1x128xf32, #tpu.memory_space<hbm>>
      %dma_wait3A_894 = tpu.memref_squeeze %dma_wait3A_893 : memref<50x1x128xf32, #tpu.memory_space<hbm>> -> memref<50x128xf32, #tpu.memory_space<hbm>>
      %dma_wait3A_895 = arith.constant 0 : i32
      %dma_wait3A_896 = arith.constant 0 : i32
      %dma_wait3A_897 = tpu.memref_slice %arg35[%dma_wait3A_895, %dma_wait3A_896] : memref<104x128xf32, #tpu.memory_space<vmem>> -> memref<50x128xf32, #tpu.memory_space<vmem>>
      tpu.wait_dma2 semaphore(%run_scoped3A : memref<!tpu.dma_semaphore, #tpu.memory_space<semaphore_mem>>) src(%dma_wait3A_897 : memref<50x128xf32, #tpu.memory_space<vmem>>) dst(%dma_wait3A_894 : memref<50x128xf32, #tpu.memory_space<hbm>>)
      tpu.yield
    }) : () -> ()
    %add3A_628 = arith.constant 1 : i32
    %add3A_629 = arith.addi %add3A_627, %add3A_628 : i32
    "tpu.region"() ({
      %run_scoped3A = tpu.sem_alloc : memref<!tpu.dma_semaphore, #tpu.memory_space<semaphore_mem>>
      %dma_start3A_870 = arith.constant 50 : i32
      %dma_start3A_871 = arith.constant 0 : i32
      %dma_start3A_872 = tpu.memref_slice %arg35[%dma_start3A_870, %dma_start3A_871] : memref<104x128xf32, #tpu.memory_space<vmem>> -> memref<50x128xf32, #tpu.memory_space<vmem>>
      %dma_start3A_873 = arith.constant 0 : i32
      %dma_start3A_874 = arith.constant 0 : i32
      %dma_start3A_875 = tpu.memref_slice %arg15[%dma_start3A_873, %add3A_629, %dma_start3A_874] : memref<50x1024x128xf32, #tpu.memory_space<hbm>> -> memref<50x1x128xf32, #tpu.memory_space<hbm>>
      %dma_start3A_876 = tpu.memref_squeeze %dma_start3A_875 : memref<50x1x128xf32, #tpu.memory_space<hbm>> -> memref<50x128xf32, #tpu.memory_space<hbm>>
      %dma_start3A_877 = arith.constant 0 : i32
      %dma_start3A_878 = arith.constant 0 : i32
      %dma_start3A_879 = tpu.memref_slice %arg15[%dma_start3A_877, %add3A_629, %dma_start3A_878] : memref<50x1024x128xf32, #tpu.memory_space<hbm>> -> memref<50x1x128xf32, #tpu.memory_space<hbm>>
      %dma_start3A_880 = tpu.memref_squeeze %dma_start3A_879 : memref<50x1x128xf32, #tpu.memory_space<hbm>> -> memref<50x128xf32, #tpu.memory_space<hbm>>
      %dma_start3A_881 = arith.constant 50 : i32
      %dma_start3A_882 = arith.constant 0 : i32
      %dma_start3A_883 = tpu.memref_slice %arg35[%dma_start3A_881, %dma_start3A_882] : memref<104x128xf32, #tpu.memory_space<vmem>> -> memref<50x128xf32, #tpu.memory_space<vmem>>
      tpu.enqueue_dma source(%dma_start3A_883 : memref<50x128xf32, #tpu.memory_space<vmem>>) target(%dma_start3A_880 : memref<50x128xf32, #tpu.memory_space<hbm>>) target_semaphore(%run_scoped3A : memref<!tpu.dma_semaphore, #tpu.memory_space<semaphore_mem>>)
      %dma_wait3A_884 = arith.constant 50 : i32
      %dma_wait3A_885 = arith.constant 0 : i32
      %dma_wait3A_886 = tpu.memref_slice %arg35[%dma_wait3A_884, %dma_wait3A_885] : memref<104x128xf32, #tpu.memory_space<vmem>> -> memref<50x128xf32, #tpu.memory_space<vmem>>
      %dma_wait3A_887 = arith.constant 0 : i32
      %dma_wait3A_888 = arith.constant 0 : i32
      %dma_wait3A_889 = tpu.memref_slice %arg15[%dma_wait3A_887, %add3A_629, %dma_wait3A_888] : memref<50x1024x128xf32, #tpu.memory_space<hbm>> -> memref<50x1x128xf32, #tpu.memory_space<hbm>>
      %dma_wait3A_890 = tpu.memref_squeeze %dma_wait3A_889 : memref<50x1x128xf32, #tpu.memory_space<hbm>> -> memref<50x128xf32, #tpu.memory_space<hbm>>
      %dma_wait3A_891 = arith.constant 0 : i32
      %dma_wait3A_892 = arith.constant 0 : i32
      %dma_wait3A_893 = tpu.memref_slice %arg15[%dma_wait3A_891, %add3A_629, %dma_wait3A_892] : memref<50x1024x128xf32, #tpu.memory_space<hbm>> -> memref<50x1x128xf32, #tpu.memory_space<hbm>>
      %dma_wait3A_894 = tpu.memref_squeeze %dma_wait3A_893 : memref<50x1x128xf32, #tpu.memory_space<hbm>> -> memref<50x128xf32, #tpu.memory_space<hbm>>
      %dma_wait3A_895 = arith.constant 50 : i32
      %dma_wait3A_896 = arith.constant 0 : i32
      %dma_wait3A_897 = tpu.memref_slice %arg35[%dma_wait3A_895, %dma_wait3A_896] : memref<104x128xf32, #tpu.memory_space<vmem>> -> memref<50x128xf32, #tpu.memory_space<vmem>>
      tpu.wait_dma2 semaphore(%run_scoped3A : memref<!tpu.dma_semaphore, #tpu.memory_space<semaphore_mem>>) src(%dma_wait3A_897 : memref<50x128xf32, #tpu.memory_space<vmem>>) dst(%dma_wait3A_894 : memref<50x128xf32, #tpu.memory_space<hbm>>)
      tpu.yield
    }) : () -> ()
    %dma_start3A_630 = arith.constant 13 : i32
    %dma_start3A_631 = arith.constant 0 : i32
    %dma_start3A_632 = tpu.memref_slice %arg31[%dma_start3A_630, %dma_start3A_631] : memref<16x112xi32, #tpu.memory_space<vmem>> -> memref<1x104xi32, #tpu.memory_space<vmem>>
    %dma_start3A_633 = tpu.memref_squeeze %dma_start3A_632 : memref<1x104xi32, #tpu.memory_space<vmem>> -> memref<104xi32, #tpu.memory_space<vmem>>
    %dma_start3A_634 = arith.constant 0 : i32
    %dma_start3A_635 = arith.constant 0 : i32
    %dma_start3A_636 = tpu.memref_slice %arg7[%dma_start3A_634, %dma_start3A_635] : memref<204800x128xf32, #tpu.memory_space<hbm>> -> memref<204800x128xf32, #tpu.memory_space<hbm>>
    tpu.enqueue_indirect_dma source(%dma_start3A_636 : memref<204800x128xf32, #tpu.memory_space<hbm>>) target(%arg35 : memref<104x128xf32, #tpu.memory_space<vmem>>) offsets(%dma_start3A_633 : memref<104xi32, #tpu.memory_space<vmem>>) semaphore(%arg42 : memref<!tpu.dma_semaphore, #tpu.memory_space<semaphore_mem>>)
    %dma_wait3A_637 = arith.constant 12 : i32
    %dma_wait3A_638 = arith.constant 0 : i32
    %dma_wait3A_639 = tpu.memref_slice %arg31[%dma_wait3A_637, %dma_wait3A_638] : memref<16x112xi32, #tpu.memory_space<vmem>> -> memref<1x104xi32, #tpu.memory_space<vmem>>
    %dma_wait3A_640 = tpu.memref_squeeze %dma_wait3A_639 : memref<1x104xi32, #tpu.memory_space<vmem>> -> memref<104xi32, #tpu.memory_space<vmem>>
    %dma_wait3A_641 = arith.constant 0 : i32
    %dma_wait3A_642 = arith.constant 0 : i32
    %dma_wait3A_643 = tpu.memref_slice %arg7[%dma_wait3A_641, %dma_wait3A_642] : memref<204800x128xf32, #tpu.memory_space<hbm>> -> memref<204800x128xf32, #tpu.memory_space<hbm>>
    tpu.wait_indirect_dma semaphore(%arg41 : memref<!tpu.dma_semaphore, #tpu.memory_space<semaphore_mem>>) src(%dma_wait3A_643 : memref<204800x128xf32, #tpu.memory_space<hbm>>) dst(%arg34 : memref<104x128xf32, #tpu.memory_space<vmem>>)
    %add3A_644 = arith.constant 24 : i32
    %add3A_645 = arith.addi %mul3A_2, %add3A_644 : i32
    "tpu.region"() ({
      %run_scoped3A = tpu.sem_alloc : memref<!tpu.dma_semaphore, #tpu.memory_space<semaphore_mem>>
      %dma_start3A_870 = arith.constant 0 : i32
      %dma_start3A_871 = arith.constant 0 : i32
      %dma_start3A_872 = tpu.memref_slice %arg34[%dma_start3A_870, %dma_start3A_871] : memref<104x128xf32, #tpu.memory_space<vmem>> -> memref<50x128xf32, #tpu.memory_space<vmem>>
      %dma_start3A_873 = arith.constant 0 : i32
      %dma_start3A_874 = arith.constant 0 : i32
      %dma_start3A_875 = tpu.memref_slice %arg15[%dma_start3A_873, %add3A_645, %dma_start3A_874] : memref<50x1024x128xf32, #tpu.memory_space<hbm>> -> memref<50x1x128xf32, #tpu.memory_space<hbm>>
      %dma_start3A_876 = tpu.memref_squeeze %dma_start3A_875 : memref<50x1x128xf32, #tpu.memory_space<hbm>> -> memref<50x128xf32, #tpu.memory_space<hbm>>
      %dma_start3A_877 = arith.constant 0 : i32
      %dma_start3A_878 = arith.constant 0 : i32
      %dma_start3A_879 = tpu.memref_slice %arg15[%dma_start3A_877, %add3A_645, %dma_start3A_878] : memref<50x1024x128xf32, #tpu.memory_space<hbm>> -> memref<50x1x128xf32, #tpu.memory_space<hbm>>
      %dma_start3A_880 = tpu.memref_squeeze %dma_start3A_879 : memref<50x1x128xf32, #tpu.memory_space<hbm>> -> memref<50x128xf32, #tpu.memory_space<hbm>>
      %dma_start3A_881 = arith.constant 0 : i32
      %dma_start3A_882 = arith.constant 0 : i32
      %dma_start3A_883 = tpu.memref_slice %arg34[%dma_start3A_881, %dma_start3A_882] : memref<104x128xf32, #tpu.memory_space<vmem>> -> memref<50x128xf32, #tpu.memory_space<vmem>>
      tpu.enqueue_dma source(%dma_start3A_883 : memref<50x128xf32, #tpu.memory_space<vmem>>) target(%dma_start3A_880 : memref<50x128xf32, #tpu.memory_space<hbm>>) target_semaphore(%run_scoped3A : memref<!tpu.dma_semaphore, #tpu.memory_space<semaphore_mem>>)
      %dma_wait3A_884 = arith.constant 0 : i32
      %dma_wait3A_885 = arith.constant 0 : i32
      %dma_wait3A_886 = tpu.memref_slice %arg34[%dma_wait3A_884, %dma_wait3A_885] : memref<104x128xf32, #tpu.memory_space<vmem>> -> memref<50x128xf32, #tpu.memory_space<vmem>>
      %dma_wait3A_887 = arith.constant 0 : i32
      %dma_wait3A_888 = arith.constant 0 : i32
      %dma_wait3A_889 = tpu.memref_slice %arg15[%dma_wait3A_887, %add3A_645, %dma_wait3A_888] : memref<50x1024x128xf32, #tpu.memory_space<hbm>> -> memref<50x1x128xf32, #tpu.memory_space<hbm>>
      %dma_wait3A_890 = tpu.memref_squeeze %dma_wait3A_889 : memref<50x1x128xf32, #tpu.memory_space<hbm>> -> memref<50x128xf32, #tpu.memory_space<hbm>>
      %dma_wait3A_891 = arith.constant 0 : i32
      %dma_wait3A_892 = arith.constant 0 : i32
      %dma_wait3A_893 = tpu.memref_slice %arg15[%dma_wait3A_891, %add3A_645, %dma_wait3A_892] : memref<50x1024x128xf32, #tpu.memory_space<hbm>> -> memref<50x1x128xf32, #tpu.memory_space<hbm>>
      %dma_wait3A_894 = tpu.memref_squeeze %dma_wait3A_893 : memref<50x1x128xf32, #tpu.memory_space<hbm>> -> memref<50x128xf32, #tpu.memory_space<hbm>>
      %dma_wait3A_895 = arith.constant 0 : i32
      %dma_wait3A_896 = arith.constant 0 : i32
      %dma_wait3A_897 = tpu.memref_slice %arg34[%dma_wait3A_895, %dma_wait3A_896] : memref<104x128xf32, #tpu.memory_space<vmem>> -> memref<50x128xf32, #tpu.memory_space<vmem>>
      tpu.wait_dma2 semaphore(%run_scoped3A : memref<!tpu.dma_semaphore, #tpu.memory_space<semaphore_mem>>) src(%dma_wait3A_897 : memref<50x128xf32, #tpu.memory_space<vmem>>) dst(%dma_wait3A_894 : memref<50x128xf32, #tpu.memory_space<hbm>>)
      tpu.yield
    }) : () -> ()
    %add3A_646 = arith.constant 1 : i32
    %add3A_647 = arith.addi %add3A_645, %add3A_646 : i32
    "tpu.region"() ({
      %run_scoped3A = tpu.sem_alloc : memref<!tpu.dma_semaphore, #tpu.memory_space<semaphore_mem>>
      %dma_start3A_870 = arith.constant 50 : i32
      %dma_start3A_871 = arith.constant 0 : i32
      %dma_start3A_872 = tpu.memref_slice %arg34[%dma_start3A_870, %dma_start3A_871] : memref<104x128xf32, #tpu.memory_space<vmem>> -> memref<50x128xf32, #tpu.memory_space<vmem>>
      %dma_start3A_873 = arith.constant 0 : i32
      %dma_start3A_874 = arith.constant 0 : i32
      %dma_start3A_875 = tpu.memref_slice %arg15[%dma_start3A_873, %add3A_647, %dma_start3A_874] : memref<50x1024x128xf32, #tpu.memory_space<hbm>> -> memref<50x1x128xf32, #tpu.memory_space<hbm>>
      %dma_start3A_876 = tpu.memref_squeeze %dma_start3A_875 : memref<50x1x128xf32, #tpu.memory_space<hbm>> -> memref<50x128xf32, #tpu.memory_space<hbm>>
      %dma_start3A_877 = arith.constant 0 : i32
      %dma_start3A_878 = arith.constant 0 : i32
      %dma_start3A_879 = tpu.memref_slice %arg15[%dma_start3A_877, %add3A_647, %dma_start3A_878] : memref<50x1024x128xf32, #tpu.memory_space<hbm>> -> memref<50x1x128xf32, #tpu.memory_space<hbm>>
      %dma_start3A_880 = tpu.memref_squeeze %dma_start3A_879 : memref<50x1x128xf32, #tpu.memory_space<hbm>> -> memref<50x128xf32, #tpu.memory_space<hbm>>
      %dma_start3A_881 = arith.constant 50 : i32
      %dma_start3A_882 = arith.constant 0 : i32
      %dma_start3A_883 = tpu.memref_slice %arg34[%dma_start3A_881, %dma_start3A_882] : memref<104x128xf32, #tpu.memory_space<vmem>> -> memref<50x128xf32, #tpu.memory_space<vmem>>
      tpu.enqueue_dma source(%dma_start3A_883 : memref<50x128xf32, #tpu.memory_space<vmem>>) target(%dma_start3A_880 : memref<50x128xf32, #tpu.memory_space<hbm>>) target_semaphore(%run_scoped3A : memref<!tpu.dma_semaphore, #tpu.memory_space<semaphore_mem>>)
      %dma_wait3A_884 = arith.constant 50 : i32
      %dma_wait3A_885 = arith.constant 0 : i32
      %dma_wait3A_886 = tpu.memref_slice %arg34[%dma_wait3A_884, %dma_wait3A_885] : memref<104x128xf32, #tpu.memory_space<vmem>> -> memref<50x128xf32, #tpu.memory_space<vmem>>
      %dma_wait3A_887 = arith.constant 0 : i32
      %dma_wait3A_888 = arith.constant 0 : i32
      %dma_wait3A_889 = tpu.memref_slice %arg15[%dma_wait3A_887, %add3A_647, %dma_wait3A_888] : memref<50x1024x128xf32, #tpu.memory_space<hbm>> -> memref<50x1x128xf32, #tpu.memory_space<hbm>>
      %dma_wait3A_890 = tpu.memref_squeeze %dma_wait3A_889 : memref<50x1x128xf32, #tpu.memory_space<hbm>> -> memref<50x128xf32, #tpu.memory_space<hbm>>
      %dma_wait3A_891 = arith.constant 0 : i32
      %dma_wait3A_892 = arith.constant 0 : i32
      %dma_wait3A_893 = tpu.memref_slice %arg15[%dma_wait3A_891, %add3A_647, %dma_wait3A_892] : memref<50x1024x128xf32, #tpu.memory_space<hbm>> -> memref<50x1x128xf32, #tpu.memory_space<hbm>>
      %dma_wait3A_894 = tpu.memref_squeeze %dma_wait3A_893 : memref<50x1x128xf32, #tpu.memory_space<hbm>> -> memref<50x128xf32, #tpu.memory_space<hbm>>
      %dma_wait3A_895 = arith.constant 50 : i32
      %dma_wait3A_896 = arith.constant 0 : i32
      %dma_wait3A_897 = tpu.memref_slice %arg34[%dma_wait3A_895, %dma_wait3A_896] : memref<104x128xf32, #tpu.memory_space<vmem>> -> memref<50x128xf32, #tpu.memory_space<vmem>>
      tpu.wait_dma2 semaphore(%run_scoped3A : memref<!tpu.dma_semaphore, #tpu.memory_space<semaphore_mem>>) src(%dma_wait3A_897 : memref<50x128xf32, #tpu.memory_space<vmem>>) dst(%dma_wait3A_894 : memref<50x128xf32, #tpu.memory_space<hbm>>)
      tpu.yield
    }) : () -> ()
    %dma_start3A_648 = arith.constant 14 : i32
    %dma_start3A_649 = arith.constant 0 : i32
    %dma_start3A_650 = tpu.memref_slice %arg31[%dma_start3A_648, %dma_start3A_649] : memref<16x112xi32, #tpu.memory_space<vmem>> -> memref<1x104xi32, #tpu.memory_space<vmem>>
    %dma_start3A_651 = tpu.memref_squeeze %dma_start3A_650 : memref<1x104xi32, #tpu.memory_space<vmem>> -> memref<104xi32, #tpu.memory_space<vmem>>
    %dma_start3A_652 = arith.constant 0 : i32
    %dma_start3A_653 = arith.constant 0 : i32
    %dma_start3A_654 = tpu.memref_slice %arg7[%dma_start3A_652, %dma_start3A_653] : memref<204800x128xf32, #tpu.memory_space<hbm>> -> memref<204800x128xf32, #tpu.memory_space<hbm>>
    tpu.enqueue_indirect_dma source(%dma_start3A_654 : memref<204800x128xf32, #tpu.memory_space<hbm>>) target(%arg34 : memref<104x128xf32, #tpu.memory_space<vmem>>) offsets(%dma_start3A_651 : memref<104xi32, #tpu.memory_space<vmem>>) semaphore(%arg41 : memref<!tpu.dma_semaphore, #tpu.memory_space<semaphore_mem>>)
    %dma_wait3A_655 = arith.constant 13 : i32
    %dma_wait3A_656 = arith.constant 0 : i32
    %dma_wait3A_657 = tpu.memref_slice %arg31[%dma_wait3A_655, %dma_wait3A_656] : memref<16x112xi32, #tpu.memory_space<vmem>> -> memref<1x104xi32, #tpu.memory_space<vmem>>
    %dma_wait3A_658 = tpu.memref_squeeze %dma_wait3A_657 : memref<1x104xi32, #tpu.memory_space<vmem>> -> memref<104xi32, #tpu.memory_space<vmem>>
    %dma_wait3A_659 = arith.constant 0 : i32
    %dma_wait3A_660 = arith.constant 0 : i32
    %dma_wait3A_661 = tpu.memref_slice %arg7[%dma_wait3A_659, %dma_wait3A_660] : memref<204800x128xf32, #tpu.memory_space<hbm>> -> memref<204800x128xf32, #tpu.memory_space<hbm>>
    tpu.wait_indirect_dma semaphore(%arg42 : memref<!tpu.dma_semaphore, #tpu.memory_space<semaphore_mem>>) src(%dma_wait3A_661 : memref<204800x128xf32, #tpu.memory_space<hbm>>) dst(%arg35 : memref<104x128xf32, #tpu.memory_space<vmem>>)
    %add3A_662 = arith.constant 26 : i32
    %add3A_663 = arith.addi %mul3A_2, %add3A_662 : i32
    "tpu.region"() ({
      %run_scoped3A = tpu.sem_alloc : memref<!tpu.dma_semaphore, #tpu.memory_space<semaphore_mem>>
      %dma_start3A_870 = arith.constant 0 : i32
      %dma_start3A_871 = arith.constant 0 : i32
      %dma_start3A_872 = tpu.memref_slice %arg35[%dma_start3A_870, %dma_start3A_871] : memref<104x128xf32, #tpu.memory_space<vmem>> -> memref<50x128xf32, #tpu.memory_space<vmem>>
      %dma_start3A_873 = arith.constant 0 : i32
      %dma_start3A_874 = arith.constant 0 : i32
      %dma_start3A_875 = tpu.memref_slice %arg15[%dma_start3A_873, %add3A_663, %dma_start3A_874] : memref<50x1024x128xf32, #tpu.memory_space<hbm>> -> memref<50x1x128xf32, #tpu.memory_space<hbm>>
      %dma_start3A_876 = tpu.memref_squeeze %dma_start3A_875 : memref<50x1x128xf32, #tpu.memory_space<hbm>> -> memref<50x128xf32, #tpu.memory_space<hbm>>
      %dma_start3A_877 = arith.constant 0 : i32
      %dma_start3A_878 = arith.constant 0 : i32
      %dma_start3A_879 = tpu.memref_slice %arg15[%dma_start3A_877, %add3A_663, %dma_start3A_878] : memref<50x1024x128xf32, #tpu.memory_space<hbm>> -> memref<50x1x128xf32, #tpu.memory_space<hbm>>
      %dma_start3A_880 = tpu.memref_squeeze %dma_start3A_879 : memref<50x1x128xf32, #tpu.memory_space<hbm>> -> memref<50x128xf32, #tpu.memory_space<hbm>>
      %dma_start3A_881 = arith.constant 0 : i32
      %dma_start3A_882 = arith.constant 0 : i32
      %dma_start3A_883 = tpu.memref_slice %arg35[%dma_start3A_881, %dma_start3A_882] : memref<104x128xf32, #tpu.memory_space<vmem>> -> memref<50x128xf32, #tpu.memory_space<vmem>>
      tpu.enqueue_dma source(%dma_start3A_883 : memref<50x128xf32, #tpu.memory_space<vmem>>) target(%dma_start3A_880 : memref<50x128xf32, #tpu.memory_space<hbm>>) target_semaphore(%run_scoped3A : memref<!tpu.dma_semaphore, #tpu.memory_space<semaphore_mem>>)
      %dma_wait3A_884 = arith.constant 0 : i32
      %dma_wait3A_885 = arith.constant 0 : i32
      %dma_wait3A_886 = tpu.memref_slice %arg35[%dma_wait3A_884, %dma_wait3A_885] : memref<104x128xf32, #tpu.memory_space<vmem>> -> memref<50x128xf32, #tpu.memory_space<vmem>>
      %dma_wait3A_887 = arith.constant 0 : i32
      %dma_wait3A_888 = arith.constant 0 : i32
      %dma_wait3A_889 = tpu.memref_slice %arg15[%dma_wait3A_887, %add3A_663, %dma_wait3A_888] : memref<50x1024x128xf32, #tpu.memory_space<hbm>> -> memref<50x1x128xf32, #tpu.memory_space<hbm>>
      %dma_wait3A_890 = tpu.memref_squeeze %dma_wait3A_889 : memref<50x1x128xf32, #tpu.memory_space<hbm>> -> memref<50x128xf32, #tpu.memory_space<hbm>>
      %dma_wait3A_891 = arith.constant 0 : i32
      %dma_wait3A_892 = arith.constant 0 : i32
      %dma_wait3A_893 = tpu.memref_slice %arg15[%dma_wait3A_891, %add3A_663, %dma_wait3A_892] : memref<50x1024x128xf32, #tpu.memory_space<hbm>> -> memref<50x1x128xf32, #tpu.memory_space<hbm>>
      %dma_wait3A_894 = tpu.memref_squeeze %dma_wait3A_893 : memref<50x1x128xf32, #tpu.memory_space<hbm>> -> memref<50x128xf32, #tpu.memory_space<hbm>>
      %dma_wait3A_895 = arith.constant 0 : i32
      %dma_wait3A_896 = arith.constant 0 : i32
      %dma_wait3A_897 = tpu.memref_slice %arg35[%dma_wait3A_895, %dma_wait3A_896] : memref<104x128xf32, #tpu.memory_space<vmem>> -> memref<50x128xf32, #tpu.memory_space<vmem>>
      tpu.wait_dma2 semaphore(%run_scoped3A : memref<!tpu.dma_semaphore, #tpu.memory_space<semaphore_mem>>) src(%dma_wait3A_897 : memref<50x128xf32, #tpu.memory_space<vmem>>) dst(%dma_wait3A_894 : memref<50x128xf32, #tpu.memory_space<hbm>>)
      tpu.yield
    }) : () -> ()
    %add3A_664 = arith.constant 1 : i32
    %add3A_665 = arith.addi %add3A_663, %add3A_664 : i32
    "tpu.region"() ({
      %run_scoped3A = tpu.sem_alloc : memref<!tpu.dma_semaphore, #tpu.memory_space<semaphore_mem>>
      %dma_start3A_870 = arith.constant 50 : i32
      %dma_start3A_871 = arith.constant 0 : i32
      %dma_start3A_872 = tpu.memref_slice %arg35[%dma_start3A_870, %dma_start3A_871] : memref<104x128xf32, #tpu.memory_space<vmem>> -> memref<50x128xf32, #tpu.memory_space<vmem>>
      %dma_start3A_873 = arith.constant 0 : i32
      %dma_start3A_874 = arith.constant 0 : i32
      %dma_start3A_875 = tpu.memref_slice %arg15[%dma_start3A_873, %add3A_665, %dma_start3A_874] : memref<50x1024x128xf32, #tpu.memory_space<hbm>> -> memref<50x1x128xf32, #tpu.memory_space<hbm>>
      %dma_start3A_876 = tpu.memref_squeeze %dma_start3A_875 : memref<50x1x128xf32, #tpu.memory_space<hbm>> -> memref<50x128xf32, #tpu.memory_space<hbm>>
      %dma_start3A_877 = arith.constant 0 : i32
      %dma_start3A_878 = arith.constant 0 : i32
      %dma_start3A_879 = tpu.memref_slice %arg15[%dma_start3A_877, %add3A_665, %dma_start3A_878] : memref<50x1024x128xf32, #tpu.memory_space<hbm>> -> memref<50x1x128xf32, #tpu.memory_space<hbm>>
      %dma_start3A_880 = tpu.memref_squeeze %dma_start3A_879 : memref<50x1x128xf32, #tpu.memory_space<hbm>> -> memref<50x128xf32, #tpu.memory_space<hbm>>
      %dma_start3A_881 = arith.constant 50 : i32
      %dma_start3A_882 = arith.constant 0 : i32
      %dma_start3A_883 = tpu.memref_slice %arg35[%dma_start3A_881, %dma_start3A_882] : memref<104x128xf32, #tpu.memory_space<vmem>> -> memref<50x128xf32, #tpu.memory_space<vmem>>
      tpu.enqueue_dma source(%dma_start3A_883 : memref<50x128xf32, #tpu.memory_space<vmem>>) target(%dma_start3A_880 : memref<50x128xf32, #tpu.memory_space<hbm>>) target_semaphore(%run_scoped3A : memref<!tpu.dma_semaphore, #tpu.memory_space<semaphore_mem>>)
      %dma_wait3A_884 = arith.constant 50 : i32
      %dma_wait3A_885 = arith.constant 0 : i32
      %dma_wait3A_886 = tpu.memref_slice %arg35[%dma_wait3A_884, %dma_wait3A_885] : memref<104x128xf32, #tpu.memory_space<vmem>> -> memref<50x128xf32, #tpu.memory_space<vmem>>
      %dma_wait3A_887 = arith.constant 0 : i32
      %dma_wait3A_888 = arith.constant 0 : i32
      %dma_wait3A_889 = tpu.memref_slice %arg15[%dma_wait3A_887, %add3A_665, %dma_wait3A_888] : memref<50x1024x128xf32, #tpu.memory_space<hbm>> -> memref<50x1x128xf32, #tpu.memory_space<hbm>>
      %dma_wait3A_890 = tpu.memref_squeeze %dma_wait3A_889 : memref<50x1x128xf32, #tpu.memory_space<hbm>> -> memref<50x128xf32, #tpu.memory_space<hbm>>
      %dma_wait3A_891 = arith.constant 0 : i32
      %dma_wait3A_892 = arith.constant 0 : i32
      %dma_wait3A_893 = tpu.memref_slice %arg15[%dma_wait3A_891, %add3A_665, %dma_wait3A_892] : memref<50x1024x128xf32, #tpu.memory_space<hbm>> -> memref<50x1x128xf32, #tpu.memory_space<hbm>>
      %dma_wait3A_894 = tpu.memref_squeeze %dma_wait3A_893 : memref<50x1x128xf32, #tpu.memory_space<hbm>> -> memref<50x128xf32, #tpu.memory_space<hbm>>
      %dma_wait3A_895 = arith.constant 50 : i32
      %dma_wait3A_896 = arith.constant 0 : i32
      %dma_wait3A_897 = tpu.memref_slice %arg35[%dma_wait3A_895, %dma_wait3A_896] : memref<104x128xf32, #tpu.memory_space<vmem>> -> memref<50x128xf32, #tpu.memory_space<vmem>>
      tpu.wait_dma2 semaphore(%run_scoped3A : memref<!tpu.dma_semaphore, #tpu.memory_space<semaphore_mem>>) src(%dma_wait3A_897 : memref<50x128xf32, #tpu.memory_space<vmem>>) dst(%dma_wait3A_894 : memref<50x128xf32, #tpu.memory_space<hbm>>)
      tpu.yield
    }) : () -> ()
    %dma_start3A_666 = arith.constant 15 : i32
    %dma_start3A_667 = arith.constant 0 : i32
    %dma_start3A_668 = tpu.memref_slice %arg31[%dma_start3A_666, %dma_start3A_667] : memref<16x112xi32, #tpu.memory_space<vmem>> -> memref<1x104xi32, #tpu.memory_space<vmem>>
    %dma_start3A_669 = tpu.memref_squeeze %dma_start3A_668 : memref<1x104xi32, #tpu.memory_space<vmem>> -> memref<104xi32, #tpu.memory_space<vmem>>
    %dma_start3A_670 = arith.constant 0 : i32
    %dma_start3A_671 = arith.constant 0 : i32
    %dma_start3A_672 = tpu.memref_slice %arg7[%dma_start3A_670, %dma_start3A_671] : memref<204800x128xf32, #tpu.memory_space<hbm>> -> memref<204800x128xf32, #tpu.memory_space<hbm>>
    tpu.enqueue_indirect_dma source(%dma_start3A_672 : memref<204800x128xf32, #tpu.memory_space<hbm>>) target(%arg35 : memref<104x128xf32, #tpu.memory_space<vmem>>) offsets(%dma_start3A_669 : memref<104xi32, #tpu.memory_space<vmem>>) semaphore(%arg42 : memref<!tpu.dma_semaphore, #tpu.memory_space<semaphore_mem>>)
    %dma_wait3A_673 = arith.constant 14 : i32
    %dma_wait3A_674 = arith.constant 0 : i32
    %dma_wait3A_675 = tpu.memref_slice %arg31[%dma_wait3A_673, %dma_wait3A_674] : memref<16x112xi32, #tpu.memory_space<vmem>> -> memref<1x104xi32, #tpu.memory_space<vmem>>
    %dma_wait3A_676 = tpu.memref_squeeze %dma_wait3A_675 : memref<1x104xi32, #tpu.memory_space<vmem>> -> memref<104xi32, #tpu.memory_space<vmem>>
    %dma_wait3A_677 = arith.constant 0 : i32
    %dma_wait3A_678 = arith.constant 0 : i32
    %dma_wait3A_679 = tpu.memref_slice %arg7[%dma_wait3A_677, %dma_wait3A_678] : memref<204800x128xf32, #tpu.memory_space<hbm>> -> memref<204800x128xf32, #tpu.memory_space<hbm>>
    tpu.wait_indirect_dma semaphore(%arg41 : memref<!tpu.dma_semaphore, #tpu.memory_space<semaphore_mem>>) src(%dma_wait3A_679 : memref<204800x128xf32, #tpu.memory_space<hbm>>) dst(%arg34 : memref<104x128xf32, #tpu.memory_space<vmem>>)
    %add3A_680 = arith.constant 28 : i32
    %add3A_681 = arith.addi %mul3A_2, %add3A_680 : i32
    "tpu.region"() ({
      %run_scoped3A = tpu.sem_alloc : memref<!tpu.dma_semaphore, #tpu.memory_space<semaphore_mem>>
      %dma_start3A_870 = arith.constant 0 : i32
      %dma_start3A_871 = arith.constant 0 : i32
      %dma_start3A_872 = tpu.memref_slice %arg34[%dma_start3A_870, %dma_start3A_871] : memref<104x128xf32, #tpu.memory_space<vmem>> -> memref<50x128xf32, #tpu.memory_space<vmem>>
      %dma_start3A_873 = arith.constant 0 : i32
      %dma_start3A_874 = arith.constant 0 : i32
      %dma_start3A_875 = tpu.memref_slice %arg15[%dma_start3A_873, %add3A_681, %dma_start3A_874] : memref<50x1024x128xf32, #tpu.memory_space<hbm>> -> memref<50x1x128xf32, #tpu.memory_space<hbm>>
      %dma_start3A_876 = tpu.memref_squeeze %dma_start3A_875 : memref<50x1x128xf32, #tpu.memory_space<hbm>> -> memref<50x128xf32, #tpu.memory_space<hbm>>
      %dma_start3A_877 = arith.constant 0 : i32
      %dma_start3A_878 = arith.constant 0 : i32
      %dma_start3A_879 = tpu.memref_slice %arg15[%dma_start3A_877, %add3A_681, %dma_start3A_878] : memref<50x1024x128xf32, #tpu.memory_space<hbm>> -> memref<50x1x128xf32, #tpu.memory_space<hbm>>
      %dma_start3A_880 = tpu.memref_squeeze %dma_start3A_879 : memref<50x1x128xf32, #tpu.memory_space<hbm>> -> memref<50x128xf32, #tpu.memory_space<hbm>>
      %dma_start3A_881 = arith.constant 0 : i32
      %dma_start3A_882 = arith.constant 0 : i32
      %dma_start3A_883 = tpu.memref_slice %arg34[%dma_start3A_881, %dma_start3A_882] : memref<104x128xf32, #tpu.memory_space<vmem>> -> memref<50x128xf32, #tpu.memory_space<vmem>>
      tpu.enqueue_dma source(%dma_start3A_883 : memref<50x128xf32, #tpu.memory_space<vmem>>) target(%dma_start3A_880 : memref<50x128xf32, #tpu.memory_space<hbm>>) target_semaphore(%run_scoped3A : memref<!tpu.dma_semaphore, #tpu.memory_space<semaphore_mem>>)
      %dma_wait3A_884 = arith.constant 0 : i32
      %dma_wait3A_885 = arith.constant 0 : i32
      %dma_wait3A_886 = tpu.memref_slice %arg34[%dma_wait3A_884, %dma_wait3A_885] : memref<104x128xf32, #tpu.memory_space<vmem>> -> memref<50x128xf32, #tpu.memory_space<vmem>>
      %dma_wait3A_887 = arith.constant 0 : i32
      %dma_wait3A_888 = arith.constant 0 : i32
      %dma_wait3A_889 = tpu.memref_slice %arg15[%dma_wait3A_887, %add3A_681, %dma_wait3A_888] : memref<50x1024x128xf32, #tpu.memory_space<hbm>> -> memref<50x1x128xf32, #tpu.memory_space<hbm>>
      %dma_wait3A_890 = tpu.memref_squeeze %dma_wait3A_889 : memref<50x1x128xf32, #tpu.memory_space<hbm>> -> memref<50x128xf32, #tpu.memory_space<hbm>>
      %dma_wait3A_891 = arith.constant 0 : i32
      %dma_wait3A_892 = arith.constant 0 : i32
      %dma_wait3A_893 = tpu.memref_slice %arg15[%dma_wait3A_891, %add3A_681, %dma_wait3A_892] : memref<50x1024x128xf32, #tpu.memory_space<hbm>> -> memref<50x1x128xf32, #tpu.memory_space<hbm>>
      %dma_wait3A_894 = tpu.memref_squeeze %dma_wait3A_893 : memref<50x1x128xf32, #tpu.memory_space<hbm>> -> memref<50x128xf32, #tpu.memory_space<hbm>>
      %dma_wait3A_895 = arith.constant 0 : i32
      %dma_wait3A_896 = arith.constant 0 : i32
      %dma_wait3A_897 = tpu.memref_slice %arg34[%dma_wait3A_895, %dma_wait3A_896] : memref<104x128xf32, #tpu.memory_space<vmem>> -> memref<50x128xf32, #tpu.memory_space<vmem>>
      tpu.wait_dma2 semaphore(%run_scoped3A : memref<!tpu.dma_semaphore, #tpu.memory_space<semaphore_mem>>) src(%dma_wait3A_897 : memref<50x128xf32, #tpu.memory_space<vmem>>) dst(%dma_wait3A_894 : memref<50x128xf32, #tpu.memory_space<hbm>>)
      tpu.yield
    }) : () -> ()
    %add3A_682 = arith.constant 1 : i32
    %add3A_683 = arith.addi %add3A_681, %add3A_682 : i32
    "tpu.region"() ({
      %run_scoped3A = tpu.sem_alloc : memref<!tpu.dma_semaphore, #tpu.memory_space<semaphore_mem>>
      %dma_start3A_870 = arith.constant 50 : i32
      %dma_start3A_871 = arith.constant 0 : i32
      %dma_start3A_872 = tpu.memref_slice %arg34[%dma_start3A_870, %dma_start3A_871] : memref<104x128xf32, #tpu.memory_space<vmem>> -> memref<50x128xf32, #tpu.memory_space<vmem>>
      %dma_start3A_873 = arith.constant 0 : i32
      %dma_start3A_874 = arith.constant 0 : i32
      %dma_start3A_875 = tpu.memref_slice %arg15[%dma_start3A_873, %add3A_683, %dma_start3A_874] : memref<50x1024x128xf32, #tpu.memory_space<hbm>> -> memref<50x1x128xf32, #tpu.memory_space<hbm>>
      %dma_start3A_876 = tpu.memref_squeeze %dma_start3A_875 : memref<50x1x128xf32, #tpu.memory_space<hbm>> -> memref<50x128xf32, #tpu.memory_space<hbm>>
      %dma_start3A_877 = arith.constant 0 : i32
      %dma_start3A_878 = arith.constant 0 : i32
      %dma_start3A_879 = tpu.memref_slice %arg15[%dma_start3A_877, %add3A_683, %dma_start3A_878] : memref<50x1024x128xf32, #tpu.memory_space<hbm>> -> memref<50x1x128xf32, #tpu.memory_space<hbm>>
      %dma_start3A_880 = tpu.memref_squeeze %dma_start3A_879 : memref<50x1x128xf32, #tpu.memory_space<hbm>> -> memref<50x128xf32, #tpu.memory_space<hbm>>
      %dma_start3A_881 = arith.constant 50 : i32
      %dma_start3A_882 = arith.constant 0 : i32
      %dma_start3A_883 = tpu.memref_slice %arg34[%dma_start3A_881, %dma_start3A_882] : memref<104x128xf32, #tpu.memory_space<vmem>> -> memref<50x128xf32, #tpu.memory_space<vmem>>
      tpu.enqueue_dma source(%dma_start3A_883 : memref<50x128xf32, #tpu.memory_space<vmem>>) target(%dma_start3A_880 : memref<50x128xf32, #tpu.memory_space<hbm>>) target_semaphore(%run_scoped3A : memref<!tpu.dma_semaphore, #tpu.memory_space<semaphore_mem>>)
      %dma_wait3A_884 = arith.constant 50 : i32
      %dma_wait3A_885 = arith.constant 0 : i32
      %dma_wait3A_886 = tpu.memref_slice %arg34[%dma_wait3A_884, %dma_wait3A_885] : memref<104x128xf32, #tpu.memory_space<vmem>> -> memref<50x128xf32, #tpu.memory_space<vmem>>
      %dma_wait3A_887 = arith.constant 0 : i32
      %dma_wait3A_888 = arith.constant 0 : i32
      %dma_wait3A_889 = tpu.memref_slice %arg15[%dma_wait3A_887, %add3A_683, %dma_wait3A_888] : memref<50x1024x128xf32, #tpu.memory_space<hbm>> -> memref<50x1x128xf32, #tpu.memory_space<hbm>>
      %dma_wait3A_890 = tpu.memref_squeeze %dma_wait3A_889 : memref<50x1x128xf32, #tpu.memory_space<hbm>> -> memref<50x128xf32, #tpu.memory_space<hbm>>
      %dma_wait3A_891 = arith.constant 0 : i32
      %dma_wait3A_892 = arith.constant 0 : i32
      %dma_wait3A_893 = tpu.memref_slice %arg15[%dma_wait3A_891, %add3A_683, %dma_wait3A_892] : memref<50x1024x128xf32, #tpu.memory_space<hbm>> -> memref<50x1x128xf32, #tpu.memory_space<hbm>>
      %dma_wait3A_894 = tpu.memref_squeeze %dma_wait3A_893 : memref<50x1x128xf32, #tpu.memory_space<hbm>> -> memref<50x128xf32, #tpu.memory_space<hbm>>
      %dma_wait3A_895 = arith.constant 50 : i32
      %dma_wait3A_896 = arith.constant 0 : i32
      %dma_wait3A_897 = tpu.memref_slice %arg34[%dma_wait3A_895, %dma_wait3A_896] : memref<104x128xf32, #tpu.memory_space<vmem>> -> memref<50x128xf32, #tpu.memory_space<vmem>>
      tpu.wait_dma2 semaphore(%run_scoped3A : memref<!tpu.dma_semaphore, #tpu.memory_space<semaphore_mem>>) src(%dma_wait3A_897 : memref<50x128xf32, #tpu.memory_space<vmem>>) dst(%dma_wait3A_894 : memref<50x128xf32, #tpu.memory_space<hbm>>)
      tpu.yield
    }) : () -> ()
    %dma_wait3A_684 = arith.constant 15 : i32
    %dma_wait3A_685 = arith.constant 0 : i32
    %dma_wait3A_686 = tpu.memref_slice %arg31[%dma_wait3A_684, %dma_wait3A_685] : memref<16x112xi32, #tpu.memory_space<vmem>> -> memref<1x104xi32, #tpu.memory_space<vmem>>
    %dma_wait3A_687 = tpu.memref_squeeze %dma_wait3A_686 : memref<1x104xi32, #tpu.memory_space<vmem>> -> memref<104xi32, #tpu.memory_space<vmem>>
    %dma_wait3A_688 = arith.constant 0 : i32
    %dma_wait3A_689 = arith.constant 0 : i32
    %dma_wait3A_690 = tpu.memref_slice %arg7[%dma_wait3A_688, %dma_wait3A_689] : memref<204800x128xf32, #tpu.memory_space<hbm>> -> memref<204800x128xf32, #tpu.memory_space<hbm>>
    tpu.wait_indirect_dma semaphore(%arg42 : memref<!tpu.dma_semaphore, #tpu.memory_space<semaphore_mem>>) src(%dma_wait3A_690 : memref<204800x128xf32, #tpu.memory_space<hbm>>) dst(%arg35 : memref<104x128xf32, #tpu.memory_space<vmem>>)
    %add3A_691 = arith.constant 30 : i32
    %add3A_692 = arith.addi %mul3A_2, %add3A_691 : i32
    "tpu.region"() ({
      %run_scoped3A = tpu.sem_alloc : memref<!tpu.dma_semaphore, #tpu.memory_space<semaphore_mem>>
      %dma_start3A_870 = arith.constant 0 : i32
      %dma_start3A_871 = arith.constant 0 : i32
      %dma_start3A_872 = tpu.memref_slice %arg35[%dma_start3A_870, %dma_start3A_871] : memref<104x128xf32, #tpu.memory_space<vmem>> -> memref<50x128xf32, #tpu.memory_space<vmem>>
      %dma_start3A_873 = arith.constant 0 : i32
      %dma_start3A_874 = arith.constant 0 : i32
      %dma_start3A_875 = tpu.memref_slice %arg15[%dma_start3A_873, %add3A_692, %dma_start3A_874] : memref<50x1024x128xf32, #tpu.memory_space<hbm>> -> memref<50x1x128xf32, #tpu.memory_space<hbm>>
      %dma_start3A_876 = tpu.memref_squeeze %dma_start3A_875 : memref<50x1x128xf32, #tpu.memory_space<hbm>> -> memref<50x128xf32, #tpu.memory_space<hbm>>
      %dma_start3A_877 = arith.constant 0 : i32
      %dma_start3A_878 = arith.constant 0 : i32
      %dma_start3A_879 = tpu.memref_slice %arg15[%dma_start3A_877, %add3A_692, %dma_start3A_878] : memref<50x1024x128xf32, #tpu.memory_space<hbm>> -> memref<50x1x128xf32, #tpu.memory_space<hbm>>
      %dma_start3A_880 = tpu.memref_squeeze %dma_start3A_879 : memref<50x1x128xf32, #tpu.memory_space<hbm>> -> memref<50x128xf32, #tpu.memory_space<hbm>>
      %dma_start3A_881 = arith.constant 0 : i32
      %dma_start3A_882 = arith.constant 0 : i32
      %dma_start3A_883 = tpu.memref_slice %arg35[%dma_start3A_881, %dma_start3A_882] : memref<104x128xf32, #tpu.memory_space<vmem>> -> memref<50x128xf32, #tpu.memory_space<vmem>>
      tpu.enqueue_dma source(%dma_start3A_883 : memref<50x128xf32, #tpu.memory_space<vmem>>) target(%dma_start3A_880 : memref<50x128xf32, #tpu.memory_space<hbm>>) target_semaphore(%run_scoped3A : memref<!tpu.dma_semaphore, #tpu.memory_space<semaphore_mem>>)
      %dma_wait3A_884 = arith.constant 0 : i32
      %dma_wait3A_885 = arith.constant 0 : i32
      %dma_wait3A_886 = tpu.memref_slice %arg35[%dma_wait3A_884, %dma_wait3A_885] : memref<104x128xf32, #tpu.memory_space<vmem>> -> memref<50x128xf32, #tpu.memory_space<vmem>>
      %dma_wait3A_887 = arith.constant 0 : i32
      %dma_wait3A_888 = arith.constant 0 : i32
      %dma_wait3A_889 = tpu.memref_slice %arg15[%dma_wait3A_887, %add3A_692, %dma_wait3A_888] : memref<50x1024x128xf32, #tpu.memory_space<hbm>> -> memref<50x1x128xf32, #tpu.memory_space<hbm>>
      %dma_wait3A_890 = tpu.memref_squeeze %dma_wait3A_889 : memref<50x1x128xf32, #tpu.memory_space<hbm>> -> memref<50x128xf32, #tpu.memory_space<hbm>>
      %dma_wait3A_891 = arith.constant 0 : i32
      %dma_wait3A_892 = arith.constant 0 : i32
      %dma_wait3A_893 = tpu.memref_slice %arg15[%dma_wait3A_891, %add3A_692, %dma_wait3A_892] : memref<50x1024x128xf32, #tpu.memory_space<hbm>> -> memref<50x1x128xf32, #tpu.memory_space<hbm>>
      %dma_wait3A_894 = tpu.memref_squeeze %dma_wait3A_893 : memref<50x1x128xf32, #tpu.memory_space<hbm>> -> memref<50x128xf32, #tpu.memory_space<hbm>>
      %dma_wait3A_895 = arith.constant 0 : i32
      %dma_wait3A_896 = arith.constant 0 : i32
      %dma_wait3A_897 = tpu.memref_slice %arg35[%dma_wait3A_895, %dma_wait3A_896] : memref<104x128xf32, #tpu.memory_space<vmem>> -> memref<50x128xf32, #tpu.memory_space<vmem>>
      tpu.wait_dma2 semaphore(%run_scoped3A : memref<!tpu.dma_semaphore, #tpu.memory_space<semaphore_mem>>) src(%dma_wait3A_897 : memref<50x128xf32, #tpu.memory_space<vmem>>) dst(%dma_wait3A_894 : memref<50x128xf32, #tpu.memory_space<hbm>>)
      tpu.yield
    }) : () -> ()
    %add3A_693 = arith.constant 1 : i32
    %add3A_694 = arith.addi %add3A_692, %add3A_693 : i32
    "tpu.region"() ({
      %run_scoped3A = tpu.sem_alloc : memref<!tpu.dma_semaphore, #tpu.memory_space<semaphore_mem>>
      %dma_start3A_870 = arith.constant 50 : i32
      %dma_start3A_871 = arith.constant 0 : i32
      %dma_start3A_872 = tpu.memref_slice %arg35[%dma_start3A_870, %dma_start3A_871] : memref<104x128xf32, #tpu.memory_space<vmem>> -> memref<50x128xf32, #tpu.memory_space<vmem>>
      %dma_start3A_873 = arith.constant 0 : i32
      %dma_start3A_874 = arith.constant 0 : i32
      %dma_start3A_875 = tpu.memref_slice %arg15[%dma_start3A_873, %add3A_694, %dma_start3A_874] : memref<50x1024x128xf32, #tpu.memory_space<hbm>> -> memref<50x1x128xf32, #tpu.memory_space<hbm>>
      %dma_start3A_876 = tpu.memref_squeeze %dma_start3A_875 : memref<50x1x128xf32, #tpu.memory_space<hbm>> -> memref<50x128xf32, #tpu.memory_space<hbm>>
      %dma_start3A_877 = arith.constant 0 : i32
      %dma_start3A_878 = arith.constant 0 : i32
      %dma_start3A_879 = tpu.memref_slice %arg15[%dma_start3A_877, %add3A_694, %dma_start3A_878] : memref<50x1024x128xf32, #tpu.memory_space<hbm>> -> memref<50x1x128xf32, #tpu.memory_space<hbm>>
      %dma_start3A_880 = tpu.memref_squeeze %dma_start3A_879 : memref<50x1x128xf32, #tpu.memory_space<hbm>> -> memref<50x128xf32, #tpu.memory_space<hbm>>
      %dma_start3A_881 = arith.constant 50 : i32
      %dma_start3A_882 = arith.constant 0 : i32
      %dma_start3A_883 = tpu.memref_slice %arg35[%dma_start3A_881, %dma_start3A_882] : memref<104x128xf32, #tpu.memory_space<vmem>> -> memref<50x128xf32, #tpu.memory_space<vmem>>
      tpu.enqueue_dma source(%dma_start3A_883 : memref<50x128xf32, #tpu.memory_space<vmem>>) target(%dma_start3A_880 : memref<50x128xf32, #tpu.memory_space<hbm>>) target_semaphore(%run_scoped3A : memref<!tpu.dma_semaphore, #tpu.memory_space<semaphore_mem>>)
      %dma_wait3A_884 = arith.constant 50 : i32
      %dma_wait3A_885 = arith.constant 0 : i32
      %dma_wait3A_886 = tpu.memref_slice %arg35[%dma_wait3A_884, %dma_wait3A_885] : memref<104x128xf32, #tpu.memory_space<vmem>> -> memref<50x128xf32, #tpu.memory_space<vmem>>
      %dma_wait3A_887 = arith.constant 0 : i32
      %dma_wait3A_888 = arith.constant 0 : i32
      %dma_wait3A_889 = tpu.memref_slice %arg15[%dma_wait3A_887, %add3A_694, %dma_wait3A_888] : memref<50x1024x128xf32, #tpu.memory_space<hbm>> -> memref<50x1x128xf32, #tpu.memory_space<hbm>>
      %dma_wait3A_890 = tpu.memref_squeeze %dma_wait3A_889 : memref<50x1x128xf32, #tpu.memory_space<hbm>> -> memref<50x128xf32, #tpu.memory_space<hbm>>
      %dma_wait3A_891 = arith.constant 0 : i32
      %dma_wait3A_892 = arith.constant 0 : i32
      %dma_wait3A_893 = tpu.memref_slice %arg15[%dma_wait3A_891, %add3A_694, %dma_wait3A_892] : memref<50x1024x128xf32, #tpu.memory_space<hbm>> -> memref<50x1x128xf32, #tpu.memory_space<hbm>>
      %dma_wait3A_894 = tpu.memref_squeeze %dma_wait3A_893 : memref<50x1x128xf32, #tpu.memory_space<hbm>> -> memref<50x128xf32, #tpu.memory_space<hbm>>
      %dma_wait3A_895 = arith.constant 50 : i32
      %dma_wait3A_896 = arith.constant 0 : i32
      %dma_wait3A_897 = tpu.memref_slice %arg35[%dma_wait3A_895, %dma_wait3A_896] : memref<104x128xf32, #tpu.memory_space<vmem>> -> memref<50x128xf32, #tpu.memory_space<vmem>>
      tpu.wait_dma2 semaphore(%run_scoped3A : memref<!tpu.dma_semaphore, #tpu.memory_space<semaphore_mem>>) src(%dma_wait3A_897 : memref<50x128xf32, #tpu.memory_space<vmem>>) dst(%dma_wait3A_894 : memref<50x128xf32, #tpu.memory_space<hbm>>)
      tpu.yield
    }) : () -> ()
    %dma_wait3A_695 = arith.constant 0 : i32
    %dma_wait3A_696 = arith.constant 0 : i32
    %dma_wait3A_697 = arith.constant 0 : i32
    %dma_wait3A_698 = tpu.memref_slice %arg36[%dma_wait3A_696, %dma_wait3A_697] : memref<1664x16xf32, #tpu.memory_space<vmem>> -> memref<104x16xf32, #tpu.memory_space<vmem>>
    %dma_wait3A_699 = arith.constant 0 : i32
    %dma_wait3A_700 = tpu.memref_slice %arg31[%dma_wait3A_695, %dma_wait3A_699] : memref<16x112xi32, #tpu.memory_space<vmem>> -> memref<1x104xi32, #tpu.memory_space<vmem>>
    %dma_wait3A_701 = tpu.memref_squeeze %dma_wait3A_700 : memref<1x104xi32, #tpu.memory_space<vmem>> -> memref<104xi32, #tpu.memory_space<vmem>>
    %dma_wait3A_702 = arith.constant 0 : i32
    %dma_wait3A_703 = arith.constant 0 : i32
    %dma_wait3A_704 = tpu.memref_slice %arg8[%dma_wait3A_702, %dma_wait3A_703] : memref<204800x16xf32, #tpu.memory_space<hbm>> -> memref<204800x16xf32, #tpu.memory_space<hbm>>
    tpu.wait_indirect_dma semaphore(%arg40 : memref<!tpu.dma_semaphore, #tpu.memory_space<semaphore_mem>>) src(%dma_wait3A_704 : memref<204800x16xf32, #tpu.memory_space<hbm>>) dst(%dma_wait3A_698 : memref<104x16xf32, #tpu.memory_space<vmem>>)
    %dma_wait3A_705 = arith.constant 1 : i32
    %dma_wait3A_706 = arith.constant 104 : i32
    %dma_wait3A_707 = arith.constant 0 : i32
    %dma_wait3A_708 = tpu.memref_slice %arg36[%dma_wait3A_706, %dma_wait3A_707] : memref<1664x16xf32, #tpu.memory_space<vmem>> -> memref<104x16xf32, #tpu.memory_space<vmem>>
    %dma_wait3A_709 = arith.constant 0 : i32
    %dma_wait3A_710 = tpu.memref_slice %arg31[%dma_wait3A_705, %dma_wait3A_709] : memref<16x112xi32, #tpu.memory_space<vmem>> -> memref<1x104xi32, #tpu.memory_space<vmem>>
    %dma_wait3A_711 = tpu.memref_squeeze %dma_wait3A_710 : memref<1x104xi32, #tpu.memory_space<vmem>> -> memref<104xi32, #tpu.memory_space<vmem>>
    %dma_wait3A_712 = arith.constant 0 : i32
    %dma_wait3A_713 = arith.constant 0 : i32
    %dma_wait3A_714 = tpu.memref_slice %arg8[%dma_wait3A_712, %dma_wait3A_713] : memref<204800x16xf32, #tpu.memory_space<hbm>> -> memref<204800x16xf32, #tpu.memory_space<hbm>>
    tpu.wait_indirect_dma semaphore(%arg40 : memref<!tpu.dma_semaphore, #tpu.memory_space<semaphore_mem>>) src(%dma_wait3A_714 : memref<204800x16xf32, #tpu.memory_space<hbm>>) dst(%dma_wait3A_708 : memref<104x16xf32, #tpu.memory_space<vmem>>)
    %dma_wait3A_715 = arith.constant 2 : i32
    %dma_wait3A_716 = arith.constant 208 : i32
    %dma_wait3A_717 = arith.constant 0 : i32
    %dma_wait3A_718 = tpu.memref_slice %arg36[%dma_wait3A_716, %dma_wait3A_717] : memref<1664x16xf32, #tpu.memory_space<vmem>> -> memref<104x16xf32, #tpu.memory_space<vmem>>
    %dma_wait3A_719 = arith.constant 0 : i32
    %dma_wait3A_720 = tpu.memref_slice %arg31[%dma_wait3A_715, %dma_wait3A_719] : memref<16x112xi32, #tpu.memory_space<vmem>> -> memref<1x104xi32, #tpu.memory_space<vmem>>
    %dma_wait3A_721 = tpu.memref_squeeze %dma_wait3A_720 : memref<1x104xi32, #tpu.memory_space<vmem>> -> memref<104xi32, #tpu.memory_space<vmem>>
    %dma_wait3A_722 = arith.constant 0 : i32
    %dma_wait3A_723 = arith.constant 0 : i32
    %dma_wait3A_724 = tpu.memref_slice %arg8[%dma_wait3A_722, %dma_wait3A_723] : memref<204800x16xf32, #tpu.memory_space<hbm>> -> memref<204800x16xf32, #tpu.memory_space<hbm>>
    tpu.wait_indirect_dma semaphore(%arg40 : memref<!tpu.dma_semaphore, #tpu.memory_space<semaphore_mem>>) src(%dma_wait3A_724 : memref<204800x16xf32, #tpu.memory_space<hbm>>) dst(%dma_wait3A_718 : memref<104x16xf32, #tpu.memory_space<vmem>>)
    %dma_wait3A_725 = arith.constant 3 : i32
    %dma_wait3A_726 = arith.constant 312 : i32
    %dma_wait3A_727 = arith.constant 0 : i32
    %dma_wait3A_728 = tpu.memref_slice %arg36[%dma_wait3A_726, %dma_wait3A_727] : memref<1664x16xf32, #tpu.memory_space<vmem>> -> memref<104x16xf32, #tpu.memory_space<vmem>>
    %dma_wait3A_729 = arith.constant 0 : i32
    %dma_wait3A_730 = tpu.memref_slice %arg31[%dma_wait3A_725, %dma_wait3A_729] : memref<16x112xi32, #tpu.memory_space<vmem>> -> memref<1x104xi32, #tpu.memory_space<vmem>>
    %dma_wait3A_731 = tpu.memref_squeeze %dma_wait3A_730 : memref<1x104xi32, #tpu.memory_space<vmem>> -> memref<104xi32, #tpu.memory_space<vmem>>
    %dma_wait3A_732 = arith.constant 0 : i32
    %dma_wait3A_733 = arith.constant 0 : i32
    %dma_wait3A_734 = tpu.memref_slice %arg8[%dma_wait3A_732, %dma_wait3A_733] : memref<204800x16xf32, #tpu.memory_space<hbm>> -> memref<204800x16xf32, #tpu.memory_space<hbm>>
    tpu.wait_indirect_dma semaphore(%arg40 : memref<!tpu.dma_semaphore, #tpu.memory_space<semaphore_mem>>) src(%dma_wait3A_734 : memref<204800x16xf32, #tpu.memory_space<hbm>>) dst(%dma_wait3A_728 : memref<104x16xf32, #tpu.memory_space<vmem>>)
    %dma_wait3A_735 = arith.constant 4 : i32
    %dma_wait3A_736 = arith.constant 416 : i32
    %dma_wait3A_737 = arith.constant 0 : i32
    %dma_wait3A_738 = tpu.memref_slice %arg36[%dma_wait3A_736, %dma_wait3A_737] : memref<1664x16xf32, #tpu.memory_space<vmem>> -> memref<104x16xf32, #tpu.memory_space<vmem>>
    %dma_wait3A_739 = arith.constant 0 : i32
    %dma_wait3A_740 = tpu.memref_slice %arg31[%dma_wait3A_735, %dma_wait3A_739] : memref<16x112xi32, #tpu.memory_space<vmem>> -> memref<1x104xi32, #tpu.memory_space<vmem>>
    %dma_wait3A_741 = tpu.memref_squeeze %dma_wait3A_740 : memref<1x104xi32, #tpu.memory_space<vmem>> -> memref<104xi32, #tpu.memory_space<vmem>>
    %dma_wait3A_742 = arith.constant 0 : i32
    %dma_wait3A_743 = arith.constant 0 : i32
    %dma_wait3A_744 = tpu.memref_slice %arg8[%dma_wait3A_742, %dma_wait3A_743] : memref<204800x16xf32, #tpu.memory_space<hbm>> -> memref<204800x16xf32, #tpu.memory_space<hbm>>
    tpu.wait_indirect_dma semaphore(%arg40 : memref<!tpu.dma_semaphore, #tpu.memory_space<semaphore_mem>>) src(%dma_wait3A_744 : memref<204800x16xf32, #tpu.memory_space<hbm>>) dst(%dma_wait3A_738 : memref<104x16xf32, #tpu.memory_space<vmem>>)
    %dma_wait3A_745 = arith.constant 5 : i32
    %dma_wait3A_746 = arith.constant 520 : i32
    %dma_wait3A_747 = arith.constant 0 : i32
    %dma_wait3A_748 = tpu.memref_slice %arg36[%dma_wait3A_746, %dma_wait3A_747] : memref<1664x16xf32, #tpu.memory_space<vmem>> -> memref<104x16xf32, #tpu.memory_space<vmem>>
    %dma_wait3A_749 = arith.constant 0 : i32
    %dma_wait3A_750 = tpu.memref_slice %arg31[%dma_wait3A_745, %dma_wait3A_749] : memref<16x112xi32, #tpu.memory_space<vmem>> -> memref<1x104xi32, #tpu.memory_space<vmem>>
    %dma_wait3A_751 = tpu.memref_squeeze %dma_wait3A_750 : memref<1x104xi32, #tpu.memory_space<vmem>> -> memref<104xi32, #tpu.memory_space<vmem>>
    %dma_wait3A_752 = arith.constant 0 : i32
    %dma_wait3A_753 = arith.constant 0 : i32
    %dma_wait3A_754 = tpu.memref_slice %arg8[%dma_wait3A_752, %dma_wait3A_753] : memref<204800x16xf32, #tpu.memory_space<hbm>> -> memref<204800x16xf32, #tpu.memory_space<hbm>>
    tpu.wait_indirect_dma semaphore(%arg40 : memref<!tpu.dma_semaphore, #tpu.memory_space<semaphore_mem>>) src(%dma_wait3A_754 : memref<204800x16xf32, #tpu.memory_space<hbm>>) dst(%dma_wait3A_748 : memref<104x16xf32, #tpu.memory_space<vmem>>)
    %dma_wait3A_755 = arith.constant 6 : i32
    %dma_wait3A_756 = arith.constant 624 : i32
    %dma_wait3A_757 = arith.constant 0 : i32
    %dma_wait3A_758 = tpu.memref_slice %arg36[%dma_wait3A_756, %dma_wait3A_757] : memref<1664x16xf32, #tpu.memory_space<vmem>> -> memref<104x16xf32, #tpu.memory_space<vmem>>
    %dma_wait3A_759 = arith.constant 0 : i32
    %dma_wait3A_760 = tpu.memref_slice %arg31[%dma_wait3A_755, %dma_wait3A_759] : memref<16x112xi32, #tpu.memory_space<vmem>> -> memref<1x104xi32, #tpu.memory_space<vmem>>
    %dma_wait3A_761 = tpu.memref_squeeze %dma_wait3A_760 : memref<1x104xi32, #tpu.memory_space<vmem>> -> memref<104xi32, #tpu.memory_space<vmem>>
    %dma_wait3A_762 = arith.constant 0 : i32
    %dma_wait3A_763 = arith.constant 0 : i32
    %dma_wait3A_764 = tpu.memref_slice %arg8[%dma_wait3A_762, %dma_wait3A_763] : memref<204800x16xf32, #tpu.memory_space<hbm>> -> memref<204800x16xf32, #tpu.memory_space<hbm>>
    tpu.wait_indirect_dma semaphore(%arg40 : memref<!tpu.dma_semaphore, #tpu.memory_space<semaphore_mem>>) src(%dma_wait3A_764 : memref<204800x16xf32, #tpu.memory_space<hbm>>) dst(%dma_wait3A_758 : memref<104x16xf32, #tpu.memory_space<vmem>>)
    %dma_wait3A_765 = arith.constant 7 : i32
    %dma_wait3A_766 = arith.constant 728 : i32
    %dma_wait3A_767 = arith.constant 0 : i32
    %dma_wait3A_768 = tpu.memref_slice %arg36[%dma_wait3A_766, %dma_wait3A_767] : memref<1664x16xf32, #tpu.memory_space<vmem>> -> memref<104x16xf32, #tpu.memory_space<vmem>>
    %dma_wait3A_769 = arith.constant 0 : i32
    %dma_wait3A_770 = tpu.memref_slice %arg31[%dma_wait3A_765, %dma_wait3A_769] : memref<16x112xi32, #tpu.memory_space<vmem>> -> memref<1x104xi32, #tpu.memory_space<vmem>>
    %dma_wait3A_771 = tpu.memref_squeeze %dma_wait3A_770 : memref<1x104xi32, #tpu.memory_space<vmem>> -> memref<104xi32, #tpu.memory_space<vmem>>
    %dma_wait3A_772 = arith.constant 0 : i32
    %dma_wait3A_773 = arith.constant 0 : i32
    %dma_wait3A_774 = tpu.memref_slice %arg8[%dma_wait3A_772, %dma_wait3A_773] : memref<204800x16xf32, #tpu.memory_space<hbm>> -> memref<204800x16xf32, #tpu.memory_space<hbm>>
    tpu.wait_indirect_dma semaphore(%arg40 : memref<!tpu.dma_semaphore, #tpu.memory_space<semaphore_mem>>) src(%dma_wait3A_774 : memref<204800x16xf32, #tpu.memory_space<hbm>>) dst(%dma_wait3A_768 : memref<104x16xf32, #tpu.memory_space<vmem>>)
    %dma_wait3A_775 = arith.constant 8 : i32
    %dma_wait3A_776 = arith.constant 832 : i32
    %dma_wait3A_777 = arith.constant 0 : i32
    %dma_wait3A_778 = tpu.memref_slice %arg36[%dma_wait3A_776, %dma_wait3A_777] : memref<1664x16xf32, #tpu.memory_space<vmem>> -> memref<104x16xf32, #tpu.memory_space<vmem>>
    %dma_wait3A_779 = arith.constant 0 : i32
    %dma_wait3A_780 = tpu.memref_slice %arg31[%dma_wait3A_775, %dma_wait3A_779] : memref<16x112xi32, #tpu.memory_space<vmem>> -> memref<1x104xi32, #tpu.memory_space<vmem>>
    %dma_wait3A_781 = tpu.memref_squeeze %dma_wait3A_780 : memref<1x104xi32, #tpu.memory_space<vmem>> -> memref<104xi32, #tpu.memory_space<vmem>>
    %dma_wait3A_782 = arith.constant 0 : i32
    %dma_wait3A_783 = arith.constant 0 : i32
    %dma_wait3A_784 = tpu.memref_slice %arg8[%dma_wait3A_782, %dma_wait3A_783] : memref<204800x16xf32, #tpu.memory_space<hbm>> -> memref<204800x16xf32, #tpu.memory_space<hbm>>
    tpu.wait_indirect_dma semaphore(%arg40 : memref<!tpu.dma_semaphore, #tpu.memory_space<semaphore_mem>>) src(%dma_wait3A_784 : memref<204800x16xf32, #tpu.memory_space<hbm>>) dst(%dma_wait3A_778 : memref<104x16xf32, #tpu.memory_space<vmem>>)
    %dma_wait3A_785 = arith.constant 9 : i32
    %dma_wait3A_786 = arith.constant 936 : i32
    %dma_wait3A_787 = arith.constant 0 : i32
    %dma_wait3A_788 = tpu.memref_slice %arg36[%dma_wait3A_786, %dma_wait3A_787] : memref<1664x16xf32, #tpu.memory_space<vmem>> -> memref<104x16xf32, #tpu.memory_space<vmem>>
    %dma_wait3A_789 = arith.constant 0 : i32
    %dma_wait3A_790 = tpu.memref_slice %arg31[%dma_wait3A_785, %dma_wait3A_789] : memref<16x112xi32, #tpu.memory_space<vmem>> -> memref<1x104xi32, #tpu.memory_space<vmem>>
    %dma_wait3A_791 = tpu.memref_squeeze %dma_wait3A_790 : memref<1x104xi32, #tpu.memory_space<vmem>> -> memref<104xi32, #tpu.memory_space<vmem>>
    %dma_wait3A_792 = arith.constant 0 : i32
    %dma_wait3A_793 = arith.constant 0 : i32
    %dma_wait3A_794 = tpu.memref_slice %arg8[%dma_wait3A_792, %dma_wait3A_793] : memref<204800x16xf32, #tpu.memory_space<hbm>> -> memref<204800x16xf32, #tpu.memory_space<hbm>>
    tpu.wait_indirect_dma semaphore(%arg40 : memref<!tpu.dma_semaphore, #tpu.memory_space<semaphore_mem>>) src(%dma_wait3A_794 : memref<204800x16xf32, #tpu.memory_space<hbm>>) dst(%dma_wait3A_788 : memref<104x16xf32, #tpu.memory_space<vmem>>)
    %dma_wait3A_795 = arith.constant 10 : i32
    %dma_wait3A_796 = arith.constant 1040 : i32
    %dma_wait3A_797 = arith.constant 0 : i32
    %dma_wait3A_798 = tpu.memref_slice %arg36[%dma_wait3A_796, %dma_wait3A_797] : memref<1664x16xf32, #tpu.memory_space<vmem>> -> memref<104x16xf32, #tpu.memory_space<vmem>>
    %dma_wait3A_799 = arith.constant 0 : i32
    %dma_wait3A_800 = tpu.memref_slice %arg31[%dma_wait3A_795, %dma_wait3A_799] : memref<16x112xi32, #tpu.memory_space<vmem>> -> memref<1x104xi32, #tpu.memory_space<vmem>>
    %dma_wait3A_801 = tpu.memref_squeeze %dma_wait3A_800 : memref<1x104xi32, #tpu.memory_space<vmem>> -> memref<104xi32, #tpu.memory_space<vmem>>
    %dma_wait3A_802 = arith.constant 0 : i32
    %dma_wait3A_803 = arith.constant 0 : i32
    %dma_wait3A_804 = tpu.memref_slice %arg8[%dma_wait3A_802, %dma_wait3A_803] : memref<204800x16xf32, #tpu.memory_space<hbm>> -> memref<204800x16xf32, #tpu.memory_space<hbm>>
    tpu.wait_indirect_dma semaphore(%arg40 : memref<!tpu.dma_semaphore, #tpu.memory_space<semaphore_mem>>) src(%dma_wait3A_804 : memref<204800x16xf32, #tpu.memory_space<hbm>>) dst(%dma_wait3A_798 : memref<104x16xf32, #tpu.memory_space<vmem>>)
    %dma_wait3A_805 = arith.constant 11 : i32
    %dma_wait3A_806 = arith.constant 1144 : i32
    %dma_wait3A_807 = arith.constant 0 : i32
    %dma_wait3A_808 = tpu.memref_slice %arg36[%dma_wait3A_806, %dma_wait3A_807] : memref<1664x16xf32, #tpu.memory_space<vmem>> -> memref<104x16xf32, #tpu.memory_space<vmem>>
    %dma_wait3A_809 = arith.constant 0 : i32
    %dma_wait3A_810 = tpu.memref_slice %arg31[%dma_wait3A_805, %dma_wait3A_809] : memref<16x112xi32, #tpu.memory_space<vmem>> -> memref<1x104xi32, #tpu.memory_space<vmem>>
    %dma_wait3A_811 = tpu.memref_squeeze %dma_wait3A_810 : memref<1x104xi32, #tpu.memory_space<vmem>> -> memref<104xi32, #tpu.memory_space<vmem>>
    %dma_wait3A_812 = arith.constant 0 : i32
    %dma_wait3A_813 = arith.constant 0 : i32
    %dma_wait3A_814 = tpu.memref_slice %arg8[%dma_wait3A_812, %dma_wait3A_813] : memref<204800x16xf32, #tpu.memory_space<hbm>> -> memref<204800x16xf32, #tpu.memory_space<hbm>>
    tpu.wait_indirect_dma semaphore(%arg40 : memref<!tpu.dma_semaphore, #tpu.memory_space<semaphore_mem>>) src(%dma_wait3A_814 : memref<204800x16xf32, #tpu.memory_space<hbm>>) dst(%dma_wait3A_808 : memref<104x16xf32, #tpu.memory_space<vmem>>)
    %dma_wait3A_815 = arith.constant 12 : i32
    %dma_wait3A_816 = arith.constant 1248 : i32
    %dma_wait3A_817 = arith.constant 0 : i32
    %dma_wait3A_818 = tpu.memref_slice %arg36[%dma_wait3A_816, %dma_wait3A_817] : memref<1664x16xf32, #tpu.memory_space<vmem>> -> memref<104x16xf32, #tpu.memory_space<vmem>>
    %dma_wait3A_819 = arith.constant 0 : i32
    %dma_wait3A_820 = tpu.memref_slice %arg31[%dma_wait3A_815, %dma_wait3A_819] : memref<16x112xi32, #tpu.memory_space<vmem>> -> memref<1x104xi32, #tpu.memory_space<vmem>>
    %dma_wait3A_821 = tpu.memref_squeeze %dma_wait3A_820 : memref<1x104xi32, #tpu.memory_space<vmem>> -> memref<104xi32, #tpu.memory_space<vmem>>
    %dma_wait3A_822 = arith.constant 0 : i32
    %dma_wait3A_823 = arith.constant 0 : i32
    %dma_wait3A_824 = tpu.memref_slice %arg8[%dma_wait3A_822, %dma_wait3A_823] : memref<204800x16xf32, #tpu.memory_space<hbm>> -> memref<204800x16xf32, #tpu.memory_space<hbm>>
    tpu.wait_indirect_dma semaphore(%arg40 : memref<!tpu.dma_semaphore, #tpu.memory_space<semaphore_mem>>) src(%dma_wait3A_824 : memref<204800x16xf32, #tpu.memory_space<hbm>>) dst(%dma_wait3A_818 : memref<104x16xf32, #tpu.memory_space<vmem>>)
    %dma_wait3A_825 = arith.constant 13 : i32
    %dma_wait3A_826 = arith.constant 1352 : i32
    %dma_wait3A_827 = arith.constant 0 : i32
    %dma_wait3A_828 = tpu.memref_slice %arg36[%dma_wait3A_826, %dma_wait3A_827] : memref<1664x16xf32, #tpu.memory_space<vmem>> -> memref<104x16xf32, #tpu.memory_space<vmem>>
    %dma_wait3A_829 = arith.constant 0 : i32
    %dma_wait3A_830 = tpu.memref_slice %arg31[%dma_wait3A_825, %dma_wait3A_829] : memref<16x112xi32, #tpu.memory_space<vmem>> -> memref<1x104xi32, #tpu.memory_space<vmem>>
    %dma_wait3A_831 = tpu.memref_squeeze %dma_wait3A_830 : memref<1x104xi32, #tpu.memory_space<vmem>> -> memref<104xi32, #tpu.memory_space<vmem>>
    %dma_wait3A_832 = arith.constant 0 : i32
    %dma_wait3A_833 = arith.constant 0 : i32
    %dma_wait3A_834 = tpu.memref_slice %arg8[%dma_wait3A_832, %dma_wait3A_833] : memref<204800x16xf32, #tpu.memory_space<hbm>> -> memref<204800x16xf32, #tpu.memory_space<hbm>>
    tpu.wait_indirect_dma semaphore(%arg40 : memref<!tpu.dma_semaphore, #tpu.memory_space<semaphore_mem>>) src(%dma_wait3A_834 : memref<204800x16xf32, #tpu.memory_space<hbm>>) dst(%dma_wait3A_828 : memref<104x16xf32, #tpu.memory_space<vmem>>)
    %dma_wait3A_835 = arith.constant 14 : i32
    %dma_wait3A_836 = arith.constant 1456 : i32
    %dma_wait3A_837 = arith.constant 0 : i32
    %dma_wait3A_838 = tpu.memref_slice %arg36[%dma_wait3A_836, %dma_wait3A_837] : memref<1664x16xf32, #tpu.memory_space<vmem>> -> memref<104x16xf32, #tpu.memory_space<vmem>>
    %dma_wait3A_839 = arith.constant 0 : i32
    %dma_wait3A_840 = tpu.memref_slice %arg31[%dma_wait3A_835, %dma_wait3A_839] : memref<16x112xi32, #tpu.memory_space<vmem>> -> memref<1x104xi32, #tpu.memory_space<vmem>>
    %dma_wait3A_841 = tpu.memref_squeeze %dma_wait3A_840 : memref<1x104xi32, #tpu.memory_space<vmem>> -> memref<104xi32, #tpu.memory_space<vmem>>
    %dma_wait3A_842 = arith.constant 0 : i32
    %dma_wait3A_843 = arith.constant 0 : i32
    %dma_wait3A_844 = tpu.memref_slice %arg8[%dma_wait3A_842, %dma_wait3A_843] : memref<204800x16xf32, #tpu.memory_space<hbm>> -> memref<204800x16xf32, #tpu.memory_space<hbm>>
    tpu.wait_indirect_dma semaphore(%arg40 : memref<!tpu.dma_semaphore, #tpu.memory_space<semaphore_mem>>) src(%dma_wait3A_844 : memref<204800x16xf32, #tpu.memory_space<hbm>>) dst(%dma_wait3A_838 : memref<104x16xf32, #tpu.memory_space<vmem>>)
    %dma_wait3A_845 = arith.constant 15 : i32
    %dma_wait3A_846 = arith.constant 1560 : i32
    %dma_wait3A_847 = arith.constant 0 : i32
    %dma_wait3A_848 = tpu.memref_slice %arg36[%dma_wait3A_846, %dma_wait3A_847] : memref<1664x16xf32, #tpu.memory_space<vmem>> -> memref<104x16xf32, #tpu.memory_space<vmem>>
    %dma_wait3A_849 = arith.constant 0 : i32
    %dma_wait3A_850 = tpu.memref_slice %arg31[%dma_wait3A_845, %dma_wait3A_849] : memref<16x112xi32, #tpu.memory_space<vmem>> -> memref<1x104xi32, #tpu.memory_space<vmem>>
    %dma_wait3A_851 = tpu.memref_squeeze %dma_wait3A_850 : memref<1x104xi32, #tpu.memory_space<vmem>> -> memref<104xi32, #tpu.memory_space<vmem>>
    %dma_wait3A_852 = arith.constant 0 : i32
    %dma_wait3A_853 = arith.constant 0 : i32
    %dma_wait3A_854 = tpu.memref_slice %arg8[%dma_wait3A_852, %dma_wait3A_853] : memref<204800x16xf32, #tpu.memory_space<hbm>> -> memref<204800x16xf32, #tpu.memory_space<hbm>>
    tpu.wait_indirect_dma semaphore(%arg40 : memref<!tpu.dma_semaphore, #tpu.memory_space<semaphore_mem>>) src(%dma_wait3A_854 : memref<204800x16xf32, #tpu.memory_space<hbm>>) dst(%dma_wait3A_848 : memref<104x16xf32, #tpu.memory_space<vmem>>)
    %broadcast_in_dim3A_855 = arith.constant 3 : i32
    %broadcast_in_dim3A_856 = vector.broadcast %broadcast_in_dim3A_855 : i32 to vector<16xi32>
    %shift_right_arithmetic3A = arith.shrsi %iota3A, %broadcast_in_dim3A_856 : vector<16xi32>
    %broadcast_in_dim3A_857 = arith.constant 7 : i32
    %broadcast_in_dim3A_858 = vector.broadcast %broadcast_in_dim3A_857 : i32 to vector<16xi32>
    %and3A = arith.andi %iota3A, %broadcast_in_dim3A_858 : vector<16xi32>
    %scan3A_859 = arith.constant 0 : i32
    %scan3A_860 = arith.constant 0 : i32
    %scan3A_861 = arith.constant 50 : i32
    %scan3A_862 = arith.addi %scan3A_860, %scan3A_861 : i32
    %scan3A_863 = arith.constant 1 : i32
    %scan3A_864 = scf.for %scan3A_870 = %scan3A_860 to %scan3A_862 step %scan3A_863 iter_args(%scan3A_871 = %scan3A_859) -> (i32)  : i32 {
      %broadcast_in_dim3A_872 = vector.broadcast %scan3A_870 : i32 to vector<16xi32>
      %broadcast_in_dim3A_873 = arith.constant 0 : i32
      %broadcast_in_dim3A_874 = vector.broadcast %broadcast_in_dim3A_873 : i32 to vector<16xi32>
      %add3A_875 = arith.addi %broadcast_in_dim3A_874, %broadcast_in_dim3A_872 : vector<16xi32>
      %gather3A_876 = tpu.vector_load_idx %arg36[%add3A_875, %iota3A] : memref<1664x16xf32, #tpu.memory_space<vmem>>[vector<16xi32>, vector<16xi32>], vector<16xf32>,
      %broadcast_in_dim3A_877 = arith.constant 0 : i32
      %broadcast_in_dim3A_878 = vector.broadcast %broadcast_in_dim3A_877 : i32 to vector<16xi32>
      tpu.vector_store_idx %arg37[%broadcast_in_dim3A_872, %shift_right_arithmetic3A, %and3A, %broadcast_in_dim3A_878], %gather3A_876 : memref<50x2x8x32xf32, #tpu.memory_space<vmem>>[vector<16xi32>, vector<16xi32>, vector<16xi32>, vector<16xi32>], vector<16xf32>,
      %broadcast_in_dim3A_879 = arith.constant 50 : i32
      %broadcast_in_dim3A_880 = vector.broadcast %broadcast_in_dim3A_879 : i32 to vector<16xi32>
      %add3A_881 = arith.addi %broadcast_in_dim3A_880, %broadcast_in_dim3A_872 : vector<16xi32>
      %gather3A_882 = tpu.vector_load_idx %arg36[%add3A_881, %iota3A] : memref<1664x16xf32, #tpu.memory_space<vmem>>[vector<16xi32>, vector<16xi32>], vector<16xf32>,
      %broadcast_in_dim3A_883 = arith.constant 1 : i32
      %broadcast_in_dim3A_884 = vector.broadcast %broadcast_in_dim3A_883 : i32 to vector<16xi32>
      tpu.vector_store_idx %arg37[%broadcast_in_dim3A_872, %shift_right_arithmetic3A, %and3A, %broadcast_in_dim3A_884], %gather3A_882 : memref<50x2x8x32xf32, #tpu.memory_space<vmem>>[vector<16xi32>, vector<16xi32>, vector<16xi32>, vector<16xi32>], vector<16xf32>,
      %broadcast_in_dim3A_885 = arith.constant 104 : i32
      %broadcast_in_dim3A_886 = vector.broadcast %broadcast_in_dim3A_885 : i32 to vector<16xi32>
      %add3A_887 = arith.addi %broadcast_in_dim3A_886, %broadcast_in_dim3A_872 : vector<16xi32>
      %gather3A_888 = tpu.vector_load_idx %arg36[%add3A_887, %iota3A] : memref<1664x16xf32, #tpu.memory_space<vmem>>[vector<16xi32>, vector<16xi32>], vector<16xf32>,
      %broadcast_in_dim3A_889 = arith.constant 2 : i32
      %broadcast_in_dim3A_890 = vector.broadcast %broadcast_in_dim3A_889 : i32 to vector<16xi32>
      tpu.vector_store_idx %arg37[%broadcast_in_dim3A_872, %shift_right_arithmetic3A, %and3A, %broadcast_in_dim3A_890], %gather3A_888 : memref<50x2x8x32xf32, #tpu.memory_space<vmem>>[vector<16xi32>, vector<16xi32>, vector<16xi32>, vector<16xi32>], vector<16xf32>,
      %broadcast_in_dim3A_891 = arith.constant 154 : i32
      %broadcast_in_dim3A_892 = vector.broadcast %broadcast_in_dim3A_891 : i32 to vector<16xi32>
      %add3A_893 = arith.addi %broadcast_in_dim3A_892, %broadcast_in_dim3A_872 : vector<16xi32>
      %gather3A_894 = tpu.vector_load_idx %arg36[%add3A_893, %iota3A] : memref<1664x16xf32, #tpu.memory_space<vmem>>[vector<16xi32>, vector<16xi32>], vector<16xf32>,
      %broadcast_in_dim3A_895 = arith.constant 3 : i32
      %broadcast_in_dim3A_896 = vector.broadcast %broadcast_in_dim3A_895 : i32 to vector<16xi32>
      tpu.vector_store_idx %arg37[%broadcast_in_dim3A_872, %shift_right_arithmetic3A, %and3A, %broadcast_in_dim3A_896], %gather3A_894 : memref<50x2x8x32xf32, #tpu.memory_space<vmem>>[vector<16xi32>, vector<16xi32>, vector<16xi32>, vector<16xi32>], vector<16xf32>,
      %broadcast_in_dim3A_897 = arith.constant 208 : i32
      %broadcast_in_dim3A_898 = vector.broadcast %broadcast_in_dim3A_897 : i32 to vector<16xi32>
      %add3A_899 = arith.addi %broadcast_in_dim3A_898, %broadcast_in_dim3A_872 : vector<16xi32>
      %gather3A_900 = tpu.vector_load_idx %arg36[%add3A_899, %iota3A] : memref<1664x16xf32, #tpu.memory_space<vmem>>[vector<16xi32>, vector<16xi32>], vector<16xf32>,
      %broadcast_in_dim3A_901 = arith.constant 4 : i32
      %broadcast_in_dim3A_902 = vector.broadcast %broadcast_in_dim3A_901 : i32 to vector<16xi32>
      tpu.vector_store_idx %arg37[%broadcast_in_dim3A_872, %shift_right_arithmetic3A, %and3A, %broadcast_in_dim3A_902], %gather3A_900 : memref<50x2x8x32xf32, #tpu.memory_space<vmem>>[vector<16xi32>, vector<16xi32>, vector<16xi32>, vector<16xi32>], vector<16xf32>,
      %broadcast_in_dim3A_903 = arith.constant 258 : i32
      %broadcast_in_dim3A_904 = vector.broadcast %broadcast_in_dim3A_903 : i32 to vector<16xi32>
      %add3A_905 = arith.addi %broadcast_in_dim3A_904, %broadcast_in_dim3A_872 : vector<16xi32>
      %gather3A_906 = tpu.vector_load_idx %arg36[%add3A_905, %iota3A] : memref<1664x16xf32, #tpu.memory_space<vmem>>[vector<16xi32>, vector<16xi32>], vector<16xf32>,
      %broadcast_in_dim3A_907 = arith.constant 5 : i32
      %broadcast_in_dim3A_908 = vector.broadcast %broadcast_in_dim3A_907 : i32 to vector<16xi32>
      tpu.vector_store_idx %arg37[%broadcast_in_dim3A_872, %shift_right_arithmetic3A, %and3A, %broadcast_in_dim3A_908], %gather3A_906 : memref<50x2x8x32xf32, #tpu.memory_space<vmem>>[vector<16xi32>, vector<16xi32>, vector<16xi32>, vector<16xi32>], vector<16xf32>,
      %broadcast_in_dim3A_909 = arith.constant 312 : i32
      %broadcast_in_dim3A_910 = vector.broadcast %broadcast_in_dim3A_909 : i32 to vector<16xi32>
      %add3A_911 = arith.addi %broadcast_in_dim3A_910, %broadcast_in_dim3A_872 : vector<16xi32>
      %gather3A_912 = tpu.vector_load_idx %arg36[%add3A_911, %iota3A] : memref<1664x16xf32, #tpu.memory_space<vmem>>[vector<16xi32>, vector<16xi32>], vector<16xf32>,
      %broadcast_in_dim3A_913 = arith.constant 6 : i32
      %broadcast_in_dim3A_914 = vector.broadcast %broadcast_in_dim3A_913 : i32 to vector<16xi32>
      tpu.vector_store_idx %arg37[%broadcast_in_dim3A_872, %shift_right_arithmetic3A, %and3A, %broadcast_in_dim3A_914], %gather3A_912 : memref<50x2x8x32xf32, #tpu.memory_space<vmem>>[vector<16xi32>, vector<16xi32>, vector<16xi32>, vector<16xi32>], vector<16xf32>,
      %broadcast_in_dim3A_915 = arith.constant 362 : i32
      %broadcast_in_dim3A_916 = vector.broadcast %broadcast_in_dim3A_915 : i32 to vector<16xi32>
      %add3A_917 = arith.addi %broadcast_in_dim3A_916, %broadcast_in_dim3A_872 : vector<16xi32>
      %gather3A_918 = tpu.vector_load_idx %arg36[%add3A_917, %iota3A] : memref<1664x16xf32, #tpu.memory_space<vmem>>[vector<16xi32>, vector<16xi32>], vector<16xf32>,
      %broadcast_in_dim3A_919 = arith.constant 7 : i32
      %broadcast_in_dim3A_920 = vector.broadcast %broadcast_in_dim3A_919 : i32 to vector<16xi32>
      tpu.vector_store_idx %arg37[%broadcast_in_dim3A_872, %shift_right_arithmetic3A, %and3A, %broadcast_in_dim3A_920], %gather3A_918 : memref<50x2x8x32xf32, #tpu.memory_space<vmem>>[vector<16xi32>, vector<16xi32>, vector<16xi32>, vector<16xi32>], vector<16xf32>,
      %broadcast_in_dim3A_921 = arith.constant 416 : i32
      %broadcast_in_dim3A_922 = vector.broadcast %broadcast_in_dim3A_921 : i32 to vector<16xi32>
      %add3A_923 = arith.addi %broadcast_in_dim3A_922, %broadcast_in_dim3A_872 : vector<16xi32>
      %gather3A_924 = tpu.vector_load_idx %arg36[%add3A_923, %iota3A] : memref<1664x16xf32, #tpu.memory_space<vmem>>[vector<16xi32>, vector<16xi32>], vector<16xf32>,
      %broadcast_in_dim3A_925 = arith.constant 8 : i32
      %broadcast_in_dim3A_926 = vector.broadcast %broadcast_in_dim3A_925 : i32 to vector<16xi32>
      tpu.vector_store_idx %arg37[%broadcast_in_dim3A_872, %shift_right_arithmetic3A, %and3A, %broadcast_in_dim3A_926], %gather3A_924 : memref<50x2x8x32xf32, #tpu.memory_space<vmem>>[vector<16xi32>, vector<16xi32>, vector<16xi32>, vector<16xi32>], vector<16xf32>,
      %broadcast_in_dim3A_927 = arith.constant 466 : i32
      %broadcast_in_dim3A_928 = vector.broadcast %broadcast_in_dim3A_927 : i32 to vector<16xi32>
      %add3A_929 = arith.addi %broadcast_in_dim3A_928, %broadcast_in_dim3A_872 : vector<16xi32>
      %gather3A_930 = tpu.vector_load_idx %arg36[%add3A_929, %iota3A] : memref<1664x16xf32, #tpu.memory_space<vmem>>[vector<16xi32>, vector<16xi32>], vector<16xf32>,
      %broadcast_in_dim3A_931 = arith.constant 9 : i32
      %broadcast_in_dim3A_932 = vector.broadcast %broadcast_in_dim3A_931 : i32 to vector<16xi32>
      tpu.vector_store_idx %arg37[%broadcast_in_dim3A_872, %shift_right_arithmetic3A, %and3A, %broadcast_in_dim3A_932], %gather3A_930 : memref<50x2x8x32xf32, #tpu.memory_space<vmem>>[vector<16xi32>, vector<16xi32>, vector<16xi32>, vector<16xi32>], vector<16xf32>,
      %broadcast_in_dim3A_933 = arith.constant 520 : i32
      %broadcast_in_dim3A_934 = vector.broadcast %broadcast_in_dim3A_933 : i32 to vector<16xi32>
      %add3A_935 = arith.addi %broadcast_in_dim3A_934, %broadcast_in_dim3A_872 : vector<16xi32>
      %gather3A_936 = tpu.vector_load_idx %arg36[%add3A_935, %iota3A] : memref<1664x16xf32, #tpu.memory_space<vmem>>[vector<16xi32>, vector<16xi32>], vector<16xf32>,
      %broadcast_in_dim3A_937 = arith.constant 10 : i32
      %broadcast_in_dim3A_938 = vector.broadcast %broadcast_in_dim3A_937 : i32 to vector<16xi32>
      tpu.vector_store_idx %arg37[%broadcast_in_dim3A_872, %shift_right_arithmetic3A, %and3A, %broadcast_in_dim3A_938], %gather3A_936 : memref<50x2x8x32xf32, #tpu.memory_space<vmem>>[vector<16xi32>, vector<16xi32>, vector<16xi32>, vector<16xi32>], vector<16xf32>,
      %broadcast_in_dim3A_939 = arith.constant 570 : i32
      %broadcast_in_dim3A_940 = vector.broadcast %broadcast_in_dim3A_939 : i32 to vector<16xi32>
      %add3A_941 = arith.addi %broadcast_in_dim3A_940, %broadcast_in_dim3A_872 : vector<16xi32>
      %gather3A_942 = tpu.vector_load_idx %arg36[%add3A_941, %iota3A] : memref<1664x16xf32, #tpu.memory_space<vmem>>[vector<16xi32>, vector<16xi32>], vector<16xf32>,
      %broadcast_in_dim3A_943 = arith.constant 11 : i32
      %broadcast_in_dim3A_944 = vector.broadcast %broadcast_in_dim3A_943 : i32 to vector<16xi32>
      tpu.vector_store_idx %arg37[%broadcast_in_dim3A_872, %shift_right_arithmetic3A, %and3A, %broadcast_in_dim3A_944], %gather3A_942 : memref<50x2x8x32xf32, #tpu.memory_space<vmem>>[vector<16xi32>, vector<16xi32>, vector<16xi32>, vector<16xi32>], vector<16xf32>,
      %broadcast_in_dim3A_945 = arith.constant 624 : i32
      %broadcast_in_dim3A_946 = vector.broadcast %broadcast_in_dim3A_945 : i32 to vector<16xi32>
      %add3A_947 = arith.addi %broadcast_in_dim3A_946, %broadcast_in_dim3A_872 : vector<16xi32>
      %gather3A_948 = tpu.vector_load_idx %arg36[%add3A_947, %iota3A] : memref<1664x16xf32, #tpu.memory_space<vmem>>[vector<16xi32>, vector<16xi32>], vector<16xf32>,
      %broadcast_in_dim3A_949 = arith.constant 12 : i32
      %broadcast_in_dim3A_950 = vector.broadcast %broadcast_in_dim3A_949 : i32 to vector<16xi32>
      tpu.vector_store_idx %arg37[%broadcast_in_dim3A_872, %shift_right_arithmetic3A, %and3A, %broadcast_in_dim3A_950], %gather3A_948 : memref<50x2x8x32xf32, #tpu.memory_space<vmem>>[vector<16xi32>, vector<16xi32>, vector<16xi32>, vector<16xi32>], vector<16xf32>,
      %broadcast_in_dim3A_951 = arith.constant 674 : i32
      %broadcast_in_dim3A_952 = vector.broadcast %broadcast_in_dim3A_951 : i32 to vector<16xi32>
      %add3A_953 = arith.addi %broadcast_in_dim3A_952, %broadcast_in_dim3A_872 : vector<16xi32>
      %gather3A_954 = tpu.vector_load_idx %arg36[%add3A_953, %iota3A] : memref<1664x16xf32, #tpu.memory_space<vmem>>[vector<16xi32>, vector<16xi32>], vector<16xf32>,
      %broadcast_in_dim3A_955 = arith.constant 13 : i32
      %broadcast_in_dim3A_956 = vector.broadcast %broadcast_in_dim3A_955 : i32 to vector<16xi32>
      tpu.vector_store_idx %arg37[%broadcast_in_dim3A_872, %shift_right_arithmetic3A, %and3A, %broadcast_in_dim3A_956], %gather3A_954 : memref<50x2x8x32xf32, #tpu.memory_space<vmem>>[vector<16xi32>, vector<16xi32>, vector<16xi32>, vector<16xi32>], vector<16xf32>,
      %broadcast_in_dim3A_957 = arith.constant 728 : i32
      %broadcast_in_dim3A_958 = vector.broadcast %broadcast_in_dim3A_957 : i32 to vector<16xi32>
      %add3A_959 = arith.addi %broadcast_in_dim3A_958, %broadcast_in_dim3A_872 : vector<16xi32>
      %gather3A_960 = tpu.vector_load_idx %arg36[%add3A_959, %iota3A] : memref<1664x16xf32, #tpu.memory_space<vmem>>[vector<16xi32>, vector<16xi32>], vector<16xf32>,
      %broadcast_in_dim3A_961 = arith.constant 14 : i32
      %broadcast_in_dim3A_962 = vector.broadcast %broadcast_in_dim3A_961 : i32 to vector<16xi32>
      tpu.vector_store_idx %arg37[%broadcast_in_dim3A_872, %shift_right_arithmetic3A, %and3A, %broadcast_in_dim3A_962], %gather3A_960 : memref<50x2x8x32xf32, #tpu.memory_space<vmem>>[vector<16xi32>, vector<16xi32>, vector<16xi32>, vector<16xi32>], vector<16xf32>,
      %broadcast_in_dim3A_963 = arith.constant 778 : i32
      %broadcast_in_dim3A_964 = vector.broadcast %broadcast_in_dim3A_963 : i32 to vector<16xi32>
      %add3A_965 = arith.addi %broadcast_in_dim3A_964, %broadcast_in_dim3A_872 : vector<16xi32>
      %gather3A_966 = tpu.vector_load_idx %arg36[%add3A_965, %iota3A] : memref<1664x16xf32, #tpu.memory_space<vmem>>[vector<16xi32>, vector<16xi32>], vector<16xf32>,
      %broadcast_in_dim3A_967 = arith.constant 15 : i32
      %broadcast_in_dim3A_968 = vector.broadcast %broadcast_in_dim3A_967 : i32 to vector<16xi32>
      tpu.vector_store_idx %arg37[%broadcast_in_dim3A_872, %shift_right_arithmetic3A, %and3A, %broadcast_in_dim3A_968], %gather3A_966 : memref<50x2x8x32xf32, #tpu.memory_space<vmem>>[vector<16xi32>, vector<16xi32>, vector<16xi32>, vector<16xi32>], vector<16xf32>,
      %broadcast_in_dim3A_969 = arith.constant 832 : i32
      %broadcast_in_dim3A_970 = vector.broadcast %broadcast_in_dim3A_969 : i32 to vector<16xi32>
      %add3A_971 = arith.addi %broadcast_in_dim3A_970, %broadcast_in_dim3A_872 : vector<16xi32>
      %gather3A_972 = tpu.vector_load_idx %arg36[%add3A_971, %iota3A] : memref<1664x16xf32, #tpu.memory_space<vmem>>[vector<16xi32>, vector<16xi32>], vector<16xf32>,
      %broadcast_in_dim3A_973 = arith.constant 16 : i32
      %broadcast_in_dim3A_974 = vector.broadcast %broadcast_in_dim3A_973 : i32 to vector<16xi32>
      tpu.vector_store_idx %arg37[%broadcast_in_dim3A_872, %shift_right_arithmetic3A, %and3A, %broadcast_in_dim3A_974], %gather3A_972 : memref<50x2x8x32xf32, #tpu.memory_space<vmem>>[vector<16xi32>, vector<16xi32>, vector<16xi32>, vector<16xi32>], vector<16xf32>,
      %broadcast_in_dim3A_975 = arith.constant 882 : i32
      %broadcast_in_dim3A_976 = vector.broadcast %broadcast_in_dim3A_975 : i32 to vector<16xi32>
      %add3A_977 = arith.addi %broadcast_in_dim3A_976, %broadcast_in_dim3A_872 : vector<16xi32>
      %gather3A_978 = tpu.vector_load_idx %arg36[%add3A_977, %iota3A] : memref<1664x16xf32, #tpu.memory_space<vmem>>[vector<16xi32>, vector<16xi32>], vector<16xf32>,
      %broadcast_in_dim3A_979 = arith.constant 17 : i32
      %broadcast_in_dim3A_980 = vector.broadcast %broadcast_in_dim3A_979 : i32 to vector<16xi32>
      tpu.vector_store_idx %arg37[%broadcast_in_dim3A_872, %shift_right_arithmetic3A, %and3A, %broadcast_in_dim3A_980], %gather3A_978 : memref<50x2x8x32xf32, #tpu.memory_space<vmem>>[vector<16xi32>, vector<16xi32>, vector<16xi32>, vector<16xi32>], vector<16xf32>,
      %broadcast_in_dim3A_981 = arith.constant 936 : i32
      %broadcast_in_dim3A_982 = vector.broadcast %broadcast_in_dim3A_981 : i32 to vector<16xi32>
      %add3A_983 = arith.addi %broadcast_in_dim3A_982, %broadcast_in_dim3A_872 : vector<16xi32>
      %gather3A_984 = tpu.vector_load_idx %arg36[%add3A_983, %iota3A] : memref<1664x16xf32, #tpu.memory_space<vmem>>[vector<16xi32>, vector<16xi32>], vector<16xf32>,
      %broadcast_in_dim3A_985 = arith.constant 18 : i32
      %broadcast_in_dim3A_986 = vector.broadcast %broadcast_in_dim3A_985 : i32 to vector<16xi32>
      tpu.vector_store_idx %arg37[%broadcast_in_dim3A_872, %shift_right_arithmetic3A, %and3A, %broadcast_in_dim3A_986], %gather3A_984 : memref<50x2x8x32xf32, #tpu.memory_space<vmem>>[vector<16xi32>, vector<16xi32>, vector<16xi32>, vector<16xi32>], vector<16xf32>,
      %broadcast_in_dim3A_987 = arith.constant 986 : i32
      %broadcast_in_dim3A_988 = vector.broadcast %broadcast_in_dim3A_987 : i32 to vector<16xi32>
      %add3A_989 = arith.addi %broadcast_in_dim3A_988, %broadcast_in_dim3A_872 : vector<16xi32>
      %gather3A_990 = tpu.vector_load_idx %arg36[%add3A_989, %iota3A] : memref<1664x16xf32, #tpu.memory_space<vmem>>[vector<16xi32>, vector<16xi32>], vector<16xf32>,
      %broadcast_in_dim3A_991 = arith.constant 19 : i32
      %broadcast_in_dim3A_992 = vector.broadcast %broadcast_in_dim3A_991 : i32 to vector<16xi32>
      tpu.vector_store_idx %arg37[%broadcast_in_dim3A_872, %shift_right_arithmetic3A, %and3A, %broadcast_in_dim3A_992], %gather3A_990 : memref<50x2x8x32xf32, #tpu.memory_space<vmem>>[vector<16xi32>, vector<16xi32>, vector<16xi32>, vector<16xi32>], vector<16xf32>,
      %broadcast_in_dim3A_993 = arith.constant 1040 : i32
      %broadcast_in_dim3A_994 = vector.broadcast %broadcast_in_dim3A_993 : i32 to vector<16xi32>
      %add3A_995 = arith.addi %broadcast_in_dim3A_994, %broadcast_in_dim3A_872 : vector<16xi32>
      %gather3A_996 = tpu.vector_load_idx %arg36[%add3A_995, %iota3A] : memref<1664x16xf32, #tpu.memory_space<vmem>>[vector<16xi32>, vector<16xi32>], vector<16xf32>,
      %broadcast_in_dim3A_997 = arith.constant 20 : i32
      %broadcast_in_dim3A_998 = vector.broadcast %broadcast_in_dim3A_997 : i32 to vector<16xi32>
      tpu.vector_store_idx %arg37[%broadcast_in_dim3A_872, %shift_right_arithmetic3A, %and3A, %broadcast_in_dim3A_998], %gather3A_996 : memref<50x2x8x32xf32, #tpu.memory_space<vmem>>[vector<16xi32>, vector<16xi32>, vector<16xi32>, vector<16xi32>], vector<16xf32>,
      %broadcast_in_dim3A_999 = arith.constant 1090 : i32
      %broadcast_in_dim3A_1000 = vector.broadcast %broadcast_in_dim3A_999 : i32 to vector<16xi32>
      %add3A_1001 = arith.addi %broadcast_in_dim3A_1000, %broadcast_in_dim3A_872 : vector<16xi32>
      %gather3A_1002 = tpu.vector_load_idx %arg36[%add3A_1001, %iota3A] : memref<1664x16xf32, #tpu.memory_space<vmem>>[vector<16xi32>, vector<16xi32>], vector<16xf32>,
      %broadcast_in_dim3A_1003 = arith.constant 21 : i32
      %broadcast_in_dim3A_1004 = vector.broadcast %broadcast_in_dim3A_1003 : i32 to vector<16xi32>
      tpu.vector_store_idx %arg37[%broadcast_in_dim3A_872, %shift_right_arithmetic3A, %and3A, %broadcast_in_dim3A_1004], %gather3A_1002 : memref<50x2x8x32xf32, #tpu.memory_space<vmem>>[vector<16xi32>, vector<16xi32>, vector<16xi32>, vector<16xi32>], vector<16xf32>,
      %broadcast_in_dim3A_1005 = arith.constant 1144 : i32
      %broadcast_in_dim3A_1006 = vector.broadcast %broadcast_in_dim3A_1005 : i32 to vector<16xi32>
      %add3A_1007 = arith.addi %broadcast_in_dim3A_1006, %broadcast_in_dim3A_872 : vector<16xi32>
      %gather3A_1008 = tpu.vector_load_idx %arg36[%add3A_1007, %iota3A] : memref<1664x16xf32, #tpu.memory_space<vmem>>[vector<16xi32>, vector<16xi32>], vector<16xf32>,
      %broadcast_in_dim3A_1009 = arith.constant 22 : i32
      %broadcast_in_dim3A_1010 = vector.broadcast %broadcast_in_dim3A_1009 : i32 to vector<16xi32>
      tpu.vector_store_idx %arg37[%broadcast_in_dim3A_872, %shift_right_arithmetic3A, %and3A, %broadcast_in_dim3A_1010], %gather3A_1008 : memref<50x2x8x32xf32, #tpu.memory_space<vmem>>[vector<16xi32>, vector<16xi32>, vector<16xi32>, vector<16xi32>], vector<16xf32>,
      %broadcast_in_dim3A_1011 = arith.constant 1194 : i32
      %broadcast_in_dim3A_1012 = vector.broadcast %broadcast_in_dim3A_1011 : i32 to vector<16xi32>
      %add3A_1013 = arith.addi %broadcast_in_dim3A_1012, %broadcast_in_dim3A_872 : vector<16xi32>
      %gather3A_1014 = tpu.vector_load_idx %arg36[%add3A_1013, %iota3A] : memref<1664x16xf32, #tpu.memory_space<vmem>>[vector<16xi32>, vector<16xi32>], vector<16xf32>,
      %broadcast_in_dim3A_1015 = arith.constant 23 : i32
      %broadcast_in_dim3A_1016 = vector.broadcast %broadcast_in_dim3A_1015 : i32 to vector<16xi32>
      tpu.vector_store_idx %arg37[%broadcast_in_dim3A_872, %shift_right_arithmetic3A, %and3A, %broadcast_in_dim3A_1016], %gather3A_1014 : memref<50x2x8x32xf32, #tpu.memory_space<vmem>>[vector<16xi32>, vector<16xi32>, vector<16xi32>, vector<16xi32>], vector<16xf32>,
      %broadcast_in_dim3A_1017 = arith.constant 1248 : i32
      %broadcast_in_dim3A_1018 = vector.broadcast %broadcast_in_dim3A_1017 : i32 to vector<16xi32>
      %add3A_1019 = arith.addi %broadcast_in_dim3A_1018, %broadcast_in_dim3A_872 : vector<16xi32>
      %gather3A_1020 = tpu.vector_load_idx %arg36[%add3A_1019, %iota3A] : memref<1664x16xf32, #tpu.memory_space<vmem>>[vector<16xi32>, vector<16xi32>], vector<16xf32>,
      %broadcast_in_dim3A_1021 = arith.constant 24 : i32
      %broadcast_in_dim3A_1022 = vector.broadcast %broadcast_in_dim3A_1021 : i32 to vector<16xi32>
      tpu.vector_store_idx %arg37[%broadcast_in_dim3A_872, %shift_right_arithmetic3A, %and3A, %broadcast_in_dim3A_1022], %gather3A_1020 : memref<50x2x8x32xf32, #tpu.memory_space<vmem>>[vector<16xi32>, vector<16xi32>, vector<16xi32>, vector<16xi32>], vector<16xf32>,
      %broadcast_in_dim3A_1023 = arith.constant 1298 : i32
      %broadcast_in_dim3A_1024 = vector.broadcast %broadcast_in_dim3A_1023 : i32 to vector<16xi32>
      %add3A_1025 = arith.addi %broadcast_in_dim3A_1024, %broadcast_in_dim3A_872 : vector<16xi32>
      %gather3A_1026 = tpu.vector_load_idx %arg36[%add3A_1025, %iota3A] : memref<1664x16xf32, #tpu.memory_space<vmem>>[vector<16xi32>, vector<16xi32>], vector<16xf32>,
      %broadcast_in_dim3A_1027 = arith.constant 25 : i32
      %broadcast_in_dim3A_1028 = vector.broadcast %broadcast_in_dim3A_1027 : i32 to vector<16xi32>
      tpu.vector_store_idx %arg37[%broadcast_in_dim3A_872, %shift_right_arithmetic3A, %and3A, %broadcast_in_dim3A_1028], %gather3A_1026 : memref<50x2x8x32xf32, #tpu.memory_space<vmem>>[vector<16xi32>, vector<16xi32>, vector<16xi32>, vector<16xi32>], vector<16xf32>,
      %broadcast_in_dim3A_1029 = arith.constant 1352 : i32
      %broadcast_in_dim3A_1030 = vector.broadcast %broadcast_in_dim3A_1029 : i32 to vector<16xi32>
      %add3A_1031 = arith.addi %broadcast_in_dim3A_1030, %broadcast_in_dim3A_872 : vector<16xi32>
      %gather3A_1032 = tpu.vector_load_idx %arg36[%add3A_1031, %iota3A] : memref<1664x16xf32, #tpu.memory_space<vmem>>[vector<16xi32>, vector<16xi32>], vector<16xf32>,
      %broadcast_in_dim3A_1033 = arith.constant 26 : i32
      %broadcast_in_dim3A_1034 = vector.broadcast %broadcast_in_dim3A_1033 : i32 to vector<16xi32>
      tpu.vector_store_idx %arg37[%broadcast_in_dim3A_872, %shift_right_arithmetic3A, %and3A, %broadcast_in_dim3A_1034], %gather3A_1032 : memref<50x2x8x32xf32, #tpu.memory_space<vmem>>[vector<16xi32>, vector<16xi32>, vector<16xi32>, vector<16xi32>], vector<16xf32>,
      %broadcast_in_dim3A_1035 = arith.constant 1402 : i32
      %broadcast_in_dim3A_1036 = vector.broadcast %broadcast_in_dim3A_1035 : i32 to vector<16xi32>
      %add3A_1037 = arith.addi %broadcast_in_dim3A_1036, %broadcast_in_dim3A_872 : vector<16xi32>
      %gather3A_1038 = tpu.vector_load_idx %arg36[%add3A_1037, %iota3A] : memref<1664x16xf32, #tpu.memory_space<vmem>>[vector<16xi32>, vector<16xi32>], vector<16xf32>,
      %broadcast_in_dim3A_1039 = arith.constant 27 : i32
      %broadcast_in_dim3A_1040 = vector.broadcast %broadcast_in_dim3A_1039 : i32 to vector<16xi32>
      tpu.vector_store_idx %arg37[%broadcast_in_dim3A_872, %shift_right_arithmetic3A, %and3A, %broadcast_in_dim3A_1040], %gather3A_1038 : memref<50x2x8x32xf32, #tpu.memory_space<vmem>>[vector<16xi32>, vector<16xi32>, vector<16xi32>, vector<16xi32>], vector<16xf32>,
      %broadcast_in_dim3A_1041 = arith.constant 1456 : i32
      %broadcast_in_dim3A_1042 = vector.broadcast %broadcast_in_dim3A_1041 : i32 to vector<16xi32>
      %add3A_1043 = arith.addi %broadcast_in_dim3A_1042, %broadcast_in_dim3A_872 : vector<16xi32>
      %gather3A_1044 = tpu.vector_load_idx %arg36[%add3A_1043, %iota3A] : memref<1664x16xf32, #tpu.memory_space<vmem>>[vector<16xi32>, vector<16xi32>], vector<16xf32>,
      %broadcast_in_dim3A_1045 = arith.constant 28 : i32
      %broadcast_in_dim3A_1046 = vector.broadcast %broadcast_in_dim3A_1045 : i32 to vector<16xi32>
      tpu.vector_store_idx %arg37[%broadcast_in_dim3A_872, %shift_right_arithmetic3A, %and3A, %broadcast_in_dim3A_1046], %gather3A_1044 : memref<50x2x8x32xf32, #tpu.memory_space<vmem>>[vector<16xi32>, vector<16xi32>, vector<16xi32>, vector<16xi32>], vector<16xf32>,
      %broadcast_in_dim3A_1047 = arith.constant 1506 : i32
      %broadcast_in_dim3A_1048 = vector.broadcast %broadcast_in_dim3A_1047 : i32 to vector<16xi32>
      %add3A_1049 = arith.addi %broadcast_in_dim3A_1048, %broadcast_in_dim3A_872 : vector<16xi32>
      %gather3A_1050 = tpu.vector_load_idx %arg36[%add3A_1049, %iota3A] : memref<1664x16xf32, #tpu.memory_space<vmem>>[vector<16xi32>, vector<16xi32>], vector<16xf32>,
      %broadcast_in_dim3A_1051 = arith.constant 29 : i32
      %broadcast_in_dim3A_1052 = vector.broadcast %broadcast_in_dim3A_1051 : i32 to vector<16xi32>
      tpu.vector_store_idx %arg37[%broadcast_in_dim3A_872, %shift_right_arithmetic3A, %and3A, %broadcast_in_dim3A_1052], %gather3A_1050 : memref<50x2x8x32xf32, #tpu.memory_space<vmem>>[vector<16xi32>, vector<16xi32>, vector<16xi32>, vector<16xi32>], vector<16xf32>,
      %broadcast_in_dim3A_1053 = arith.constant 1560 : i32
      %broadcast_in_dim3A_1054 = vector.broadcast %broadcast_in_dim3A_1053 : i32 to vector<16xi32>
      %add3A_1055 = arith.addi %broadcast_in_dim3A_1054, %broadcast_in_dim3A_872 : vector<16xi32>
      %gather3A_1056 = tpu.vector_load_idx %arg36[%add3A_1055, %iota3A] : memref<1664x16xf32, #tpu.memory_space<vmem>>[vector<16xi32>, vector<16xi32>], vector<16xf32>,
      %broadcast_in_dim3A_1057 = arith.constant 30 : i32
      %broadcast_in_dim3A_1058 = vector.broadcast %broadcast_in_dim3A_1057 : i32 to vector<16xi32>
      tpu.vector_store_idx %arg37[%broadcast_in_dim3A_872, %shift_right_arithmetic3A, %and3A, %broadcast_in_dim3A_1058], %gather3A_1056 : memref<50x2x8x32xf32, #tpu.memory_space<vmem>>[vector<16xi32>, vector<16xi32>, vector<16xi32>, vector<16xi32>], vector<16xf32>,
      %broadcast_in_dim3A_1059 = arith.constant 1610 : i32
      %broadcast_in_dim3A_1060 = vector.broadcast %broadcast_in_dim3A_1059 : i32 to vector<16xi32>
      %add3A_1061 = arith.addi %broadcast_in_dim3A_1060, %broadcast_in_dim3A_872 : vector<16xi32>
      %gather3A_1062 = tpu.vector_load_idx %arg36[%add3A_1061, %iota3A] : memref<1664x16xf32, #tpu.memory_space<vmem>>[vector<16xi32>, vector<16xi32>], vector<16xf32>,
      %broadcast_in_dim3A_1063 = arith.constant 31 : i32
      %broadcast_in_dim3A_1064 = vector.broadcast %broadcast_in_dim3A_1063 : i32 to vector<16xi32>
      tpu.vector_store_idx %arg37[%broadcast_in_dim3A_872, %shift_right_arithmetic3A, %and3A, %broadcast_in_dim3A_1064], %gather3A_1062 : memref<50x2x8x32xf32, #tpu.memory_space<vmem>>[vector<16xi32>, vector<16xi32>, vector<16xi32>, vector<16xi32>], vector<16xf32>,
      %scan3A_1065 = arith.constant 0 : i32
      scf.yield %scan3A_1065 : i32
    }
    %scan3A_865 = arith.constant 50 : i32
    %shift_right_arithmetic3A_866 = arith.constant 7 : i32
    %shift_right_arithmetic3A_867 = arith.shrsi %mul3A_2, %shift_right_arithmetic3A_866 : i32
    %and3A_868 = arith.constant 127 : i32
    %and3A_869 = arith.andi %mul3A_2, %and3A_868 : i32
    %multiple_of3A = tpu.assume_multiple %and3A_869, 32 : i32
    "tpu.region"() ({
      %run_scoped3A = tpu.sem_alloc : memref<!tpu.dma_semaphore, #tpu.memory_space<semaphore_mem>>
      %dma_start3A_870 = arith.constant 0 : i32
      %dma_start3A_871 = arith.constant 0 : i32
      %dma_start3A_872 = arith.constant 0 : i32
      %dma_start3A_873 = tpu.memref_slice %arg16[%dma_start3A_870, %dma_start3A_871, %shift_right_arithmetic3A_867, %dma_start3A_872, %multiple_of3A] : memref<50x2x8x8x128xf32, #tpu.memory_space<hbm>> -> memref<50x2x1x8x32xf32, #tpu.memory_space<hbm>>
      %dma_start3A_874 = tpu.memref_squeeze %dma_start3A_873 : memref<50x2x1x8x32xf32, #tpu.memory_space<hbm>> -> memref<50x2x8x32xf32, #tpu.memory_space<hbm>>
      %dma_start3A_875 = arith.constant 0 : i32
      %dma_start3A_876 = arith.constant 0 : i32
      %dma_start3A_877 = arith.constant 0 : i32
      %dma_start3A_878 = tpu.memref_slice %arg16[%dma_start3A_875, %dma_start3A_876, %shift_right_arithmetic3A_867, %dma_start3A_877, %multiple_of3A] : memref<50x2x8x8x128xf32, #tpu.memory_space<hbm>> -> memref<50x2x1x8x32xf32, #tpu.memory_space<hbm>>
      %dma_start3A_879 = tpu.memref_squeeze %dma_start3A_878 : memref<50x2x1x8x32xf32, #tpu.memory_space<hbm>> -> memref<50x2x8x32xf32, #tpu.memory_space<hbm>>
      tpu.enqueue_dma source(%arg37 : memref<50x2x8x32xf32, #tpu.memory_space<vmem>>) target(%dma_start3A_879 : memref<50x2x8x32xf32, #tpu.memory_space<hbm>>) target_semaphore(%run_scoped3A : memref<!tpu.dma_semaphore, #tpu.memory_space<semaphore_mem>>)
      %dma_wait3A_880 = arith.constant 0 : i32
      %dma_wait3A_881 = arith.constant 0 : i32
      %dma_wait3A_882 = arith.constant 0 : i32
      %dma_wait3A_883 = tpu.memref_slice %arg16[%dma_wait3A_880, %dma_wait3A_881, %shift_right_arithmetic3A_867, %dma_wait3A_882, %multiple_of3A] : memref<50x2x8x8x128xf32, #tpu.memory_space<hbm>> -> memref<50x2x1x8x32xf32, #tpu.memory_space<hbm>>
      %dma_wait3A_884 = tpu.memref_squeeze %dma_wait3A_883 : memref<50x2x1x8x32xf32, #tpu.memory_space<hbm>> -> memref<50x2x8x32xf32, #tpu.memory_space<hbm>>
      %dma_wait3A_885 = arith.constant 0 : i32
      %dma_wait3A_886 = arith.constant 0 : i32
      %dma_wait3A_887 = arith.constant 0 : i32
      %dma_wait3A_888 = tpu.memref_slice %arg16[%dma_wait3A_885, %dma_wait3A_886, %shift_right_arithmetic3A_867, %dma_wait3A_887, %multiple_of3A] : memref<50x2x8x8x128xf32, #tpu.memory_space<hbm>> -> memref<50x2x1x8x32xf32, #tpu.memory_space<hbm>>
      %dma_wait3A_889 = tpu.memref_squeeze %dma_wait3A_888 : memref<50x2x1x8x32xf32, #tpu.memory_space<hbm>> -> memref<50x2x8x32xf32, #tpu.memory_space<hbm>>
      tpu.wait_dma2 semaphore(%run_scoped3A : memref<!tpu.dma_semaphore, #tpu.memory_space<semaphore_mem>>) src(%arg37 : memref<50x2x8x32xf32, #tpu.memory_space<vmem>>) dst(%dma_wait3A_889 : memref<50x2x8x32xf32, #tpu.memory_space<hbm>>)
      tpu.yield
    }) : () -> ()
    return
  }
}

</mosaic_0001>

<sc_bundles>
// kernel: _sample_gather.3.cloned.1.call-start
scs
__scs_entry_jumppad:
0x0: {  	(pc) =	sbr.rel $0x88, $3  }
0x1: {  	(tag) =	ssettag $0x0;
	lr =	simm.s32 $0x1  }
0x2: {  	[smem:$0x3F94] =	sst lr;
	_ =	strace $0xD0000000  }
0x3: {  	_ = 	snop  }
0x4: {  	_ = 	snop  }
0x5: {  	_ = 	snop  }
0x6: {  	_ = 	snop  }
0x7: {  	_ = 	snop  }
__scs_overlays_trampoline_lowered:
0x8: {  	[smem:$0x3FA3] =	sst s0  }
0x9: {  	[smem:$0x3FA4] =	sst s1  }
0xa: {  	[smem:$0x3FA5] =	sst s2  }
0xb: {  	[smem:$0x3FA6] =	sst s3  }
0xc: {  	[smem:$0x3FA7] =	sst s4  }
0xd: {  	[smem:$0x3FA8] =	sst s5  }
0xe: {  	[smem:$0x3FA9] =	sst s6  }
0xf: {  	[smem:$0x3FAA] =	sst s7  }
0x10: {  	[smem:$0x3FAB] =	sst s8  }
0x11: {  	[smem:$0x3FAC] =	sst s9;
	s0 =	simm.s32 @!p0 $0x0  }
0x12: {  	s1 =	sld [smem:$0x3F92];
	s0 =	simm.s32 @p0 $0x1  }
0x13: {  	[smem:$0x3FAD] =	sst s0;
	s0 =	simm.s32 @!p1 $0x0  }
0x14: {  	s2 =	sld [smem:$0x3F91];
	s0 =	simm.s32 @p1 $0x1  }
0x15: {  	[smem:$0x3FAE] =	sst s0;
	s0 =	simm.s32 @!p2 $0x0  }
0x16: {  	s3 =	sld [smem:$0x3FDB];
	s0 =	simm.s32 @p2 $0x1  }
0x17: {  	s4 =	simm.s32 $0x1BF5;
	[smem:$0x3FB0] =	sst s0  }
0x18: {  	s0 =	sld [smem:$0x3F93];
	_ =	swait.ge [sflag:s4], $0x0  }
0x19: {  	s7 =	sld [smem:$0x3F94]  }
0x1a: {  	s8 =	sadd.s32 $0xFFFFE003, lr  }
0x1b: {  	s9 =	sadd.s32 $0xFFFFFEF7, lr;
	s5 =	simm.s32 $0xFFFFFFFF;
	p2 =	slt.u32 s8, $0xFFFFF086  }
0x1c: {  	p1 =	slt.u32 s9, $0xF7A;
	s5 =	simm.s32 @!p2 $0x0  }
0x1d: {  	s5 =	simm.s32 @p1 $0x1;
	p0 =	seq.s32 s7, s2  }
0x1e: {  	s7 =	smul.u32 @!p0 $0xF7A, s2;
	p2 =	seq.s32 @!p0 s5, $0x0  }
0x1f: {  	s9 =	smul.u32 $0xF7A, s1;
	s8 =	simm.s32 @!p0 $0x1BF5;
	p2 =	por !p2, p0  }
0x20: {  	[sflag:s8] =	ssyncset.s32 @!p0 $0xFFFFF086;
	s6 =	sadd.s32 @!p0 s3, s7;
	s7 =	simm.s32 @!p0 $0x108  }
0x21: {  	s3 =	sadd.s32 s3, s9;
	s6 =	sadd.s32 @!p0 $0x88, s6;
	s7 =	simm.s32 @p2 $0x1082  }
0x22: {  	[simem:s7], [sflag:s8] =	dma.local @!p0 [hbm:s6], $0xF7A  }
0x23: {  	s9 =	sor.u32 $0xD0000000, s2;
	s6 =	simm.s32 $0x108;
	_ =	swait.ge @!p0 [sflag:s8], $0x0  }
0x24: {  	s3 =	sadd.s32 $0x88, s3;
	s6 =	simm.s32 @!p1 $0x1082;
	[sflag:s4] =	ssyncset.s32 $0xFFFFF086  }
0x25: {  	[simem:s6], [sflag:s4] =	dma.local [hbm:s3], $0xF7A  }
0x26: {  	[smem:$0x3F94] =	sst s1;
	(tag) =	ssettag s2;
	_ =	strace s9  }
0x27: {  	s1 =	sld [smem:$0x3FA4]  }
0x28: {  	s2 =	sld [smem:$0x3FA5]  }
0x29: {  	s4 =	sld [smem:$0x3FA7]  }
0x2a: {  	p0 =	seq.s32 s5, $0x0;
	s5 =	sld [smem:$0x3FA8]  }
0x2b: {  	s6 =	sld [smem:$0x3FA9]  }
0x2c: {  	s7 =	sld [smem:$0x3FAA]  }
0x2d: {  	s3 =	simm.s32 $0x108;
	s8 =	sld [smem:$0x3FAB]  }
0x2e: {  	s3 =	simm.s32 @!p0 $0x1082;
	s9 =	sld [smem:$0x3FAC]  }
0x2f: {  	lr =	sadd.s32 s0, s3;
	s0 =	sld [smem:$0x3FA3]  }
0x30: {  	s3 =	sld [smem:$0x3FA6]  }
0x31: {  	[smem:$0x3FAF] =	sst s10  }
0x32: {  	s10 =	sld [smem:$0x3FAD];
	_ =	sdelay $0x3  }
0x33: {  	p0 =	seq.s32 s10, $0x1;
	s10 =	sld [smem:$0x3FAF];
	_ =	sdelay $0x3  }
0x34: {  	[smem:$0x3FAF] =	sst s10  }
0x35: {  	s10 =	sld [smem:$0x3FAE];
	_ =	sdelay $0x3  }
0x36: {  	p1 =	seq.s32 s10, $0x1;
	s10 =	sld [smem:$0x3FAF];
	_ =	sdelay $0x3  }
0x37: {  	[smem:$0x3FAF] =	sst s10  }
0x38: {  	s10 =	sld [smem:$0x3FB0]  }
0x39: {  	_ = 	snop;
	(pc) =	sbr.ind lr, $3  }
0x3a: {  	_ = 	snop  }
0x3b: {  	_ = 	snop  }
0x3c: {  	p2 =	seq.s32 s10, $0x1;
	s10 =	sld [smem:$0x3FAF]  }
0x3d: {  	_ =	shalt  }
0x3e: {  	_ =	shalt  }
0x3f: {  	_ =	shalt  }
0x40: {  	_ =	shalt  }
0x41: {  	_ =	shalt  }
0x42: {  	_ =	shalt  }
0x43: {  	_ =	shalt  }
0x44: {  	_ =	shalt  }
0x45: {  	_ =	shalt  }
0x46: {  	_ =	shalt  }
0x47: {  	_ =	shalt  }
0x48: {  	_ =	shalt  }
0x49: {  	_ =	shalt  }
0x4a: {  	_ =	shalt  }
0x4b: {  	_ =	shalt  }
0x4c: {  	_ =	shalt  }
0x4d: {  	_ =	shalt  }
0x4e: {  	_ =	shalt  }
0x4f: {  	_ =	shalt  }
0x50: {  	_ =	shalt  }
0x51: {  	_ =	shalt  }
0x52: {  	_ =	shalt  }
0x53: {  	_ =	shalt  }
0x54: {  	_ =	shalt  }
0x55: {  	_ =	shalt  }
0x56: {  	_ =	shalt  }
0x57: {  	_ =	shalt  }
0x58: {  	_ =	shalt  }
0x59: {  	_ =	shalt  }
0x5a: {  	_ =	shalt  }
0x5b: {  	_ =	shalt  }
0x5c: {  	_ =	shalt  }
0x5d: {  	_ =	shalt  }
0x5e: {  	_ =	shalt  }
0x5f: {  	_ =	shalt  }
0x60: {  	_ =	shalt  }
0x61: {  	_ =	shalt  }
0x62: {  	_ =	shalt  }
0x63: {  	_ =	shalt  }
0x64: {  	_ =	shalt  }
0x65: {  	_ =	shalt  }
0x66: {  	_ =	shalt  }
0x67: {  	_ =	shalt  }
0x68: {  	_ =	shalt  }
0x69: {  	_ =	shalt  }
0x6a: {  	_ =	shalt  }
0x6b: {  	_ =	shalt  }
0x6c: {  	_ =	shalt  }
0x6d: {  	_ =	shalt  }
0x6e: {  	_ =	shalt  }
0x6f: {  	_ =	shalt  }
0x70: {  	_ =	shalt  }
0x71: {  	_ =	shalt  }
0x72: {  	_ =	shalt  }
0x73: {  	_ =	shalt  }
0x74: {  	_ =	shalt  }
0x75: {  	_ =	shalt  }
0x76: {  	_ =	shalt  }
0x77: {  	_ =	shalt  }
0x78: {  	_ =	shalt  }
0x79: {  	_ =	shalt  }
0x7a: {  	_ =	shalt  }
0x7b: {  	_ =	shalt  }
0x7c: {  	_ =	shalt  }
0x7d: {  	_ =	shalt  }
0x7e: {  	_ =	shalt  }
0x7f: {  	_ =	shalt  }
0x80: {  	_ =	shalt  }
0x81: {  	_ =	shalt  }
0x82: {  	_ =	shalt  }
0x83: {  	_ =	shalt  }
0x84: {  	_ =	shalt  }
0x85: {  	_ =	shalt  }
0x86: {  	_ =	shalt  }
0x87: {  	_ =	shalt  }
.Lfunc_end0:
.L_simem_size_0:
called_computation_lowered:
.L_overlay_start_0:
0x88: {  	s2 =	sld [smem:$0x3FD9]  }
0x89: {  	s3 =	sld [smem:$0x3FFE];
	_ =	sdelay $0x1  }
0x8a: {  	s1 =	srdreg.scid  }
0x8b: {  	s0 =	sand.u32 $0x1, s1  }
0x8c: {  	s28 =	sshll.u32 s0, $0xA;
	s2 =	sadd.s32 s3, s2  }
0x8d: {  	s2 =	sadd.s32 s2, s28  }
0x8e: {  	[smem:$0x3FBB] =	sst s2  }
0x8f: {  	_ = 	snop  }
0x90: {  	s29 =	sld [smem:$0x3FC9]  }
0x91: {  	s2 =	sld [smem:$0x3FC7]  }
0x92: {  	s4 =	sld [smem:$0x3FD0]  }
0x93: {  	s5 =	sld [smem:$0x3FC6]  }
0x94: {  	s6 =	sld [smem:$0x3FC5]  }
0x95: {  	s8 =	simm.s32 $0xA;
	s9 =	simm.s32 $0x10;
	s7 =	sld [smem:$0x3FC4]  }
0x96: {  	[smem:s9], [sflag:s8] =	dma.local [hbm:s4], $0x1  }
0x97: {  	_ =	swait.eq [sflag:s8], $0x1  }
0x98: {  	s30 =	sld [smem:$0x10]  }
0x99: {  	s31 =	sld [smem:$0x11]  }
0x9a: {  	s10 =	sld [smem:$0x12]  }
0x9b: {  	s11 =	sld [smem:$0x13];
	[sflag:s8] =	ssyncset.done $0x0  }
0x9c: {  	s12 =	sld [smem:$0x16];
	[sflag:s8] =	ssyncadd.s32 $0xFFFFFFFF  }
0x9d: {  	s18 =	sld [smem:$0x17];
	(tm) =	ssettm $0x1  }
0x9e: {  	s13 =	sld [smem:$0x3FFB];
	_ =	sdelay $0x3  }
0x9f: {  	_ =	strace s13  }
0xa0: {  	s13 =	sld [smem:$0x3FFC];
	_ =	sdelay $0x3  }
0xa1: {  	_ =	strace s13  }
0xa2: {  	s13 =	sld [smem:$0x3FFD];
	_ =	sdelay $0x3  }
0xa3: {  	_ =	strace s13  }
0xa4: {  	_ =	strace $0x8FFFFFFF  }
0xa5: {  	s19 =	sld [smem:$0x3FDB];
	_ =	sdelay $0x1  }
0xa6: {  	s14 =	simm.s32 $_scs_section_size  }
0xa7: {  	s15 =	simm.s32 $_size__tile_overlayer_lowered;
	s16 =	simm.s32 $_tile_overlayer_lowered  }
0xa8: {  	s22 =	simm.s32 $0x1BFF;
	s21 =	sshll.u32 s16, $0x1;
	s13 =	sadd.s32 s14, s19  }
0xa9: {  	s17 =	simm.s32 $0x0;
	s20 =	sshll.u32 s15, $0x1;
	s15 =	sadd.s32 s21, s13  }
0xaa: {  	[timem:s17], [sflag:s22] =	dma.local [hbm:s15], s20  }
0xab: {  	_ =	swait.ge [sflag:s22], s20  }
0xac: {  	s14 =	ssub.s32 $0x0, s20;
	[sflag:s22] =	ssyncset.done $0x0  }
0xad: {  	[sflag:s22] =	ssyncadd.s32 s14;
	_ =	sdelay $0x1  }
0xae: {  	s23 =	simm.s32 $0x1B8B  }
0xaf: {  	_ =	swait.ge [sflag:s23], $0x1  }
0xb0: {  	[sflag:s23] =	ssyncset.done $0x0  }
0xb1: {  	s25 =	simm.s32 $0x1B8E;
	s24 =	sld [smem:$0x3FFE];
	[sflag:s23] =	ssyncadd.s32 $0xFFFFFFFF  }
0xb2: {  	s26 =	simm.s32 $execute0_lowered;
	[smem:$0x3FD2] =	sst s25  }
0xb3: {  	s15 =	sshll.u32 s26, $0x1;
	_ =	strace $0x80000046;
	[dreg:$0x1] =	wrdreg $0xFFFFFFFF  }
0xb4: {  	s28 =	simm.s32 $_size_execute0_lowered;
	s13 =	sadd.s32 s13, s15;
	[dreg:$0x0] =	wrdreg $0x0  }
0xb5: {  	s15 =	sshll.u32 s28, $0x1;
	[dreg:$0x2] =	wrdreg s13  }
0xb6: {  	[dreg:$0x3] =	wrdreg s15  }
0xb7: {  	[dreg:$0x4] =	wrdreg $0xC0  }
0xb8: {  	_ =	task [dreg:s17], $0x5FFFF  }
0xb9: {  	[dreg:$0x1] =	wrdreg $0xFFFFFFFF  }
0xba: {  	[dreg:$0x0] =	wrdreg $0x60  }
0xbb: {  	[dreg:$0x2] =	wrdreg s29  }
0xbc: {  	[dreg:$0x3] =	wrdreg s24  }
0xbd: {  	[dreg:$0x4] =	wrdreg s2  }
0xbe: {  	[dreg:$0x5] =	wrdreg s5  }
0xbf: {  	[dreg:$0x6] =	wrdreg s6  }
0xc0: {  	[dreg:$0x7] =	wrdreg s7  }
0xc1: {  	[dreg:$0x8] =	wrdreg s30  }
0xc2: {  	[dreg:$0x9] =	wrdreg s31  }
0xc3: {  	[dreg:$0xa] =	wrdreg s11  }
0xc4: {  	[dreg:$0xb] =	wrdreg s18  }
0xc5: {  	[dreg:$0xc] =	wrdreg s12  }
0xc6: {  	[dreg:$0xd] =	wrdreg s10  }
0xc7: {  	[dreg:$0xe] =	wrdreg $0x9  }
0xc8: {  	_ =	task.clear_ibuf [dreg:s17], $0xFFFFF;
	_ =	strace $0x90000046  }
0xc9: {  	s29 =	simm.s32 $0x9;
	_ =	strace $0x80000048  }
0xca: {  	_ =	swait.ge [sflag:s29], $0x1  }
0xcb: {  	[sflag:s29] =	ssyncadd.s32 $0xFFFFFFFF  }
0xcc: {  	_ =	strace $0x90000048  }
0xcd: {  	_ =	sfence  }
0xce: {  	s30 =	sld [smem:$0x0];
	_ =	sdelay $0x2  }
0xcf: {  	s31 =	sshll.u32 s1, $0xD;
	s1 =	sshrl.u32 s1, $0x2  }
0xd0: {  	s3 =	sand.u32 $0x4000, s31;
	s1 =	sadd.s32 s1, s30  }
0xd1: {  	s0 =	sor.u32 s3, s0;
	s1 =	sshll.u32 s1, $0x11  }
0xd2: {  	s0 =	sor.u32 s1, s0  }
0xd3: {  	s0 =	sadd.s32 $0x8F2B, s0  }
0xd4: {  	[sflag:s0] =	ssyncadd.remote.s32 $0x1  }
0xd5: {  	_ =	sfence.sel $0xFFFF  }
0xd6: {  	[dreg:$0x0] =	wrdreg $0xFFFFFFFF;
	(pc) =	sbr.abs _section_cstart, $3  }
0xd7: {  	[dreg:$0x1] =	wrdreg $0xFFFFFFFF  }
0xd8: {  	_ =	task.clear_ibuf [dreg:s17], $0x2FFFF;
	_ =	strace $0x9FFFFFFF  }
0xd9: {  	(tm) =	ssettm $0x7FFFFFFF  }
tec
execute0_lowered:
.L_overlay_start_1:
0x0: {  	(tag) =	ssettag $0x1  }
0x1: {  	s0 =	rddreg [dreg:$0x1]  }
0x2: {  	s1 =	rddreg [dreg:$0x2]  }
0x3: {  	s3 =	rddreg [dreg:$0x3]  }
0x4: {  	s2 =	rddreg [dreg:$0x5]  }
0x5: {  	s5 =	rddreg [dreg:$0x6]  }
0x6: {  	s6 =	rddreg [dreg:$0x7]  }
0x7: {  	s8 =	rddreg [dreg:$0x8]  }
0x8: {  	s9 =	rddreg [dreg:$0x9]  }
0x9: {  	s10 =	rddreg [dreg:$0xa]  }
0xa: {  	s11 =	rddreg [dreg:$0xb];
	s4 =	simm.s32 $0x0;
	s12 =	srdreg.scid  }
0xb: {  	s16 =	stileid.u32;
	[smem:$0x7FF] =	sst s4;
	s7 =	sadd.s32 $0x26E00, s0  }
0xc: {  	s13 =	sadd.s32 $0x14200, s0;
	_ =	strace $0x80000047;
	[dreg:$0xd] =	wrdreg s7  }
0xd: {  	s12 =	sand.u32 $0x1, s12;
	s25 =	sadd.s32 $0xDE00, s0;
	[dreg:$0xe] =	wrdreg s13  }
0xe: {  	s26 =	sshll.u32 s16, $0x6;
	s15 =	sadd.s32 $0x7A00, s0;
	[dreg:$0xf] =	wrdreg s25  }
0xf: {  	s17 =	sadd.s32 $0x1600, s0;
	s14 =	sshll.u32 s12, $0x5;
	[dreg:$0x10] =	wrdreg s15  }
0x10: {  	s12 =	ssub.s32 $0x2, s12;
	[dreg:$0x11] =	wrdreg s17;
	s13 =	sor.u32 s14, s26  }
0x11: {  	s17 =	sadd.s32 $0x20A00, s0;
	s19 =	sshrl.u32 s12, $0x1;
	s20 =	sshrl.u32 s13, $0x3  }
0x12: {  	[dreg:$0x12] =	wrdreg s17;
	s18 =	smul.u32 $0x7, s13;
	s1 =	sadd.s32 s1, s20  }
0x13: {  	s12 =	ssub.s32 s12, s19;
	s21 =	sadd.s32 s3, s20;
	[dreg:$0x13] =	wrdreg s1  }
0x14: {  	s15 =	smax.u32 s12, $0x1;
	[dreg:$0x14] =	wrdreg s21  }
0x15: {  	s22 =	sadd.s32 s8, s18;
	[dreg:$0x1d] =	wrdreg s15  }
0x16: {  	s7 =	sadd.s32 $0x321600, s0;
	s23 =	sadd.s32 s9, s18;
	[dreg:$0x15] =	wrdreg s22  }
0x17: {  	s25 =	sshll.u32 s16, $0x9;
	s24 =	sadd.s32 s10, s18;
	[dreg:$0x16] =	wrdreg s23  }
0x18: {  	s26 =	sadd.s32 s11, s18;
	s8 =	sadd.s32 s18, s0;
	[dreg:$0x17] =	wrdreg s24  }
0x19: {  	s1 =	sor.u32 s25, s13;
	s0 =	sadd.s32 $0x1A600, s0;
	[dreg:$0x18] =	wrdreg s26  }
0x1a: {  	s9 =	sshll.u32 s13, $0x4;
	[dreg:$0x19] =	wrdreg s0;
	s10 =	sadd.s32 $0x2D600, s8  }
0x1b: {  	s20 =	sadd.s32 s5, s9;
	s13 =	sadd.s32 $0x2BA00, s8;
	[dreg:$0x1a] =	wrdreg s10  }
0x1c: {  	[dreg:$0x1b] =	wrdreg s13;
	s14 =	sadd.s32 $0x10, s20  }
0x1d: {  	s16 =	sadd.s32 $0x20, s20;
	[dreg:$0x1c] =	wrdreg s14  }
0x1e: {  	s17 =	sadd.s32 $0x30, s20;
	[dreg:$0x1e] =	wrdreg s16  }
0x1f: {  	s18 =	sadd.s32 $0x40, s20;
	[dreg:$0x1f] =	wrdreg s17  }
0x20: {  	s19 =	sadd.s32 $0x50, s20;
	[smem:$0x7E2] =	sst s18  }
0x21: {  	s21 =	sadd.s32 $0x60, s20;
	[smem:$0x7E3] =	sst s19  }
0x22: {  	s22 =	sadd.s32 $0x70, s20;
	[smem:$0x7E4] =	sst s21  }
0x23: {  	s24 =	sadd.s32 $0x80, s20;
	[smem:$0x7E5] =	sst s22  }
0x24: {  	s25 =	sadd.s32 $0x90, s20;
	[smem:$0x7E6] =	sst s24  }
0x25: {  	s1 =	sand.u32 $0x1C60, s1;
	s26 =	sadd.s32 $0xA0, s20;
	[smem:$0x7E7] =	sst s25  }
0x26: {  	s11 =	sshrl.u32 s1, $0x3;
	s1 =	sadd.s32 $0xB0, s20;
	[smem:$0x7E8] =	sst s26  }
0x27: {  	s3 =	sadd.s32 $0xC0, s20;
	[smem:$0x7E9] =	sst s1  }
0x28: {  	s5 =	sadd.s32 $0xD0, s20;
	[smem:$0x7EA] =	sst s3  }
0x29: {  	s8 =	sadd.s32 $0xF0, s20;
	[smem:$0x7EB] =	sst s5  }
0x2a: {  	s9 =	sadd.s32 $0x100, s20;
	[smem:$0x7ED] =	sst s8  }
0x2b: {  	s10 =	sadd.s32 $0x110, s20;
	[smem:$0x7EE] =	sst s9  }
0x2c: {  	s31 =	simm.s32 $0x6;
	s12 =	sadd.s32 $0x130, s20;
	[smem:$0x7EF] =	sst s10  }
0x2d: {  	s28 =	simm.s32 $0xB4B0;
	s13 =	sadd.s32 $0x140, s20;
	[smem:$0x7F1] =	sst s12  }
0x2e: {  	s29 =	simm.s32 $0x4;
	s15 =	sadd.s32 $0x160, s20;
	[smem:$0x7F2] =	sst s13  }
0x2f: {  	v0 =	vimm.s32 $0x54329876;
	s23 =	sadd.s32 s6, s11;
	s6 =	sadd.s32 $0xE0, s20;
	[smem:$0x7F4] =	sst s15  }
0x30: {  	v22 =	vlaneseq.u32;
	v57 =	vimm.s32 $0x1003130;
	v58 =	vimm.s32 $0xD0C0B0A;
	s30 =	simm.s32 $0x80;
	s11 =	sadd.s32 $0x120, s20;
	[smem:$0x7EC] =	sst s6  }
0x31: {  	v56 =	vor.u32 $0x10, v22;
	s0 =	simm.s32 $0x1EB0;
	s14 =	sadd.s32 $0x150, s20;
	[smem:$0x7F0] =	sst s11  }
0x32: {  	v60 =	vor.u32 $0x20, v22;
	[tilespmem:$0x1FFA0] =	vst v56;
	s16 =	sadd.s32 $0x170, s20;
	s17 =	sadd.s32 $0x180, s20;
	[smem:$0x7F3] =	sst s14  }
0x33: {  	v61 =	vadd.s32 $0xE, v22;
	[tilespmem:$0x1FFB0] =	vst v60;
	s18 =	sadd.s32 $0x190, s20;
	s19 =	sadd.s32 $0x1A0, s20;
	[smem:$0x7F5] =	sst s16  }
0x34: {  	v1 =	vmul.u32 $0x98, v22;
	v62 =	vadd.s32 $0x1E, v22;
	[tilespmem:$0x1FFD0] =	vst v61;
	s21 =	sadd.s32 $0x1B0, s20;
	s22 =	sadd.s32 $0x1C0, s20;
	[smem:$0x7F6] =	sst s17  }
0x35: {  	[tilespmem:$0x1FFE0] =	vst v62;
	s24 =	sadd.s32 $0x1D0, s20;
	s25 =	sadd.s32 $0x1E0, s20;
	[smem:$0x7F7] =	sst s18  }
0x36: {  	v3 =	vimm.s32 $0x31302F2E;
	v0 =	vunpack.c.l.s4.s8 v0;
	v2 =	vadd.s32 $0x96, v1;
	[tilespmem:$0x1FF80] =	vst v1;
	s26 =	sadd.s32 $0x1F0, s20;
	s3 =	simm.s32 $0x20;
	[smem:$0x7F8] =	sst s19  }
0x37: {  	v53 =	vadd.s32 $0x4B, v1;
	v54 =	vadd.s32 $0xA16, v1;
	[tilespmem:$0x1FF40] =	vst v2;
	s5 =	simm.s32 $0x1740;
	s1 =	simm.s32 $0x400;
	[smem:$0x7F9] =	sst s21  }
0x38: {  	v55 =	vadd.s32 $0x9CB, v1;
	v1 =	vadd.s32 $0x980, v1;
	v0 =	vunpack.c.0.s8.s32 v0;
	[tilespmem:$0x1FF50] =	vst v53;
	s8 =	simm.s32 $0x1790;
	s9 =	simm.s32 $0x1770;
	[smem:$0x7FA] =	sst s22  }
0x39: {  	vm0 =	vcmask $0x2F10;
	v59 =	vunpack.c.0.s8.s32 v3;
	[tilespmem:$0x1FF90] =	vst v1;
	v1 =	vunpack.c.0.s8.s32 v57;
	s10 =	simm.s32 $0x68;
	s15 =	simm.s32 $0xEFB0;
	[smem:$0x7FB] =	sst s24  }
0x3a: {  	vm15 =	vcmask $0xF00;
	[tilespmem:$0x1FF60] =	vst v54;
	v2 =	vunpack.c.0.s8.s32 v58;
	v0 =	vand.u32 $0xF, v0;
	s13 =	simm.s32 $0xD4B0;
	s12 =	simm.s32 $0x3;
	[smem:$0x7FC] =	sst s25  }
0x3b: {  	vm14 =	vcmask $0x3F30;
	v63 =	vnsel vm15, $0x31, v59;
	[tilespmem:$0x1FF70] =	vst v55;
	v0 =	vsel vm0, v0, v1;
	[smem:$0x7FD] =	sst s26;
	s11 =	simm.s32 $0x123B0;
	s25 =	simm.s32 $0xBBB0  }
0x3c: {  	[tilespmem:$0x1FFF0] =	vst v63;
	v0 =	vsel vm14, v2, v0;
	s26 =	simm.s32 $0x2;
	s16 =	simm.s32 $0x20000;
	s17 =	simm.s32 $0x5  }
0x3d: {  	[tilespmem:$0x1FFC0] =	vst v0;
	s18 =	simm.s32 $0x108B0;
	s19 =	simm.s32 $0x18BB0;
	s21 =	simm.s32 $0x0  }
.LBB2_1:
0x3e: {  	s6 =	rddreg [dreg:$0x0]  }
0x3f: {  	[tilespmem:s4], [sflag:$0x6] =	stream.linear.gather [hbm4b:s6+s4], $0x400, $0x38;
	[tilespmem:$0x1EFB0] =	vst v63  }
0x40: {  	_ =	swait.ge [sflag:s31], $0x400  }
0x41: {  	[sflag:s31] =	ssyncset.done $0x0  }
0x42: {  	s14 =	simm.s32 $0x1700;
	s24 =	rddreg [dreg:$0x13];
	[sflag:s31] =	ssyncadd.s32 $0xFFFFFC00  }
0x43: {  	[tilespmem:s14], [sflag:$0x6] =	stream.linear.gather [hbm4b:s24+s4], $0x20, $0x38;
	[tilespmem:$0x1EFB0] =	vst v63  }
0x44: {  	_ =	swait.ge [sflag:s31], $0x20  }
0x45: {  	[sflag:s31] =	ssyncset.done $0x0  }
0x46: {  	s24 =	simm.s32 $0x1720;
	s22 =	rddreg [dreg:$0x14];
	[sflag:s31] =	ssyncadd.s32 $0xFFFFFFE0  }
0x47: {  	[tilespmem:s24], [sflag:$0x6] =	stream.linear.gather [hbm4b:s22+s4], $0x20, $0x38;
	[tilespmem:$0x1EFB0] =	vst v63  }
0x48: {  	_ =	swait.ge [sflag:s31], $0x20  }
0x49: {  	[sflag:s31] =	ssyncset.done $0x0  }
0x4a: {  	[sflag:s31] =	ssyncadd.s32 $0xFFFFFFE0  }
0x4b: {  	v0 =	vimm.s32 $0x3FF;
	s24 =	simm.s32 $0x1760;
	s22 =	rddreg [dreg:$0x4]  }
0x4c: {  	[tilespmem:s24], [sflag:$0x6] =	stream.linear.gather [hbm4b:s22+s4], $0x10, $0x38;
	[tilespmem:$0x1EFB0] =	vst v63  }
0x4d: {  	_ =	swait.ge [sflag:s31], $0x10  }
0x4e: {  	v6 =	vimm.s32 $0x200;
	[sflag:s31] =	ssyncset.done $0x0  }
0x4f: {  	[sflag:s31] =	ssyncadd.s32 $0xFFFFFFF0  }
0x50: {  	v0 =	vld.idx.msk [tilespmem:v0+s4+$0x0], $0xffff  }
0x51: {  	v1 =	vld [tilespmem:$0x1700];
	_ =	sdelay $0x1  }
0x52: {  	v2 =	vld.idx.msk [tilespmem:v6+s4+$0x0], $0xffff;
	_ =	sdelay $0x2  }
0x53: {  	v1 =	vmul.f32 v1, v0;
	_ =	sdelay $0x1  }
0x54: {  	v8 =	vimm.s32 $0x100;
	vm0 =	vle.f32 v2, v1  }
0x55: {  	v2 =	vsel vm0, $0x300, v8;
	_ =	sdelay $0x4  }
0x56: {  	v3 =	vld.idx.msk [tilespmem:v2+s4+$0x0], $0xffff;
	_ =	sdelay $0x4  }
0x57: {  	v7 =	vimm.s32 $0x0;
	v4 =	vsel vm0, $0x400, v6;
	vm1 =	vle.f32 v3, v1  }
0x58: {  	v5 =	vor.u32 $0x1, v2;
	v3 =	vsel vm0, $0x201, v7;
	v2 =	vsel vm1, v4, v2  }
0x59: {  	v3 =	vsel vm1, v5, v3;
	v4 =	vadd.s32 $0xFFFFFFFF, v2  }
0x5a: {  	v5 =	vxor.u32 v4, v3  }
0x5b: {  	v4 =	vor.u32 v4, v3;
	v5 =	vshrl.u32 v5, $0x1  }
0x5c: {  	v4 =	vsub.s32 v4, v5;
	_ =	sdelay $0x4  }
0x5d: {  	v5 =	vld.idx.msk [tilespmem:v4+s4+$0x0], $0xffff;
	_ =	sdelay $0x4  }
0x5e: {  	vm0 =	vle.f32 v5, v1;
	v5 =	vor.u32 $0x1, v4  }
0x5f: {  	v3 =	vsel vm0, v5, v3;
	v2 =	vsel vm0, v2, v4  }
0x60: {  	v4 =	vxor.u32 v3, v2  }
0x61: {  	v5 =	vand.u32 v3, v2;
	v4 =	vshrl.u32 v4, $0x1  }
0x62: {  	v4 =	vadd.s32 v4, v5;
	_ =	sdelay $0x4  }
0x63: {  	v5 =	vld.idx.msk [tilespmem:v4+s4+$0x0], $0xffff;
	_ =	sdelay $0x4  }
0x64: {  	vm0 =	vle.f32 v5, v1;
	v5 =	vadd.s32 $0x1, v4  }
0x65: {  	v3 =	vsel vm0, v5, v3;
	v2 =	vsel vm0, v2, v4  }
0x66: {  	v4 =	vadd.s32 v3, v2  }
0x67: {  	v4 =	vshrl.u32 v4, $0x1;
	_ =	sdelay $0x4  }
0x68: {  	v5 =	vld.idx.msk [tilespmem:v4+s4+$0x0], $0xffff;
	_ =	sdelay $0x4  }
0x69: {  	vm0 =	vle.f32 v5, v1;
	v5 =	vadd.s32 $0x1, v4  }
0x6a: {  	v3 =	vsel vm0, v5, v3;
	v2 =	vsel vm0, v2, v4  }
0x6b: {  	v4 =	vadd.s32 v3, v2  }
0x6c: {  	v4 =	vshrl.u32 v4, $0x1;
	_ =	sdelay $0x4  }
0x6d: {  	v5 =	vld.idx.msk [tilespmem:v4+s4+$0x0], $0xffff;
	_ =	sdelay $0x4  }
0x6e: {  	vm0 =	vle.f32 v5, v1;
	v5 =	vadd.s32 $0x1, v4  }
0x6f: {  	v3 =	vsel vm0, v5, v3;
	v2 =	vsel vm0, v2, v4  }
0x70: {  	v4 =	vadd.s32 v3, v2  }
0x71: {  	v4 =	vshrl.u32 v4, $0x1;
	_ =	sdelay $0x4  }
0x72: {  	v5 =	vld.idx.msk [tilespmem:v4+s4+$0x0], $0xffff;
	_ =	sdelay $0x4  }
0x73: {  	vm0 =	vle.f32 v5, v1;
	v5 =	vadd.s32 $0x1, v4  }
0x74: {  	v3 =	vsel vm0, v5, v3;
	v2 =	vsel vm0, v2, v4  }
0x75: {  	v4 =	vadd.s32 v3, v2  }
0x76: {  	v4 =	vshrl.u32 v4, $0x1;
	_ =	sdelay $0x4  }
0x77: {  	v5 =	vld.idx.msk [tilespmem:v4+s4+$0x0], $0xffff;
	_ =	sdelay $0x4  }
0x78: {  	vm0 =	vle.f32 v5, v1;
	v5 =	vadd.s32 $0x1, v4  }
0x79: {  	v3 =	vsel vm0, v5, v3;
	v2 =	vsel vm0, v2, v4  }
0x7a: {  	v4 =	vadd.s32 v3, v2  }
0x7b: {  	v4 =	vshrl.u32 v4, $0x1;
	_ =	sdelay $0x4  }
0x7c: {  	v5 =	vld.idx.msk [tilespmem:v4+s4+$0x0], $0xffff;
	_ =	sdelay $0x4  }
0x7d: {  	vm0 =	vle.f32 v5, v1;
	v5 =	vadd.s32 $0x1, v4  }
0x7e: {  	v3 =	vsel vm0, v5, v3;
	v2 =	vsel vm0, v2, v4  }
0x7f: {  	v4 =	vadd.s32 v3, v2  }
0x80: {  	v4 =	vshrl.u32 v4, $0x1;
	_ =	sdelay $0x4  }
0x81: {  	v5 =	vld.idx.msk [tilespmem:v4+s4+$0x0], $0xffff;
	_ =	sdelay $0x4  }
0x82: {  	vm0 =	vle.f32 v5, v1;
	v5 =	vadd.s32 $0x1, v4  }
0x83: {  	v3 =	vsel vm0, v5, v3;
	v2 =	vsel vm0, v2, v4  }
0x84: {  	v2 =	vadd.s32 v3, v2  }
0x85: {  	v2 =	vshrl.u32 v2, $0x1;
	_ =	sdelay $0x4  }
0x86: {  	v4 =	vld.idx.msk [tilespmem:v2+s4+$0x0], $0xffff;
	_ =	sdelay $0x4  }
0x87: {  	vm0 =	vle.f32 v4, v1;
	v1 =	vadd.s32 $0x1, v2  }
0x88: {  	v1 =	vsel vm0, v1, v3  }
0x89: {  	v1 =	vmin.u32 v1, $0x3FF  }
0x8a: {  	v2 =	vmul.u32 $0xC8, v1  }
0x8b: {  	[tilespmem:$0x1740] =	vst v1;
	v1 =	vld [tilespmem:$0x1710]  }
0x8c: {  	[tilespmem:$0x1790] =	vst v2  }
0x8d: {  	v2 =	vld.idx.msk [tilespmem:v6+s4+$0x0], $0xffff;
	_ =	sdelay $0x2  }
0x8e: {  	v0 =	vmul.f32 v1, v0;
	_ =	sdelay $0x1  }
0x8f: {  	vm0 =	vle.f32 v2, v0  }
0x90: {  	v1 =	vsel vm0, $0x300, v8;
	_ =	sdelay $0x4  }
0x91: {  	v2 =	vld.idx.msk [tilespmem:v1+s4+$0x0], $0xffff;
	_ =	sdelay $0x4  }
0x92: {  	v3 =	vsel vm0, $0x400, v6;
	vm1 =	vle.f32 v2, v0  }
0x93: {  	v4 =	vor.u32 $0x1, v1;
	v2 =	vsel vm0, $0x201, v7;
	v1 =	vsel vm1, v3, v1  }
0x94: {  	v2 =	vsel vm1, v4, v2;
	v3 =	vadd.s32 $0xFFFFFFFF, v1  }
0x95: {  	v4 =	vxor.u32 v3, v2  }
0x96: {  	v3 =	vor.u32 v3, v2;
	v4 =	vshrl.u32 v4, $0x1  }
0x97: {  	v3 =	vsub.s32 v3, v4;
	_ =	sdelay $0x4  }
0x98: {  	v4 =	vld.idx.msk [tilespmem:v3+s4+$0x0], $0xffff;
	_ =	sdelay $0x4  }
0x99: {  	vm0 =	vle.f32 v4, v0;
	v4 =	vor.u32 $0x1, v3  }
0x9a: {  	v2 =	vsel vm0, v4, v2;
	v1 =	vsel vm0, v1, v3  }
0x9b: {  	v3 =	vxor.u32 v2, v1  }
0x9c: {  	v4 =	vand.u32 v2, v1;
	v3 =	vshrl.u32 v3, $0x1  }
0x9d: {  	v3 =	vadd.s32 v3, v4;
	_ =	sdelay $0x4  }
0x9e: {  	v4 =	vld.idx.msk [tilespmem:v3+s4+$0x0], $0xffff;
	_ =	sdelay $0x4  }
0x9f: {  	vm0 =	vle.f32 v4, v0;
	v4 =	vadd.s32 $0x1, v3  }
0xa0: {  	v2 =	vsel vm0, v4, v2;
	v1 =	vsel vm0, v1, v3  }
0xa1: {  	v3 =	vadd.s32 v2, v1  }
0xa2: {  	v3 =	vshrl.u32 v3, $0x1;
	_ =	sdelay $0x4  }
0xa3: {  	v4 =	vld.idx.msk [tilespmem:v3+s4+$0x0], $0xffff;
	_ =	sdelay $0x4  }
0xa4: {  	vm0 =	vle.f32 v4, v0;
	v4 =	vadd.s32 $0x1, v3  }
0xa5: {  	v2 =	vsel vm0, v4, v2;
	v1 =	vsel vm0, v1, v3  }
0xa6: {  	v3 =	vadd.s32 v2, v1  }
0xa7: {  	v3 =	vshrl.u32 v3, $0x1;
	_ =	sdelay $0x4  }
0xa8: {  	v4 =	vld.idx.msk [tilespmem:v3+s4+$0x0], $0xffff;
	_ =	sdelay $0x4  }
0xa9: {  	vm0 =	vle.f32 v4, v0;
	v4 =	vadd.s32 $0x1, v3  }
0xaa: {  	v2 =	vsel vm0, v4, v2;
	v1 =	vsel vm0, v1, v3  }
0xab: {  	v3 =	vadd.s32 v2, v1  }
0xac: {  	v3 =	vshrl.u32 v3, $0x1;
	_ =	sdelay $0x4  }
0xad: {  	v4 =	vld.idx.msk [tilespmem:v3+s4+$0x0], $0xffff;
	_ =	sdelay $0x4  }
0xae: {  	vm0 =	vle.f32 v4, v0;
	v4 =	vadd.s32 $0x1, v3  }
0xaf: {  	v2 =	vsel vm0, v4, v2;
	v1 =	vsel vm0, v1, v3  }
0xb0: {  	v3 =	vadd.s32 v2, v1  }
0xb1: {  	v3 =	vshrl.u32 v3, $0x1;
	_ =	sdelay $0x4  }
0xb2: {  	v4 =	vld.idx.msk [tilespmem:v3+s4+$0x0], $0xffff;
	_ =	sdelay $0x4  }
0xb3: {  	vm0 =	vle.f32 v4, v0;
	v4 =	vadd.s32 $0x1, v3  }
0xb4: {  	v2 =	vsel vm0, v4, v2;
	v1 =	vsel vm0, v1, v3  }
0xb5: {  	v3 =	vadd.s32 v2, v1  }
0xb6: {  	v3 =	vshrl.u32 v3, $0x1;
	_ =	sdelay $0x4  }
0xb7: {  	v4 =	vld.idx.msk [tilespmem:v3+s4+$0x0], $0xffff;
	_ =	sdelay $0x4  }
0xb8: {  	vm0 =	vle.f32 v4, v0;
	v4 =	vadd.s32 $0x1, v3  }
0xb9: {  	v2 =	vsel vm0, v4, v2;
	v1 =	vsel vm0, v1, v3  }
0xba: {  	v3 =	vadd.s32 v2, v1  }
0xbb: {  	v3 =	vshrl.u32 v3, $0x1;
	_ =	sdelay $0x4  }
0xbc: {  	v4 =	vld.idx.msk [tilespmem:v3+s4+$0x0], $0xffff;
	_ =	sdelay $0x4  }
0xbd: {  	vm0 =	vle.f32 v4, v0;
	v4 =	vadd.s32 $0x1, v3  }
0xbe: {  	v2 =	vsel vm0, v4, v2;
	v1 =	vsel vm0, v1, v3  }
0xbf: {  	v1 =	vadd.s32 v2, v1  }
0xc0: {  	v1 =	vshrl.u32 v1, $0x1;
	_ =	sdelay $0x4  }
0xc1: {  	v3 =	vld.idx.msk [tilespmem:v1+s4+$0x0], $0xffff;
	_ =	sdelay $0x4  }
0xc2: {  	vm0 =	vle.f32 v3, v0;
	v0 =	vadd.s32 $0x1, v1  }
0xc3: {  	v0 =	vsel vm0, v0, v2  }
0xc4: {  	v0 =	vmin.u32 v0, $0x3FF  }
0xc5: {  	v1 =	vmul.u32 $0xC8, v0  }
0xc6: {  	[tilespmem:$0x1750] =	vst v0  }
0xc7: {  	s14 =	rddreg [dreg:$0xe];
	[tilespmem:$0x17A0] =	vst v1  }
0xc8: {  	v0 =	vld [tilespmem:$0x1760];
	[tilespmem:s0], [sflag:$0x2] =	stream.indirect.gather [hbm4b:s14+s3], $0xC8, s5, s3, $0xb8  }
0xc9: {  	s24 =	simm.s32 $0x37B0;
	s22 =	rddreg [dreg:$0xf]  }
0xca: {  	[tilespmem:s24], [sflag:$0x2] =	stream.indirect.gather [hbm4b:s22+s3], $0xC8, s5, s3, $0xb8;
	[tilespmem:$0x1EFB0] =	vst v63  }
0xcb: {  	s22 =	rddreg [dreg:$0x10];
	s24 =	simm.s32 $0x50B0  }
0xcc: {  	[tilespmem:s24], [sflag:$0x2] =	stream.indirect.gather [hbm4b:s22+s3], $0xC8, s5, s3, $0xb8;
	[tilespmem:$0x1EFB0] =	vst v63  }
0xcd: {  	s22 =	rddreg [dreg:$0x11];
	s24 =	simm.s32 $0x69B0  }
0xce: {  	[tilespmem:s24], [sflag:$0x2] =	stream.indirect.gather [hbm4b:s22+s3], $0xC8, s5, s3, $0xb8;
	[tilespmem:$0x1EFB0] =	vst v63  }
0xcf: {  	s22 =	rddreg [dreg:$0x12];
	s24 =	simm.s32 $0x82B0  }
0xd0: {  	[tilespmem:s24], [sflag:$0x2] =	stream.indirect.gather [hbm4b:s22+s3], $0xC8, s5, s3, $0xb8;
	[tilespmem:$0x1EFB0] =	vst v63  }
0xd1: {  	s14 =	rddreg [dreg:$0x19];
	s22 =	simm.s32 $0x9BB0  }
0xd2: {  	[tilespmem:s22], [sflag:$0x2] =	stream.indirect.gather [hbm4b:s14+s3], $0xC8, s5, s3, $0xb8;
	[tilespmem:$0x1EFB0] =	vst v63  }
0xd3: {  	s24 =	rddreg [dreg:$0xd];
	s14 =	simm.s32 $0x1  }
0xd4: {  	[tilespmem:s1], [sflag:$0x1] =	stream.indirect.gather [hbm4b:s24+s3], $0x98, s5, s3, $0xb8;
	[tilespmem:$0x1EFB0] =	vst v63  }
0xd5: {  	_ =	swait.ge [sflag:s14], $0x1300  }
0xd6: {  	v1 =	vld [tilespmem:$0x1FF40];
	_ =	sdelay $0x1  }
0xd7: {  	v3 =	vld [tilespmem:$0x1FF50];
	_ =	sdelay $0x2  }
0xd8: {  	[sflag:s14] =	ssyncset.done $0x0  }
0xd9: {  	[sflag:s14] =	ssyncadd.s32 $0xFFFFED00  }
0xda: {  	v2 =	vld [tilespmem:$0x1720]  }
0xdb: {  	v1 =	vld.idx.msk [tilespmem:v1+s1+$0x0], $0xffff;
	_ =	sdelay $0x1  }
0xdc: {  	v3 =	vld.idx.msk [tilespmem:v3+s1+$0x0], $0xffff;
	_ =	sdelay $0x1  }
0xdd: {  	v6 =	vld [tilespmem:$0x1FF80]  }
0xde: {  	v1 =	vmul.f32 v2, v1;
	_ =	sdelay $0x1  }
0xdf: {  	v9 =	vimm.s32 $0x25;
	vm0 =	vle.f32 v3, v1  }
0xe0: {  	v2 =	vsel vm0, $0x71, v9  }
0xe1: {  	v3 =	vadd.s32 v6, v2;
	_ =	sdelay $0x4  }
0xe2: {  	v3 =	vld.idx.msk [tilespmem:v3+s1+$0x0], $0xffff;
	_ =	sdelay $0x3  }
0xe3: {  	v8 =	vimm.s32 $0x4B  }
0xe4: {  	v4 =	vsel vm0, $0x97, v8;
	vm1 =	vle.f32 v3, v1  }
0xe5: {  	v5 =	vadd.s32 $0x1, v2;
	v3 =	vsel vm0, $0x4C, v7;
	v2 =	vsel vm1, v4, v2  }
0xe6: {  	v3 =	vsel vm1, v5, v3;
	v4 =	vadd.s32 $0xFFFFFFFF, v2  }
0xe7: {  	v4 =	vadd.s32 v4, v3  }
0xe8: {  	v4 =	vshrl.u32 v4, $0x1  }
0xe9: {  	v5 =	vadd.s32 v6, v4;
	_ =	sdelay $0x4  }
0xea: {  	v5 =	vld.idx.msk [tilespmem:v5+s1+$0x0], $0xffff;
	_ =	sdelay $0x4  }
0xeb: {  	vm0 =	vle.f32 v5, v1;
	v5 =	vadd.s32 $0x1, v4  }
0xec: {  	v3 =	vsel vm0, v5, v3;
	v2 =	vsel vm0, v2, v4  }
0xed: {  	v4 =	vxor.u32 v3, v2  }
0xee: {  	v5 =	vand.u32 v3, v2;
	v4 =	vshrl.u32 v4, $0x1  }
0xef: {  	v4 =	vadd.s32 v4, v5  }
0xf0: {  	v5 =	vadd.s32 v6, v4;
	_ =	sdelay $0x4  }
0xf1: {  	v5 =	vld.idx.msk [tilespmem:v5+s1+$0x0], $0xffff;
	_ =	sdelay $0x4  }
0xf2: {  	vm0 =	vle.f32 v5, v1;
	v5 =	vadd.s32 $0x1, v4  }
0xf3: {  	v3 =	vsel vm0, v5, v3;
	v2 =	vsel vm0, v2, v4  }
0xf4: {  	v4 =	vadd.s32 v3, v2  }
0xf5: {  	v4 =	vshrl.u32 v4, $0x1  }
0xf6: {  	v5 =	vadd.s32 v6, v4;
	_ =	sdelay $0x4  }
0xf7: {  	v5 =	vld.idx.msk [tilespmem:v5+s1+$0x0], $0xffff;
	_ =	sdelay $0x4  }
0xf8: {  	vm0 =	vle.f32 v5, v1;
	v5 =	vadd.s32 $0x1, v4  }
0xf9: {  	v3 =	vsel vm0, v5, v3;
	v2 =	vsel vm0, v2, v4  }
0xfa: {  	v4 =	vadd.s32 v3, v2  }
0xfb: {  	v4 =	vshrl.u32 v4, $0x1  }
0xfc: {  	v5 =	vadd.s32 v6, v4;
	_ =	sdelay $0x4  }
0xfd: {  	v5 =	vld.idx.msk [tilespmem:v5+s1+$0x0], $0xffff;
	_ =	sdelay $0x4  }
0xfe: {  	vm0 =	vle.f32 v5, v1;
	v5 =	vadd.s32 $0x1, v4  }
0xff: {  	v3 =	vsel vm0, v5, v3;
	v2 =	vsel vm0, v2, v4  }
0x100: {  	v4 =	vadd.s32 v3, v2  }
0x101: {  	v4 =	vshrl.u32 v4, $0x1  }
0x102: {  	v5 =	vadd.s32 v6, v4;
	_ =	sdelay $0x4  }
0x103: {  	v5 =	vld.idx.msk [tilespmem:v5+s1+$0x0], $0xffff;
	_ =	sdelay $0x4  }
0x104: {  	vm0 =	vle.f32 v5, v1;
	v5 =	vadd.s32 $0x1, v4  }
0x105: {  	v3 =	vsel vm0, v5, v3;
	v2 =	vsel vm0, v2, v4  }
0x106: {  	v4 =	vadd.s32 v3, v2  }
0x107: {  	v4 =	vshrl.u32 v4, $0x1  }
0x108: {  	v5 =	vadd.s32 v6, v4;
	_ =	sdelay $0x4  }
0x109: {  	v5 =	vld.idx.msk [tilespmem:v5+s1+$0x0], $0xffff;
	_ =	sdelay $0x4  }
0x10a: {  	vm0 =	vle.f32 v5, v1;
	v5 =	vadd.s32 $0x1, v4  }
0x10b: {  	v3 =	vsel vm0, v5, v3;
	v2 =	vsel vm0, v2, v4  }
0x10c: {  	v2 =	vadd.s32 v3, v2  }
0x10d: {  	v2 =	vshrl.u32 v2, $0x1  }
0x10e: {  	v4 =	vadd.s32 v6, v2;
	_ =	sdelay $0x4  }
0x10f: {  	v4 =	vld.idx.msk [tilespmem:v4+s1+$0x0], $0xffff;
	_ =	sdelay $0x4  }
0x110: {  	vm0 =	vle.f32 v4, v1;
	v1 =	vadd.s32 $0x1, v2;
	v2 =	vld [tilespmem:$0x1FF60];
	_ =	sdelay $0x1  }
0x111: {  	v4 =	vld [tilespmem:$0x1FF70];
	_ =	sdelay $0x2  }
0x112: {  	v1 =	vsel vm0, v1, v3  }
0x113: {  	v1 =	vmin.u32 v1, $0x96  }
0x114: {  	v3 =	vld [tilespmem:$0x1730];
	[tilespmem:$0x1770] =	vst v1  }
0x115: {  	v2 =	vld.idx.msk [tilespmem:v2+s1+$0x0], $0xffff;
	_ =	sdelay $0x1  }
0x116: {  	v4 =	vld.idx.msk [tilespmem:v4+s1+$0x0], $0xffff;
	_ =	sdelay $0x2  }
0x117: {  	v2 =	vmul.f32 v3, v2;
	_ =	sdelay $0x1  }
0x118: {  	vm0 =	vle.f32 v4, v2  }
0x119: {  	v3 =	vsel vm0, $0x71, v9;
	v9 =	vld [tilespmem:$0x1FF90];
	_ =	sdelay $0x4  }
0x11a: {  	v4 =	vadd.s32 v9, v3;
	_ =	sdelay $0x4  }
0x11b: {  	v4 =	vld.idx.msk [tilespmem:v4+s1+$0x0], $0xffff;
	_ =	sdelay $0x4  }
0x11c: {  	v5 =	vsel vm0, $0x97, v8;
	vm1 =	vle.f32 v4, v2  }
0x11d: {  	v6 =	vadd.s32 $0x1, v3;
	v4 =	vsel vm0, $0x4C, v7;
	v3 =	vsel vm1, v5, v3  }
0x11e: {  	v4 =	vsel vm1, v6, v4;
	v5 =	vadd.s32 $0xFFFFFFFF, v3  }
0x11f: {  	v5 =	vadd.s32 v5, v4  }
0x120: {  	v5 =	vshrl.u32 v5, $0x1  }
0x121: {  	v6 =	vadd.s32 v9, v5;
	_ =	sdelay $0x4  }
0x122: {  	v6 =	vld.idx.msk [tilespmem:v6+s1+$0x0], $0xffff;
	_ =	sdelay $0x4  }
0x123: {  	vm0 =	vle.f32 v6, v2;
	v6 =	vadd.s32 $0x1, v5  }
0x124: {  	v4 =	vsel vm0, v6, v4;
	v3 =	vsel vm0, v3, v5  }
0x125: {  	v5 =	vxor.u32 v4, v3  }
0x126: {  	v6 =	vand.u32 v4, v3;
	v5 =	vshrl.u32 v5, $0x1  }
0x127: {  	v5 =	vadd.s32 v5, v6  }
0x128: {  	v6 =	vadd.s32 v9, v5;
	_ =	sdelay $0x4  }
0x129: {  	v6 =	vld.idx.msk [tilespmem:v6+s1+$0x0], $0xffff;
	_ =	sdelay $0x4  }
0x12a: {  	vm0 =	vle.f32 v6, v2;
	v6 =	vadd.s32 $0x1, v5  }
0x12b: {  	v4 =	vsel vm0, v6, v4;
	v3 =	vsel vm0, v3, v5  }
0x12c: {  	v5 =	vadd.s32 v4, v3  }
0x12d: {  	v5 =	vshrl.u32 v5, $0x1  }
0x12e: {  	v6 =	vadd.s32 v9, v5;
	_ =	sdelay $0x4  }
0x12f: {  	v6 =	vld.idx.msk [tilespmem:v6+s1+$0x0], $0xffff;
	_ =	sdelay $0x4  }
0x130: {  	vm0 =	vle.f32 v6, v2;
	v6 =	vadd.s32 $0x1, v5  }
0x131: {  	v4 =	vsel vm0, v6, v4;
	v3 =	vsel vm0, v3, v5  }
0x132: {  	v5 =	vadd.s32 v4, v3  }
0x133: {  	v5 =	vshrl.u32 v5, $0x1  }
0x134: {  	v6 =	vadd.s32 v9, v5;
	_ =	sdelay $0x4  }
0x135: {  	v6 =	vld.idx.msk [tilespmem:v6+s1+$0x0], $0xffff;
	_ =	sdelay $0x4  }
0x136: {  	vm0 =	vle.f32 v6, v2;
	v6 =	vadd.s32 $0x1, v5  }
0x137: {  	v4 =	vsel vm0, v6, v4;
	v3 =	vsel vm0, v3, v5  }
0x138: {  	v5 =	vadd.s32 v4, v3  }
0x139: {  	v5 =	vshrl.u32 v5, $0x1  }
0x13a: {  	v6 =	vadd.s32 v9, v5;
	_ =	sdelay $0x4  }
0x13b: {  	v6 =	vld.idx.msk [tilespmem:v6+s1+$0x0], $0xffff;
	_ =	sdelay $0x4  }
0x13c: {  	vm0 =	vle.f32 v6, v2;
	v6 =	vadd.s32 $0x1, v5  }
0x13d: {  	v4 =	vsel vm0, v6, v4;
	v3 =	vsel vm0, v3, v5  }
0x13e: {  	v5 =	vadd.s32 v4, v3  }
0x13f: {  	v5 =	vshrl.u32 v5, $0x1  }
0x140: {  	v6 =	vadd.s32 v9, v5;
	_ =	sdelay $0x4  }
0x141: {  	v6 =	vld.idx.msk [tilespmem:v6+s1+$0x0], $0xffff;
	_ =	sdelay $0x4  }
0x142: {  	vm0 =	vle.f32 v6, v2;
	v6 =	vadd.s32 $0x1, v5  }
0x143: {  	v4 =	vsel vm0, v6, v4;
	v3 =	vsel vm0, v3, v5  }
0x144: {  	v3 =	vadd.s32 v4, v3  }
0x145: {  	v3 =	vshrl.u32 v3, $0x1  }
0x146: {  	v5 =	vadd.s32 v9, v3;
	_ =	sdelay $0x4  }
0x147: {  	v5 =	vld.idx.msk [tilespmem:v5+s1+$0x0], $0xffff;
	_ =	sdelay $0x4  }
0x148: {  	vm0 =	vle.f32 v5, v2;
	v2 =	vadd.s32 $0x1, v3;
	v3 =	vld [tilespmem:$0x1FFA0];
	_ =	sdelay $0x4  }
0x149: {  	v8 =	vadd.s32 v3, v0;
	v3 =	vld [tilespmem:$0x1FFB0];
	_ =	sdelay $0x4  }
0x14a: {  	v6 =	vmov s4;
	v9 =	vadd.s32 v3, v0;
	v3 =	vld [tilespmem:$0x1FFC0]  }
0x14b: {  	v6 =	vand.u32 $0xFFFFFFFE, v6  }
0x14c: {  	v10 =	vbroadcast v6, $0x0  }
0x14d: {  	s22 =	simm.s32 $0x1  }
0x14e: {  	v11 =	vmov s22  }
0x14f: {  	v2 =	vsel vm0, v2, v4;
	v5 =	vadd.s32 v3, v0;
	v3 =	vld [tilespmem:$0x1FFD0]  }
0x150: {  	v2 =	vmin.u32 v2, $0x96  }
0x151: {  	[tilespmem:$0x1780] =	vst v2  }
0x152: {  	v12 =	vld.idx.msk [tilespmem:v10+s9+$0x0], $0xffff  }
0x153: {  	v13 =	vld.idx.msk [tilespmem:v11+s9+$0x0], $0xffff  }
0x154: {  	v6 =	vadd.s32 v3, v0;
	v3 =	vld [tilespmem:$0x1FFE0]  }
0x155: {  	v11 =	vld.idx.msk [tilespmem:v11+s8+$0x0], $0xffff  }
0x156: {  	v19 =	vld.idx.msk [tilespmem:v10+s8+$0x0], $0xffff;
	_ =	sdelay $0x1  }
0x157: {  	v7 =	vadd.s32 v22, v0  }
0x158: {  	vm0 =	vmmov $0x3;
	v15 =	vadd.s32 v12, v7;
	v4 =	vadd.s32 v3, v0;
	v3 =	vld [tilespmem:$0x1FFF0]  }
0x159: {  	s24 =	simm.s32 $0x2;
	v16 =	vadd.s32 v12, v8;
	v17 =	vadd.s32 v12, v9;
	v12 =	vsel vm0, v12, v13  }
0x15a: {  	v14 =	vmov s24;
	v20 =	vsel vm0, v19, v11;
	v12 =	vadd.s32 v12, v5  }
0x15b: {  	vm2 =	vgt.s32 v16, $0x0;
	vm1 =	vgt.s32 v17, $0x0;
	vm3 =	vgt.s32 v12, $0x0  }
0x15c: {  	v12 =	vnsel vm3, $0x0, v12;
	vm3 =	vgt.s32 v15, $0x0;
	v10 =	vadd.s32 v13, v4  }
0x15d: {  	v12 =	vmin.u32 v12, $0xC7;
	vm4 =	vgt.s32 v10, $0x0;
	v3 =	vadd.s32 v3, v0  }
0x15e: {  	v18 =	vadd.s32 v13, v6;
	v10 =	vnsel vm4, $0x0, v10;
	v13 =	vadd.s32 v13, v3  }
0x15f: {  	vm14 =	vgt.s32 v18, $0x0;
	v10 =	vmin.u32 v10, $0xC7;
	vm15 =	vgt.s32 v13, $0x0  }
0x160: {  	s22 =	simm.s32 $0x17E0;
	v18 =	vnsel vm14, $0x0, v18;
	v10 =	vadd.s32 v11, v10;
	v13 =	vnsel vm15, $0x0, v13  }
0x161: {  	v12 =	vadd.s32 v20, v12;
	v18 =	vmin.u32 v18, $0xC7;
	[tilespmem:s22+$0x20] =	vst v10;
	v10 =	vmin.u32 v13, $0xC7  }
0x162: {  	[tilespmem:s22+$0x0] =	vst v12;
	v18 =	vadd.s32 v11, v18;
	v10 =	vadd.s32 v11, v10;
	v11 =	vnsel vm2, $0x0, v16  }
0x163: {  	v12 =	vand.u32 $0xFFFFFFFE, v14;
	v13 =	vnsel vm3, $0x0, v15;
	[tilespmem:s22+$0x30] =	vst v10;
	v10 =	vmin.u32 v11, $0xC7  }
0x164: {  	v13 =	vmin.u32 v13, $0xC7;
	v14 =	vadd.s32 v19, v10;
	v10 =	vbroadcast v12, $0x0  }
0x165: {  	s6 =	simm.s32 $0x3;
	[tilespmem:s22+$0x10] =	vst v18;
	v11 =	vnsel vm1, $0x0, v17;
	v13 =	vadd.s32 v19, v13  }
0x166: {  	v15 =	vmin.u32 v11, $0xC7;
	[tilespmem:s22+$0xFFFFFFD0] =	vst v13;
	v11 =	vmov s6  }
0x167: {  	s24 =	simm.s32 $0x4;
	s14 =	simm.s32 $0x1850;
	v12 =	vadd.s32 v19, v15;
	[tilespmem:s22+$0xFFFFFFE0] =	vst v14  }
.LBB2_2:
0x168: {  	p0 =	sne.s32 s24, $0x1E;
	s6 =	smov.u32 s24  }
0x169: {  	[tilespmem:s22+$0xFFFFFFF0] =	vst v12;
	s24 =	sadd.s32 $0x2, s24;
	s22 =	smov.u32 s14;
	s14 =	sadd.s32 $0x70, s14  }
0x16a: {  	v12 =	vmov s6;
	v13 =	vld.idx.msk [tilespmem:v10+s9+$0x0], $0xffff  }
0x16b: {  	v12 =	vand.u32 $0xFFFFFFFE, v12;
	v14 =	vld.idx.msk [tilespmem:v11+s9+$0x0], $0xffff  }
0x16c: {  	s6 =	sadd.s32 $0x1, s6;
	v12 =	vbroadcast v12, $0x0  }
0x16d: {  	v15 =	vmov s6;
	_ =	sdelay $0x1  }
0x16e: {  	v16 =	vld.idx.msk [tilespmem:v10+s8+$0x0], $0xffff;
	v10 =	vmov v12  }
0x16f: {  	v17 =	vadd.s32 v13, v7;
	v18 =	vadd.s32 v13, v8;
	v19 =	vadd.s32 v13, v9;
	v12 =	vld.idx.msk [tilespmem:v11+s8+$0x0], $0xffff  }
0x170: {  	vm1 =	vgt.s32 v19, $0x0;
	v13 =	vsel vm0, v13, v14;
	v20 =	vadd.s32 v14, v6;
	v11 =	vmovc v15  }
0x171: {  	vm2 =	vgt.s32 v18, $0x0;
	v15 =	vadd.s32 v14, v4;
	v13 =	vadd.s32 v13, v5  }
0x172: {  	v18 =	vnsel vm2, $0x0, v18;
	vm3 =	vgt.s32 v15, $0x0;
	vm2 =	vgt.s32 v13, $0x0  }
0x173: {  	vm4 =	vgt.s32 v17, $0x0;
	v15 =	vnsel vm3, $0x0, v15;
	v13 =	vnsel vm2, $0x0, v13  }
0x174: {  	v14 =	vadd.s32 v14, v3;
	vm2 =	vgt.s32 v20, $0x0;
	v15 =	vmin.u32 v15, $0xC7  }
0x175: {  	v20 =	vnsel vm2, $0x0, v20;
	vm2 =	vgt.s32 v14, $0x0;
	v21 =	vsel vm0, v16, v12  }
0x176: {  	v20 =	vmin.u32 v20, $0xC7;
	v15 =	vadd.s32 v12, v15;
	v14 =	vnsel vm2, $0x0, v14  }
0x177: {  	v13 =	vmin.u32 v13, $0xC7;
	v20 =	vadd.s32 v12, v20;
	v14 =	vmin.u32 v14, $0xC7;
	[tilespmem:s22+$0x20] =	vst v15  }
.Ltmp0:
0x178: {  	v13 =	vadd.s32 v21, v13;
	v12 =	vadd.s32 v12, v14;
	v15 =	vnsel vm4, $0x0, v17;
	[tilespmem:s22+$0x10] =	vst v20;
	(pc) =	sbr.rel @p0 .LBB2_2-.Ltmp0, $4  }
0x179: {  	v17 =	vnsel vm1, $0x0, v19;
	v14 =	vmin.u32 v15, $0xC7;
	v15 =	vmin.u32 v18, $0xC7;
	[tilespmem:s22+$0x30] =	vst v12  }
0x17a: {  	v12 =	vadd.s32 v16, v14;
	v14 =	vadd.s32 v16, v15;
	v15 =	vmin.u32 v17, $0xC7;
	[tilespmem:s22+$0x0] =	vst v13  }
0x17b: {  	[tilespmem:s22+$0xFFFFFFD0] =	vst v12;
	v12 =	vadd.s32 v16, v15  }
0x17c: {  	[tilespmem:s22+$0xFFFFFFE0] =	vst v14  }
0x17d: {  	_ =	sdelay $0x2  }
0x17e: {  	[tilespmem:s22+$0xFFFFFFF0] =	vst v12  }
0x17f: {  	v12 =	vld.idx.msk [tilespmem:v10+s9+$0x0], $0xffff  }
0x180: {  	v13 =	vld.idx.msk [tilespmem:v11+s9+$0x0], $0xffff  }
0x181: {  	v11 =	vld.idx.msk [tilespmem:v11+s8+$0x0], $0xffff  }
0x182: {  	v10 =	vld.idx.msk [tilespmem:v10+s8+$0x0], $0xffff;
	_ =	sdelay $0x1  }
0x183: {  	v7 =	vadd.s32 v12, v7  }
0x184: {  	v8 =	vadd.s32 v12, v8;
	v9 =	vadd.s32 v12, v9;
	v12 =	vsel vm0, v12, v13  }
0x185: {  	v6 =	vadd.s32 v13, v6;
	v4 =	vadd.s32 v13, v4;
	v3 =	vadd.s32 v13, v3  }
0x186: {  	v63 =	vsel vm0, v10, v11;
	vm1 =	vgt.s32 v9, $0x0;
	v5 =	vadd.s32 v12, v5  }
0x187: {  	vm2 =	vgt.s32 v8, $0x0;
	vm4 =	vgt.s32 v4, $0x0;
	vm11 =	vgt.s32 v7, $0x0  }
0x188: {  	vm12 =	vgt.s32 v6, $0x0;
	vm13 =	vgt.s32 v3, $0x0;
	v4 =	vnsel vm4, $0x0, v4  }
0x189: {  	vm3 =	vgt.s32 v5, $0x0;
	v6 =	vnsel vm12, $0x0, v6;
	v4 =	vmin.u32 v4, $0xC7  }
0x18a: {  	v3 =	vnsel vm13, $0x0, v3;
	v6 =	vmin.u32 v6, $0xC7;
	v4 =	vadd.s32 v11, v4  }
0x18b: {  	v5 =	vnsel vm3, $0x0, v5;
	v3 =	vmin.u32 v3, $0xC7;
	v6 =	vadd.s32 v11, v6;
	[tilespmem:s14+$0x20] =	vst v4  }
0x18c: {  	v3 =	vadd.s32 v11, v3;
	v4 =	vmin.u32 v5, $0xC7;
	v5 =	vnsel vm11, $0x0, v7;
	[tilespmem:s14+$0x10] =	vst v6  }
0x18d: {  	v6 =	vnsel vm2, $0x0, v8;
	[tilespmem:s14+$0x30] =	vst v3;
	v4 =	vadd.s32 v63, v4;
	v5 =	vmin.u32 v5, $0xC7  }
0x18e: {  	v3 =	vmin.u32 v6, $0xC7;
	v6 =	vnsel vm1, $0x0, v9;
	v5 =	vadd.s32 v10, v5;
	[tilespmem:s14+$0x0] =	vst v4  }
0x18f: {  	v3 =	vadd.s32 v10, v3;
	v4 =	vmin.u32 v6, $0xC7;
	[tilespmem:s14+$0xFFFFFFD0] =	vst v5  }
0x190: {  	v4 =	vadd.s32 v10, v4;
	[tilespmem:s14+$0xFFFFFFE0] =	vst v3  }
0x191: {  	s6 =	simm.s32 $0x17B0;
	[tilespmem:s14+$0xFFFFFFF0] =	vst v4  }
0x192: {  	[tilespmem:s11], [sflag:$0x3] =	stream.indirect.gather [hbm4b:s7+s10], $0x10, s6, s10, $0xb8;
	[tilespmem:$0x1EFB0] =	vst v63  }
0x193: {  	s24 =	simm.s32 $0x12A30;
	s14 =	simm.s32 $0x1820  }
0x194: {  	[tilespmem:s24], [sflag:$0x3] =	stream.indirect.gather [hbm4b:s7+s10], $0x10, s14, s10, $0xb8;
	[tilespmem:$0x1EFB0] =	vst v63  }
0x195: {  	s22 =	simm.s32 $0x1890;
	s24 =	simm.s32 $0x130B0  }
0x196: {  	[tilespmem:s24], [sflag:$0x3] =	stream.indirect.gather [hbm4b:s7+s10], $0x10, s22, s10, $0xb8;
	[tilespmem:$0x1EFB0] =	vst v63  }
0x197: {  	s22 =	simm.s32 $0x1900;
	s24 =	simm.s32 $0x13730  }
0x198: {  	[tilespmem:s24], [sflag:$0x3] =	stream.indirect.gather [hbm4b:s7+s10], $0x10, s22, s10, $0xb8;
	[tilespmem:$0x1EFB0] =	vst v63  }
0x199: {  	s22 =	simm.s32 $0x1970;
	s24 =	simm.s32 $0x13DB0  }
0x19a: {  	[tilespmem:s24], [sflag:$0x3] =	stream.indirect.gather [hbm4b:s7+s10], $0x10, s22, s10, $0xb8;
	[tilespmem:$0x1EFB0] =	vst v63  }
0x19b: {  	s22 =	simm.s32 $0x19E0;
	s24 =	simm.s32 $0x14430  }
0x19c: {  	[tilespmem:s24], [sflag:$0x3] =	stream.indirect.gather [hbm4b:s7+s10], $0x10, s22, s10, $0xb8;
	[tilespmem:$0x1EFB0] =	vst v63  }
0x19d: {  	s22 =	simm.s32 $0x1A50;
	s24 =	simm.s32 $0x14AB0  }
0x19e: {  	[tilespmem:s24], [sflag:$0x3] =	stream.indirect.gather [hbm4b:s7+s10], $0x10, s22, s10, $0xb8;
	[tilespmem:$0x1EFB0] =	vst v63  }
0x19f: {  	s22 =	simm.s32 $0x1AC0;
	s24 =	simm.s32 $0x15130  }
0x1a0: {  	[tilespmem:s24], [sflag:$0x3] =	stream.indirect.gather [hbm4b:s7+s10], $0x10, s22, s10, $0xb8;
	[tilespmem:$0x1EFB0] =	vst v63  }
0x1a1: {  	s22 =	simm.s32 $0x1B30;
	s24 =	simm.s32 $0x157B0  }
0x1a2: {  	[tilespmem:s24], [sflag:$0x3] =	stream.indirect.gather [hbm4b:s7+s10], $0x10, s22, s10, $0xb8;
	[tilespmem:$0x1EFB0] =	vst v63  }
0x1a3: {  	s22 =	simm.s32 $0x1BA0;
	s24 =	simm.s32 $0x15E30  }
0x1a4: {  	[tilespmem:s24], [sflag:$0x3] =	stream.indirect.gather [hbm4b:s7+s10], $0x10, s22, s10, $0xb8;
	[tilespmem:$0x1EFB0] =	vst v63  }
0x1a5: {  	s22 =	simm.s32 $0x1C10;
	s24 =	simm.s32 $0x164B0  }
0x1a6: {  	[tilespmem:s24], [sflag:$0x3] =	stream.indirect.gather [hbm4b:s7+s10], $0x10, s22, s10, $0xb8;
	[tilespmem:$0x1EFB0] =	vst v63  }
0x1a7: {  	s22 =	simm.s32 $0x1C80;
	s24 =	simm.s32 $0x16B30  }
0x1a8: {  	[tilespmem:s24], [sflag:$0x3] =	stream.indirect.gather [hbm4b:s7+s10], $0x10, s22, s10, $0xb8;
	[tilespmem:$0x1EFB0] =	vst v63  }
0x1a9: {  	s22 =	simm.s32 $0x1CF0;
	s24 =	simm.s32 $0x171B0  }
0x1aa: {  	[tilespmem:s24], [sflag:$0x3] =	stream.indirect.gather [hbm4b:s7+s10], $0x10, s22, s10, $0xb8;
	[tilespmem:$0x1EFB0] =	vst v63  }
0x1ab: {  	s22 =	simm.s32 $0x1D60;
	s24 =	simm.s32 $0x17830  }
0x1ac: {  	[tilespmem:s24], [sflag:$0x3] =	stream.indirect.gather [hbm4b:s7+s10], $0x10, s22, s10, $0xb8;
	[tilespmem:$0x1EFB0] =	vst v63  }
0x1ad: {  	s22 =	simm.s32 $0x1DD0;
	s24 =	simm.s32 $0x17EB0  }
0x1ae: {  	[tilespmem:s24], [sflag:$0x3] =	stream.indirect.gather [hbm4b:s7+s10], $0x10, s22, s10, $0xb8;
	[tilespmem:$0x1EFB0] =	vst v63  }
0x1af: {  	s22 =	simm.s32 $0x1E40;
	s24 =	simm.s32 $0x18530  }
0x1b0: {  	[tilespmem:s24], [sflag:$0x3] =	stream.indirect.gather [hbm4b:s7+s10], $0x10, s22, s10, $0xb8;
	[tilespmem:$0x1EFB0] =	vst v63  }
0x1b1: {  	_ = 	snop  }
0x1b2: {  	[tilespmem:s25], [sflag:$0x4] =	stream.indirect.gather [hbm4b:s2+s10], $0x80, s6, s10, $0xb8;
	[tilespmem:$0x1EFB0] =	vst v63  }
0x1b3: {  	_ = 	snop  }
0x1b4: {  	[tilespmem:s15], [sflag:$0x5] =	stream.indirect.gather [hbm4b:s2+s10], $0x80, s14, s10, $0xb8;
	[tilespmem:$0x1EFB0] =	vst v63  }
0x1b5: {  	_ =	swait.ge [sflag:s26], $0x1900  }
0x1b6: {  	[sflag:s26] =	ssyncset.done $0x0  }
0x1b7: {  	[sflag:s26] =	ssyncadd.s32 $0xFFFFE700  }
0x1b8: {  	_ =	swait.ge [sflag:s26], $0x1900  }
0x1b9: {  	[sflag:s26] =	ssyncset.done $0x0  }
0x1ba: {  	[sflag:s26] =	ssyncadd.s32 $0xFFFFE700  }
0x1bb: {  	_ =	swait.ge [sflag:s26], $0x1900  }
0x1bc: {  	[sflag:s26] =	ssyncset.done $0x0  }
0x1bd: {  	v1 =	vadd.s32 v0, v1;
	s24 =	simm.s32 $0x0;
	[sflag:s26] =	ssyncadd.s32 $0xFFFFE700  }
0x1be: {  	v3 =	vadd.s32 s24, v1;
	_ =	swait.ge [sflag:s26], $0x1900  }
0x1bf: {  	vm14 =	vgt.s32 v3, $0x0;
	[sflag:s26] =	ssyncset.done $0x0  }
0x1c0: {  	v4 =	vnsel vm14, $0x0, v3;
	v3 =	vmul.u32 $0xC8, v22;
	[sflag:s26] =	ssyncadd.s32 $0xFFFFE700  }
0x1c1: {  	v4 =	vmin.u32 v4, $0xC7;
	_ =	swait.ge [sflag:s26], $0x1900  }
0x1c2: {  	v4 =	vadd.s32 v3, v4;
	[sflag:s26] =	ssyncset.done $0x0  }
0x1c3: {  	v0 =	vadd.s32 v0, v2;
	[sflag:s26] =	ssyncadd.s32 $0xFFFFE700  }
0x1c4: {  	v5 =	vadd.s32 s24, v0;
	_ =	swait.ge [sflag:s26], $0x1900  }
0x1c5: {  	v2 =	vmul.u32 $0x38, v22;
	v6 =	vmov s24;
	vm15 =	vgt.s32 v5, $0x0;
	[sflag:s26] =	ssyncset.done $0x0  }
0x1c6: {  	v6 =	vand.u32 $0x3F, v6;
	v5 =	vnsel vm15, $0x0, v5;
	[sflag:s26] =	ssyncadd.s32 $0xFFFFE700  }
0x1c7: {  	v8 =	vadd.s32 v2, v6;
	v7 =	vmin.u32 v5, $0xC7;
	v5 =	vadd.s32 $0xC80, v3;
	v4 =	vld.idx.msk [tilespmem:v4+s0+$0x0], $0xffff  }
0x1c8: {  	v7 =	vadd.s32 v5, v7;
	_ =	sdelay $0x1  }
0x1c9: {  	s14 =	simm.s32 $0x1  }
0x1ca: {  	s22 =	simm.s32 $0x2;
	v9 =	vadd.s32 s14, v1  }
.LBB2_4:
0x1cb: {  	p0 =	sne.s32 s22, $0x31;
	vm0 =	vgt.s32 v9, $0x0;
	[tilespmem:v8+s28+$0x0] =	vst.idx.msk $0xffff, v4  }
0x1cc: {  	v8 =	vadd.s32 $0x380, v2;
	v4 =	vnsel vm0, $0x0, v9;
	v7 =	vld.idx.msk [tilespmem:v7+s0+$0x0], $0xffff  }
0x1cd: {  	v6 =	vadd.s32 v8, v6;
	v4 =	vmin.u32 v4, $0xC7  }
0x1ce: {  	v4 =	vadd.s32 v3, v4;
	_ =	sdelay $0x2  }
0x1cf: {  	v8 =	vadd.s32 s14, v0  }
0x1d0: {  	v9 =	vmov s14;
	s14 =	smov.u32 s22;
	vm0 =	vgt.s32 v8, $0x0;
	[tilespmem:v6+s28+$0x0] =	vst.idx.msk $0xffff, v7  }
0x1d1: {  	v6 =	vand.u32 $0x3F, v9;
	v7 =	vnsel vm0, $0x0, v8;
	v4 =	vld.idx.msk [tilespmem:v4+s0+$0x0], $0xffff  }
.Ltmp1:
0x1d2: {  	v8 =	vadd.s32 v2, v6;
	v7 =	vmin.u32 v7, $0xC7;
	(pc) =	sbr.rel @p0 .LBB2_4-.Ltmp1, $2  }
0x1d3: {  	v7 =	vadd.s32 v5, v7;
	_ =	sdelay $0x2  }
0x1d4: {  	s22 =	sadd.s32 $0x1, s22;
	v9 =	vadd.s32 s14, v1  }
0x1d5: {  	_ =	sdelay $0x2  }
0x1d6: {  	vm0 =	vgt.s32 v9, $0x0  }
0x1d7: {  	[tilespmem:v8+s28+$0x0] =	vst.idx.msk $0xffff, v4;
	v4 =	vadd.s32 $0x380, v2;
	v8 =	vnsel vm0, $0x0, v9  }
0x1d8: {  	v7 =	vld.idx.msk [tilespmem:v7+s0+$0x0], $0xffff;
	v6 =	vadd.s32 v4, v6;
	v8 =	vmin.u32 v8, $0xC7  }
0x1d9: {  	v8 =	vadd.s32 v3, v8;
	_ =	sdelay $0x1  }
0x1da: {  	v9 =	vadd.s32 s14, v0  }
0x1db: {  	v10 =	vmov s14;
	vm13 =	vgt.s32 v9, $0x0  }
0x1dc: {  	[tilespmem:v6+s28+$0x0] =	vst.idx.msk $0xffff, v7;
	v6 =	vand.u32 $0x3F, v10;
	v7 =	vnsel vm13, $0x0, v9  }
0x1dd: {  	v9 =	vadd.s32 v2, v6;
	v7 =	vmin.u32 v7, $0xC7;
	v8 =	vld.idx.msk [tilespmem:v8+s0+$0x0], $0xffff  }
0x1de: {  	v5 =	vadd.s32 v5, v7;
	_ =	sdelay $0x3  }
0x1df: {  	[tilespmem:v9+s28+$0x0] =	vst.idx.msk $0xffff, v8  }
0x1e0: {  	s6 =	simm.s32 $0x0;
	v6 =	vadd.s32 v4, v6;
	v7 =	vld.idx.msk [tilespmem:v5+s0+$0x0], $0xffff  }
0x1e1: {  	v5 =	vadd.s32 s6, v1  }
0x1e2: {  	vm14 =	vgt.s32 v5, $0x0  }
0x1e3: {  	v5 =	vnsel vm14, $0x0, v5  }
0x1e4: {  	v8 =	vmin.u32 v5, $0xC7;
	v5 =	vadd.s32 $0x1900, v3  }
0x1e5: {  	s24 =	rddreg [dreg:$0x15];
	v8 =	vadd.s32 v5, v8;
	[tilespmem:v6+s28+$0x0] =	vst.idx.msk $0xffff, v7  }
0x1e6: {  	[hbm4b:s24+s6] =	stream.linear.scatter [tilespmem:s28], [sflag:$0x6], $0x700, $0x38;
	[tilespmem:$0x1EFB0] =	vst v63  }
0x1e7: {  	v6 =	vadd.s32 s6, v0;
	_ =	swait.ge [sflag:s31], $0x700  }
0x1e8: {  	v7 =	vmov s6;
	vm15 =	vgt.s32 v6, $0x0;
	[sflag:s31] =	ssyncset.done $0x0  }
0x1e9: {  	v7 =	vand.u32 $0x3F, v7;
	v6 =	vnsel vm15, $0x0, v6;
	[sflag:s31] =	ssyncadd.s32 $0xFFFFF900  }
0x1ea: {  	v10 =	vadd.s32 v2, v7;
	v9 =	vmin.u32 v6, $0xC7;
	v6 =	vadd.s32 $0x2580, v3;
	v8 =	vld.idx.msk [tilespmem:v8+s0+$0x0], $0xffff  }
0x1eb: {  	v9 =	vadd.s32 v6, v9;
	_ =	sdelay $0x1  }
0x1ec: {  	s14 =	simm.s32 $0x1  }
0x1ed: {  	s22 =	simm.s32 $0x2;
	v11 =	vadd.s32 s14, v1  }
.LBB2_6:
0x1ee: {  	p0 =	sne.s32 s22, $0x31;
	vm0 =	vgt.s32 v11, $0x0;
	[tilespmem:v10+s28+$0x0] =	vst.idx.msk $0xffff, v8  }
0x1ef: {  	v8 =	vnsel vm0, $0x0, v11;
	v9 =	vld.idx.msk [tilespmem:v9+s0+$0x0], $0xffff  }
0x1f0: {  	v7 =	vadd.s32 v4, v7;
	v8 =	vmin.u32 v8, $0xC7  }
0x1f1: {  	v8 =	vadd.s32 v5, v8;
	_ =	sdelay $0x2  }
0x1f2: {  	v10 =	vadd.s32 s14, v0  }
0x1f3: {  	v11 =	vmov s14;
	vm0 =	vgt.s32 v10, $0x0;
	s14 =	smov.u32 s22;
	[tilespmem:v7+s28+$0x0] =	vst.idx.msk $0xffff, v9  }
0x1f4: {  	v7 =	vand.u32 $0x3F, v11;
	v9 =	vnsel vm0, $0x0, v10;
	v8 =	vld.idx.msk [tilespmem:v8+s0+$0x0], $0xffff  }
.Ltmp2:
0x1f5: {  	v10 =	vadd.s32 v2, v7;
	v9 =	vmin.u32 v9, $0xC7;
	(pc) =	sbr.rel @p0 .LBB2_6-.Ltmp2, $2  }
0x1f6: {  	v9 =	vadd.s32 v6, v9;
	_ =	sdelay $0x2  }
0x1f7: {  	s22 =	sadd.s32 $0x1, s22;
	v11 =	vadd.s32 s14, v1  }
0x1f8: {  	_ =	sdelay $0x2  }
0x1f9: {  	vm0 =	vgt.s32 v11, $0x0  }
0x1fa: {  	[tilespmem:v10+s28+$0x0] =	vst.idx.msk $0xffff, v8;
	v8 =	vnsel vm0, $0x0, v11  }
0x1fb: {  	v7 =	vadd.s32 v4, v7;
	v9 =	vld.idx.msk [tilespmem:v9+s0+$0x0], $0xffff;
	v8 =	vmin.u32 v8, $0xC7  }
0x1fc: {  	v5 =	vadd.s32 v5, v8;
	_ =	sdelay $0x1  }
0x1fd: {  	v8 =	vadd.s32 s14, v0  }
0x1fe: {  	v10 =	vmov s14;
	vm13 =	vgt.s32 v8, $0x0  }
0x1ff: {  	v8 =	vnsel vm13, $0x0, v8;
	[tilespmem:v7+s28+$0x0] =	vst.idx.msk $0xffff, v9;
	v7 =	vand.u32 $0x3F, v10  }
0x200: {  	v8 =	vmin.u32 v8, $0xC7;
	v9 =	vadd.s32 v2, v7;
	v5 =	vld.idx.msk [tilespmem:v5+s0+$0x0], $0xffff  }
0x201: {  	v6 =	vadd.s32 v6, v8;
	_ =	sdelay $0x3  }
0x202: {  	[tilespmem:v9+s28+$0x0] =	vst.idx.msk $0xffff, v5  }
0x203: {  	s6 =	simm.s32 $0x0;
	v7 =	vadd.s32 v4, v7;
	v6 =	vld.idx.msk [tilespmem:v6+s0+$0x0], $0xffff  }
0x204: {  	v5 =	vadd.s32 s6, v1  }
0x205: {  	vm14 =	vgt.s32 v5, $0x0  }
0x206: {  	v5 =	vnsel vm14, $0x0, v5  }
0x207: {  	v8 =	vmin.u32 v5, $0xC7;
	v5 =	vadd.s32 $0x3200, v3  }
0x208: {  	s24 =	rddreg [dreg:$0x1a];
	v8 =	vadd.s32 v5, v8;
	[tilespmem:v7+s28+$0x0] =	vst.idx.msk $0xffff, v6  }
0x209: {  	[hbm4b:s24+s6] =	stream.linear.scatter [tilespmem:s28], [sflag:$0x6], $0x700, $0x38;
	[tilespmem:$0x1EFB0] =	vst v63  }
0x20a: {  	v6 =	vadd.s32 s6, v0;
	_ =	swait.ge [sflag:s31], $0x700  }
0x20b: {  	v7 =	vmov s6;
	vm15 =	vgt.s32 v6, $0x0;
	[sflag:s31] =	ssyncset.done $0x0  }
0x20c: {  	v7 =	vand.u32 $0x3F, v7;
	v6 =	vnsel vm15, $0x0, v6;
	[sflag:s31] =	ssyncadd.s32 $0xFFFFF900  }
0x20d: {  	v10 =	vadd.s32 v2, v7;
	v9 =	vmin.u32 v6, $0xC7;
	v6 =	vadd.s32 $0x3E80, v3;
	v8 =	vld.idx.msk [tilespmem:v8+s0+$0x0], $0xffff  }
0x20e: {  	v9 =	vadd.s32 v6, v9;
	_ =	sdelay $0x1  }
0x20f: {  	s14 =	simm.s32 $0x1  }
0x210: {  	s22 =	simm.s32 $0x2;
	v11 =	vadd.s32 s14, v1  }
.LBB2_8:
0x211: {  	p0 =	sne.s32 s22, $0x31;
	vm0 =	vgt.s32 v11, $0x0;
	[tilespmem:v10+s28+$0x0] =	vst.idx.msk $0xffff, v8  }
0x212: {  	v8 =	vnsel vm0, $0x0, v11;
	v9 =	vld.idx.msk [tilespmem:v9+s0+$0x0], $0xffff  }
0x213: {  	v7 =	vadd.s32 v4, v7;
	v8 =	vmin.u32 v8, $0xC7  }
0x214: {  	v8 =	vadd.s32 v5, v8;
	_ =	sdelay $0x2  }
0x215: {  	v10 =	vadd.s32 s14, v0  }
0x216: {  	v11 =	vmov s14;
	vm0 =	vgt.s32 v10, $0x0;
	s14 =	smov.u32 s22;
	[tilespmem:v7+s28+$0x0] =	vst.idx.msk $0xffff, v9  }
0x217: {  	v7 =	vand.u32 $0x3F, v11;
	v9 =	vnsel vm0, $0x0, v10;
	v8 =	vld.idx.msk [tilespmem:v8+s0+$0x0], $0xffff  }
.Ltmp3:
0x218: {  	v10 =	vadd.s32 v2, v7;
	v9 =	vmin.u32 v9, $0xC7;
	(pc) =	sbr.rel @p0 .LBB2_8-.Ltmp3, $2  }
0x219: {  	v9 =	vadd.s32 v6, v9;
	_ =	sdelay $0x2  }
0x21a: {  	s22 =	sadd.s32 $0x1, s22;
	v11 =	vadd.s32 s14, v1  }
0x21b: {  	_ =	sdelay $0x2  }
0x21c: {  	vm0 =	vgt.s32 v11, $0x0  }
0x21d: {  	[tilespmem:v10+s28+$0x0] =	vst.idx.msk $0xffff, v8;
	v8 =	vnsel vm0, $0x0, v11  }
0x21e: {  	v7 =	vadd.s32 v4, v7;
	v9 =	vld.idx.msk [tilespmem:v9+s0+$0x0], $0xffff;
	v8 =	vmin.u32 v8, $0xC7  }
0x21f: {  	v5 =	vadd.s32 v5, v8;
	_ =	sdelay $0x1  }
0x220: {  	v8 =	vadd.s32 s14, v0  }
0x221: {  	v10 =	vmov s14;
	vm13 =	vgt.s32 v8, $0x0  }
0x222: {  	v8 =	vnsel vm13, $0x0, v8;
	[tilespmem:v7+s28+$0x0] =	vst.idx.msk $0xffff, v9;
	v7 =	vand.u32 $0x3F, v10  }
0x223: {  	v8 =	vmin.u32 v8, $0xC7;
	v9 =	vadd.s32 v2, v7;
	v5 =	vld.idx.msk [tilespmem:v5+s0+$0x0], $0xffff  }
0x224: {  	v6 =	vadd.s32 v6, v8;
	_ =	sdelay $0x3  }
0x225: {  	[tilespmem:v9+s28+$0x0] =	vst.idx.msk $0xffff, v5  }
0x226: {  	s6 =	simm.s32 $0x0;
	v7 =	vadd.s32 v4, v7;
	v6 =	vld.idx.msk [tilespmem:v6+s0+$0x0], $0xffff  }
0x227: {  	v5 =	vadd.s32 s6, v1  }
0x228: {  	vm14 =	vgt.s32 v5, $0x0  }
0x229: {  	v5 =	vnsel vm14, $0x0, v5  }
0x22a: {  	v8 =	vmin.u32 v5, $0xC7;
	v5 =	vadd.s32 $0x4B00, v3  }
0x22b: {  	s24 =	rddreg [dreg:$0x16];
	v8 =	vadd.s32 v5, v8;
	[tilespmem:v7+s28+$0x0] =	vst.idx.msk $0xffff, v6  }
0x22c: {  	[hbm4b:s24+s6] =	stream.linear.scatter [tilespmem:s28], [sflag:$0x6], $0x700, $0x38;
	[tilespmem:$0x1EFB0] =	vst v63  }
0x22d: {  	v6 =	vadd.s32 s6, v0;
	_ =	swait.ge [sflag:s31], $0x700  }
0x22e: {  	v7 =	vmov s6;
	vm15 =	vgt.s32 v6, $0x0;
	[sflag:s31] =	ssyncset.done $0x0  }
0x22f: {  	v7 =	vand.u32 $0x3F, v7;
	v6 =	vnsel vm15, $0x0, v6;
	[sflag:s31] =	ssyncadd.s32 $0xFFFFF900  }
0x230: {  	v10 =	vadd.s32 v2, v7;
	v9 =	vmin.u32 v6, $0xC7;
	v6 =	vadd.s32 $0x5780, v3;
	v8 =	vld.idx.msk [tilespmem:v8+s0+$0x0], $0xffff  }
0x231: {  	v9 =	vadd.s32 v6, v9;
	_ =	sdelay $0x1  }
0x232: {  	s14 =	simm.s32 $0x1  }
0x233: {  	s22 =	simm.s32 $0x2;
	v11 =	vadd.s32 s14, v1  }
.LBB2_10:
0x234: {  	p0 =	sne.s32 s22, $0x31;
	vm0 =	vgt.s32 v11, $0x0;
	[tilespmem:v10+s28+$0x0] =	vst.idx.msk $0xffff, v8  }
0x235: {  	v8 =	vnsel vm0, $0x0, v11;
	v9 =	vld.idx.msk [tilespmem:v9+s0+$0x0], $0xffff  }
0x236: {  	v7 =	vadd.s32 v4, v7;
	v8 =	vmin.u32 v8, $0xC7  }
0x237: {  	v8 =	vadd.s32 v5, v8;
	_ =	sdelay $0x2  }
0x238: {  	v10 =	vadd.s32 s14, v0  }
0x239: {  	v11 =	vmov s14;
	vm0 =	vgt.s32 v10, $0x0;
	s14 =	smov.u32 s22;
	[tilespmem:v7+s28+$0x0] =	vst.idx.msk $0xffff, v9  }
0x23a: {  	v7 =	vand.u32 $0x3F, v11;
	v9 =	vnsel vm0, $0x0, v10;
	v8 =	vld.idx.msk [tilespmem:v8+s0+$0x0], $0xffff  }
.Ltmp4:
0x23b: {  	v10 =	vadd.s32 v2, v7;
	v9 =	vmin.u32 v9, $0xC7;
	(pc) =	sbr.rel @p0 .LBB2_10-.Ltmp4, $2  }
0x23c: {  	v9 =	vadd.s32 v6, v9;
	_ =	sdelay $0x2  }
0x23d: {  	s22 =	sadd.s32 $0x1, s22;
	v11 =	vadd.s32 s14, v1  }
0x23e: {  	_ =	sdelay $0x2  }
0x23f: {  	vm0 =	vgt.s32 v11, $0x0  }
0x240: {  	[tilespmem:v10+s28+$0x0] =	vst.idx.msk $0xffff, v8;
	v8 =	vnsel vm0, $0x0, v11  }
0x241: {  	v7 =	vadd.s32 v4, v7;
	v9 =	vld.idx.msk [tilespmem:v9+s0+$0x0], $0xffff;
	v8 =	vmin.u32 v8, $0xC7  }
0x242: {  	v5 =	vadd.s32 v5, v8;
	_ =	sdelay $0x1  }
0x243: {  	v8 =	vadd.s32 s14, v0  }
0x244: {  	v10 =	vmov s14;
	vm13 =	vgt.s32 v8, $0x0  }
0x245: {  	v8 =	vnsel vm13, $0x0, v8;
	[tilespmem:v7+s28+$0x0] =	vst.idx.msk $0xffff, v9;
	v7 =	vand.u32 $0x3F, v10  }
0x246: {  	v8 =	vmin.u32 v8, $0xC7;
	v9 =	vadd.s32 v2, v7;
	v5 =	vld.idx.msk [tilespmem:v5+s0+$0x0], $0xffff  }
0x247: {  	v6 =	vadd.s32 v6, v8;
	_ =	sdelay $0x3  }
0x248: {  	[tilespmem:v9+s28+$0x0] =	vst.idx.msk $0xffff, v5  }
0x249: {  	s6 =	simm.s32 $0x0;
	v7 =	vadd.s32 v4, v7;
	v6 =	vld.idx.msk [tilespmem:v6+s0+$0x0], $0xffff  }
0x24a: {  	v5 =	vadd.s32 s6, v1  }
0x24b: {  	vm14 =	vgt.s32 v5, $0x0  }
0x24c: {  	v5 =	vnsel vm14, $0x0, v5  }
0x24d: {  	v8 =	vmin.u32 v5, $0xC7;
	v5 =	vadd.s32 $0x6400, v3  }
0x24e: {  	s24 =	rddreg [dreg:$0x17];
	v8 =	vadd.s32 v5, v8;
	[tilespmem:v7+s28+$0x0] =	vst.idx.msk $0xffff, v6  }
0x24f: {  	[hbm4b:s24+s6] =	stream.linear.scatter [tilespmem:s28], [sflag:$0x6], $0x700, $0x38;
	[tilespmem:$0x1EFB0] =	vst v63  }
0x250: {  	v6 =	vadd.s32 s6, v0;
	_ =	swait.ge [sflag:s31], $0x700  }
0x251: {  	v7 =	vmov s6;
	vm15 =	vgt.s32 v6, $0x0;
	[sflag:s31] =	ssyncset.done $0x0  }
0x252: {  	v7 =	vand.u32 $0x3F, v7;
	v6 =	vnsel vm15, $0x0, v6;
	[sflag:s31] =	ssyncadd.s32 $0xFFFFF900  }
0x253: {  	v10 =	vadd.s32 v2, v7;
	v9 =	vmin.u32 v6, $0xC7;
	v6 =	vadd.s32 $0x7080, v3;
	v8 =	vld.idx.msk [tilespmem:v8+s0+$0x0], $0xffff  }
0x254: {  	v9 =	vadd.s32 v6, v9;
	_ =	sdelay $0x1  }
0x255: {  	s14 =	simm.s32 $0x1  }
0x256: {  	s22 =	simm.s32 $0x2;
	v11 =	vadd.s32 s14, v1  }
.LBB2_12:
0x257: {  	p0 =	sne.s32 s22, $0x31;
	vm0 =	vgt.s32 v11, $0x0;
	[tilespmem:v10+s28+$0x0] =	vst.idx.msk $0xffff, v8  }
0x258: {  	v8 =	vnsel vm0, $0x0, v11;
	v9 =	vld.idx.msk [tilespmem:v9+s0+$0x0], $0xffff  }
0x259: {  	v7 =	vadd.s32 v4, v7;
	v8 =	vmin.u32 v8, $0xC7  }
0x25a: {  	v8 =	vadd.s32 v5, v8;
	_ =	sdelay $0x2  }
0x25b: {  	v10 =	vadd.s32 s14, v0  }
0x25c: {  	v11 =	vmov s14;
	vm0 =	vgt.s32 v10, $0x0;
	s14 =	smov.u32 s22;
	[tilespmem:v7+s28+$0x0] =	vst.idx.msk $0xffff, v9  }
0x25d: {  	v7 =	vand.u32 $0x3F, v11;
	v9 =	vnsel vm0, $0x0, v10;
	v8 =	vld.idx.msk [tilespmem:v8+s0+$0x0], $0xffff  }
.Ltmp5:
0x25e: {  	v10 =	vadd.s32 v2, v7;
	v9 =	vmin.u32 v9, $0xC7;
	(pc) =	sbr.rel @p0 .LBB2_12-.Ltmp5, $2  }
0x25f: {  	v9 =	vadd.s32 v6, v9;
	_ =	sdelay $0x2  }
0x260: {  	s22 =	sadd.s32 $0x1, s22;
	v11 =	vadd.s32 s14, v1  }
0x261: {  	_ =	sdelay $0x2  }
0x262: {  	vm0 =	vgt.s32 v11, $0x0  }
0x263: {  	[tilespmem:v10+s28+$0x0] =	vst.idx.msk $0xffff, v8;
	v8 =	vnsel vm0, $0x0, v11  }
0x264: {  	v7 =	vadd.s32 v4, v7;
	v9 =	vld.idx.msk [tilespmem:v9+s0+$0x0], $0xffff;
	v8 =	vmin.u32 v8, $0xC7  }
0x265: {  	v5 =	vadd.s32 v5, v8;
	_ =	sdelay $0x1  }
0x266: {  	v8 =	vadd.s32 s14, v0  }
0x267: {  	v10 =	vmov s14;
	vm13 =	vgt.s32 v8, $0x0  }
0x268: {  	v8 =	vnsel vm13, $0x0, v8;
	[tilespmem:v7+s28+$0x0] =	vst.idx.msk $0xffff, v9;
	v7 =	vand.u32 $0x3F, v10  }
0x269: {  	v8 =	vmin.u32 v8, $0xC7;
	v9 =	vadd.s32 v2, v7;
	v5 =	vld.idx.msk [tilespmem:v5+s0+$0x0], $0xffff  }
0x26a: {  	v6 =	vadd.s32 v6, v8;
	_ =	sdelay $0x3  }
0x26b: {  	[tilespmem:v9+s28+$0x0] =	vst.idx.msk $0xffff, v5  }
0x26c: {  	s6 =	simm.s32 $0x0;
	v7 =	vadd.s32 v4, v7;
	v6 =	vld.idx.msk [tilespmem:v6+s0+$0x0], $0xffff  }
0x26d: {  	v5 =	vadd.s32 s6, v1  }
0x26e: {  	vm14 =	vgt.s32 v5, $0x0  }
0x26f: {  	v5 =	vnsel vm14, $0x0, v5  }
0x270: {  	v8 =	vmin.u32 v5, $0xC7;
	v5 =	vadd.s32 $0x7D00, v3  }
0x271: {  	s24 =	rddreg [dreg:$0x18];
	[tilespmem:v7+s28+$0x0] =	vst.idx.msk $0xffff, v6;
	v7 =	vadd.s32 v5, v8  }
0x272: {  	[hbm4b:s24+s6] =	stream.linear.scatter [tilespmem:s28], [sflag:$0x6], $0x700, $0x38;
	[tilespmem:$0x1EFB0] =	vst v63  }
0x273: {  	v6 =	vadd.s32 s6, v0;
	_ =	swait.ge [sflag:s31], $0x700  }
0x274: {  	v8 =	vmov s6;
	vm15 =	vgt.s32 v6, $0x0;
	[sflag:s31] =	ssyncset.done $0x0  }
0x275: {  	v9 =	vnsel vm15, $0x0, v6;
	v6 =	vand.u32 $0x3F, v8;
	[sflag:s31] =	ssyncadd.s32 $0xFFFFF900  }
0x276: {  	v3 =	vadd.s32 $0x8980, v3;
	v8 =	vmin.u32 v9, $0xC7;
	v9 =	vadd.s32 v2, v6;
	v7 =	vld.idx.msk [tilespmem:v7+s0+$0x0], $0xffff  }
0x277: {  	v8 =	vadd.s32 v3, v8;
	_ =	sdelay $0x1  }
0x278: {  	s14 =	simm.s32 $0x1  }
0x279: {  	s22 =	simm.s32 $0x2;
	v10 =	vadd.s32 s14, v1  }
.LBB2_14:
0x27a: {  	p0 =	sne.s32 s22, $0x31;
	vm0 =	vgt.s32 v10, $0x0;
	[tilespmem:v9+s28+$0x0] =	vst.idx.msk $0xffff, v7  }
0x27b: {  	v7 =	vnsel vm0, $0x0, v10;
	v8 =	vld.idx.msk [tilespmem:v8+s0+$0x0], $0xffff  }
0x27c: {  	v6 =	vadd.s32 v4, v6;
	v7 =	vmin.u32 v7, $0xC7  }
0x27d: {  	v7 =	vadd.s32 v5, v7;
	_ =	sdelay $0x2  }
0x27e: {  	v9 =	vadd.s32 s14, v0  }
0x27f: {  	v10 =	vmov s14;
	vm0 =	vgt.s32 v9, $0x0;
	s14 =	smov.u32 s22;
	[tilespmem:v6+s28+$0x0] =	vst.idx.msk $0xffff, v8  }
0x280: {  	v6 =	vand.u32 $0x3F, v10;
	v8 =	vnsel vm0, $0x0, v9;
	v7 =	vld.idx.msk [tilespmem:v7+s0+$0x0], $0xffff  }
.Ltmp6:
0x281: {  	v9 =	vadd.s32 v2, v6;
	v8 =	vmin.u32 v8, $0xC7;
	(pc) =	sbr.rel @p0 .LBB2_14-.Ltmp6, $2  }
0x282: {  	v8 =	vadd.s32 v3, v8;
	_ =	sdelay $0x2  }
0x283: {  	s22 =	sadd.s32 $0x1, s22;
	v10 =	vadd.s32 s14, v1  }
0x284: {  	_ =	sdelay $0x2  }
0x285: {  	vm0 =	vgt.s32 v10, $0x0  }
0x286: {  	[tilespmem:v9+s28+$0x0] =	vst.idx.msk $0xffff, v7;
	v1 =	vnsel vm0, $0x0, v10  }
0x287: {  	v6 =	vadd.s32 v4, v6;
	v7 =	vld.idx.msk [tilespmem:v8+s0+$0x0], $0xffff;
	v1 =	vmin.u32 v1, $0xC7  }
0x288: {  	v1 =	vadd.s32 v5, v1;
	_ =	sdelay $0x1  }
0x289: {  	v0 =	vadd.s32 s14, v0  }
0x28a: {  	vm15 =	vgt.s32 v0, $0x0;
	v5 =	vmov s14  }
0x28b: {  	v0 =	vnsel vm15, $0x0, v0;
	v5 =	vand.u32 $0x3F, v5;
	[tilespmem:v6+s28+$0x0] =	vst.idx.msk $0xffff, v7  }
0x28c: {  	v0 =	vmin.u32 v0, $0xC7;
	v2 =	vadd.s32 v2, v5;
	v1 =	vld.idx.msk [tilespmem:v1+s0+$0x0], $0xffff  }
0x28d: {  	v0 =	vadd.s32 v3, v0;
	_ =	sdelay $0x3  }
0x28e: {  	[tilespmem:v2+s28+$0x0] =	vst.idx.msk $0xffff, v1  }
0x28f: {  	v1 =	vadd.s32 v4, v5;
	v0 =	vld.idx.msk [tilespmem:v0+s0+$0x0], $0xffff;
	_ =	sdelay $0x4  }
0x290: {  	s6 =	rddreg [dreg:$0x1b];
	s14 =	simm.s32 $0x0;
	[tilespmem:v1+s28+$0x0] =	vst.idx.msk $0xffff, v0  }
0x291: {  	[hbm4b:s6+s14] =	stream.linear.scatter [tilespmem:s28], [sflag:$0x6], $0x700, $0x38;
	[tilespmem:$0x1EFB0] =	vst v63  }
0x292: {  	_ =	swait.ge [sflag:s31], $0x700  }
0x293: {  	[sflag:s31] =	ssyncset.done $0x0  }
0x294: {  	[sflag:s31] =	ssyncadd.s32 $0xFFFFF900  }
0x295: {  	_ =	swait.ge [sflag:s29], $0x3400  }
0x296: {  	[sflag:s29] =	ssyncset.done $0x0  }
0x297: {  	[sflag:s29] =	ssyncadd.s32 $0xFFFFCC00  }
0x298: {  	[hbm4b:s20+s30] =	stream.strided.scatter [tilespmem:s25], [sflag:$0x6], $0x1900, s16, s30, $0x38;
	[tilespmem:$0x1EFB0] =	vst v63  }
0x299: {  	_ =	swait.ge [sflag:s31], $0x1900  }
0x29a: {  	[sflag:s31] =	ssyncset.done $0x0  }
0x29b: {  	s22 =	rddreg [dreg:$0x1c];
	[sflag:s31] =	ssyncadd.s32 $0xFFFFE700  }
0x29c: {  	[hbm4b:s22+s30] =	stream.strided.scatter [tilespmem:s13], [sflag:$0x6], $0x1900, s16, s30, $0x38;
	[tilespmem:$0x1EFB0] =	vst v63  }
0x29d: {  	_ =	swait.ge [sflag:s31], $0x1900  }
0x29e: {  	[sflag:s31] =	ssyncset.done $0x0  }
0x29f: {  	s24 =	simm.s32 $0x1890;
	[sflag:s31] =	ssyncadd.s32 $0xFFFFE700  }
0x2a0: {  	[tilespmem:s25], [sflag:$0x4] =	stream.indirect.gather [hbm4b:s2+s10], $0x80, s24, s10, $0xb8;
	[tilespmem:$0x1EFB0] =	vst v63  }
0x2a1: {  	_ =	swait.ge [sflag:s17], $0x3400  }
0x2a2: {  	[sflag:s17] =	ssyncset.done $0x0  }
0x2a3: {  	s22 =	rddreg [dreg:$0x1e];
	[sflag:s17] =	ssyncadd.s32 $0xFFFFCC00  }
0x2a4: {  	[hbm4b:s22+s30] =	stream.strided.scatter [tilespmem:s15], [sflag:$0x6], $0x1900, s16, s30, $0x38;
	[tilespmem:$0x1EFB0] =	vst v63  }
0x2a5: {  	_ =	swait.ge [sflag:s31], $0x1900  }
0x2a6: {  	[sflag:s31] =	ssyncset.done $0x0  }
0x2a7: {  	s24 =	rddreg [dreg:$0x1f];
	[sflag:s31] =	ssyncadd.s32 $0xFFFFE700  }
0x2a8: {  	[hbm4b:s24+s30] =	stream.strided.scatter [tilespmem:s18], [sflag:$0x6], $0x1900, s16, s30, $0x38;
	[tilespmem:$0x1EFB0] =	vst v63  }
0x2a9: {  	_ =	swait.ge [sflag:s31], $0x1900  }
0x2aa: {  	[sflag:s31] =	ssyncset.done $0x0  }
0x2ab: {  	s22 =	simm.s32 $0x1900;
	[sflag:s31] =	ssyncadd.s32 $0xFFFFE700  }
0x2ac: {  	[tilespmem:s15], [sflag:$0x5] =	stream.indirect.gather [hbm4b:s2+s10], $0x80, s22, s10, $0xb8;
	[tilespmem:$0x1EFB0] =	vst v63  }
0x2ad: {  	_ =	swait.ge [sflag:s29], $0x3400  }
0x2ae: {  	s24 =	sld [smem:$0x7E2]  }
0x2af: {  	[sflag:s29] =	ssyncset.done $0x0  }
0x2b0: {  	[sflag:s29] =	ssyncadd.s32 $0xFFFFCC00  }
0x2b1: {  	[hbm4b:s24+s30] =	stream.strided.scatter [tilespmem:s25], [sflag:$0x6], $0x1900, s16, s30, $0x38;
	[tilespmem:$0x1EFB0] =	vst v63  }
0x2b2: {  	_ =	swait.ge [sflag:s31], $0x1900  }
0x2b3: {  	s22 =	sld [smem:$0x7E3]  }
0x2b4: {  	[sflag:s31] =	ssyncset.done $0x0  }
0x2b5: {  	[sflag:s31] =	ssyncadd.s32 $0xFFFFE700  }
0x2b6: {  	[hbm4b:s22+s30] =	stream.strided.scatter [tilespmem:s13], [sflag:$0x6], $0x1900, s16, s30, $0x38;
	[tilespmem:$0x1EFB0] =	vst v63  }
0x2b7: {  	_ =	swait.ge [sflag:s31], $0x1900  }
0x2b8: {  	[sflag:s31] =	ssyncset.done $0x0  }
0x2b9: {  	s24 =	simm.s32 $0x1970;
	[sflag:s31] =	ssyncadd.s32 $0xFFFFE700  }
0x2ba: {  	[tilespmem:s25], [sflag:$0x4] =	stream.indirect.gather [hbm4b:s2+s10], $0x80, s24, s10, $0xb8;
	[tilespmem:$0x1EFB0] =	vst v63  }
0x2bb: {  	_ =	swait.ge [sflag:s17], $0x3400  }
0x2bc: {  	s22 =	sld [smem:$0x7E4]  }
0x2bd: {  	[sflag:s17] =	ssyncset.done $0x0  }
0x2be: {  	[sflag:s17] =	ssyncadd.s32 $0xFFFFCC00  }
0x2bf: {  	[hbm4b:s22+s30] =	stream.strided.scatter [tilespmem:s15], [sflag:$0x6], $0x1900, s16, s30, $0x38;
	[tilespmem:$0x1EFB0] =	vst v63  }
0x2c0: {  	_ =	swait.ge [sflag:s31], $0x1900  }
0x2c1: {  	s24 =	sld [smem:$0x7E5]  }
0x2c2: {  	[sflag:s31] =	ssyncset.done $0x0  }
0x2c3: {  	[sflag:s31] =	ssyncadd.s32 $0xFFFFE700  }
0x2c4: {  	[hbm4b:s24+s30] =	stream.strided.scatter [tilespmem:s18], [sflag:$0x6], $0x1900, s16, s30, $0x38;
	[tilespmem:$0x1EFB0] =	vst v63  }
0x2c5: {  	_ =	swait.ge [sflag:s31], $0x1900  }
0x2c6: {  	[sflag:s31] =	ssyncset.done $0x0  }
0x2c7: {  	s22 =	simm.s32 $0x19E0;
	[sflag:s31] =	ssyncadd.s32 $0xFFFFE700  }
0x2c8: {  	[tilespmem:s15], [sflag:$0x5] =	stream.indirect.gather [hbm4b:s2+s10], $0x80, s22, s10, $0xb8;
	[tilespmem:$0x1EFB0] =	vst v63  }
0x2c9: {  	_ =	swait.ge [sflag:s29], $0x3400  }
0x2ca: {  	s24 =	sld [smem:$0x7E6]  }
0x2cb: {  	[sflag:s29] =	ssyncset.done $0x0  }
0x2cc: {  	[sflag:s29] =	ssyncadd.s32 $0xFFFFCC00  }
0x2cd: {  	[hbm4b:s24+s30] =	stream.strided.scatter [tilespmem:s25], [sflag:$0x6], $0x1900, s16, s30, $0x38;
	[tilespmem:$0x1EFB0] =	vst v63  }
0x2ce: {  	_ =	swait.ge [sflag:s31], $0x1900  }
0x2cf: {  	s22 =	sld [smem:$0x7E7]  }
0x2d0: {  	[sflag:s31] =	ssyncset.done $0x0  }
0x2d1: {  	[sflag:s31] =	ssyncadd.s32 $0xFFFFE700  }
0x2d2: {  	[hbm4b:s22+s30] =	stream.strided.scatter [tilespmem:s13], [sflag:$0x6], $0x1900, s16, s30, $0x38;
	[tilespmem:$0x1EFB0] =	vst v63  }
0x2d3: {  	_ =	swait.ge [sflag:s31], $0x1900  }
0x2d4: {  	[sflag:s31] =	ssyncset.done $0x0  }
0x2d5: {  	s24 =	simm.s32 $0x1A50;
	[sflag:s31] =	ssyncadd.s32 $0xFFFFE700  }
0x2d6: {  	[tilespmem:s25], [sflag:$0x4] =	stream.indirect.gather [hbm4b:s2+s10], $0x80, s24, s10, $0xb8;
	[tilespmem:$0x1EFB0] =	vst v63  }
0x2d7: {  	_ =	swait.ge [sflag:s17], $0x3400  }
0x2d8: {  	s22 =	sld [smem:$0x7E8]  }
0x2d9: {  	[sflag:s17] =	ssyncset.done $0x0  }
0x2da: {  	[sflag:s17] =	ssyncadd.s32 $0xFFFFCC00  }
0x2db: {  	[hbm4b:s22+s30] =	stream.strided.scatter [tilespmem:s15], [sflag:$0x6], $0x1900, s16, s30, $0x38;
	[tilespmem:$0x1EFB0] =	vst v63  }
0x2dc: {  	_ =	swait.ge [sflag:s31], $0x1900  }
0x2dd: {  	s24 =	sld [smem:$0x7E9]  }
0x2de: {  	[sflag:s31] =	ssyncset.done $0x0  }
0x2df: {  	[sflag:s31] =	ssyncadd.s32 $0xFFFFE700  }
0x2e0: {  	[hbm4b:s24+s30] =	stream.strided.scatter [tilespmem:s18], [sflag:$0x6], $0x1900, s16, s30, $0x38;
	[tilespmem:$0x1EFB0] =	vst v63  }
0x2e1: {  	_ =	swait.ge [sflag:s31], $0x1900  }
0x2e2: {  	[sflag:s31] =	ssyncset.done $0x0  }
0x2e3: {  	s22 =	simm.s32 $0x1AC0;
	[sflag:s31] =	ssyncadd.s32 $0xFFFFE700  }
0x2e4: {  	[tilespmem:s15], [sflag:$0x5] =	stream.indirect.gather [hbm4b:s2+s10], $0x80, s22, s10, $0xb8;
	[tilespmem:$0x1EFB0] =	vst v63  }
0x2e5: {  	_ =	swait.ge [sflag:s29], $0x3400  }
0x2e6: {  	s24 =	sld [smem:$0x7EA]  }
0x2e7: {  	[sflag:s29] =	ssyncset.done $0x0  }
0x2e8: {  	[sflag:s29] =	ssyncadd.s32 $0xFFFFCC00  }
0x2e9: {  	[hbm4b:s24+s30] =	stream.strided.scatter [tilespmem:s25], [sflag:$0x6], $0x1900, s16, s30, $0x38;
	[tilespmem:$0x1EFB0] =	vst v63  }
0x2ea: {  	_ =	swait.ge [sflag:s31], $0x1900  }
0x2eb: {  	s22 =	sld [smem:$0x7EB]  }
0x2ec: {  	[sflag:s31] =	ssyncset.done $0x0  }
0x2ed: {  	[sflag:s31] =	ssyncadd.s32 $0xFFFFE700  }
0x2ee: {  	[hbm4b:s22+s30] =	stream.strided.scatter [tilespmem:s13], [sflag:$0x6], $0x1900, s16, s30, $0x38;
	[tilespmem:$0x1EFB0] =	vst v63  }
0x2ef: {  	_ =	swait.ge [sflag:s31], $0x1900  }
0x2f0: {  	[sflag:s31] =	ssyncset.done $0x0  }
0x2f1: {  	s24 =	simm.s32 $0x1B30;
	[sflag:s31] =	ssyncadd.s32 $0xFFFFE700  }
0x2f2: {  	[tilespmem:s25], [sflag:$0x4] =	stream.indirect.gather [hbm4b:s2+s10], $0x80, s24, s10, $0xb8;
	[tilespmem:$0x1EFB0] =	vst v63  }
0x2f3: {  	_ =	swait.ge [sflag:s17], $0x3400  }
0x2f4: {  	s22 =	sld [smem:$0x7EC]  }
0x2f5: {  	[sflag:s17] =	ssyncset.done $0x0  }
0x2f6: {  	[sflag:s17] =	ssyncadd.s32 $0xFFFFCC00  }
0x2f7: {  	[hbm4b:s22+s30] =	stream.strided.scatter [tilespmem:s15], [sflag:$0x6], $0x1900, s16, s30, $0x38;
	[tilespmem:$0x1EFB0] =	vst v63  }
0x2f8: {  	_ =	swait.ge [sflag:s31], $0x1900  }
0x2f9: {  	s24 =	sld [smem:$0x7ED]  }
0x2fa: {  	[sflag:s31] =	ssyncset.done $0x0  }
0x2fb: {  	[sflag:s31] =	ssyncadd.s32 $0xFFFFE700  }
0x2fc: {  	[hbm4b:s24+s30] =	stream.strided.scatter [tilespmem:s18], [sflag:$0x6], $0x1900, s16, s30, $0x38;
	[tilespmem:$0x1EFB0] =	vst v63  }
0x2fd: {  	_ =	swait.ge [sflag:s31], $0x1900  }
0x2fe: {  	[sflag:s31] =	ssyncset.done $0x0  }
0x2ff: {  	s22 =	simm.s32 $0x1BA0;
	[sflag:s31] =	ssyncadd.s32 $0xFFFFE700  }
0x300: {  	[tilespmem:s15], [sflag:$0x5] =	stream.indirect.gather [hbm4b:s2+s10], $0x80, s22, s10, $0xb8;
	[tilespmem:$0x1EFB0] =	vst v63  }
0x301: {  	_ =	swait.ge [sflag:s29], $0x3400  }
0x302: {  	s24 =	sld [smem:$0x7EE]  }
0x303: {  	[sflag:s29] =	ssyncset.done $0x0  }
0x304: {  	[sflag:s29] =	ssyncadd.s32 $0xFFFFCC00  }
0x305: {  	[hbm4b:s24+s30] =	stream.strided.scatter [tilespmem:s25], [sflag:$0x6], $0x1900, s16, s30, $0x38;
	[tilespmem:$0x1EFB0] =	vst v63  }
0x306: {  	_ =	swait.ge [sflag:s31], $0x1900  }
0x307: {  	s22 =	sld [smem:$0x7EF]  }
0x308: {  	[sflag:s31] =	ssyncset.done $0x0  }
0x309: {  	[sflag:s31] =	ssyncadd.s32 $0xFFFFE700  }
0x30a: {  	[hbm4b:s22+s30] =	stream.strided.scatter [tilespmem:s13], [sflag:$0x6], $0x1900, s16, s30, $0x38;
	[tilespmem:$0x1EFB0] =	vst v63  }
0x30b: {  	_ =	swait.ge [sflag:s31], $0x1900  }
0x30c: {  	[sflag:s31] =	ssyncset.done $0x0  }
0x30d: {  	s24 =	simm.s32 $0x1C10;
	[sflag:s31] =	ssyncadd.s32 $0xFFFFE700  }
0x30e: {  	[tilespmem:s25], [sflag:$0x4] =	stream.indirect.gather [hbm4b:s2+s10], $0x80, s24, s10, $0xb8;
	[tilespmem:$0x1EFB0] =	vst v63  }
0x30f: {  	_ =	swait.ge [sflag:s17], $0x3400  }
0x310: {  	s22 =	sld [smem:$0x7F0]  }
0x311: {  	[sflag:s17] =	ssyncset.done $0x0  }
0x312: {  	[sflag:s17] =	ssyncadd.s32 $0xFFFFCC00  }
0x313: {  	[hbm4b:s22+s30] =	stream.strided.scatter [tilespmem:s15], [sflag:$0x6], $0x1900, s16, s30, $0x38;
	[tilespmem:$0x1EFB0] =	vst v63  }
0x314: {  	_ =	swait.ge [sflag:s31], $0x1900  }
0x315: {  	s24 =	sld [smem:$0x7F1]  }
0x316: {  	[sflag:s31] =	ssyncset.done $0x0  }
0x317: {  	[sflag:s31] =	ssyncadd.s32 $0xFFFFE700  }
0x318: {  	[hbm4b:s24+s30] =	stream.strided.scatter [tilespmem:s18], [sflag:$0x6], $0x1900, s16, s30, $0x38;
	[tilespmem:$0x1EFB0] =	vst v63  }
0x319: {  	_ =	swait.ge [sflag:s31], $0x1900  }
0x31a: {  	[sflag:s31] =	ssyncset.done $0x0  }
0x31b: {  	s22 =	simm.s32 $0x1C80;
	[sflag:s31] =	ssyncadd.s32 $0xFFFFE700  }
0x31c: {  	[tilespmem:s15], [sflag:$0x5] =	stream.indirect.gather [hbm4b:s2+s10], $0x80, s22, s10, $0xb8;
	[tilespmem:$0x1EFB0] =	vst v63  }
0x31d: {  	_ =	swait.ge [sflag:s29], $0x3400  }
0x31e: {  	s24 =	sld [smem:$0x7F2]  }
0x31f: {  	[sflag:s29] =	ssyncset.done $0x0  }
0x320: {  	[sflag:s29] =	ssyncadd.s32 $0xFFFFCC00  }
0x321: {  	[hbm4b:s24+s30] =	stream.strided.scatter [tilespmem:s25], [sflag:$0x6], $0x1900, s16, s30, $0x38;
	[tilespmem:$0x1EFB0] =	vst v63  }
0x322: {  	_ =	swait.ge [sflag:s31], $0x1900  }
0x323: {  	s22 =	sld [smem:$0x7F3]  }
0x324: {  	[sflag:s31] =	ssyncset.done $0x0  }
0x325: {  	[sflag:s31] =	ssyncadd.s32 $0xFFFFE700  }
0x326: {  	[hbm4b:s22+s30] =	stream.strided.scatter [tilespmem:s13], [sflag:$0x6], $0x1900, s16, s30, $0x38;
	[tilespmem:$0x1EFB0] =	vst v63  }
0x327: {  	_ =	swait.ge [sflag:s31], $0x1900  }
0x328: {  	[sflag:s31] =	ssyncset.done $0x0  }
0x329: {  	s24 =	simm.s32 $0x1CF0;
	[sflag:s31] =	ssyncadd.s32 $0xFFFFE700  }
0x32a: {  	[tilespmem:s25], [sflag:$0x4] =	stream.indirect.gather [hbm4b:s2+s10], $0x80, s24, s10, $0xb8;
	[tilespmem:$0x1EFB0] =	vst v63  }
0x32b: {  	_ =	swait.ge [sflag:s17], $0x3400  }
0x32c: {  	s22 =	sld [smem:$0x7F4]  }
0x32d: {  	[sflag:s17] =	ssyncset.done $0x0  }
0x32e: {  	[sflag:s17] =	ssyncadd.s32 $0xFFFFCC00  }
0x32f: {  	[hbm4b:s22+s30] =	stream.strided.scatter [tilespmem:s15], [sflag:$0x6], $0x1900, s16, s30, $0x38;
	[tilespmem:$0x1EFB0] =	vst v63  }
0x330: {  	_ =	swait.ge [sflag:s31], $0x1900  }
0x331: {  	s24 =	sld [smem:$0x7F5]  }
0x332: {  	[sflag:s31] =	ssyncset.done $0x0  }
0x333: {  	[sflag:s31] =	ssyncadd.s32 $0xFFFFE700  }
0x334: {  	[hbm4b:s24+s30] =	stream.strided.scatter [tilespmem:s18], [sflag:$0x6], $0x1900, s16, s30, $0x38;
	[tilespmem:$0x1EFB0] =	vst v63  }
0x335: {  	_ =	swait.ge [sflag:s31], $0x1900  }
0x336: {  	[sflag:s31] =	ssyncset.done $0x0  }
0x337: {  	s22 =	simm.s32 $0x1D60;
	[sflag:s31] =	ssyncadd.s32 $0xFFFFE700  }
0x338: {  	[tilespmem:s15], [sflag:$0x5] =	stream.indirect.gather [hbm4b:s2+s10], $0x80, s22, s10, $0xb8;
	[tilespmem:$0x1EFB0] =	vst v63  }
0x339: {  	_ =	swait.ge [sflag:s29], $0x3400  }
0x33a: {  	s24 =	sld [smem:$0x7F6]  }
0x33b: {  	[sflag:s29] =	ssyncset.done $0x0  }
0x33c: {  	[sflag:s29] =	ssyncadd.s32 $0xFFFFCC00  }
0x33d: {  	[hbm4b:s24+s30] =	stream.strided.scatter [tilespmem:s25], [sflag:$0x6], $0x1900, s16, s30, $0x38;
	[tilespmem:$0x1EFB0] =	vst v63  }
0x33e: {  	_ =	swait.ge [sflag:s31], $0x1900  }
0x33f: {  	s22 =	sld [smem:$0x7F7]  }
0x340: {  	[sflag:s31] =	ssyncset.done $0x0  }
0x341: {  	[sflag:s31] =	ssyncadd.s32 $0xFFFFE700  }
0x342: {  	[hbm4b:s22+s30] =	stream.strided.scatter [tilespmem:s13], [sflag:$0x6], $0x1900, s16, s30, $0x38;
	[tilespmem:$0x1EFB0] =	vst v63  }
0x343: {  	_ =	swait.ge [sflag:s31], $0x1900  }
0x344: {  	[sflag:s31] =	ssyncset.done $0x0  }
0x345: {  	s24 =	simm.s32 $0x1DD0;
	[sflag:s31] =	ssyncadd.s32 $0xFFFFE700  }
0x346: {  	[tilespmem:s25], [sflag:$0x4] =	stream.indirect.gather [hbm4b:s2+s10], $0x80, s24, s10, $0xb8;
	[tilespmem:$0x1EFB0] =	vst v63  }
0x347: {  	_ =	swait.ge [sflag:s17], $0x3400  }
0x348: {  	s22 =	sld [smem:$0x7F8]  }
0x349: {  	[sflag:s17] =	ssyncset.done $0x0  }
0x34a: {  	[sflag:s17] =	ssyncadd.s32 $0xFFFFCC00  }
0x34b: {  	[hbm4b:s22+s30] =	stream.strided.scatter [tilespmem:s15], [sflag:$0x6], $0x1900, s16, s30, $0x38;
	[tilespmem:$0x1EFB0] =	vst v63  }
0x34c: {  	_ =	swait.ge [sflag:s31], $0x1900  }
0x34d: {  	s24 =	sld [smem:$0x7F9]  }
0x34e: {  	[sflag:s31] =	ssyncset.done $0x0  }
0x34f: {  	[sflag:s31] =	ssyncadd.s32 $0xFFFFE700  }
0x350: {  	[hbm4b:s24+s30] =	stream.strided.scatter [tilespmem:s18], [sflag:$0x6], $0x1900, s16, s30, $0x38;
	[tilespmem:$0x1EFB0] =	vst v63  }
0x351: {  	_ =	swait.ge [sflag:s31], $0x1900  }
0x352: {  	[sflag:s31] =	ssyncset.done $0x0  }
0x353: {  	s22 =	simm.s32 $0x1E40;
	[sflag:s31] =	ssyncadd.s32 $0xFFFFE700  }
0x354: {  	[tilespmem:s15], [sflag:$0x5] =	stream.indirect.gather [hbm4b:s2+s10], $0x80, s22, s10, $0xb8;
	[tilespmem:$0x1EFB0] =	vst v63  }
0x355: {  	_ =	swait.ge [sflag:s29], $0x3400  }
0x356: {  	s24 =	sld [smem:$0x7FA]  }
0x357: {  	[sflag:s29] =	ssyncset.done $0x0  }
0x358: {  	[sflag:s29] =	ssyncadd.s32 $0xFFFFCC00  }
0x359: {  	[hbm4b:s24+s30] =	stream.strided.scatter [tilespmem:s25], [sflag:$0x6], $0x1900, s16, s30, $0x38;
	[tilespmem:$0x1EFB0] =	vst v63  }
0x35a: {  	_ =	swait.ge [sflag:s31], $0x1900  }
0x35b: {  	s22 =	sld [smem:$0x7FB]  }
0x35c: {  	[sflag:s31] =	ssyncset.done $0x0  }
0x35d: {  	[sflag:s31] =	ssyncadd.s32 $0xFFFFE700  }
0x35e: {  	[hbm4b:s22+s30] =	stream.strided.scatter [tilespmem:s13], [sflag:$0x6], $0x1900, s16, s30, $0x38;
	[tilespmem:$0x1EFB0] =	vst v63  }
0x35f: {  	_ =	swait.ge [sflag:s31], $0x1900  }
0x360: {  	[sflag:s31] =	ssyncset.done $0x0  }
0x361: {  	[sflag:s31] =	ssyncadd.s32 $0xFFFFE700  }
0x362: {  	_ =	swait.ge [sflag:s17], $0x3400  }
0x363: {  	s24 =	sld [smem:$0x7FC]  }
0x364: {  	[sflag:s17] =	ssyncset.done $0x0  }
0x365: {  	[sflag:s17] =	ssyncadd.s32 $0xFFFFCC00  }
0x366: {  	[hbm4b:s24+s30] =	stream.strided.scatter [tilespmem:s15], [sflag:$0x6], $0x1900, s16, s30, $0x38;
	[tilespmem:$0x1EFB0] =	vst v63  }
0x367: {  	_ =	swait.ge [sflag:s31], $0x1900  }
0x368: {  	s22 =	sld [smem:$0x7FD]  }
0x369: {  	[sflag:s31] =	ssyncset.done $0x0  }
0x36a: {  	[sflag:s31] =	ssyncadd.s32 $0xFFFFE700  }
0x36b: {  	[hbm4b:s22+s30] =	stream.strided.scatter [tilespmem:s18], [sflag:$0x6], $0x1900, s16, s30, $0x38;
	[tilespmem:$0x1EFB0] =	vst v63  }
0x36c: {  	_ =	swait.ge [sflag:s31], $0x1900  }
0x36d: {  	[sflag:s31] =	ssyncset.done $0x0  }
0x36e: {  	[sflag:s31] =	ssyncadd.s32 $0xFFFFE700  }
0x36f: {  	_ =	swait.ge [sflag:s12], $0x680  }
0x370: {  	[sflag:s12] =	ssyncset.done $0x0  }
0x371: {  	[sflag:s12] =	ssyncadd.s32 $0xFFFFF980  }
0x372: {  	_ =	swait.ge [sflag:s12], $0x680  }
0x373: {  	[sflag:s12] =	ssyncset.done $0x0  }
0x374: {  	[sflag:s12] =	ssyncadd.s32 $0xFFFFF980  }
0x375: {  	_ =	swait.ge [sflag:s12], $0x680  }
0x376: {  	[sflag:s12] =	ssyncset.done $0x0  }
0x377: {  	[sflag:s12] =	ssyncadd.s32 $0xFFFFF980  }
0x378: {  	_ =	swait.ge [sflag:s12], $0x680  }
0x379: {  	[sflag:s12] =	ssyncset.done $0x0  }
0x37a: {  	[sflag:s12] =	ssyncadd.s32 $0xFFFFF980  }
0x37b: {  	_ =	swait.ge [sflag:s12], $0x680  }
0x37c: {  	[sflag:s12] =	ssyncset.done $0x0  }
0x37d: {  	[sflag:s12] =	ssyncadd.s32 $0xFFFFF980  }
0x37e: {  	_ =	swait.ge [sflag:s12], $0x680  }
0x37f: {  	[sflag:s12] =	ssyncset.done $0x0  }
0x380: {  	[sflag:s12] =	ssyncadd.s32 $0xFFFFF980  }
0x381: {  	_ =	swait.ge [sflag:s12], $0x680  }
0x382: {  	[sflag:s12] =	ssyncset.done $0x0  }
0x383: {  	[sflag:s12] =	ssyncadd.s32 $0xFFFFF980  }
0x384: {  	_ =	swait.ge [sflag:s12], $0x680  }
0x385: {  	[sflag:s12] =	ssyncset.done $0x0  }
0x386: {  	[sflag:s12] =	ssyncadd.s32 $0xFFFFF980  }
0x387: {  	_ =	swait.ge [sflag:s12], $0x680  }
0x388: {  	[sflag:s12] =	ssyncset.done $0x0  }
0x389: {  	[sflag:s12] =	ssyncadd.s32 $0xFFFFF980  }
0x38a: {  	_ =	swait.ge [sflag:s12], $0x680  }
0x38b: {  	[sflag:s12] =	ssyncset.done $0x0  }
0x38c: {  	[sflag:s12] =	ssyncadd.s32 $0xFFFFF980  }
0x38d: {  	_ =	swait.ge [sflag:s12], $0x680  }
0x38e: {  	[sflag:s12] =	ssyncset.done $0x0  }
0x38f: {  	[sflag:s12] =	ssyncadd.s32 $0xFFFFF980  }
0x390: {  	_ =	swait.ge [sflag:s12], $0x680  }
0x391: {  	[sflag:s12] =	ssyncset.done $0x0  }
0x392: {  	[sflag:s12] =	ssyncadd.s32 $0xFFFFF980  }
0x393: {  	_ =	swait.ge [sflag:s12], $0x680  }
0x394: {  	[sflag:s12] =	ssyncset.done $0x0  }
0x395: {  	[sflag:s12] =	ssyncadd.s32 $0xFFFFF980  }
0x396: {  	_ =	swait.ge [sflag:s12], $0x680  }
0x397: {  	[sflag:s12] =	ssyncset.done $0x0  }
0x398: {  	v1 =	vmov s14;
	[sflag:s12] =	ssyncadd.s32 $0xFFFFF980  }
0x399: {  	v0 =	vshll.u32 v1, $0x4;
	_ =	swait.ge [sflag:s12], $0x680  }
0x39a: {  	v2 =	vor.u32 v22, v0;
	[sflag:s12] =	ssyncset.done $0x0  }
0x39b: {  	[sflag:s12] =	ssyncadd.s32 $0xFFFFF980  }
0x39c: {  	_ =	swait.ge [sflag:s12], $0x680  }
0x39d: {  	v19 =	vmul.u32 $0x20, v22;
	[sflag:s12] =	ssyncset.done $0x0  }
0x39e: {  	v36 =	vshll.u32 v1, $0x9;
	[sflag:s12] =	ssyncadd.s32 $0xFFFFF980  }
0x39f: {  	v3 =	vor.u32 $0x320, v22;
	v1 =	vld.idx.msk [tilespmem:v2+s11+$0x0], $0xffff;
	v2 =	vor.u32 v19, v36  }
0x3a0: {  	[tilespmem:$0x1FF00] =	vst v3;
	v3 =	vadd.s32 v3, v0;
	_ =	sdelay $0x3  }
0x3a1: {  	[tilespmem:v2+s19+$0x0] =	vst.idx.msk $0xffff, v1;
	v2 =	vor.u32 $0x1, v19  }
0x3a2: {  	v1 =	vld.idx.msk [tilespmem:v3+s11+$0x0], $0xffff;
	[tilespmem:$0x1FF10] =	vst v2;
	v2 =	vor.u32 v2, v36;
	v3 =	vor.u32 $0x680, v22  }
0x3a3: {  	[tilespmem:$0x1FF20] =	vst v3;
	v3 =	vadd.s32 v3, v0;
	_ =	sdelay $0x3  }
0x3a4: {  	[tilespmem:v2+s19+$0x0] =	vst.idx.msk $0xffff, v1;
	v2 =	vor.u32 $0x2, v19  }
0x3a5: {  	v1 =	vld.idx.msk [tilespmem:v3+s11+$0x0], $0xffff;
	[tilespmem:$0x1FF30] =	vst v2;
	v2 =	vor.u32 v2, v36;
	v3 =	vor.u32 $0x9A0, v22  }
0x3a6: {  	v27 =	vmov v3;
	v3 =	vadd.s32 v3, v0;
	_ =	sdelay $0x3  }
0x3a7: {  	[tilespmem:v2+s19+$0x0] =	vst.idx.msk $0xffff, v1;
	v2 =	vor.u32 $0x3, v19  }
0x3a8: {  	v1 =	vld.idx.msk [tilespmem:v3+s11+$0x0], $0xffff;
	v25 =	vmov v2;
	v2 =	vor.u32 v2, v36;
	v3 =	vor.u32 $0xD00, v22  }
0x3a9: {  	v24 =	vmov v3;
	v3 =	vadd.s32 v3, v0;
	_ =	sdelay $0x3  }
0x3aa: {  	[tilespmem:v2+s19+$0x0] =	vst.idx.msk $0xffff, v1;
	v2 =	vor.u32 $0x4, v19  }
0x3ab: {  	v1 =	vld.idx.msk [tilespmem:v3+s11+$0x0], $0xffff;
	v28 =	vmov v2;
	v2 =	vor.u32 v2, v36;
	v3 =	vor.u32 $0x1020, v22  }
0x3ac: {  	v29 =	vmov v3;
	v3 =	vadd.s32 v3, v0;
	_ =	sdelay $0x3  }
0x3ad: {  	[tilespmem:v2+s19+$0x0] =	vst.idx.msk $0xffff, v1;
	v2 =	vor.u32 $0x5, v19  }
0x3ae: {  	v30 =	vor.u32 $0x1380, v22;
	v1 =	vld.idx.msk [tilespmem:v3+s11+$0x0], $0xffff;
	v26 =	vmov v2;
	v2 =	vor.u32 v2, v36  }
0x3af: {  	v3 =	vadd.s32 v30, v0;
	_ =	sdelay $0x3  }
0x3b0: {  	v31 =	vor.u32 $0x6, v19;
	[tilespmem:v2+s19+$0x0] =	vst.idx.msk $0xffff, v1  }
0x3b1: {  	v32 =	vor.u32 $0x16A0, v22;
	v2 =	vor.u32 v31, v36;
	v1 =	vld.idx.msk [tilespmem:v3+s11+$0x0], $0xffff  }
0x3b2: {  	v3 =	vadd.s32 v32, v0;
	_ =	sdelay $0x3  }
0x3b3: {  	v33 =	vor.u32 $0x7, v19;
	[tilespmem:v2+s19+$0x0] =	vst.idx.msk $0xffff, v1  }
0x3b4: {  	v34 =	vor.u32 $0x1A00, v22;
	v2 =	vor.u32 v33, v36;
	v1 =	vld.idx.msk [tilespmem:v3+s11+$0x0], $0xffff  }
0x3b5: {  	v3 =	vadd.s32 v34, v0;
	_ =	sdelay $0x3  }
0x3b6: {  	v35 =	vor.u32 $0x8, v19;
	[tilespmem:v2+s19+$0x0] =	vst.idx.msk $0xffff, v1  }
0x3b7: {  	v37 =	vor.u32 $0x1D20, v22;
	v2 =	vor.u32 v35, v36;
	v1 =	vld.idx.msk [tilespmem:v3+s11+$0x0], $0xffff  }
0x3b8: {  	v3 =	vadd.s32 v37, v0;
	_ =	sdelay $0x3  }
0x3b9: {  	v38 =	vor.u32 $0x9, v19;
	[tilespmem:v2+s19+$0x0] =	vst.idx.msk $0xffff, v1  }
0x3ba: {  	v39 =	vor.u32 $0x2080, v22;
	v2 =	vor.u32 v38, v36;
	v1 =	vld.idx.msk [tilespmem:v3+s11+$0x0], $0xffff  }
0x3bb: {  	v3 =	vadd.s32 v39, v0;
	_ =	sdelay $0x3  }
0x3bc: {  	v40 =	vor.u32 $0xA, v19;
	[tilespmem:v2+s19+$0x0] =	vst.idx.msk $0xffff, v1  }
0x3bd: {  	v41 =	vor.u32 $0x23A0, v22;
	v2 =	vor.u32 v40, v36;
	v1 =	vld.idx.msk [tilespmem:v3+s11+$0x0], $0xffff  }
0x3be: {  	v3 =	vadd.s32 v41, v0;
	_ =	sdelay $0x3  }
0x3bf: {  	v42 =	vor.u32 $0xB, v19;
	[tilespmem:v2+s19+$0x0] =	vst.idx.msk $0xffff, v1  }
0x3c0: {  	v43 =	vor.u32 $0x2700, v22;
	v2 =	vor.u32 v42, v36;
	v1 =	vld.idx.msk [tilespmem:v3+s11+$0x0], $0xffff  }
0x3c1: {  	v3 =	vadd.s32 v43, v0;
	_ =	sdelay $0x3  }
0x3c2: {  	v44 =	vor.u32 $0xC, v19;
	[tilespmem:v2+s19+$0x0] =	vst.idx.msk $0xffff, v1  }
0x3c3: {  	v45 =	vor.u32 $0x2A20, v22;
	v2 =	vor.u32 v44, v36;
	v1 =	vld.idx.msk [tilespmem:v3+s11+$0x0], $0xffff  }
0x3c4: {  	v3 =	vadd.s32 v45, v0;
	_ =	sdelay $0x3  }
0x3c5: {  	v46 =	vor.u32 $0xD, v19;
	[tilespmem:v2+s19+$0x0] =	vst.idx.msk $0xffff, v1  }
0x3c6: {  	v47 =	vor.u32 $0x2D80, v22;
	v2 =	vor.u32 v46, v36;
	v1 =	vld.idx.msk [tilespmem:v3+s11+$0x0], $0xffff  }
0x3c7: {  	v3 =	vadd.s32 v47, v0;
	_ =	sdelay $0x3  }
0x3c8: {  	v48 =	vor.u32 $0xE, v19;
	[tilespmem:v2+s19+$0x0] =	vst.idx.msk $0xffff, v1  }
0x3c9: {  	v49 =	vor.u32 $0x30A0, v22;
	v2 =	vor.u32 v48, v36;
	v1 =	vld.idx.msk [tilespmem:v3+s11+$0x0], $0xffff  }
0x3ca: {  	v3 =	vadd.s32 v49, v0;
	_ =	sdelay $0x3  }
0x3cb: {  	v50 =	vor.u32 $0xF, v19;
	[tilespmem:v2+s19+$0x0] =	vst.idx.msk $0xffff, v1  }
0x3cc: {  	v51 =	vor.u32 $0x3400, v22;
	v2 =	vor.u32 v50, v36;
	v1 =	vld.idx.msk [tilespmem:v3+s11+$0x0], $0xffff  }
0x3cd: {  	v3 =	vor.u32 v51, v0;
	_ =	sdelay $0x3  }
0x3ce: {  	v52 =	vor.u32 $0x10, v19;
	[tilespmem:v2+s19+$0x0] =	vst.idx.msk $0xffff, v1  }
0x3cf: {  	v53 =	vor.u32 $0x3720, v22;
	v2 =	vor.u32 v52, v36;
	v1 =	vld.idx.msk [tilespmem:v3+s11+$0x0], $0xffff  }
0x3d0: {  	v3 =	vadd.s32 v53, v0;
	_ =	sdelay $0x3  }
0x3d1: {  	v54 =	vor.u32 $0x11, v19;
	[tilespmem:v2+s19+$0x0] =	vst.idx.msk $0xffff, v1  }
0x3d2: {  	v55 =	vor.u32 $0x3A80, v22;
	v2 =	vor.u32 v54, v36;
	v1 =	vld.idx.msk [tilespmem:v3+s11+$0x0], $0xffff  }
0x3d3: {  	v3 =	vadd.s32 v55, v0;
	_ =	sdelay $0x3  }
0x3d4: {  	v56 =	vor.u32 $0x12, v19;
	[tilespmem:v2+s19+$0x0] =	vst.idx.msk $0xffff, v1  }
0x3d5: {  	v57 =	vor.u32 $0x3DA0, v22;
	v2 =	vor.u32 v56, v36;
	v1 =	vld.idx.msk [tilespmem:v3+s11+$0x0], $0xffff  }
0x3d6: {  	v3 =	vadd.s32 v57, v0;
	_ =	sdelay $0x3  }
0x3d7: {  	v58 =	vor.u32 $0x13, v19;
	[tilespmem:v2+s19+$0x0] =	vst.idx.msk $0xffff, v1  }
0x3d8: {  	v59 =	vor.u32 $0x4100, v22;
	v2 =	vor.u32 v58, v36;
	v1 =	vld.idx.msk [tilespmem:v3+s11+$0x0], $0xffff  }
0x3d9: {  	v3 =	vadd.s32 v59, v0;
	_ =	sdelay $0x3  }
0x3da: {  	v60 =	vor.u32 $0x14, v19;
	[tilespmem:v2+s19+$0x0] =	vst.idx.msk $0xffff, v1  }
0x3db: {  	v61 =	vor.u32 $0x4420, v22;
	v2 =	vor.u32 v60, v36;
	v1 =	vld.idx.msk [tilespmem:v3+s11+$0x0], $0xffff  }
0x3dc: {  	v3 =	vadd.s32 v61, v0;
	_ =	sdelay $0x3  }
0x3dd: {  	v62 =	vor.u32 $0x15, v19;
	[tilespmem:v2+s19+$0x0] =	vst.idx.msk $0xffff, v1  }
0x3de: {  	v63 =	vor.u32 $0x4780, v22;
	v2 =	vor.u32 v62, v36;
	v1 =	vld.idx.msk [tilespmem:v3+s11+$0x0], $0xffff  }
0x3df: {  	v3 =	vadd.s32 v63, v0;
	_ =	sdelay $0x3  }
0x3e0: {  	[tilespmem:v2+s19+$0x0] =	vst.idx.msk $0xffff, v1;
	v1 =	vor.u32 $0x16, v19  }
0x3e1: {  	v7 =	vor.u32 $0x4AA0, v22;
	v2 =	vld.idx.msk [tilespmem:v3+s11+$0x0], $0xffff;
	v3 =	vor.u32 v1, v36  }
0x3e2: {  	v4 =	vadd.s32 v7, v0;
	_ =	sdelay $0x3  }
0x3e3: {  	v8 =	vor.u32 $0x17, v19;
	[tilespmem:v3+s19+$0x0] =	vst.idx.msk $0xffff, v2  }
0x3e4: {  	v12 =	vor.u32 $0x4E00, v22;
	v3 =	vor.u32 v8, v36;
	v2 =	vld.idx.msk [tilespmem:v4+s11+$0x0], $0xffff  }
0x3e5: {  	v4 =	vadd.s32 v12, v0;
	_ =	sdelay $0x3  }
0x3e6: {  	v5 =	vor.u32 $0x18, v19;
	[tilespmem:v3+s19+$0x0] =	vst.idx.msk $0xffff, v2  }
0x3e7: {  	v6 =	vor.u32 $0x5120, v22;
	v3 =	vor.u32 v5, v36;
	v2 =	vld.idx.msk [tilespmem:v4+s11+$0x0], $0xffff  }
0x3e8: {  	v4 =	vadd.s32 v6, v0;
	_ =	sdelay $0x3  }
0x3e9: {  	v9 =	vor.u32 $0x19, v19;
	[tilespmem:v3+s19+$0x0] =	vst.idx.msk $0xffff, v2  }
0x3ea: {  	v10 =	vor.u32 $0x5480, v22;
	v3 =	vor.u32 v9, v36;
	v2 =	vld.idx.msk [tilespmem:v4+s11+$0x0], $0xffff  }
0x3eb: {  	v4 =	vadd.s32 v10, v0;
	_ =	sdelay $0x3  }
0x3ec: {  	v13 =	vor.u32 $0x1A, v19;
	[tilespmem:v3+s19+$0x0] =	vst.idx.msk $0xffff, v2  }
0x3ed: {  	v14 =	vor.u32 $0x57A0, v22;
	v3 =	vor.u32 v13, v36;
	v2 =	vld.idx.msk [tilespmem:v4+s11+$0x0], $0xffff  }
0x3ee: {  	v4 =	vadd.s32 v14, v0;
	_ =	sdelay $0x3  }
0x3ef: {  	v15 =	vor.u32 $0x1B, v19;
	[tilespmem:v3+s19+$0x0] =	vst.idx.msk $0xffff, v2  }
0x3f0: {  	v16 =	vor.u32 $0x5B00, v22;
	v3 =	vor.u32 v15, v36;
	v2 =	vld.idx.msk [tilespmem:v4+s11+$0x0], $0xffff  }
0x3f1: {  	v4 =	vadd.s32 v16, v0;
	_ =	sdelay $0x3  }
0x3f2: {  	v17 =	vor.u32 $0x1C, v19;
	[tilespmem:v3+s19+$0x0] =	vst.idx.msk $0xffff, v2  }
0x3f3: {  	v18 =	vor.u32 $0x5E20, v22;
	v3 =	vor.u32 v17, v36;
	v2 =	vld.idx.msk [tilespmem:v4+s11+$0x0], $0xffff  }
0x3f4: {  	v4 =	vadd.s32 v18, v0;
	_ =	sdelay $0x3  }
0x3f5: {  	[tilespmem:v3+s19+$0x0] =	vst.idx.msk $0xffff, v2;
	v3 =	vor.u32 $0x1D, v19  }
0x3f6: {  	v2 =	vld.idx.msk [tilespmem:v4+s11+$0x0], $0xffff;
	v11 =	vor.u32 v3, v36;
	v4 =	vor.u32 $0x6180, v22  }
0x3f7: {  	v20 =	vadd.s32 v4, v0;
	_ =	sdelay $0x3  }
0x3f8: {  	[tilespmem:v11+s19+$0x0] =	vst.idx.msk $0xffff, v2;
	v11 =	vor.u32 $0x1E, v19  }
0x3f9: {  	v2 =	vor.u32 $0x64A0, v22;
	v20 =	vld.idx.msk [tilespmem:v20+s11+$0x0], $0xffff;
	v21 =	vor.u32 v11, v36  }
0x3fa: {  	v0 =	vadd.s32 v2, v0;
	_ =	sdelay $0x3  }
0x3fb: {  	s24 =	simm.s32 $0x1;
	[tilespmem:v21+s19+$0x0] =	vst.idx.msk $0xffff, v20  }
0x3fc: {  	s14 =	simm.s32 $0x2;
	v21 =	vmov s24;
	v22 =	vld.idx.msk [tilespmem:v0+s11+$0x0], $0xffff;
	v0 =	vor.u32 $0x1F, v19  }
.LBB2_16:
0x3fd: {  	v20 =	vshll.u32 v21, $0x4;
	v36 =	vor.u32 v0, v36;
	v23 =	vlaneseq.u32  }
0x3fe: {  	v23 =	vor.u32 v23, v20;
	_ =	sdelay $0x3  }
0x3ff: {  	[tilespmem:v36+s19+$0x0] =	vst.idx.msk $0xffff, v22  }
0x400: {  	v22 =	vld.idx.msk [tilespmem:v23+s11+$0x0], $0xffff  }
0x401: {  	v36 =	vshll.u32 v21, $0x9;
	v23 =	vld [tilespmem:$0x1FF00]  }
0x402: {  	v21 =	vor.u32 v19, v36;
	_ =	sdelay $0x3  }
0x403: {  	v23 =	vadd.s32 v23, v20  }
0x404: {  	[tilespmem:v21+s19+$0x0] =	vst.idx.msk $0xffff, v22;
	v22 =	vld [tilespmem:$0x1FF10];
	_ =	sdelay $0x3  }
0x405: {  	v21 =	vld.idx.msk [tilespmem:v23+s11+$0x0], $0xffff  }
0x406: {  	v22 =	vor.u32 v22, v36;
	v23 =	vld [tilespmem:$0x1FF20];
	_ =	sdelay $0x4  }
0x407: {  	v23 =	vadd.s32 v23, v20;
	[tilespmem:v22+s19+$0x0] =	vst.idx.msk $0xffff, v21;
	v22 =	vld [tilespmem:$0x1FF30];
	_ =	sdelay $0x4  }
0x408: {  	v21 =	vld.idx.msk [tilespmem:v23+s11+$0x0], $0xffff;
	v22 =	vor.u32 v22, v36  }
0x409: {  	v23 =	vadd.s32 v27, v20;
	_ =	sdelay $0x3  }
0x40a: {  	[tilespmem:v22+s19+$0x0] =	vst.idx.msk $0xffff, v21  }
0x40b: {  	v22 =	vor.u32 v25, v36;
	v21 =	vld.idx.msk [tilespmem:v23+s11+$0x0], $0xffff  }
0x40c: {  	v23 =	vadd.s32 v24, v20;
	_ =	sdelay $0x3  }
0x40d: {  	[tilespmem:v22+s19+$0x0] =	vst.idx.msk $0xffff, v21  }
0x40e: {  	v22 =	vor.u32 v28, v36;
	v21 =	vld.idx.msk [tilespmem:v23+s11+$0x0], $0xffff  }
0x40f: {  	v23 =	vadd.s32 v29, v20;
	_ =	sdelay $0x3  }
0x410: {  	[tilespmem:v22+s19+$0x0] =	vst.idx.msk $0xffff, v21  }
0x411: {  	v22 =	vor.u32 v26, v36;
	v21 =	vld.idx.msk [tilespmem:v23+s11+$0x0], $0xffff  }
0x412: {  	v23 =	vadd.s32 v30, v20;
	_ =	sdelay $0x3  }
0x413: {  	[tilespmem:v22+s19+$0x0] =	vst.idx.msk $0xffff, v21  }
0x414: {  	v22 =	vor.u32 v31, v36;
	v21 =	vld.idx.msk [tilespmem:v23+s11+$0x0], $0xffff  }
0x415: {  	v23 =	vadd.s32 v32, v20;
	_ =	sdelay $0x3  }
0x416: {  	[tilespmem:v22+s19+$0x0] =	vst.idx.msk $0xffff, v21  }
0x417: {  	v22 =	vor.u32 v33, v36;
	v21 =	vld.idx.msk [tilespmem:v23+s11+$0x0], $0xffff  }
0x418: {  	v23 =	vadd.s32 v34, v20;
	_ =	sdelay $0x3  }
0x419: {  	[tilespmem:v22+s19+$0x0] =	vst.idx.msk $0xffff, v21  }
0x41a: {  	v22 =	vor.u32 v35, v36;
	v21 =	vld.idx.msk [tilespmem:v23+s11+$0x0], $0xffff  }
0x41b: {  	v23 =	vadd.s32 v37, v20;
	_ =	sdelay $0x3  }
0x41c: {  	[tilespmem:v22+s19+$0x0] =	vst.idx.msk $0xffff, v21  }
0x41d: {  	v22 =	vor.u32 v38, v36;
	v21 =	vld.idx.msk [tilespmem:v23+s11+$0x0], $0xffff  }
0x41e: {  	v23 =	vadd.s32 v39, v20;
	_ =	sdelay $0x3  }
0x41f: {  	[tilespmem:v22+s19+$0x0] =	vst.idx.msk $0xffff, v21  }
0x420: {  	v22 =	vor.u32 v40, v36;
	v21 =	vld.idx.msk [tilespmem:v23+s11+$0x0], $0xffff  }
0x421: {  	v23 =	vadd.s32 v41, v20;
	_ =	sdelay $0x3  }
0x422: {  	[tilespmem:v22+s19+$0x0] =	vst.idx.msk $0xffff, v21  }
0x423: {  	v22 =	vor.u32 v42, v36;
	v21 =	vld.idx.msk [tilespmem:v23+s11+$0x0], $0xffff  }
0x424: {  	v23 =	vadd.s32 v43, v20;
	_ =	sdelay $0x3  }
0x425: {  	[tilespmem:v22+s19+$0x0] =	vst.idx.msk $0xffff, v21  }
0x426: {  	v22 =	vor.u32 v44, v36;
	v21 =	vld.idx.msk [tilespmem:v23+s11+$0x0], $0xffff  }
0x427: {  	v23 =	vadd.s32 v45, v20;
	_ =	sdelay $0x3  }
0x428: {  	[tilespmem:v22+s19+$0x0] =	vst.idx.msk $0xffff, v21  }
0x429: {  	v22 =	vor.u32 v46, v36;
	v21 =	vld.idx.msk [tilespmem:v23+s11+$0x0], $0xffff  }
0x42a: {  	v23 =	vadd.s32 v47, v20;
	_ =	sdelay $0x3  }
0x42b: {  	[tilespmem:v22+s19+$0x0] =	vst.idx.msk $0xffff, v21  }
0x42c: {  	v22 =	vor.u32 v48, v36;
	v21 =	vld.idx.msk [tilespmem:v23+s11+$0x0], $0xffff  }
0x42d: {  	v23 =	vadd.s32 v49, v20;
	_ =	sdelay $0x3  }
0x42e: {  	[tilespmem:v22+s19+$0x0] =	vst.idx.msk $0xffff, v21  }
0x42f: {  	v22 =	vor.u32 v50, v36;
	v21 =	vld.idx.msk [tilespmem:v23+s11+$0x0], $0xffff  }
0x430: {  	v23 =	vor.u32 v51, v20;
	_ =	sdelay $0x3  }
0x431: {  	[tilespmem:v22+s19+$0x0] =	vst.idx.msk $0xffff, v21  }
0x432: {  	v22 =	vor.u32 v52, v36;
	v21 =	vld.idx.msk [tilespmem:v23+s11+$0x0], $0xffff  }
0x433: {  	v23 =	vadd.s32 v53, v20;
	_ =	sdelay $0x3  }
0x434: {  	[tilespmem:v22+s19+$0x0] =	vst.idx.msk $0xffff, v21  }
0x435: {  	v22 =	vor.u32 v54, v36;
	v21 =	vld.idx.msk [tilespmem:v23+s11+$0x0], $0xffff  }
0x436: {  	v23 =	vadd.s32 v55, v20;
	_ =	sdelay $0x3  }
0x437: {  	[tilespmem:v22+s19+$0x0] =	vst.idx.msk $0xffff, v21  }
0x438: {  	v22 =	vor.u32 v56, v36;
	v21 =	vld.idx.msk [tilespmem:v23+s11+$0x0], $0xffff  }
0x439: {  	v23 =	vadd.s32 v57, v20;
	_ =	sdelay $0x3  }
0x43a: {  	[tilespmem:v22+s19+$0x0] =	vst.idx.msk $0xffff, v21  }
0x43b: {  	v22 =	vor.u32 v58, v36;
	v21 =	vld.idx.msk [tilespmem:v23+s11+$0x0], $0xffff  }
0x43c: {  	v23 =	vadd.s32 v59, v20;
	_ =	sdelay $0x3  }
0x43d: {  	[tilespmem:v22+s19+$0x0] =	vst.idx.msk $0xffff, v21  }
0x43e: {  	v22 =	vor.u32 v60, v36;
	v21 =	vld.idx.msk [tilespmem:v23+s11+$0x0], $0xffff  }
0x43f: {  	v23 =	vadd.s32 v61, v20;
	_ =	sdelay $0x3  }
0x440: {  	[tilespmem:v22+s19+$0x0] =	vst.idx.msk $0xffff, v21  }
0x441: {  	v22 =	vor.u32 v62, v36;
	v21 =	vld.idx.msk [tilespmem:v23+s11+$0x0], $0xffff  }
0x442: {  	v23 =	vadd.s32 v63, v20;
	_ =	sdelay $0x3  }
0x443: {  	[tilespmem:v22+s19+$0x0] =	vst.idx.msk $0xffff, v21  }
0x444: {  	v22 =	vor.u32 v1, v36;
	v21 =	vld.idx.msk [tilespmem:v23+s11+$0x0], $0xffff  }
0x445: {  	v23 =	vadd.s32 v7, v20;
	_ =	sdelay $0x3  }
0x446: {  	[tilespmem:v22+s19+$0x0] =	vst.idx.msk $0xffff, v21  }
0x447: {  	v22 =	vor.u32 v8, v36;
	v21 =	vld.idx.msk [tilespmem:v23+s11+$0x0], $0xffff  }
0x448: {  	v23 =	vadd.s32 v12, v20;
	_ =	sdelay $0x3  }
0x449: {  	[tilespmem:v22+s19+$0x0] =	vst.idx.msk $0xffff, v21  }
0x44a: {  	v22 =	vor.u32 v5, v36;
	v21 =	vld.idx.msk [tilespmem:v23+s11+$0x0], $0xffff  }
0x44b: {  	v23 =	vadd.s32 v6, v20;
	_ =	sdelay $0x3  }
0x44c: {  	[tilespmem:v22+s19+$0x0] =	vst.idx.msk $0xffff, v21  }
0x44d: {  	v22 =	vor.u32 v9, v36;
	v21 =	vld.idx.msk [tilespmem:v23+s11+$0x0], $0xffff  }
0x44e: {  	v23 =	vadd.s32 v10, v20;
	_ =	sdelay $0x3  }
0x44f: {  	[tilespmem:v22+s19+$0x0] =	vst.idx.msk $0xffff, v21  }
0x450: {  	v22 =	vor.u32 v13, v36;
	v21 =	vld.idx.msk [tilespmem:v23+s11+$0x0], $0xffff  }
0x451: {  	v23 =	vadd.s32 v14, v20;
	_ =	sdelay $0x3  }
0x452: {  	[tilespmem:v22+s19+$0x0] =	vst.idx.msk $0xffff, v21  }
0x453: {  	v22 =	vor.u32 v15, v36;
	v21 =	vld.idx.msk [tilespmem:v23+s11+$0x0], $0xffff  }
0x454: {  	v23 =	vadd.s32 v16, v20;
	_ =	sdelay $0x3  }
0x455: {  	[tilespmem:v22+s19+$0x0] =	vst.idx.msk $0xffff, v21  }
0x456: {  	v22 =	vor.u32 v17, v36;
	v21 =	vld.idx.msk [tilespmem:v23+s11+$0x0], $0xffff  }
0x457: {  	v23 =	vadd.s32 v18, v20;
	_ =	sdelay $0x3  }
0x458: {  	[tilespmem:v22+s19+$0x0] =	vst.idx.msk $0xffff, v21  }
0x459: {  	v22 =	vor.u32 v3, v36;
	v21 =	vld.idx.msk [tilespmem:v23+s11+$0x0], $0xffff  }
0x45a: {  	v23 =	vadd.s32 v4, v20;
	_ =	sdelay $0x3  }
0x45b: {  	[tilespmem:v22+s19+$0x0] =	vst.idx.msk $0xffff, v21  }
0x45c: {  	v22 =	vor.u32 v11, v36;
	v21 =	vld.idx.msk [tilespmem:v23+s11+$0x0], $0xffff  }
0x45d: {  	p0 =	sne.s32 s14, $0x31;
	v20 =	vadd.s32 v2, v20  }
.Ltmp7:
0x45e: {  	_ = 	snop;
	(pc) =	sbr.rel @p0 .LBB2_16-.Ltmp7, $3  }
0x45f: {  	_ =	sdelay $0x1  }
0x460: {  	[tilespmem:v22+s19+$0x0] =	vst.idx.msk $0xffff, v21  }
0x461: {  	v21 =	vmov s14;
	s14 =	sadd.s32 $0x1, s14;
	v22 =	vld.idx.msk [tilespmem:v20+s11+$0x0], $0xffff  }
0x462: {  	v20 =	vor.u32 v0, v36;
	v23 =	vshll.u32 v21, $0x4;
	v36 =	vlaneseq.u32  }
0x463: {  	v36 =	vor.u32 v36, v23;
	_ =	sdelay $0x3  }
0x464: {  	[tilespmem:v20+s19+$0x0] =	vst.idx.msk $0xffff, v22  }
0x465: {  	v20 =	vshll.u32 v21, $0x9;
	v21 =	vld.idx.msk [tilespmem:v36+s11+$0x0], $0xffff  }
0x466: {  	v36 =	vld [tilespmem:$0x1FF00];
	_ =	sdelay $0x4  }
0x467: {  	v19 =	vor.u32 v19, v20;
	v22 =	vadd.s32 v36, v23;
	v36 =	vld [tilespmem:$0x1FF10];
	_ =	sdelay $0x4  }
0x468: {  	[tilespmem:v19+s19+$0x0] =	vst.idx.msk $0xffff, v21;
	v21 =	vor.u32 v36, v20;
	v36 =	vld [tilespmem:$0x1FF20];
	_ =	sdelay $0x3  }
0x469: {  	v19 =	vld.idx.msk [tilespmem:v22+s11+$0x0], $0xffff  }
0x46a: {  	v22 =	vadd.s32 v36, v23;
	v36 =	vld [tilespmem:$0x1FF30];
	_ =	sdelay $0x3  }
0x46b: {  	[tilespmem:v21+s19+$0x0] =	vst.idx.msk $0xffff, v19  }
0x46c: {  	v19 =	vld.idx.msk [tilespmem:v22+s11+$0x0], $0xffff;
	v21 =	vor.u32 v36, v20  }
0x46d: {  	v27 =	vadd.s32 v27, v23;
	_ =	sdelay $0x3  }
0x46e: {  	[tilespmem:v21+s19+$0x0] =	vst.idx.msk $0xffff, v19  }
0x46f: {  	v36 =	vor.u32 v25, v20;
	v19 =	vld.idx.msk [tilespmem:v27+s11+$0x0], $0xffff  }
0x470: {  	v25 =	vadd.s32 v24, v23;
	_ =	sdelay $0x3  }
0x471: {  	[tilespmem:v36+s19+$0x0] =	vst.idx.msk $0xffff, v19  }
0x472: {  	v27 =	vor.u32 v28, v20;
	v19 =	vld.idx.msk [tilespmem:v25+s11+$0x0], $0xffff  }
0x473: {  	v28 =	vadd.s32 v29, v23;
	_ =	sdelay $0x3  }
0x474: {  	[tilespmem:v27+s19+$0x0] =	vst.idx.msk $0xffff, v19  }
0x475: {  	v29 =	vor.u32 v26, v20;
	v19 =	vld.idx.msk [tilespmem:v28+s11+$0x0], $0xffff  }
0x476: {  	v30 =	vadd.s32 v30, v23;
	_ =	sdelay $0x3  }
0x477: {  	[tilespmem:v29+s19+$0x0] =	vst.idx.msk $0xffff, v19  }
0x478: {  	v31 =	vor.u32 v31, v20;
	v19 =	vld.idx.msk [tilespmem:v30+s11+$0x0], $0xffff  }
0x479: {  	v32 =	vadd.s32 v32, v23;
	_ =	sdelay $0x3  }
0x47a: {  	[tilespmem:v31+s19+$0x0] =	vst.idx.msk $0xffff, v19  }
0x47b: {  	v33 =	vor.u32 v33, v20;
	v19 =	vld.idx.msk [tilespmem:v32+s11+$0x0], $0xffff  }
0x47c: {  	v36 =	vadd.s32 v34, v23;
	_ =	sdelay $0x3  }
0x47d: {  	[tilespmem:v33+s19+$0x0] =	vst.idx.msk $0xffff, v19  }
0x47e: {  	v24 =	vor.u32 v35, v20;
	v19 =	vld.idx.msk [tilespmem:v36+s11+$0x0], $0xffff  }
0x47f: {  	v25 =	vadd.s32 v37, v23;
	_ =	sdelay $0x3  }
0x480: {  	[tilespmem:v24+s19+$0x0] =	vst.idx.msk $0xffff, v19  }
0x481: {  	v26 =	vor.u32 v38, v20;
	v19 =	vld.idx.msk [tilespmem:v25+s11+$0x0], $0xffff  }
0x482: {  	v27 =	vadd.s32 v39, v23;
	_ =	sdelay $0x3  }
0x483: {  	[tilespmem:v26+s19+$0x0] =	vst.idx.msk $0xffff, v19  }
0x484: {  	v28 =	vor.u32 v40, v20;
	v19 =	vld.idx.msk [tilespmem:v27+s11+$0x0], $0xffff  }
0x485: {  	v29 =	vadd.s32 v41, v23;
	_ =	sdelay $0x3  }
0x486: {  	[tilespmem:v28+s19+$0x0] =	vst.idx.msk $0xffff, v19  }
0x487: {  	v30 =	vor.u32 v42, v20;
	v19 =	vld.idx.msk [tilespmem:v29+s11+$0x0], $0xffff  }
0x488: {  	v31 =	vadd.s32 v43, v23;
	_ =	sdelay $0x3  }
0x489: {  	[tilespmem:v30+s19+$0x0] =	vst.idx.msk $0xffff, v19  }
0x48a: {  	v32 =	vor.u32 v44, v20;
	v19 =	vld.idx.msk [tilespmem:v31+s11+$0x0], $0xffff  }
0x48b: {  	v33 =	vadd.s32 v45, v23;
	_ =	sdelay $0x3  }
0x48c: {  	[tilespmem:v32+s19+$0x0] =	vst.idx.msk $0xffff, v19  }
0x48d: {  	v34 =	vor.u32 v46, v20;
	v19 =	vld.idx.msk [tilespmem:v33+s11+$0x0], $0xffff  }
0x48e: {  	v35 =	vadd.s32 v47, v23;
	_ =	sdelay $0x3  }
0x48f: {  	[tilespmem:v34+s19+$0x0] =	vst.idx.msk $0xffff, v19  }
0x490: {  	v36 =	vor.u32 v48, v20;
	v19 =	vld.idx.msk [tilespmem:v35+s11+$0x0], $0xffff  }
0x491: {  	v37 =	vadd.s32 v49, v23;
	_ =	sdelay $0x3  }
0x492: {  	[tilespmem:v36+s19+$0x0] =	vst.idx.msk $0xffff, v19  }
0x493: {  	v38 =	vor.u32 v50, v20;
	v19 =	vld.idx.msk [tilespmem:v37+s11+$0x0], $0xffff  }
0x494: {  	v39 =	vor.u32 v51, v23;
	_ =	sdelay $0x3  }
0x495: {  	[tilespmem:v38+s19+$0x0] =	vst.idx.msk $0xffff, v19  }
0x496: {  	v40 =	vor.u32 v52, v20;
	v19 =	vld.idx.msk [tilespmem:v39+s11+$0x0], $0xffff  }
0x497: {  	v41 =	vadd.s32 v53, v23;
	_ =	sdelay $0x3  }
0x498: {  	[tilespmem:v40+s19+$0x0] =	vst.idx.msk $0xffff, v19  }
0x499: {  	v42 =	vor.u32 v54, v20;
	v19 =	vld.idx.msk [tilespmem:v41+s11+$0x0], $0xffff  }
0x49a: {  	v43 =	vadd.s32 v55, v23;
	_ =	sdelay $0x3  }
0x49b: {  	[tilespmem:v42+s19+$0x0] =	vst.idx.msk $0xffff, v19  }
0x49c: {  	v44 =	vor.u32 v56, v20;
	v19 =	vld.idx.msk [tilespmem:v43+s11+$0x0], $0xffff  }
0x49d: {  	v45 =	vadd.s32 v57, v23;
	_ =	sdelay $0x3  }
0x49e: {  	[tilespmem:v44+s19+$0x0] =	vst.idx.msk $0xffff, v19  }
0x49f: {  	v46 =	vor.u32 v58, v20;
	v19 =	vld.idx.msk [tilespmem:v45+s11+$0x0], $0xffff  }
0x4a0: {  	v47 =	vadd.s32 v59, v23;
	_ =	sdelay $0x3  }
0x4a1: {  	[tilespmem:v46+s19+$0x0] =	vst.idx.msk $0xffff, v19  }
0x4a2: {  	v48 =	vor.u32 v60, v20;
	v19 =	vld.idx.msk [tilespmem:v47+s11+$0x0], $0xffff  }
0x4a3: {  	v49 =	vadd.s32 v61, v23;
	_ =	sdelay $0x3  }
0x4a4: {  	[tilespmem:v48+s19+$0x0] =	vst.idx.msk $0xffff, v19  }
0x4a5: {  	v50 =	vor.u32 v62, v20;
	v19 =	vld.idx.msk [tilespmem:v49+s11+$0x0], $0xffff  }
0x4a6: {  	v51 =	vadd.s32 v63, v23;
	_ =	sdelay $0x3  }
0x4a7: {  	[tilespmem:v50+s19+$0x0] =	vst.idx.msk $0xffff, v19  }
0x4a8: {  	v1 =	vor.u32 v1, v20;
	v19 =	vld.idx.msk [tilespmem:v51+s11+$0x0], $0xffff  }
0x4a9: {  	v7 =	vadd.s32 v7, v23;
	_ =	sdelay $0x3  }
0x4aa: {  	[tilespmem:v1+s19+$0x0] =	vst.idx.msk $0xffff, v19  }
0x4ab: {  	v52 =	vor.u32 v8, v20;
	v1 =	vld.idx.msk [tilespmem:v7+s11+$0x0], $0xffff  }
0x4ac: {  	v53 =	vadd.s32 v12, v23;
	_ =	sdelay $0x3  }
0x4ad: {  	[tilespmem:v52+s19+$0x0] =	vst.idx.msk $0xffff, v1  }
0x4ae: {  	v5 =	vor.u32 v5, v20;
	v1 =	vld.idx.msk [tilespmem:v53+s11+$0x0], $0xffff  }
0x4af: {  	v6 =	vadd.s32 v6, v23;
	_ =	sdelay $0x3  }
0x4b0: {  	[tilespmem:v5+s19+$0x0] =	vst.idx.msk $0xffff, v1  }
0x4b1: {  	v54 =	vor.u32 v9, v20;
	v1 =	vld.idx.msk [tilespmem:v6+s11+$0x0], $0xffff  }
0x4b2: {  	v55 =	vadd.s32 v10, v23;
	_ =	sdelay $0x3  }
0x4b3: {  	[tilespmem:v54+s19+$0x0] =	vst.idx.msk $0xffff, v1  }
0x4b4: {  	v56 =	vor.u32 v13, v20;
	v1 =	vld.idx.msk [tilespmem:v55+s11+$0x0], $0xffff  }
0x4b5: {  	v57 =	vadd.s32 v14, v23;
	_ =	sdelay $0x3  }
0x4b6: {  	[tilespmem:v56+s19+$0x0] =	vst.idx.msk $0xffff, v1  }
0x4b7: {  	v58 =	vor.u32 v15, v20;
	v1 =	vld.idx.msk [tilespmem:v57+s11+$0x0], $0xffff  }
0x4b8: {  	v59 =	vadd.s32 v16, v23;
	_ =	sdelay $0x3  }
0x4b9: {  	[tilespmem:v58+s19+$0x0] =	vst.idx.msk $0xffff, v1  }
0x4ba: {  	v60 =	vor.u32 v17, v20;
	v1 =	vld.idx.msk [tilespmem:v59+s11+$0x0], $0xffff  }
0x4bb: {  	v61 =	vadd.s32 v18, v23;
	_ =	sdelay $0x3  }
0x4bc: {  	[tilespmem:v60+s19+$0x0] =	vst.idx.msk $0xffff, v1  }
0x4bd: {  	v3 =	vor.u32 v3, v20;
	v1 =	vld.idx.msk [tilespmem:v61+s11+$0x0], $0xffff  }
0x4be: {  	v4 =	vadd.s32 v4, v23;
	_ =	sdelay $0x3  }
0x4bf: {  	[tilespmem:v3+s19+$0x0] =	vst.idx.msk $0xffff, v1  }
0x4c0: {  	v62 =	vor.u32 v11, v20;
	v1 =	vld.idx.msk [tilespmem:v4+s11+$0x0], $0xffff  }
0x4c1: {  	v2 =	vadd.s32 v2, v23;
	_ =	sdelay $0x3  }
0x4c2: {  	[tilespmem:v62+s19+$0x0] =	vst.idx.msk $0xffff, v1  }
0x4c3: {  	v63 =	vor.u32 v0, v20;
	v1 =	vld.idx.msk [tilespmem:v2+s11+$0x0], $0xffff;
	_ =	sdelay $0x4  }
0x4c4: {  	s14 =	simm.s32 $0x400;
	s22 =	simm.s32 $0x18BB0;
	s24 =	sadd.s32 $0x0, s23;
	[tilespmem:v63+s19+$0x0] =	vst.idx.msk $0xffff, v1  }
.LBB2_18:
0x4c5: {  	[hbm4b:s24+s3] =	stream.strided.scatter [tilespmem:s22], [sflag:$0x6], $0x100, s30, s3, $0x38;
	[tilespmem:$0x1EFB0] =	vst v63  }
0x4c6: {  	s6 =	smov.u32 s14;
	p0 =	sne.s32 s14, $0x18C00  }
.Ltmp8:
0x4c7: {  	s14 =	sadd.s32 $0x400, s14;
	(pc) =	sbr.rel @p0 .LBB2_18-.Ltmp8, $3  }
0x4c8: {  	_ =	sdelay $0x1  }
0x4c9: {  	s22 =	sshra.s32 s6, $0x2  }
0x4ca: {  	s24 =	sadd.s32 s6, s23;
	s22 =	sadd.s32 $0x18BB0, s22  }
0x4cb: {  	[hbm4b:s24+s3] =	stream.strided.scatter [tilespmem:s22], [sflag:$0x6], $0x100, s30, s3, $0x38;
	[tilespmem:$0x1EFB0] =	vst v63  }
0x4cc: {  	_ =	swait.ge [sflag:s31], $0x6400  }
0x4cd: {  	s21 =	sadd.s32 $0x1, s21;
	s6 =	rddreg [dreg:$0x1d]  }
0x4ce: {  	p0 =	sne.s32 s21, s6  }
.Ltmp9:
0x4cf: {  	_ = 	snop;
	(pc) =	sbr.rel @p0 .LBB2_1-.Ltmp9, $3  }
0x4d0: {  	_ =	sdelay $0x1  }
0x4d1: {  	[sflag:s31] =	ssyncset.done $0x0  }
0x4d2: {  	v22 =	vlaneseq.u32;
	[sflag:s31] =	ssyncadd.s32 $0xFFFF9C00  }
0x4d3: {  	_ =	sfence.sel $0x180000  }
0x4d4: {  	[bflag:$0x0] =	sbarrier.arrive $0xFFFF  }
0x4d5: {  	_ =	strace $0x90000047  }
0x4d6: {  	s0 =	stileid.u32;
	[bflag:$0x2] =	sbarrier.arrive $0xFFFF  }
0x4d7: {  	p0 =	sne.s32 s0, $0x0;
	s0 =	rddreg [dreg:$0xc]  }
0x4d8: {  	s0 =	sadd.s32 @!p0 $0x100000, s0  }
0x4d9: {  	[sflag:s0] =	ssyncadd.tile.s32 @!p0 $0x1;
	_ =	shalt  }
.Lfunc_end2:
_tile_overlayer_lowered:
.L_overlay_start_2:
0x4da: {  	(tag) =	ssettag $0x2  }
0x4db: {  	s0 =	rddreg [dreg:$0x0];
	s2 =	stileid.u32  }
0x4dc: {  	s1 =	rddreg [dreg:$0x1];
	p0 =	sne.s32 s2, $0x0  }
0x4dd: {  	s3 =	rddreg [dreg:$0x2];
	[bflag:$0x3] =	sbarrier.arrive $0xFFFF;
	s2 =	simm.s32 @!p0 $0x1C06  }
0x4de: {  	[timem:s3], [sflag:s2] =	dma.local @!p0 [hbm:s0], s1  }
0x4df: {  	s0 =	simm.s32 @!p0 $0x6  }
0x4e0: {  	_ =	swait.ge @!p0 [sflag:s0], s1  }
0x4e1: {  	s1 =	ssub.s32 @!p0 $0x0, s1;
	[sflag:s0] =	ssyncset.done @!p0 $0x0  }
0x4e2: {  	[sflag:s0] =	ssyncadd.s32 @!p0 s1  }
0x4e3: {  	[bflag:$0x3] =	sbarrier.arrive $0xFFFF  }
0x4e4: {  	_ =	shalt  }

</sc_bundles>
